<compile_context>
chip_gen: v7x
topology: tpu7x:2x2x1
jax: 0.10.2.dev20260603
libtpu: 0.0.44.dev20260713+nightly
codegen_flags: <defaults>
</compile_context>

<pallas_src>
import functools

import jax
import jax.numpy as jnp
from jax.experimental import pallas as pl

_K = 9
_MAXD = (224 // 16) * (224 // 16) // _K


def _block_kernel(h_ref, y_ref, idx_ref,
                  gw, gbias, w2, b2, f1, fb1, f2, fb2,
                  out_ref, *, n):
    h = h_ref[0]
    y = y_ref[0]
    idx = idx_ref[0]

    y0 = y.astype(jnp.bfloat16).astype(jnp.float32)
    e1 = y - y0
    y1 = e1.astype(jnp.bfloat16).astype(jnp.float32)
    y2 = e1 - y1
    col = jax.lax.broadcasted_iota(jnp.int32, (n, n), 1)
    nmax = None
    for r in range(_K):
        oh = (col == idx[:, r:r + 1]).astype(jnp.float32)
        g = ((jnp.dot(oh, y1, preferred_element_type=jnp.float32)
              + jnp.dot(oh, y2, preferred_element_type=jnp.float32))
             + jnp.dot(oh, y0, preferred_element_type=jnp.float32))
        nmax = g if nmax is None else jnp.maximum(nmax, g)

    rel = nmax - y
    y2 = jnp.concatenate([y, rel], axis=1)
    z = jnp.dot(y2, gw[...], preferred_element_type=jnp.float32) + gbias[...]
    z = jax.nn.gelu(z)
    hh = jnp.dot(z, w2[...], preferred_element_type=jnp.float32) + b2[...] + h

    f = jax.nn.gelu(jnp.dot(hh, f1[...], preferred_element_type=jnp.float32)
                    + fb1[...])
    out_ref[0] = (jnp.dot(f, f2[...], preferred_element_type=jnp.float32)
                  + fb2[...] + hh)


def _full(a):
    return pl.BlockSpec(a.shape, lambda b: (0,) * a.ndim)


def _bspec(n, c):
    return pl.BlockSpec((1, n, c), lambda b: (b, 0, 0))


def _run_block(h, y, idx, ws, interpret=False):
    bn, n, c = h.shape
    kern = functools.partial(_block_kernel, n=n)
    return pl.pallas_call(
        kern,
        grid=(bn,),
        in_specs=[_bspec(n, c), _bspec(n, c), _bspec(n, _K)]
                 + [_full(w) for w in ws],
        out_specs=_bspec(n, c),
        out_shape=jax.ShapeDtypeStruct((bn, n, c), jnp.float32),
        interpret=interpret,
    )(h, y, idx, *ws)


def kernel(x, fc1_w, fc1_b, gc_w, gc_b, fc2_w, fc2_b, ffn_w1, ffn_b1,
           ffn_w2, ffn_b2, interpret=False):
    bn, c, hh, ww = x.shape
    n = hh * ww
    h = x.reshape(bn, c, n).transpose(0, 2, 1)
    nb = fc1_w.shape[0]
    for i in range(nb):
        dil = min(i // 4 + 1, _MAXD)
        y = h @ fc1_w[i] + fc1_b[i]
        xn = y * jax.lax.rsqrt(jnp.sum(y * y, axis=-1, keepdims=True) + 1e-12)
        sq = jnp.sum(xn * xn, axis=-1)
        dm = (sq[:, :, None] - 2.0 * jnp.einsum('bnc,bmc->bnm', xn, xn)
              + sq[:, None, :])
        kk = _K * dil
        neg = (-dm).reshape(bn, n, 8, n // 8)
        v1, i1 = jax.lax.top_k(neg, kk)
        base = (jnp.arange(8, dtype=jnp.int32) * (n // 8))[None, None, :, None]
        cval = v1.reshape(bn, n, 8 * kk)
        cidx = (i1 + base).reshape(bn, n, 8 * kk)
        _, i2 = jax.lax.top_k(cval, kk)
        idx = jnp.take_along_axis(cidx, i2, axis=-1)
        idx = idx[:, :, ::dil]
        ws = (gc_w[i], gc_b[i][None, :],
              fc2_w[i], fc2_b[i][None, :],
              ffn_w1[i], ffn_b1[i][None, :],
              ffn_w2[i], ffn_b2[i][None, :])
        h = _run_block(h, y, idx, ws, interpret=interpret)
    return h.transpose(0, 2, 1).reshape(bn, c, hh, ww)

# --- scband reference (transcript-rebuilt; emitter-appended) ---
"""Pipeline reference for scband-pyramid-vi-g-61168924230436 (READ-ONLY COPY).

The authoritative reference and input builder live on the scoring server;
editing this copy changes nothing except your own understanding.
"""

import jax, jax.numpy as jnp
import numpy as np

NB = 12
C = 192
B = 2
H = 32
W = 32
K = 9
MAX_DILATION = (224 // 16) * (224 // 16) // K  # 21
DILATIONS = [min(i // 4 + 1, MAX_DILATION) for i in range(NB)]  # [1,1,1,1,2,2,2,2,3,3,3,3]


def _knn_idx(x, k, dilation):
    # x: [B, N, C]; dense dilated knn graph as in ViG (features L2-normalized first)
    xn = x * jax.lax.rsqrt(jnp.sum(x * x, axis=-1, keepdims=True) + 1e-12)
    sq = jnp.sum(xn * xn, axis=-1)
    d = sq[:, :, None] - 2.0 * jnp.einsum('bnc,bmc->bnm', xn, xn) + sq[:, None, :]
    _, idx = jax.lax.top_k(-d, k * dilation)
    return idx[:, :, ::dilation]  # [B, N, k]


def _gather_neighbors(x, idx):
    # x: [B, N, C], idx: [B, N, k] -> [B, N, k, C]
    return jax.vmap(lambda xb, ib: xb[ib])(x, idx)


def setup_inputs(seed: int = 0) -> dict:
    key = jax.random.key(seed)
    ks = jax.random.split(key, 12)
    s = 0.02
    inp = {
        'x': jax.random.normal(ks[0], (B, C, H, W), dtype=jnp.float32),
        'fc1_w': (jax.random.normal(ks[1], (NB, C, C)) * s).astype(jnp.float32),
        'fc1_b': jnp.zeros((NB, C), jnp.float32),
        'gc_w': (jax.random.normal(ks[2], (NB, 2 * C, 2 * C)) * s).astype(jnp.float32),
        'gc_b': jnp.zeros((NB, 2 * C), jnp.float32),
        'fc2_w': (jax.random.normal(ks[3], (NB, 2 * C, C)) * s).astype(jnp.float32),
        'fc2_b': jnp.zeros((NB, C), jnp.float32),
        'ffn_w1': (jax.random.normal(ks[4], (NB, C, 4 * C)) * s).astype(jnp.float32),
        'ffn_b1': jnp.zeros((NB, 4 * C), jnp.float32),
        'ffn_w2': (jax.random.normal(ks[5], (NB, 4 * C, C)) * s).astype(jnp.float32),
        'ffn_b2': jnp.zeros((NB, C), jnp.float32),
    }
    return inp


def reference(x, fc1_w, fc1_b, gc_w, gc_b, fc2_w, fc2_b, ffn_w1, ffn_b1, ffn_w2, ffn_b2):
    Bn, Cc, Hh, Ww = x.shape
    N = Hh * Ww
    h = x.reshape(Bn, Cc, N).transpose(0, 2, 1)  # [B, N, C]
    for i in range(NB):
        # ---- Grapher block ----
        tmp = h
        y = h @ fc1_w[i] + fc1_b[i]                       # fc1 (1x1 conv + BN folded)
        idx = _knn_idx(y, K, DILATIONS[i])                # dilated dense knn graph
        y_j = _gather_neighbors(y, idx)                   # [B, N, k, C]
        rel = jnp.max(y_j - y[:, :, None, :], axis=2)     # max-relative aggregation (MRConv2d)
        y2 = jnp.concatenate([y, rel], axis=-1)           # [B, N, 2C]
        y2 = jax.nn.gelu(y2 @ gc_w[i] + gc_b[i])          # BasicConv: linear + BN(folded) + GELU
        y2 = y2 @ fc2_w[i] + fc2_b[i]                     # fc2 (2C -> C)
        h = y2 + tmp                                      # residual (drop_path identity at eval)
        # ---- FFN block ----
        sc = h
        f = jax.nn.gelu(h @ ffn_w1[i] + ffn_b1[i])
        f = f @ ffn_w2[i] + ffn_b2[i]
        h = f + sc
    return h.transpose(0, 2, 1).reshape(Bn, Cc, Hh, Ww)

if __name__ == "__main__":
    import jax
    _d = setup_inputs()
    print(jax.jit(kernel)(*tuple(_d.values())))

</pallas_src>

<mosaic_0001>
module attributes {stable_mosaic.version = 14 : i64} {
  func.func @_block_kernel(%arg0: i32, %arg1: memref<1x1024x192xf32, #tpu.memory_space<vmem>>, %arg2: memref<1x1024x192xf32, #tpu.memory_space<vmem>>, %arg3: memref<1x1024x9xi32, #tpu.memory_space<vmem>>, %arg4: memref<384x384xf32, #tpu.memory_space<vmem>>, %arg5: memref<1x384xf32, #tpu.memory_space<vmem>>, %arg6: memref<384x192xf32, #tpu.memory_space<vmem>>, %arg7: memref<1x192xf32, #tpu.memory_space<vmem>>, %arg8: memref<192x768xf32, #tpu.memory_space<vmem>>, %arg9: memref<1x768xf32, #tpu.memory_space<vmem>>, %arg10: memref<768x192xf32, #tpu.memory_space<vmem>>, %arg11: memref<1x192xf32, #tpu.memory_space<vmem>>, %arg12: memref<1x1024x192xf32, #tpu.memory_space<vmem>>) attributes {dimension_semantics = [#tpu.dimension_semantics<arbitrary>], iteration_bounds = array<i64: 2>, scalar_prefetch = 0 : i64, scratch_operands = 0 : i64, tpu.core_type = #tpu.core_type<tc>, window_params = [{transform_indices = @transform_0, window_bounds = array<i64: 1, 1024, 192>}, {transform_indices = @transform_1, window_bounds = array<i64: 1, 1024, 192>}, {transform_indices = @transform_2, window_bounds = array<i64: 1, 1024, 9>}, {pipeline_mode = #tpu.pipeline_mode<synchronous>, transform_indices = @transform_3, window_bounds = array<i64: 384, 384>}, {pipeline_mode = #tpu.pipeline_mode<synchronous>, transform_indices = @transform_4, window_bounds = array<i64: 1, 384>}, {pipeline_mode = #tpu.pipeline_mode<synchronous>, transform_indices = @transform_5, window_bounds = array<i64: 384, 192>}, {pipeline_mode = #tpu.pipeline_mode<synchronous>, transform_indices = @transform_6, window_bounds = array<i64: 1, 192>}, {pipeline_mode = #tpu.pipeline_mode<synchronous>, transform_indices = @transform_7, window_bounds = array<i64: 192, 768>}, {pipeline_mode = #tpu.pipeline_mode<synchronous>, transform_indices = @transform_8, window_bounds = array<i64: 1, 768>}, {pipeline_mode = #tpu.pipeline_mode<synchronous>, transform_indices = @transform_9, window_bounds = array<i64: 768, 192>}, {pipeline_mode = #tpu.pipeline_mode<synchronous>, transform_indices = @transform_10, window_bounds = array<i64: 1, 192>}, {transform_indices = @transform_11, window_bounds = array<i64: 1, 1024, 192>}]} {
    %get3A = arith.constant 0 : index
    %get3A_0 = arith.constant 0 : index
    %get3A_1 = arith.constant 0 : index
    %get3A_2 = vector.load %arg1[%get3A, %get3A_0, %get3A_1] : memref<1x1024x192xf32, #tpu.memory_space<vmem>>, vector<1x1024x192xf32>
    %get3A_3 = vector.shape_cast %get3A_2 : vector<1x1024x192xf32> to vector<1024x192xf32>
    %get3A_4 = arith.constant 0 : index
    %get3A_5 = arith.constant 0 : index
    %get3A_6 = arith.constant 0 : index
    %get3A_7 = vector.load %arg2[%get3A_4, %get3A_5, %get3A_6] : memref<1x1024x192xf32, #tpu.memory_space<vmem>>, vector<1x1024x192xf32>
    %get3A_8 = vector.shape_cast %get3A_7 : vector<1x1024x192xf32> to vector<1024x192xf32>
    %get3A_9 = arith.constant 0 : index
    %get3A_10 = arith.constant 0 : index
    %get3A_11 = arith.constant 0 : index
    %get3A_12 = vector.load %arg3[%get3A_9, %get3A_10, %get3A_11] : memref<1x1024x9xi32, #tpu.memory_space<vmem>>, vector<1x1024x9xi32>
    %get3A_13 = vector.shape_cast %get3A_12 : vector<1x1024x9xi32> to vector<1024x9xi32>
    %convert_element_type3A = arith.truncf %get3A_8 : vector<1024x192xf32> to vector<1024x192xbf16>
    %convert_element_type3A_14 = arith.extf %convert_element_type3A : vector<1024x192xbf16> to vector<1024x192xf32>
    %sub3A = arith.subf %get3A_8, %convert_element_type3A_14 : vector<1024x192xf32>
    %convert_element_type3A_15 = arith.truncf %sub3A : vector<1024x192xf32> to vector<1024x192xbf16>
    %convert_element_type3A_16 = arith.extf %convert_element_type3A_15 : vector<1024x192xbf16> to vector<1024x192xf32>
    %sub3A_17 = arith.subf %sub3A, %convert_element_type3A_16 : vector<1024x192xf32>
    %iota3A = tpu.iota {dimensions = array<i32: 1>} : vector<1024x1024xi32>
    %slice3A = vector.extract_strided_slice %get3A_13 {offsets = [0, 0], sizes = [1024, 1], strides = [1, 1]} : vector<1024x9xi32> to vector<1024x1xi32>
    %eq3A = vector.broadcast %slice3A : vector<1024x1xi32> to vector<1024x1024xi32>
    %eq3A_18 = arith.cmpi eq, %iota3A, %eq3A : vector<1024x1024xi32>
    %convert_element_type3A_19 = arith.extui %eq3A_18 : vector<1024x1024xi1> to vector<1024x1024xi32>
    %convert_element_type3A_20 = arith.sitofp %convert_element_type3A_19 : vector<1024x1024xi32> to vector<1024x1024xf32>
    %dot_general3A = arith.constant dense<0.000000e+00> : vector<1024x192xf32>
    %dot_general3A_21 = tpu.matmul %convert_element_type3A_20, %convert_element_type3A_16, %dot_general3A {dimension_numbers = #tpu.dot_dimension_numbers<[1], [0], [0], [1], [0, 0, 1, 1], [], []>, transpose_lhs_hint = false} : vector<1024x1024xf32>, vector<1024x192xf32>, vector<1024x192xf32> -> vector<1024x192xf32>
    %dot_general3A_22 = arith.constant dense<0.000000e+00> : vector<1024x192xf32>
    %dot_general3A_23 = tpu.matmul %convert_element_type3A_20, %sub3A_17, %dot_general3A_22 {dimension_numbers = #tpu.dot_dimension_numbers<[1], [0], [0], [1], [0, 0, 1, 1], [], []>, transpose_lhs_hint = false} : vector<1024x1024xf32>, vector<1024x192xf32>, vector<1024x192xf32> -> vector<1024x192xf32>
    %add3A = arith.addf %dot_general3A_21, %dot_general3A_23 : vector<1024x192xf32>
    %dot_general3A_24 = arith.constant dense<0.000000e+00> : vector<1024x192xf32>
    %dot_general3A_25 = tpu.matmul %convert_element_type3A_20, %convert_element_type3A_14, %dot_general3A_24 {dimension_numbers = #tpu.dot_dimension_numbers<[1], [0], [0], [1], [0, 0, 1, 1], [], []>, transpose_lhs_hint = false} : vector<1024x1024xf32>, vector<1024x192xf32>, vector<1024x192xf32> -> vector<1024x192xf32>
    %add3A_26 = arith.addf %add3A, %dot_general3A_25 : vector<1024x192xf32>
    %slice3A_27 = vector.extract_strided_slice %get3A_13 {offsets = [0, 1], sizes = [1024, 1], strides = [1, 1]} : vector<1024x9xi32> to vector<1024x1xi32>
    %eq3A_28 = vector.broadcast %slice3A_27 : vector<1024x1xi32> to vector<1024x1024xi32>
    %eq3A_29 = arith.cmpi eq, %iota3A, %eq3A_28 : vector<1024x1024xi32>
    %convert_element_type3A_30 = arith.extui %eq3A_29 : vector<1024x1024xi1> to vector<1024x1024xi32>
    %convert_element_type3A_31 = arith.sitofp %convert_element_type3A_30 : vector<1024x1024xi32> to vector<1024x1024xf32>
    %dot_general3A_32 = arith.constant dense<0.000000e+00> : vector<1024x192xf32>
    %dot_general3A_33 = tpu.matmul %convert_element_type3A_31, %convert_element_type3A_16, %dot_general3A_32 {dimension_numbers = #tpu.dot_dimension_numbers<[1], [0], [0], [1], [0, 0, 1, 1], [], []>, transpose_lhs_hint = false} : vector<1024x1024xf32>, vector<1024x192xf32>, vector<1024x192xf32> -> vector<1024x192xf32>
    %dot_general3A_34 = arith.constant dense<0.000000e+00> : vector<1024x192xf32>
    %dot_general3A_35 = tpu.matmul %convert_element_type3A_31, %sub3A_17, %dot_general3A_34 {dimension_numbers = #tpu.dot_dimension_numbers<[1], [0], [0], [1], [0, 0, 1, 1], [], []>, transpose_lhs_hint = false} : vector<1024x1024xf32>, vector<1024x192xf32>, vector<1024x192xf32> -> vector<1024x192xf32>
    %add3A_36 = arith.addf %dot_general3A_33, %dot_general3A_35 : vector<1024x192xf32>
    %dot_general3A_37 = arith.constant dense<0.000000e+00> : vector<1024x192xf32>
    %dot_general3A_38 = tpu.matmul %convert_element_type3A_31, %convert_element_type3A_14, %dot_general3A_37 {dimension_numbers = #tpu.dot_dimension_numbers<[1], [0], [0], [1], [0, 0, 1, 1], [], []>, transpose_lhs_hint = false} : vector<1024x1024xf32>, vector<1024x192xf32>, vector<1024x192xf32> -> vector<1024x192xf32>
    %add3A_39 = arith.addf %add3A_36, %dot_general3A_38 : vector<1024x192xf32>
    %max3A = arith.maximumf %add3A_26, %add3A_39 : vector<1024x192xf32>
    %slice3A_40 = vector.extract_strided_slice %get3A_13 {offsets = [0, 2], sizes = [1024, 1], strides = [1, 1]} : vector<1024x9xi32> to vector<1024x1xi32>
    %eq3A_41 = vector.broadcast %slice3A_40 : vector<1024x1xi32> to vector<1024x1024xi32>
    %eq3A_42 = arith.cmpi eq, %iota3A, %eq3A_41 : vector<1024x1024xi32>
    %convert_element_type3A_43 = arith.extui %eq3A_42 : vector<1024x1024xi1> to vector<1024x1024xi32>
    %convert_element_type3A_44 = arith.sitofp %convert_element_type3A_43 : vector<1024x1024xi32> to vector<1024x1024xf32>
    %dot_general3A_45 = arith.constant dense<0.000000e+00> : vector<1024x192xf32>
    %dot_general3A_46 = tpu.matmul %convert_element_type3A_44, %convert_element_type3A_16, %dot_general3A_45 {dimension_numbers = #tpu.dot_dimension_numbers<[1], [0], [0], [1], [0, 0, 1, 1], [], []>, transpose_lhs_hint = false} : vector<1024x1024xf32>, vector<1024x192xf32>, vector<1024x192xf32> -> vector<1024x192xf32>
    %dot_general3A_47 = arith.constant dense<0.000000e+00> : vector<1024x192xf32>
    %dot_general3A_48 = tpu.matmul %convert_element_type3A_44, %sub3A_17, %dot_general3A_47 {dimension_numbers = #tpu.dot_dimension_numbers<[1], [0], [0], [1], [0, 0, 1, 1], [], []>, transpose_lhs_hint = false} : vector<1024x1024xf32>, vector<1024x192xf32>, vector<1024x192xf32> -> vector<1024x192xf32>
    %add3A_49 = arith.addf %dot_general3A_46, %dot_general3A_48 : vector<1024x192xf32>
    %dot_general3A_50 = arith.constant dense<0.000000e+00> : vector<1024x192xf32>
    %dot_general3A_51 = tpu.matmul %convert_element_type3A_44, %convert_element_type3A_14, %dot_general3A_50 {dimension_numbers = #tpu.dot_dimension_numbers<[1], [0], [0], [1], [0, 0, 1, 1], [], []>, transpose_lhs_hint = false} : vector<1024x1024xf32>, vector<1024x192xf32>, vector<1024x192xf32> -> vector<1024x192xf32>
    %add3A_52 = arith.addf %add3A_49, %dot_general3A_51 : vector<1024x192xf32>
    %max3A_53 = arith.maximumf %max3A, %add3A_52 : vector<1024x192xf32>
    %slice3A_54 = vector.extract_strided_slice %get3A_13 {offsets = [0, 3], sizes = [1024, 1], strides = [1, 1]} : vector<1024x9xi32> to vector<1024x1xi32>
    %eq3A_55 = vector.broadcast %slice3A_54 : vector<1024x1xi32> to vector<1024x1024xi32>
    %eq3A_56 = arith.cmpi eq, %iota3A, %eq3A_55 : vector<1024x1024xi32>
    %convert_element_type3A_57 = arith.extui %eq3A_56 : vector<1024x1024xi1> to vector<1024x1024xi32>
    %convert_element_type3A_58 = arith.sitofp %convert_element_type3A_57 : vector<1024x1024xi32> to vector<1024x1024xf32>
    %dot_general3A_59 = arith.constant dense<0.000000e+00> : vector<1024x192xf32>
    %dot_general3A_60 = tpu.matmul %convert_element_type3A_58, %convert_element_type3A_16, %dot_general3A_59 {dimension_numbers = #tpu.dot_dimension_numbers<[1], [0], [0], [1], [0, 0, 1, 1], [], []>, transpose_lhs_hint = false} : vector<1024x1024xf32>, vector<1024x192xf32>, vector<1024x192xf32> -> vector<1024x192xf32>
    %dot_general3A_61 = arith.constant dense<0.000000e+00> : vector<1024x192xf32>
    %dot_general3A_62 = tpu.matmul %convert_element_type3A_58, %sub3A_17, %dot_general3A_61 {dimension_numbers = #tpu.dot_dimension_numbers<[1], [0], [0], [1], [0, 0, 1, 1], [], []>, transpose_lhs_hint = false} : vector<1024x1024xf32>, vector<1024x192xf32>, vector<1024x192xf32> -> vector<1024x192xf32>
    %add3A_63 = arith.addf %dot_general3A_60, %dot_general3A_62 : vector<1024x192xf32>
    %dot_general3A_64 = arith.constant dense<0.000000e+00> : vector<1024x192xf32>
    %dot_general3A_65 = tpu.matmul %convert_element_type3A_58, %convert_element_type3A_14, %dot_general3A_64 {dimension_numbers = #tpu.dot_dimension_numbers<[1], [0], [0], [1], [0, 0, 1, 1], [], []>, transpose_lhs_hint = false} : vector<1024x1024xf32>, vector<1024x192xf32>, vector<1024x192xf32> -> vector<1024x192xf32>
    %add3A_66 = arith.addf %add3A_63, %dot_general3A_65 : vector<1024x192xf32>
    %max3A_67 = arith.maximumf %max3A_53, %add3A_66 : vector<1024x192xf32>
    %slice3A_68 = vector.extract_strided_slice %get3A_13 {offsets = [0, 4], sizes = [1024, 1], strides = [1, 1]} : vector<1024x9xi32> to vector<1024x1xi32>
    %eq3A_69 = vector.broadcast %slice3A_68 : vector<1024x1xi32> to vector<1024x1024xi32>
    %eq3A_70 = arith.cmpi eq, %iota3A, %eq3A_69 : vector<1024x1024xi32>
    %convert_element_type3A_71 = arith.extui %eq3A_70 : vector<1024x1024xi1> to vector<1024x1024xi32>
    %convert_element_type3A_72 = arith.sitofp %convert_element_type3A_71 : vector<1024x1024xi32> to vector<1024x1024xf32>
    %dot_general3A_73 = arith.constant dense<0.000000e+00> : vector<1024x192xf32>
    %dot_general3A_74 = tpu.matmul %convert_element_type3A_72, %convert_element_type3A_16, %dot_general3A_73 {dimension_numbers = #tpu.dot_dimension_numbers<[1], [0], [0], [1], [0, 0, 1, 1], [], []>, transpose_lhs_hint = false} : vector<1024x1024xf32>, vector<1024x192xf32>, vector<1024x192xf32> -> vector<1024x192xf32>
    %dot_general3A_75 = arith.constant dense<0.000000e+00> : vector<1024x192xf32>
    %dot_general3A_76 = tpu.matmul %convert_element_type3A_72, %sub3A_17, %dot_general3A_75 {dimension_numbers = #tpu.dot_dimension_numbers<[1], [0], [0], [1], [0, 0, 1, 1], [], []>, transpose_lhs_hint = false} : vector<1024x1024xf32>, vector<1024x192xf32>, vector<1024x192xf32> -> vector<1024x192xf32>
    %add3A_77 = arith.addf %dot_general3A_74, %dot_general3A_76 : vector<1024x192xf32>
    %dot_general3A_78 = arith.constant dense<0.000000e+00> : vector<1024x192xf32>
    %dot_general3A_79 = tpu.matmul %convert_element_type3A_72, %convert_element_type3A_14, %dot_general3A_78 {dimension_numbers = #tpu.dot_dimension_numbers<[1], [0], [0], [1], [0, 0, 1, 1], [], []>, transpose_lhs_hint = false} : vector<1024x1024xf32>, vector<1024x192xf32>, vector<1024x192xf32> -> vector<1024x192xf32>
    %add3A_80 = arith.addf %add3A_77, %dot_general3A_79 : vector<1024x192xf32>
    %max3A_81 = arith.maximumf %max3A_67, %add3A_80 : vector<1024x192xf32>
    %slice3A_82 = vector.extract_strided_slice %get3A_13 {offsets = [0, 5], sizes = [1024, 1], strides = [1, 1]} : vector<1024x9xi32> to vector<1024x1xi32>
    %eq3A_83 = vector.broadcast %slice3A_82 : vector<1024x1xi32> to vector<1024x1024xi32>
    %eq3A_84 = arith.cmpi eq, %iota3A, %eq3A_83 : vector<1024x1024xi32>
    %convert_element_type3A_85 = arith.extui %eq3A_84 : vector<1024x1024xi1> to vector<1024x1024xi32>
    %convert_element_type3A_86 = arith.sitofp %convert_element_type3A_85 : vector<1024x1024xi32> to vector<1024x1024xf32>
    %dot_general3A_87 = arith.constant dense<0.000000e+00> : vector<1024x192xf32>
    %dot_general3A_88 = tpu.matmul %convert_element_type3A_86, %convert_element_type3A_16, %dot_general3A_87 {dimension_numbers = #tpu.dot_dimension_numbers<[1], [0], [0], [1], [0, 0, 1, 1], [], []>, transpose_lhs_hint = false} : vector<1024x1024xf32>, vector<1024x192xf32>, vector<1024x192xf32> -> vector<1024x192xf32>
    %dot_general3A_89 = arith.constant dense<0.000000e+00> : vector<1024x192xf32>
    %dot_general3A_90 = tpu.matmul %convert_element_type3A_86, %sub3A_17, %dot_general3A_89 {dimension_numbers = #tpu.dot_dimension_numbers<[1], [0], [0], [1], [0, 0, 1, 1], [], []>, transpose_lhs_hint = false} : vector<1024x1024xf32>, vector<1024x192xf32>, vector<1024x192xf32> -> vector<1024x192xf32>
    %add3A_91 = arith.addf %dot_general3A_88, %dot_general3A_90 : vector<1024x192xf32>
    %dot_general3A_92 = arith.constant dense<0.000000e+00> : vector<1024x192xf32>
    %dot_general3A_93 = tpu.matmul %convert_element_type3A_86, %convert_element_type3A_14, %dot_general3A_92 {dimension_numbers = #tpu.dot_dimension_numbers<[1], [0], [0], [1], [0, 0, 1, 1], [], []>, transpose_lhs_hint = false} : vector<1024x1024xf32>, vector<1024x192xf32>, vector<1024x192xf32> -> vector<1024x192xf32>
    %add3A_94 = arith.addf %add3A_91, %dot_general3A_93 : vector<1024x192xf32>
    %max3A_95 = arith.maximumf %max3A_81, %add3A_94 : vector<1024x192xf32>
    %slice3A_96 = vector.extract_strided_slice %get3A_13 {offsets = [0, 6], sizes = [1024, 1], strides = [1, 1]} : vector<1024x9xi32> to vector<1024x1xi32>
    %eq3A_97 = vector.broadcast %slice3A_96 : vector<1024x1xi32> to vector<1024x1024xi32>
    %eq3A_98 = arith.cmpi eq, %iota3A, %eq3A_97 : vector<1024x1024xi32>
    %convert_element_type3A_99 = arith.extui %eq3A_98 : vector<1024x1024xi1> to vector<1024x1024xi32>
    %convert_element_type3A_100 = arith.sitofp %convert_element_type3A_99 : vector<1024x1024xi32> to vector<1024x1024xf32>
    %dot_general3A_101 = arith.constant dense<0.000000e+00> : vector<1024x192xf32>
    %dot_general3A_102 = tpu.matmul %convert_element_type3A_100, %convert_element_type3A_16, %dot_general3A_101 {dimension_numbers = #tpu.dot_dimension_numbers<[1], [0], [0], [1], [0, 0, 1, 1], [], []>, transpose_lhs_hint = false} : vector<1024x1024xf32>, vector<1024x192xf32>, vector<1024x192xf32> -> vector<1024x192xf32>
    %dot_general3A_103 = arith.constant dense<0.000000e+00> : vector<1024x192xf32>
    %dot_general3A_104 = tpu.matmul %convert_element_type3A_100, %sub3A_17, %dot_general3A_103 {dimension_numbers = #tpu.dot_dimension_numbers<[1], [0], [0], [1], [0, 0, 1, 1], [], []>, transpose_lhs_hint = false} : vector<1024x1024xf32>, vector<1024x192xf32>, vector<1024x192xf32> -> vector<1024x192xf32>
    %add3A_105 = arith.addf %dot_general3A_102, %dot_general3A_104 : vector<1024x192xf32>
    %dot_general3A_106 = arith.constant dense<0.000000e+00> : vector<1024x192xf32>
    %dot_general3A_107 = tpu.matmul %convert_element_type3A_100, %convert_element_type3A_14, %dot_general3A_106 {dimension_numbers = #tpu.dot_dimension_numbers<[1], [0], [0], [1], [0, 0, 1, 1], [], []>, transpose_lhs_hint = false} : vector<1024x1024xf32>, vector<1024x192xf32>, vector<1024x192xf32> -> vector<1024x192xf32>
    %add3A_108 = arith.addf %add3A_105, %dot_general3A_107 : vector<1024x192xf32>
    %max3A_109 = arith.maximumf %max3A_95, %add3A_108 : vector<1024x192xf32>
    %slice3A_110 = vector.extract_strided_slice %get3A_13 {offsets = [0, 7], sizes = [1024, 1], strides = [1, 1]} : vector<1024x9xi32> to vector<1024x1xi32>
    %eq3A_111 = vector.broadcast %slice3A_110 : vector<1024x1xi32> to vector<1024x1024xi32>
    %eq3A_112 = arith.cmpi eq, %iota3A, %eq3A_111 : vector<1024x1024xi32>
    %convert_element_type3A_113 = arith.extui %eq3A_112 : vector<1024x1024xi1> to vector<1024x1024xi32>
    %convert_element_type3A_114 = arith.sitofp %convert_element_type3A_113 : vector<1024x1024xi32> to vector<1024x1024xf32>
    %dot_general3A_115 = arith.constant dense<0.000000e+00> : vector<1024x192xf32>
    %dot_general3A_116 = tpu.matmul %convert_element_type3A_114, %convert_element_type3A_16, %dot_general3A_115 {dimension_numbers = #tpu.dot_dimension_numbers<[1], [0], [0], [1], [0, 0, 1, 1], [], []>, transpose_lhs_hint = false} : vector<1024x1024xf32>, vector<1024x192xf32>, vector<1024x192xf32> -> vector<1024x192xf32>
    %dot_general3A_117 = arith.constant dense<0.000000e+00> : vector<1024x192xf32>
    %dot_general3A_118 = tpu.matmul %convert_element_type3A_114, %sub3A_17, %dot_general3A_117 {dimension_numbers = #tpu.dot_dimension_numbers<[1], [0], [0], [1], [0, 0, 1, 1], [], []>, transpose_lhs_hint = false} : vector<1024x1024xf32>, vector<1024x192xf32>, vector<1024x192xf32> -> vector<1024x192xf32>
    %add3A_119 = arith.addf %dot_general3A_116, %dot_general3A_118 : vector<1024x192xf32>
    %dot_general3A_120 = arith.constant dense<0.000000e+00> : vector<1024x192xf32>
    %dot_general3A_121 = tpu.matmul %convert_element_type3A_114, %convert_element_type3A_14, %dot_general3A_120 {dimension_numbers = #tpu.dot_dimension_numbers<[1], [0], [0], [1], [0, 0, 1, 1], [], []>, transpose_lhs_hint = false} : vector<1024x1024xf32>, vector<1024x192xf32>, vector<1024x192xf32> -> vector<1024x192xf32>
    %add3A_122 = arith.addf %add3A_119, %dot_general3A_121 : vector<1024x192xf32>
    %max3A_123 = arith.maximumf %max3A_109, %add3A_122 : vector<1024x192xf32>
    %slice3A_124 = vector.extract_strided_slice %get3A_13 {offsets = [0, 8], sizes = [1024, 1], strides = [1, 1]} : vector<1024x9xi32> to vector<1024x1xi32>
    %eq3A_125 = vector.broadcast %slice3A_124 : vector<1024x1xi32> to vector<1024x1024xi32>
    %eq3A_126 = arith.cmpi eq, %iota3A, %eq3A_125 : vector<1024x1024xi32>
    %convert_element_type3A_127 = arith.extui %eq3A_126 : vector<1024x1024xi1> to vector<1024x1024xi32>
    %convert_element_type3A_128 = arith.sitofp %convert_element_type3A_127 : vector<1024x1024xi32> to vector<1024x1024xf32>
    %dot_general3A_129 = arith.constant dense<0.000000e+00> : vector<1024x192xf32>
    %dot_general3A_130 = tpu.matmul %convert_element_type3A_128, %convert_element_type3A_16, %dot_general3A_129 {dimension_numbers = #tpu.dot_dimension_numbers<[1], [0], [0], [1], [0, 0, 1, 1], [], []>, transpose_lhs_hint = false} : vector<1024x1024xf32>, vector<1024x192xf32>, vector<1024x192xf32> -> vector<1024x192xf32>
    %dot_general3A_131 = arith.constant dense<0.000000e+00> : vector<1024x192xf32>
    %dot_general3A_132 = tpu.matmul %convert_element_type3A_128, %sub3A_17, %dot_general3A_131 {dimension_numbers = #tpu.dot_dimension_numbers<[1], [0], [0], [1], [0, 0, 1, 1], [], []>, transpose_lhs_hint = false} : vector<1024x1024xf32>, vector<1024x192xf32>, vector<1024x192xf32> -> vector<1024x192xf32>
    %add3A_133 = arith.addf %dot_general3A_130, %dot_general3A_132 : vector<1024x192xf32>
    %dot_general3A_134 = arith.constant dense<0.000000e+00> : vector<1024x192xf32>
    %dot_general3A_135 = tpu.matmul %convert_element_type3A_128, %convert_element_type3A_14, %dot_general3A_134 {dimension_numbers = #tpu.dot_dimension_numbers<[1], [0], [0], [1], [0, 0, 1, 1], [], []>, transpose_lhs_hint = false} : vector<1024x1024xf32>, vector<1024x192xf32>, vector<1024x192xf32> -> vector<1024x192xf32>
    %add3A_136 = arith.addf %add3A_133, %dot_general3A_135 : vector<1024x192xf32>
    %max3A_137 = arith.maximumf %max3A_123, %add3A_136 : vector<1024x192xf32>
    %sub3A_138 = arith.subf %max3A_137, %get3A_8 : vector<1024x192xf32>
    %concatenate3A = tpu.concatenate %get3A_8, %sub3A_138 in 1 : vector<1024x192xf32>, vector<1024x192xf32> -> vector<1024x384xf32>
    %get3A_139 = arith.constant 0 : index
    %get3A_140 = arith.constant 0 : index
    %get3A_141 = vector.load %arg4[%get3A_139, %get3A_140] : memref<384x384xf32, #tpu.memory_space<vmem>>, vector<384x384xf32>
    %dot_general3A_142 = arith.constant dense<0.000000e+00> : vector<1024x384xf32>
    %dot_general3A_143 = tpu.matmul %concatenate3A, %get3A_141, %dot_general3A_142 {dimension_numbers = #tpu.dot_dimension_numbers<[1], [0], [0], [1], [0, 0, 1, 1], [], []>, transpose_lhs_hint = false} : vector<1024x384xf32>, vector<384x384xf32>, vector<1024x384xf32> -> vector<1024x384xf32>
    %get3A_144 = arith.constant 0 : index
    %get3A_145 = arith.constant 0 : index
    %get3A_146 = vector.load %arg5[%get3A_144, %get3A_145] : memref<1x384xf32, #tpu.memory_space<vmem>>, vector<1x384xf32>
    %add3A_147 = vector.broadcast %get3A_146 : vector<1x384xf32> to vector<1024x384xf32>
    %add3A_148 = arith.addf %dot_general3A_143, %add3A_147 : vector<1024x384xf32>
    %integer_pow3A = arith.mulf %add3A_148, %add3A_148 : vector<1024x384xf32>
    %integer_pow3A_149 = arith.mulf %add3A_148, %integer_pow3A : vector<1024x384xf32>
    %mul3A = arith.constant 4.471500e-02 : f32
    %mul3A_150 = vector.broadcast %mul3A : f32 to vector<1024x384xf32>
    %mul3A_151 = arith.mulf %mul3A_150, %integer_pow3A_149 : vector<1024x384xf32>
    %add3A_152 = arith.addf %add3A_148, %mul3A_151 : vector<1024x384xf32>
    %mul3A_153 = arith.constant 0.797884583 : f32
    %mul3A_154 = vector.broadcast %mul3A_153 : f32 to vector<1024x384xf32>
    %mul3A_155 = arith.mulf %mul3A_154, %add3A_152 : vector<1024x384xf32>
    %tanh3A = math.tanh %mul3A_155 : vector<1024x384xf32>
    %add3A_156 = arith.constant 1.000000e+00 : f32
    %add3A_157 = vector.broadcast %add3A_156 : f32 to vector<1024x384xf32>
    %add3A_158 = arith.addf %add3A_157, %tanh3A : vector<1024x384xf32>
    %mul3A_159 = arith.constant 5.000000e-01 : f32
    %mul3A_160 = vector.broadcast %mul3A_159 : f32 to vector<1024x384xf32>
    %mul3A_161 = arith.mulf %mul3A_160, %add3A_158 : vector<1024x384xf32>
    %mul3A_162 = arith.mulf %add3A_148, %mul3A_161 : vector<1024x384xf32>
    %get3A_163 = arith.constant 0 : index
    %get3A_164 = arith.constant 0 : index
    %get3A_165 = vector.load %arg6[%get3A_163, %get3A_164] : memref<384x192xf32, #tpu.memory_space<vmem>>, vector<384x192xf32>
    %dot_general3A_166 = arith.constant dense<0.000000e+00> : vector<1024x192xf32>
    %dot_general3A_167 = tpu.matmul %mul3A_162, %get3A_165, %dot_general3A_166 {dimension_numbers = #tpu.dot_dimension_numbers<[1], [0], [0], [1], [0, 0, 1, 1], [], []>, transpose_lhs_hint = false} : vector<1024x384xf32>, vector<384x192xf32>, vector<1024x192xf32> -> vector<1024x192xf32>
    %get3A_168 = arith.constant 0 : index
    %get3A_169 = arith.constant 0 : index
    %get3A_170 = vector.load %arg7[%get3A_168, %get3A_169] : memref<1x192xf32, #tpu.memory_space<vmem>>, vector<1x192xf32>
    %add3A_171 = vector.broadcast %get3A_170 : vector<1x192xf32> to vector<1024x192xf32>
    %add3A_172 = arith.addf %dot_general3A_167, %add3A_171 : vector<1024x192xf32>
    %add3A_173 = arith.addf %add3A_172, %get3A_3 : vector<1024x192xf32>
    %get3A_174 = arith.constant 0 : index
    %get3A_175 = arith.constant 0 : index
    %get3A_176 = vector.load %arg8[%get3A_174, %get3A_175] : memref<192x768xf32, #tpu.memory_space<vmem>>, vector<192x768xf32>
    %dot_general3A_177 = arith.constant dense<0.000000e+00> : vector<1024x768xf32>
    %dot_general3A_178 = tpu.matmul %add3A_173, %get3A_176, %dot_general3A_177 {dimension_numbers = #tpu.dot_dimension_numbers<[1], [0], [0], [1], [0, 0, 1, 1], [], []>, transpose_lhs_hint = false} : vector<1024x192xf32>, vector<192x768xf32>, vector<1024x768xf32> -> vector<1024x768xf32>
    %get3A_179 = arith.constant 0 : index
    %get3A_180 = arith.constant 0 : index
    %get3A_181 = vector.load %arg9[%get3A_179, %get3A_180] : memref<1x768xf32, #tpu.memory_space<vmem>>, vector<1x768xf32>
    %add3A_182 = vector.broadcast %get3A_181 : vector<1x768xf32> to vector<1024x768xf32>
    %add3A_183 = arith.addf %dot_general3A_178, %add3A_182 : vector<1024x768xf32>
    %integer_pow3A_184 = arith.mulf %add3A_183, %add3A_183 : vector<1024x768xf32>
    %integer_pow3A_185 = arith.mulf %add3A_183, %integer_pow3A_184 : vector<1024x768xf32>
    %mul3A_186 = arith.constant 4.471500e-02 : f32
    %mul3A_187 = vector.broadcast %mul3A_186 : f32 to vector<1024x768xf32>
    %mul3A_188 = arith.mulf %mul3A_187, %integer_pow3A_185 : vector<1024x768xf32>
    %add3A_189 = arith.addf %add3A_183, %mul3A_188 : vector<1024x768xf32>
    %mul3A_190 = arith.constant 0.797884583 : f32
    %mul3A_191 = vector.broadcast %mul3A_190 : f32 to vector<1024x768xf32>
    %mul3A_192 = arith.mulf %mul3A_191, %add3A_189 : vector<1024x768xf32>
    %tanh3A_193 = math.tanh %mul3A_192 : vector<1024x768xf32>
    %add3A_194 = arith.constant 1.000000e+00 : f32
    %add3A_195 = vector.broadcast %add3A_194 : f32 to vector<1024x768xf32>
    %add3A_196 = arith.addf %add3A_195, %tanh3A_193 : vector<1024x768xf32>
    %mul3A_197 = arith.constant 5.000000e-01 : f32
    %mul3A_198 = vector.broadcast %mul3A_197 : f32 to vector<1024x768xf32>
    %mul3A_199 = arith.mulf %mul3A_198, %add3A_196 : vector<1024x768xf32>
    %mul3A_200 = arith.mulf %add3A_183, %mul3A_199 : vector<1024x768xf32>
    %get3A_201 = arith.constant 0 : index
    %get3A_202 = arith.constant 0 : index
    %get3A_203 = vector.load %arg10[%get3A_201, %get3A_202] : memref<768x192xf32, #tpu.memory_space<vmem>>, vector<768x192xf32>
    %dot_general3A_204 = arith.constant dense<0.000000e+00> : vector<1024x192xf32>
    %dot_general3A_205 = tpu.matmul %mul3A_200, %get3A_203, %dot_general3A_204 {dimension_numbers = #tpu.dot_dimension_numbers<[1], [0], [0], [1], [0, 0, 1, 1], [], []>, transpose_lhs_hint = false} : vector<1024x768xf32>, vector<768x192xf32>, vector<1024x192xf32> -> vector<1024x192xf32>
    %get3A_206 = arith.constant 0 : index
    %get3A_207 = arith.constant 0 : index
    %get3A_208 = vector.load %arg11[%get3A_206, %get3A_207] : memref<1x192xf32, #tpu.memory_space<vmem>>, vector<1x192xf32>
    %add3A_209 = vector.broadcast %get3A_208 : vector<1x192xf32> to vector<1024x192xf32>
    %add3A_210 = arith.addf %dot_general3A_205, %add3A_209 : vector<1024x192xf32>
    %add3A_211 = arith.addf %add3A_210, %add3A_173 : vector<1024x192xf32>
    %swap3A = arith.constant 0 : index
    %swap3A_212 = arith.constant 0 : index
    %swap3A_213 = arith.constant 0 : index
    %swap3A_214 = vector.load %arg12[%swap3A, %swap3A_212, %swap3A_213] : memref<1x1024x192xf32, #tpu.memory_space<vmem>>, vector<1x1024x192xf32>
    %swap3A_215 = vector.shape_cast %swap3A_214 : vector<1x1024x192xf32> to vector<1024x192xf32>
    %swap3A_216 = vector.shape_cast %add3A_211 : vector<1024x192xf32> to vector<1x1024x192xf32>
    tpu.vector_store %arg12[%swap3A, %swap3A_212, %swap3A_213], %swap3A_216 {strides = array<i32>} : memref<1x1024x192xf32, #tpu.memory_space<vmem>>, vector<1x1024x192xf32>,
    return
  }
  func.func @transform_0(%arg0: i32) -> (i32, i32, i32) {
    %c0_i32 = arith.constant 0 : i32
    %c0_i32_0 = arith.constant 0 : i32
    %c0_i32_1 = arith.constant 0 : i32
    return %arg0, %c0_i32, %c0_i32_0 : i32, i32, i32
  }
  func.func @transform_1(%arg0: i32) -> (i32, i32, i32) {
    %c0_i32 = arith.constant 0 : i32
    %c0_i32_0 = arith.constant 0 : i32
    %c0_i32_1 = arith.constant 0 : i32
    return %arg0, %c0_i32, %c0_i32_0 : i32, i32, i32
  }
  func.func @transform_2(%arg0: i32) -> (i32, i32, i32) {
    %c0_i32 = arith.constant 0 : i32
    %c0_i32_0 = arith.constant 0 : i32
    %c0_i32_1 = arith.constant 0 : i32
    return %arg0, %c0_i32, %c0_i32_0 : i32, i32, i32
  }
  func.func @transform_3(%arg0: i32) -> (i32, i32) {
    %c0_i32 = arith.constant 0 : i32
    %c0_i32_0 = arith.constant 0 : i32
    %c0_i32_1 = arith.constant 0 : i32
    return %c0_i32, %c0_i32_0 : i32, i32
  }
  func.func @transform_4(%arg0: i32) -> (i32, i32) {
    %c0_i32 = arith.constant 0 : i32
    %c0_i32_0 = arith.constant 0 : i32
    %c0_i32_1 = arith.constant 0 : i32
    return %c0_i32, %c0_i32_0 : i32, i32
  }
  func.func @transform_5(%arg0: i32) -> (i32, i32) {
    %c0_i32 = arith.constant 0 : i32
    %c0_i32_0 = arith.constant 0 : i32
    %c0_i32_1 = arith.constant 0 : i32
    return %c0_i32, %c0_i32_0 : i32, i32
  }
  func.func @transform_6(%arg0: i32) -> (i32, i32) {
    %c0_i32 = arith.constant 0 : i32
    %c0_i32_0 = arith.constant 0 : i32
    %c0_i32_1 = arith.constant 0 : i32
    return %c0_i32, %c0_i32_0 : i32, i32
  }
  func.func @transform_7(%arg0: i32) -> (i32, i32) {
    %c0_i32 = arith.constant 0 : i32
    %c0_i32_0 = arith.constant 0 : i32
    %c0_i32_1 = arith.constant 0 : i32
    return %c0_i32, %c0_i32_0 : i32, i32
  }
  func.func @transform_8(%arg0: i32) -> (i32, i32) {
    %c0_i32 = arith.constant 0 : i32
    %c0_i32_0 = arith.constant 0 : i32
    %c0_i32_1 = arith.constant 0 : i32
    return %c0_i32, %c0_i32_0 : i32, i32
  }
  func.func @transform_9(%arg0: i32) -> (i32, i32) {
    %c0_i32 = arith.constant 0 : i32
    %c0_i32_0 = arith.constant 0 : i32
    %c0_i32_1 = arith.constant 0 : i32
    return %c0_i32, %c0_i32_0 : i32, i32
  }
  func.func @transform_10(%arg0: i32) -> (i32, i32) {
    %c0_i32 = arith.constant 0 : i32
    %c0_i32_0 = arith.constant 0 : i32
    %c0_i32_1 = arith.constant 0 : i32
    return %c0_i32, %c0_i32_0 : i32, i32
  }
  func.func @transform_11(%arg0: i32) -> (i32, i32, i32) {
    %c0_i32 = arith.constant 0 : i32
    %c0_i32_0 = arith.constant 0 : i32
    %c0_i32_1 = arith.constant 0 : i32
    return %arg0, %c0_i32, %c0_i32_0 : i32, i32, i32
  }
}

module attributes {stable_mosaic.version = 14 : i64} {
  func.func @_block_kernel(%arg0: i32, %arg1: memref<1x1024x192xf32, #tpu.memory_space<vmem>>, %arg2: memref<1x1024x192xf32, #tpu.memory_space<vmem>>, %arg3: memref<1x1024x9xi32, #tpu.memory_space<vmem>>, %arg4: memref<384x384xf32, #tpu.memory_space<vmem>>, %arg5: memref<1x384xf32, #tpu.memory_space<vmem>>, %arg6: memref<384x192xf32, #tpu.memory_space<vmem>>, %arg7: memref<1x192xf32, #tpu.memory_space<vmem>>, %arg8: memref<192x768xf32, #tpu.memory_space<vmem>>, %arg9: memref<1x768xf32, #tpu.memory_space<vmem>>, %arg10: memref<768x192xf32, #tpu.memory_space<vmem>>, %arg11: memref<1x192xf32, #tpu.memory_space<vmem>>, %arg12: memref<1x1024x192xf32, #tpu.memory_space<vmem>>) attributes {dimension_semantics = [#tpu.dimension_semantics<arbitrary>], iteration_bounds = array<i64: 2>, scalar_prefetch = 0 : i64, scratch_operands = 0 : i64, tpu.core_type = #tpu.core_type<tc>, window_params = [{transform_indices = @transform_0, window_bounds = array<i64: 1, 1024, 192>}, {transform_indices = @transform_1, window_bounds = array<i64: 1, 1024, 192>}, {transform_indices = @transform_2, window_bounds = array<i64: 1, 1024, 9>}, {pipeline_mode = #tpu.pipeline_mode<synchronous>, transform_indices = @transform_3, window_bounds = array<i64: 384, 384>}, {pipeline_mode = #tpu.pipeline_mode<synchronous>, transform_indices = @transform_4, window_bounds = array<i64: 1, 384>}, {pipeline_mode = #tpu.pipeline_mode<synchronous>, transform_indices = @transform_5, window_bounds = array<i64: 384, 192>}, {pipeline_mode = #tpu.pipeline_mode<synchronous>, transform_indices = @transform_6, window_bounds = array<i64: 1, 192>}, {pipeline_mode = #tpu.pipeline_mode<synchronous>, transform_indices = @transform_7, window_bounds = array<i64: 192, 768>}, {pipeline_mode = #tpu.pipeline_mode<synchronous>, transform_indices = @transform_8, window_bounds = array<i64: 1, 768>}, {pipeline_mode = #tpu.pipeline_mode<synchronous>, transform_indices = @transform_9, window_bounds = array<i64: 768, 192>}, {pipeline_mode = #tpu.pipeline_mode<synchronous>, transform_indices = @transform_10, window_bounds = array<i64: 1, 192>}, {transform_indices = @transform_11, window_bounds = array<i64: 1, 1024, 192>}]} {
    %get3A = arith.constant 0 : index
    %get3A_0 = arith.constant 0 : index
    %get3A_1 = arith.constant 0 : index
    %get3A_2 = vector.load %arg1[%get3A, %get3A_0, %get3A_1] : memref<1x1024x192xf32, #tpu.memory_space<vmem>>, vector<1x1024x192xf32>
    %get3A_3 = vector.shape_cast %get3A_2 : vector<1x1024x192xf32> to vector<1024x192xf32>
    %get3A_4 = arith.constant 0 : index
    %get3A_5 = arith.constant 0 : index
    %get3A_6 = arith.constant 0 : index
    %get3A_7 = vector.load %arg2[%get3A_4, %get3A_5, %get3A_6] : memref<1x1024x192xf32, #tpu.memory_space<vmem>>, vector<1x1024x192xf32>
    %get3A_8 = vector.shape_cast %get3A_7 : vector<1x1024x192xf32> to vector<1024x192xf32>
    %get3A_9 = arith.constant 0 : index
    %get3A_10 = arith.constant 0 : index
    %get3A_11 = arith.constant 0 : index
    %get3A_12 = vector.load %arg3[%get3A_9, %get3A_10, %get3A_11] : memref<1x1024x9xi32, #tpu.memory_space<vmem>>, vector<1x1024x9xi32>
    %get3A_13 = vector.shape_cast %get3A_12 : vector<1x1024x9xi32> to vector<1024x9xi32>
    %convert_element_type3A = arith.truncf %get3A_8 : vector<1024x192xf32> to vector<1024x192xbf16>
    %convert_element_type3A_14 = arith.extf %convert_element_type3A : vector<1024x192xbf16> to vector<1024x192xf32>
    %sub3A = arith.subf %get3A_8, %convert_element_type3A_14 : vector<1024x192xf32>
    %convert_element_type3A_15 = arith.truncf %sub3A : vector<1024x192xf32> to vector<1024x192xbf16>
    %convert_element_type3A_16 = arith.extf %convert_element_type3A_15 : vector<1024x192xbf16> to vector<1024x192xf32>
    %sub3A_17 = arith.subf %sub3A, %convert_element_type3A_16 : vector<1024x192xf32>
    %iota3A = tpu.iota {dimensions = array<i32: 1>} : vector<1024x1024xi32>
    %slice3A = vector.extract_strided_slice %get3A_13 {offsets = [0, 0], sizes = [1024, 1], strides = [1, 1]} : vector<1024x9xi32> to vector<1024x1xi32>
    %eq3A = vector.broadcast %slice3A : vector<1024x1xi32> to vector<1024x1024xi32>
    %eq3A_18 = arith.cmpi eq, %iota3A, %eq3A : vector<1024x1024xi32>
    %convert_element_type3A_19 = arith.extui %eq3A_18 : vector<1024x1024xi1> to vector<1024x1024xi32>
    %convert_element_type3A_20 = arith.sitofp %convert_element_type3A_19 : vector<1024x1024xi32> to vector<1024x1024xf32>
    %dot_general3A = arith.constant dense<0.000000e+00> : vector<1024x192xf32>
    %dot_general3A_21 = tpu.matmul %convert_element_type3A_20, %convert_element_type3A_16, %dot_general3A {dimension_numbers = #tpu.dot_dimension_numbers<[1], [0], [0], [1], [0, 0, 1, 1], [], []>, transpose_lhs_hint = false} : vector<1024x1024xf32>, vector<1024x192xf32>, vector<1024x192xf32> -> vector<1024x192xf32>
    %dot_general3A_22 = arith.constant dense<0.000000e+00> : vector<1024x192xf32>
    %dot_general3A_23 = tpu.matmul %convert_element_type3A_20, %sub3A_17, %dot_general3A_22 {dimension_numbers = #tpu.dot_dimension_numbers<[1], [0], [0], [1], [0, 0, 1, 1], [], []>, transpose_lhs_hint = false} : vector<1024x1024xf32>, vector<1024x192xf32>, vector<1024x192xf32> -> vector<1024x192xf32>
    %add3A = arith.addf %dot_general3A_21, %dot_general3A_23 : vector<1024x192xf32>
    %dot_general3A_24 = arith.constant dense<0.000000e+00> : vector<1024x192xf32>
    %dot_general3A_25 = tpu.matmul %convert_element_type3A_20, %convert_element_type3A_14, %dot_general3A_24 {dimension_numbers = #tpu.dot_dimension_numbers<[1], [0], [0], [1], [0, 0, 1, 1], [], []>, transpose_lhs_hint = false} : vector<1024x1024xf32>, vector<1024x192xf32>, vector<1024x192xf32> -> vector<1024x192xf32>
    %add3A_26 = arith.addf %add3A, %dot_general3A_25 : vector<1024x192xf32>
    %slice3A_27 = vector.extract_strided_slice %get3A_13 {offsets = [0, 1], sizes = [1024, 1], strides = [1, 1]} : vector<1024x9xi32> to vector<1024x1xi32>
    %eq3A_28 = vector.broadcast %slice3A_27 : vector<1024x1xi32> to vector<1024x1024xi32>
    %eq3A_29 = arith.cmpi eq, %iota3A, %eq3A_28 : vector<1024x1024xi32>
    %convert_element_type3A_30 = arith.extui %eq3A_29 : vector<1024x1024xi1> to vector<1024x1024xi32>
    %convert_element_type3A_31 = arith.sitofp %convert_element_type3A_30 : vector<1024x1024xi32> to vector<1024x1024xf32>
    %dot_general3A_32 = arith.constant dense<0.000000e+00> : vector<1024x192xf32>
    %dot_general3A_33 = tpu.matmul %convert_element_type3A_31, %convert_element_type3A_16, %dot_general3A_32 {dimension_numbers = #tpu.dot_dimension_numbers<[1], [0], [0], [1], [0, 0, 1, 1], [], []>, transpose_lhs_hint = false} : vector<1024x1024xf32>, vector<1024x192xf32>, vector<1024x192xf32> -> vector<1024x192xf32>
    %dot_general3A_34 = arith.constant dense<0.000000e+00> : vector<1024x192xf32>
    %dot_general3A_35 = tpu.matmul %convert_element_type3A_31, %sub3A_17, %dot_general3A_34 {dimension_numbers = #tpu.dot_dimension_numbers<[1], [0], [0], [1], [0, 0, 1, 1], [], []>, transpose_lhs_hint = false} : vector<1024x1024xf32>, vector<1024x192xf32>, vector<1024x192xf32> -> vector<1024x192xf32>
    %add3A_36 = arith.addf %dot_general3A_33, %dot_general3A_35 : vector<1024x192xf32>
    %dot_general3A_37 = arith.constant dense<0.000000e+00> : vector<1024x192xf32>
    %dot_general3A_38 = tpu.matmul %convert_element_type3A_31, %convert_element_type3A_14, %dot_general3A_37 {dimension_numbers = #tpu.dot_dimension_numbers<[1], [0], [0], [1], [0, 0, 1, 1], [], []>, transpose_lhs_hint = false} : vector<1024x1024xf32>, vector<1024x192xf32>, vector<1024x192xf32> -> vector<1024x192xf32>
    %add3A_39 = arith.addf %add3A_36, %dot_general3A_38 : vector<1024x192xf32>
    %max3A = arith.maximumf %add3A_26, %add3A_39 : vector<1024x192xf32>
    %slice3A_40 = vector.extract_strided_slice %get3A_13 {offsets = [0, 2], sizes = [1024, 1], strides = [1, 1]} : vector<1024x9xi32> to vector<1024x1xi32>
    %eq3A_41 = vector.broadcast %slice3A_40 : vector<1024x1xi32> to vector<1024x1024xi32>
    %eq3A_42 = arith.cmpi eq, %iota3A, %eq3A_41 : vector<1024x1024xi32>
    %convert_element_type3A_43 = arith.extui %eq3A_42 : vector<1024x1024xi1> to vector<1024x1024xi32>
    %convert_element_type3A_44 = arith.sitofp %convert_element_type3A_43 : vector<1024x1024xi32> to vector<1024x1024xf32>
    %dot_general3A_45 = arith.constant dense<0.000000e+00> : vector<1024x192xf32>
    %dot_general3A_46 = tpu.matmul %convert_element_type3A_44, %convert_element_type3A_16, %dot_general3A_45 {dimension_numbers = #tpu.dot_dimension_numbers<[1], [0], [0], [1], [0, 0, 1, 1], [], []>, transpose_lhs_hint = false} : vector<1024x1024xf32>, vector<1024x192xf32>, vector<1024x192xf32> -> vector<1024x192xf32>
    %dot_general3A_47 = arith.constant dense<0.000000e+00> : vector<1024x192xf32>
    %dot_general3A_48 = tpu.matmul %convert_element_type3A_44, %sub3A_17, %dot_general3A_47 {dimension_numbers = #tpu.dot_dimension_numbers<[1], [0], [0], [1], [0, 0, 1, 1], [], []>, transpose_lhs_hint = false} : vector<1024x1024xf32>, vector<1024x192xf32>, vector<1024x192xf32> -> vector<1024x192xf32>
    %add3A_49 = arith.addf %dot_general3A_46, %dot_general3A_48 : vector<1024x192xf32>
    %dot_general3A_50 = arith.constant dense<0.000000e+00> : vector<1024x192xf32>
    %dot_general3A_51 = tpu.matmul %convert_element_type3A_44, %convert_element_type3A_14, %dot_general3A_50 {dimension_numbers = #tpu.dot_dimension_numbers<[1], [0], [0], [1], [0, 0, 1, 1], [], []>, transpose_lhs_hint = false} : vector<1024x1024xf32>, vector<1024x192xf32>, vector<1024x192xf32> -> vector<1024x192xf32>
    %add3A_52 = arith.addf %add3A_49, %dot_general3A_51 : vector<1024x192xf32>
    %max3A_53 = arith.maximumf %max3A, %add3A_52 : vector<1024x192xf32>
    %slice3A_54 = vector.extract_strided_slice %get3A_13 {offsets = [0, 3], sizes = [1024, 1], strides = [1, 1]} : vector<1024x9xi32> to vector<1024x1xi32>
    %eq3A_55 = vector.broadcast %slice3A_54 : vector<1024x1xi32> to vector<1024x1024xi32>
    %eq3A_56 = arith.cmpi eq, %iota3A, %eq3A_55 : vector<1024x1024xi32>
    %convert_element_type3A_57 = arith.extui %eq3A_56 : vector<1024x1024xi1> to vector<1024x1024xi32>
    %convert_element_type3A_58 = arith.sitofp %convert_element_type3A_57 : vector<1024x1024xi32> to vector<1024x1024xf32>
    %dot_general3A_59 = arith.constant dense<0.000000e+00> : vector<1024x192xf32>
    %dot_general3A_60 = tpu.matmul %convert_element_type3A_58, %convert_element_type3A_16, %dot_general3A_59 {dimension_numbers = #tpu.dot_dimension_numbers<[1], [0], [0], [1], [0, 0, 1, 1], [], []>, transpose_lhs_hint = false} : vector<1024x1024xf32>, vector<1024x192xf32>, vector<1024x192xf32> -> vector<1024x192xf32>
    %dot_general3A_61 = arith.constant dense<0.000000e+00> : vector<1024x192xf32>
    %dot_general3A_62 = tpu.matmul %convert_element_type3A_58, %sub3A_17, %dot_general3A_61 {dimension_numbers = #tpu.dot_dimension_numbers<[1], [0], [0], [1], [0, 0, 1, 1], [], []>, transpose_lhs_hint = false} : vector<1024x1024xf32>, vector<1024x192xf32>, vector<1024x192xf32> -> vector<1024x192xf32>
    %add3A_63 = arith.addf %dot_general3A_60, %dot_general3A_62 : vector<1024x192xf32>
    %dot_general3A_64 = arith.constant dense<0.000000e+00> : vector<1024x192xf32>
    %dot_general3A_65 = tpu.matmul %convert_element_type3A_58, %convert_element_type3A_14, %dot_general3A_64 {dimension_numbers = #tpu.dot_dimension_numbers<[1], [0], [0], [1], [0, 0, 1, 1], [], []>, transpose_lhs_hint = false} : vector<1024x1024xf32>, vector<1024x192xf32>, vector<1024x192xf32> -> vector<1024x192xf32>
    %add3A_66 = arith.addf %add3A_63, %dot_general3A_65 : vector<1024x192xf32>
    %max3A_67 = arith.maximumf %max3A_53, %add3A_66 : vector<1024x192xf32>
    %slice3A_68 = vector.extract_strided_slice %get3A_13 {offsets = [0, 4], sizes = [1024, 1], strides = [1, 1]} : vector<1024x9xi32> to vector<1024x1xi32>
    %eq3A_69 = vector.broadcast %slice3A_68 : vector<1024x1xi32> to vector<1024x1024xi32>
    %eq3A_70 = arith.cmpi eq, %iota3A, %eq3A_69 : vector<1024x1024xi32>
    %convert_element_type3A_71 = arith.extui %eq3A_70 : vector<1024x1024xi1> to vector<1024x1024xi32>
    %convert_element_type3A_72 = arith.sitofp %convert_element_type3A_71 : vector<1024x1024xi32> to vector<1024x1024xf32>
    %dot_general3A_73 = arith.constant dense<0.000000e+00> : vector<1024x192xf32>
    %dot_general3A_74 = tpu.matmul %convert_element_type3A_72, %convert_element_type3A_16, %dot_general3A_73 {dimension_numbers = #tpu.dot_dimension_numbers<[1], [0], [0], [1], [0, 0, 1, 1], [], []>, transpose_lhs_hint = false} : vector<1024x1024xf32>, vector<1024x192xf32>, vector<1024x192xf32> -> vector<1024x192xf32>
    %dot_general3A_75 = arith.constant dense<0.000000e+00> : vector<1024x192xf32>
    %dot_general3A_76 = tpu.matmul %convert_element_type3A_72, %sub3A_17, %dot_general3A_75 {dimension_numbers = #tpu.dot_dimension_numbers<[1], [0], [0], [1], [0, 0, 1, 1], [], []>, transpose_lhs_hint = false} : vector<1024x1024xf32>, vector<1024x192xf32>, vector<1024x192xf32> -> vector<1024x192xf32>
    %add3A_77 = arith.addf %dot_general3A_74, %dot_general3A_76 : vector<1024x192xf32>
    %dot_general3A_78 = arith.constant dense<0.000000e+00> : vector<1024x192xf32>
    %dot_general3A_79 = tpu.matmul %convert_element_type3A_72, %convert_element_type3A_14, %dot_general3A_78 {dimension_numbers = #tpu.dot_dimension_numbers<[1], [0], [0], [1], [0, 0, 1, 1], [], []>, transpose_lhs_hint = false} : vector<1024x1024xf32>, vector<1024x192xf32>, vector<1024x192xf32> -> vector<1024x192xf32>
    %add3A_80 = arith.addf %add3A_77, %dot_general3A_79 : vector<1024x192xf32>
    %max3A_81 = arith.maximumf %max3A_67, %add3A_80 : vector<1024x192xf32>
    %slice3A_82 = vector.extract_strided_slice %get3A_13 {offsets = [0, 5], sizes = [1024, 1], strides = [1, 1]} : vector<1024x9xi32> to vector<1024x1xi32>
    %eq3A_83 = vector.broadcast %slice3A_82 : vector<1024x1xi32> to vector<1024x1024xi32>
    %eq3A_84 = arith.cmpi eq, %iota3A, %eq3A_83 : vector<1024x1024xi32>
    %convert_element_type3A_85 = arith.extui %eq3A_84 : vector<1024x1024xi1> to vector<1024x1024xi32>
    %convert_element_type3A_86 = arith.sitofp %convert_element_type3A_85 : vector<1024x1024xi32> to vector<1024x1024xf32>
    %dot_general3A_87 = arith.constant dense<0.000000e+00> : vector<1024x192xf32>
    %dot_general3A_88 = tpu.matmul %convert_element_type3A_86, %convert_element_type3A_16, %dot_general3A_87 {dimension_numbers = #tpu.dot_dimension_numbers<[1], [0], [0], [1], [0, 0, 1, 1], [], []>, transpose_lhs_hint = false} : vector<1024x1024xf32>, vector<1024x192xf32>, vector<1024x192xf32> -> vector<1024x192xf32>
    %dot_general3A_89 = arith.constant dense<0.000000e+00> : vector<1024x192xf32>
    %dot_general3A_90 = tpu.matmul %convert_element_type3A_86, %sub3A_17, %dot_general3A_89 {dimension_numbers = #tpu.dot_dimension_numbers<[1], [0], [0], [1], [0, 0, 1, 1], [], []>, transpose_lhs_hint = false} : vector<1024x1024xf32>, vector<1024x192xf32>, vector<1024x192xf32> -> vector<1024x192xf32>
    %add3A_91 = arith.addf %dot_general3A_88, %dot_general3A_90 : vector<1024x192xf32>
    %dot_general3A_92 = arith.constant dense<0.000000e+00> : vector<1024x192xf32>
    %dot_general3A_93 = tpu.matmul %convert_element_type3A_86, %convert_element_type3A_14, %dot_general3A_92 {dimension_numbers = #tpu.dot_dimension_numbers<[1], [0], [0], [1], [0, 0, 1, 1], [], []>, transpose_lhs_hint = false} : vector<1024x1024xf32>, vector<1024x192xf32>, vector<1024x192xf32> -> vector<1024x192xf32>
    %add3A_94 = arith.addf %add3A_91, %dot_general3A_93 : vector<1024x192xf32>
    %max3A_95 = arith.maximumf %max3A_81, %add3A_94 : vector<1024x192xf32>
    %slice3A_96 = vector.extract_strided_slice %get3A_13 {offsets = [0, 6], sizes = [1024, 1], strides = [1, 1]} : vector<1024x9xi32> to vector<1024x1xi32>
    %eq3A_97 = vector.broadcast %slice3A_96 : vector<1024x1xi32> to vector<1024x1024xi32>
    %eq3A_98 = arith.cmpi eq, %iota3A, %eq3A_97 : vector<1024x1024xi32>
    %convert_element_type3A_99 = arith.extui %eq3A_98 : vector<1024x1024xi1> to vector<1024x1024xi32>
    %convert_element_type3A_100 = arith.sitofp %convert_element_type3A_99 : vector<1024x1024xi32> to vector<1024x1024xf32>
    %dot_general3A_101 = arith.constant dense<0.000000e+00> : vector<1024x192xf32>
    %dot_general3A_102 = tpu.matmul %convert_element_type3A_100, %convert_element_type3A_16, %dot_general3A_101 {dimension_numbers = #tpu.dot_dimension_numbers<[1], [0], [0], [1], [0, 0, 1, 1], [], []>, transpose_lhs_hint = false} : vector<1024x1024xf32>, vector<1024x192xf32>, vector<1024x192xf32> -> vector<1024x192xf32>
    %dot_general3A_103 = arith.constant dense<0.000000e+00> : vector<1024x192xf32>
    %dot_general3A_104 = tpu.matmul %convert_element_type3A_100, %sub3A_17, %dot_general3A_103 {dimension_numbers = #tpu.dot_dimension_numbers<[1], [0], [0], [1], [0, 0, 1, 1], [], []>, transpose_lhs_hint = false} : vector<1024x1024xf32>, vector<1024x192xf32>, vector<1024x192xf32> -> vector<1024x192xf32>
    %add3A_105 = arith.addf %dot_general3A_102, %dot_general3A_104 : vector<1024x192xf32>
    %dot_general3A_106 = arith.constant dense<0.000000e+00> : vector<1024x192xf32>
    %dot_general3A_107 = tpu.matmul %convert_element_type3A_100, %convert_element_type3A_14, %dot_general3A_106 {dimension_numbers = #tpu.dot_dimension_numbers<[1], [0], [0], [1], [0, 0, 1, 1], [], []>, transpose_lhs_hint = false} : vector<1024x1024xf32>, vector<1024x192xf32>, vector<1024x192xf32> -> vector<1024x192xf32>
    %add3A_108 = arith.addf %add3A_105, %dot_general3A_107 : vector<1024x192xf32>
    %max3A_109 = arith.maximumf %max3A_95, %add3A_108 : vector<1024x192xf32>
    %slice3A_110 = vector.extract_strided_slice %get3A_13 {offsets = [0, 7], sizes = [1024, 1], strides = [1, 1]} : vector<1024x9xi32> to vector<1024x1xi32>
    %eq3A_111 = vector.broadcast %slice3A_110 : vector<1024x1xi32> to vector<1024x1024xi32>
    %eq3A_112 = arith.cmpi eq, %iota3A, %eq3A_111 : vector<1024x1024xi32>
    %convert_element_type3A_113 = arith.extui %eq3A_112 : vector<1024x1024xi1> to vector<1024x1024xi32>
    %convert_element_type3A_114 = arith.sitofp %convert_element_type3A_113 : vector<1024x1024xi32> to vector<1024x1024xf32>
    %dot_general3A_115 = arith.constant dense<0.000000e+00> : vector<1024x192xf32>
    %dot_general3A_116 = tpu.matmul %convert_element_type3A_114, %convert_element_type3A_16, %dot_general3A_115 {dimension_numbers = #tpu.dot_dimension_numbers<[1], [0], [0], [1], [0, 0, 1, 1], [], []>, transpose_lhs_hint = false} : vector<1024x1024xf32>, vector<1024x192xf32>, vector<1024x192xf32> -> vector<1024x192xf32>
    %dot_general3A_117 = arith.constant dense<0.000000e+00> : vector<1024x192xf32>
    %dot_general3A_118 = tpu.matmul %convert_element_type3A_114, %sub3A_17, %dot_general3A_117 {dimension_numbers = #tpu.dot_dimension_numbers<[1], [0], [0], [1], [0, 0, 1, 1], [], []>, transpose_lhs_hint = false} : vector<1024x1024xf32>, vector<1024x192xf32>, vector<1024x192xf32> -> vector<1024x192xf32>
    %add3A_119 = arith.addf %dot_general3A_116, %dot_general3A_118 : vector<1024x192xf32>
    %dot_general3A_120 = arith.constant dense<0.000000e+00> : vector<1024x192xf32>
    %dot_general3A_121 = tpu.matmul %convert_element_type3A_114, %convert_element_type3A_14, %dot_general3A_120 {dimension_numbers = #tpu.dot_dimension_numbers<[1], [0], [0], [1], [0, 0, 1, 1], [], []>, transpose_lhs_hint = false} : vector<1024x1024xf32>, vector<1024x192xf32>, vector<1024x192xf32> -> vector<1024x192xf32>
    %add3A_122 = arith.addf %add3A_119, %dot_general3A_121 : vector<1024x192xf32>
    %max3A_123 = arith.maximumf %max3A_109, %add3A_122 : vector<1024x192xf32>
    %slice3A_124 = vector.extract_strided_slice %get3A_13 {offsets = [0, 8], sizes = [1024, 1], strides = [1, 1]} : vector<1024x9xi32> to vector<1024x1xi32>
    %eq3A_125 = vector.broadcast %slice3A_124 : vector<1024x1xi32> to vector<1024x1024xi32>
    %eq3A_126 = arith.cmpi eq, %iota3A, %eq3A_125 : vector<1024x1024xi32>
    %convert_element_type3A_127 = arith.extui %eq3A_126 : vector<1024x1024xi1> to vector<1024x1024xi32>
    %convert_element_type3A_128 = arith.sitofp %convert_element_type3A_127 : vector<1024x1024xi32> to vector<1024x1024xf32>
    %dot_general3A_129 = arith.constant dense<0.000000e+00> : vector<1024x192xf32>
    %dot_general3A_130 = tpu.matmul %convert_element_type3A_128, %convert_element_type3A_16, %dot_general3A_129 {dimension_numbers = #tpu.dot_dimension_numbers<[1], [0], [0], [1], [0, 0, 1, 1], [], []>, transpose_lhs_hint = false} : vector<1024x1024xf32>, vector<1024x192xf32>, vector<1024x192xf32> -> vector<1024x192xf32>
    %dot_general3A_131 = arith.constant dense<0.000000e+00> : vector<1024x192xf32>
    %dot_general3A_132 = tpu.matmul %convert_element_type3A_128, %sub3A_17, %dot_general3A_131 {dimension_numbers = #tpu.dot_dimension_numbers<[1], [0], [0], [1], [0, 0, 1, 1], [], []>, transpose_lhs_hint = false} : vector<1024x1024xf32>, vector<1024x192xf32>, vector<1024x192xf32> -> vector<1024x192xf32>
    %add3A_133 = arith.addf %dot_general3A_130, %dot_general3A_132 : vector<1024x192xf32>
    %dot_general3A_134 = arith.constant dense<0.000000e+00> : vector<1024x192xf32>
    %dot_general3A_135 = tpu.matmul %convert_element_type3A_128, %convert_element_type3A_14, %dot_general3A_134 {dimension_numbers = #tpu.dot_dimension_numbers<[1], [0], [0], [1], [0, 0, 1, 1], [], []>, transpose_lhs_hint = false} : vector<1024x1024xf32>, vector<1024x192xf32>, vector<1024x192xf32> -> vector<1024x192xf32>
    %add3A_136 = arith.addf %add3A_133, %dot_general3A_135 : vector<1024x192xf32>
    %max3A_137 = arith.maximumf %max3A_123, %add3A_136 : vector<1024x192xf32>
    %sub3A_138 = arith.subf %max3A_137, %get3A_8 : vector<1024x192xf32>
    %concatenate3A = tpu.concatenate %get3A_8, %sub3A_138 in 1 : vector<1024x192xf32>, vector<1024x192xf32> -> vector<1024x384xf32>
    %get3A_139 = arith.constant 0 : index
    %get3A_140 = arith.constant 0 : index
    %get3A_141 = vector.load %arg4[%get3A_139, %get3A_140] : memref<384x384xf32, #tpu.memory_space<vmem>>, vector<384x384xf32>
    %dot_general3A_142 = arith.constant dense<0.000000e+00> : vector<1024x384xf32>
    %dot_general3A_143 = tpu.matmul %concatenate3A, %get3A_141, %dot_general3A_142 {dimension_numbers = #tpu.dot_dimension_numbers<[1], [0], [0], [1], [0, 0, 1, 1], [], []>, transpose_lhs_hint = false} : vector<1024x384xf32>, vector<384x384xf32>, vector<1024x384xf32> -> vector<1024x384xf32>
    %get3A_144 = arith.constant 0 : index
    %get3A_145 = arith.constant 0 : index
    %get3A_146 = vector.load %arg5[%get3A_144, %get3A_145] : memref<1x384xf32, #tpu.memory_space<vmem>>, vector<1x384xf32>
    %add3A_147 = vector.broadcast %get3A_146 : vector<1x384xf32> to vector<1024x384xf32>
    %add3A_148 = arith.addf %dot_general3A_143, %add3A_147 : vector<1024x384xf32>
    %integer_pow3A = arith.mulf %add3A_148, %add3A_148 : vector<1024x384xf32>
    %integer_pow3A_149 = arith.mulf %add3A_148, %integer_pow3A : vector<1024x384xf32>
    %mul3A = arith.constant 4.471500e-02 : f32
    %mul3A_150 = vector.broadcast %mul3A : f32 to vector<1024x384xf32>
    %mul3A_151 = arith.mulf %mul3A_150, %integer_pow3A_149 : vector<1024x384xf32>
    %add3A_152 = arith.addf %add3A_148, %mul3A_151 : vector<1024x384xf32>
    %mul3A_153 = arith.constant 0.797884583 : f32
    %mul3A_154 = vector.broadcast %mul3A_153 : f32 to vector<1024x384xf32>
    %mul3A_155 = arith.mulf %mul3A_154, %add3A_152 : vector<1024x384xf32>
    %tanh3A = math.tanh %mul3A_155 : vector<1024x384xf32>
    %add3A_156 = arith.constant 1.000000e+00 : f32
    %add3A_157 = vector.broadcast %add3A_156 : f32 to vector<1024x384xf32>
    %add3A_158 = arith.addf %add3A_157, %tanh3A : vector<1024x384xf32>
    %mul3A_159 = arith.constant 5.000000e-01 : f32
    %mul3A_160 = vector.broadcast %mul3A_159 : f32 to vector<1024x384xf32>
    %mul3A_161 = arith.mulf %mul3A_160, %add3A_158 : vector<1024x384xf32>
    %mul3A_162 = arith.mulf %add3A_148, %mul3A_161 : vector<1024x384xf32>
    %get3A_163 = arith.constant 0 : index
    %get3A_164 = arith.constant 0 : index
    %get3A_165 = vector.load %arg6[%get3A_163, %get3A_164] : memref<384x192xf32, #tpu.memory_space<vmem>>, vector<384x192xf32>
    %dot_general3A_166 = arith.constant dense<0.000000e+00> : vector<1024x192xf32>
    %dot_general3A_167 = tpu.matmul %mul3A_162, %get3A_165, %dot_general3A_166 {dimension_numbers = #tpu.dot_dimension_numbers<[1], [0], [0], [1], [0, 0, 1, 1], [], []>, transpose_lhs_hint = false} : vector<1024x384xf32>, vector<384x192xf32>, vector<1024x192xf32> -> vector<1024x192xf32>
    %get3A_168 = arith.constant 0 : index
    %get3A_169 = arith.constant 0 : index
    %get3A_170 = vector.load %arg7[%get3A_168, %get3A_169] : memref<1x192xf32, #tpu.memory_space<vmem>>, vector<1x192xf32>
    %add3A_171 = vector.broadcast %get3A_170 : vector<1x192xf32> to vector<1024x192xf32>
    %add3A_172 = arith.addf %dot_general3A_167, %add3A_171 : vector<1024x192xf32>
    %add3A_173 = arith.addf %add3A_172, %get3A_3 : vector<1024x192xf32>
    %get3A_174 = arith.constant 0 : index
    %get3A_175 = arith.constant 0 : index
    %get3A_176 = vector.load %arg8[%get3A_174, %get3A_175] : memref<192x768xf32, #tpu.memory_space<vmem>>, vector<192x768xf32>
    %dot_general3A_177 = arith.constant dense<0.000000e+00> : vector<1024x768xf32>
    %dot_general3A_178 = tpu.matmul %add3A_173, %get3A_176, %dot_general3A_177 {dimension_numbers = #tpu.dot_dimension_numbers<[1], [0], [0], [1], [0, 0, 1, 1], [], []>, transpose_lhs_hint = false} : vector<1024x192xf32>, vector<192x768xf32>, vector<1024x768xf32> -> vector<1024x768xf32>
    %get3A_179 = arith.constant 0 : index
    %get3A_180 = arith.constant 0 : index
    %get3A_181 = vector.load %arg9[%get3A_179, %get3A_180] : memref<1x768xf32, #tpu.memory_space<vmem>>, vector<1x768xf32>
    %add3A_182 = vector.broadcast %get3A_181 : vector<1x768xf32> to vector<1024x768xf32>
    %add3A_183 = arith.addf %dot_general3A_178, %add3A_182 : vector<1024x768xf32>
    %integer_pow3A_184 = arith.mulf %add3A_183, %add3A_183 : vector<1024x768xf32>
    %integer_pow3A_185 = arith.mulf %add3A_183, %integer_pow3A_184 : vector<1024x768xf32>
    %mul3A_186 = arith.constant 4.471500e-02 : f32
    %mul3A_187 = vector.broadcast %mul3A_186 : f32 to vector<1024x768xf32>
    %mul3A_188 = arith.mulf %mul3A_187, %integer_pow3A_185 : vector<1024x768xf32>
    %add3A_189 = arith.addf %add3A_183, %mul3A_188 : vector<1024x768xf32>
    %mul3A_190 = arith.constant 0.797884583 : f32
    %mul3A_191 = vector.broadcast %mul3A_190 : f32 to vector<1024x768xf32>
    %mul3A_192 = arith.mulf %mul3A_191, %add3A_189 : vector<1024x768xf32>
    %tanh3A_193 = math.tanh %mul3A_192 : vector<1024x768xf32>
    %add3A_194 = arith.constant 1.000000e+00 : f32
    %add3A_195 = vector.broadcast %add3A_194 : f32 to vector<1024x768xf32>
    %add3A_196 = arith.addf %add3A_195, %tanh3A_193 : vector<1024x768xf32>
    %mul3A_197 = arith.constant 5.000000e-01 : f32
    %mul3A_198 = vector.broadcast %mul3A_197 : f32 to vector<1024x768xf32>
    %mul3A_199 = arith.mulf %mul3A_198, %add3A_196 : vector<1024x768xf32>
    %mul3A_200 = arith.mulf %add3A_183, %mul3A_199 : vector<1024x768xf32>
    %get3A_201 = arith.constant 0 : index
    %get3A_202 = arith.constant 0 : index
    %get3A_203 = vector.load %arg10[%get3A_201, %get3A_202] : memref<768x192xf32, #tpu.memory_space<vmem>>, vector<768x192xf32>
    %dot_general3A_204 = arith.constant dense<0.000000e+00> : vector<1024x192xf32>
    %dot_general3A_205 = tpu.matmul %mul3A_200, %get3A_203, %dot_general3A_204 {dimension_numbers = #tpu.dot_dimension_numbers<[1], [0], [0], [1], [0, 0, 1, 1], [], []>, transpose_lhs_hint = false} : vector<1024x768xf32>, vector<768x192xf32>, vector<1024x192xf32> -> vector<1024x192xf32>
    %get3A_206 = arith.constant 0 : index
    %get3A_207 = arith.constant 0 : index
    %get3A_208 = vector.load %arg11[%get3A_206, %get3A_207] : memref<1x192xf32, #tpu.memory_space<vmem>>, vector<1x192xf32>
    %add3A_209 = vector.broadcast %get3A_208 : vector<1x192xf32> to vector<1024x192xf32>
    %add3A_210 = arith.addf %dot_general3A_205, %add3A_209 : vector<1024x192xf32>
    %add3A_211 = arith.addf %add3A_210, %add3A_173 : vector<1024x192xf32>
    %swap3A = arith.constant 0 : index
    %swap3A_212 = arith.constant 0 : index
    %swap3A_213 = arith.constant 0 : index
    %swap3A_214 = vector.load %arg12[%swap3A, %swap3A_212, %swap3A_213] : memref<1x1024x192xf32, #tpu.memory_space<vmem>>, vector<1x1024x192xf32>
    %swap3A_215 = vector.shape_cast %swap3A_214 : vector<1x1024x192xf32> to vector<1024x192xf32>
    %swap3A_216 = vector.shape_cast %add3A_211 : vector<1024x192xf32> to vector<1x1024x192xf32>
    tpu.vector_store %arg12[%swap3A, %swap3A_212, %swap3A_213], %swap3A_216 {strides = array<i32>} : memref<1x1024x192xf32, #tpu.memory_space<vmem>>, vector<1x1024x192xf32>,
    return
  }
  func.func @transform_0(%arg0: i32) -> (i32, i32, i32) {
    %c0_i32 = arith.constant 0 : i32
    %c0_i32_0 = arith.constant 0 : i32
    %c0_i32_1 = arith.constant 0 : i32
    return %arg0, %c0_i32, %c0_i32_0 : i32, i32, i32
  }
  func.func @transform_1(%arg0: i32) -> (i32, i32, i32) {
    %c0_i32 = arith.constant 0 : i32
    %c0_i32_0 = arith.constant 0 : i32
    %c0_i32_1 = arith.constant 0 : i32
    return %arg0, %c0_i32, %c0_i32_0 : i32, i32, i32
  }
  func.func @transform_2(%arg0: i32) -> (i32, i32, i32) {
    %c0_i32 = arith.constant 0 : i32
    %c0_i32_0 = arith.constant 0 : i32
    %c0_i32_1 = arith.constant 0 : i32
    return %arg0, %c0_i32, %c0_i32_0 : i32, i32, i32
  }
  func.func @transform_3(%arg0: i32) -> (i32, i32) {
    %c0_i32 = arith.constant 0 : i32
    %c0_i32_0 = arith.constant 0 : i32
    %c0_i32_1 = arith.constant 0 : i32
    return %c0_i32, %c0_i32_0 : i32, i32
  }
  func.func @transform_4(%arg0: i32) -> (i32, i32) {
    %c0_i32 = arith.constant 0 : i32
    %c0_i32_0 = arith.constant 0 : i32
    %c0_i32_1 = arith.constant 0 : i32
    return %c0_i32, %c0_i32_0 : i32, i32
  }
  func.func @transform_5(%arg0: i32) -> (i32, i32) {
    %c0_i32 = arith.constant 0 : i32
    %c0_i32_0 = arith.constant 0 : i32
    %c0_i32_1 = arith.constant 0 : i32
    return %c0_i32, %c0_i32_0 : i32, i32
  }
  func.func @transform_6(%arg0: i32) -> (i32, i32) {
    %c0_i32 = arith.constant 0 : i32
    %c0_i32_0 = arith.constant 0 : i32
    %c0_i32_1 = arith.constant 0 : i32
    return %c0_i32, %c0_i32_0 : i32, i32
  }
  func.func @transform_7(%arg0: i32) -> (i32, i32) {
    %c0_i32 = arith.constant 0 : i32
    %c0_i32_0 = arith.constant 0 : i32
    %c0_i32_1 = arith.constant 0 : i32
    return %c0_i32, %c0_i32_0 : i32, i32
  }
  func.func @transform_8(%arg0: i32) -> (i32, i32) {
    %c0_i32 = arith.constant 0 : i32
    %c0_i32_0 = arith.constant 0 : i32
    %c0_i32_1 = arith.constant 0 : i32
    return %c0_i32, %c0_i32_0 : i32, i32
  }
  func.func @transform_9(%arg0: i32) -> (i32, i32) {
    %c0_i32 = arith.constant 0 : i32
    %c0_i32_0 = arith.constant 0 : i32
    %c0_i32_1 = arith.constant 0 : i32
    return %c0_i32, %c0_i32_0 : i32, i32
  }
  func.func @transform_10(%arg0: i32) -> (i32, i32) {
    %c0_i32 = arith.constant 0 : i32
    %c0_i32_0 = arith.constant 0 : i32
    %c0_i32_1 = arith.constant 0 : i32
    return %c0_i32, %c0_i32_0 : i32, i32
  }
  func.func @transform_11(%arg0: i32) -> (i32, i32, i32) {
    %c0_i32 = arith.constant 0 : i32
    %c0_i32_0 = arith.constant 0 : i32
    %c0_i32_1 = arith.constant 0 : i32
    return %arg0, %c0_i32, %c0_i32_0 : i32, i32, i32
  }
}

</mosaic_0001>

<sc_bundles>
// kernel: gather_offload_async_start.10
scs
__scs_entry_jumppad:
0x0: {  	(pc) =	sbr.rel $0x88, $3  }
0x1: {  	(tag) =	ssettag $0x0;
	lr =	simm.s32 $0x1  }
0x2: {  	[smem:$0x3F96] =	sst lr;
	_ =	strace $0xD0000000  }
0x3: {  	_ = 	snop  }
0x4: {  	_ = 	snop  }
0x5: {  	_ = 	snop  }
0x6: {  	_ = 	snop  }
0x7: {  	_ = 	snop  }
__scs_overlays_trampoline_lowered:
0x8: {  	[smem:$0x3FA5] =	sst s0  }
0x9: {  	[smem:$0x3FA6] =	sst s1  }
0xa: {  	[smem:$0x3FA7] =	sst s2  }
0xb: {  	[smem:$0x3FA8] =	sst s3  }
0xc: {  	[smem:$0x3FA9] =	sst s4  }
0xd: {  	[smem:$0x3FAA] =	sst s5  }
0xe: {  	[smem:$0x3FAB] =	sst s6  }
0xf: {  	[smem:$0x3FAC] =	sst s7  }
0x10: {  	[smem:$0x3FAD] =	sst s8  }
0x11: {  	[smem:$0x3FAE] =	sst s9;
	s0 =	simm.s32 @!p0 $0x0  }
0x12: {  	s1 =	sld [smem:$0x3F94];
	s0 =	simm.s32 @p0 $0x1  }
0x13: {  	[smem:$0x3FAF] =	sst s0;
	s0 =	simm.s32 @!p1 $0x0  }
0x14: {  	s2 =	sld [smem:$0x3F93];
	s0 =	simm.s32 @p1 $0x1  }
0x15: {  	[smem:$0x3FB0] =	sst s0;
	s0 =	simm.s32 @!p2 $0x0  }
0x16: {  	s3 =	sld [smem:$0x3FDB];
	s0 =	simm.s32 @p2 $0x1  }
0x17: {  	s4 =	simm.s32 $0x1BF5;
	[smem:$0x3FB2] =	sst s0  }
0x18: {  	s0 =	sld [smem:$0x3F95];
	_ =	swait.ge [sflag:s4], $0x0  }
0x19: {  	s7 =	sld [smem:$0x3F96]  }
0x1a: {  	s8 =	sadd.s32 $0xFFFFE003, lr  }
0x1b: {  	s9 =	sadd.s32 $0xFFFFFEF7, lr;
	s5 =	simm.s32 $0xFFFFFFFF;
	p2 =	slt.u32 s8, $0xFFFFF086  }
0x1c: {  	p1 =	slt.u32 s9, $0xF7A;
	s5 =	simm.s32 @!p2 $0x0  }
0x1d: {  	s5 =	simm.s32 @p1 $0x1;
	p0 =	seq.s32 s7, s2  }
0x1e: {  	s7 =	smul.u32 @!p0 $0xF7A, s2;
	p2 =	seq.s32 @!p0 s5, $0x0  }
0x1f: {  	s9 =	smul.u32 $0xF7A, s1;
	s8 =	simm.s32 @!p0 $0x1BF5;
	p2 =	por !p2, p0  }
0x20: {  	[sflag:s8] =	ssyncset.s32 @!p0 $0xFFFFF086;
	s6 =	sadd.s32 @!p0 s3, s7;
	s7 =	simm.s32 @!p0 $0x108  }
0x21: {  	s3 =	sadd.s32 s3, s9;
	s6 =	sadd.s32 @!p0 $0x88, s6;
	s7 =	simm.s32 @p2 $0x1082  }
0x22: {  	[simem:s7], [sflag:s8] =	dma.local @!p0 [hbm:s6], $0xF7A  }
0x23: {  	s9 =	sor.u32 $0xD0000000, s2;
	s6 =	simm.s32 $0x108;
	_ =	swait.ge @!p0 [sflag:s8], $0x0  }
0x24: {  	s3 =	sadd.s32 $0x88, s3;
	s6 =	simm.s32 @!p1 $0x1082;
	[sflag:s4] =	ssyncset.s32 $0xFFFFF086  }
0x25: {  	[simem:s6], [sflag:s4] =	dma.local [hbm:s3], $0xF7A  }
0x26: {  	[smem:$0x3F96] =	sst s1;
	(tag) =	ssettag s2;
	_ =	strace s9  }
0x27: {  	s1 =	sld [smem:$0x3FA6]  }
0x28: {  	s2 =	sld [smem:$0x3FA7]  }
0x29: {  	s4 =	sld [smem:$0x3FA9]  }
0x2a: {  	p0 =	seq.s32 s5, $0x0;
	s5 =	sld [smem:$0x3FAA]  }
0x2b: {  	s6 =	sld [smem:$0x3FAB]  }
0x2c: {  	s7 =	sld [smem:$0x3FAC]  }
0x2d: {  	s3 =	simm.s32 $0x108;
	s8 =	sld [smem:$0x3FAD]  }
0x2e: {  	s3 =	simm.s32 @!p0 $0x1082;
	s9 =	sld [smem:$0x3FAE]  }
0x2f: {  	lr =	sadd.s32 s0, s3;
	s0 =	sld [smem:$0x3FA5]  }
0x30: {  	s3 =	sld [smem:$0x3FA8]  }
0x31: {  	[smem:$0x3FB1] =	sst s10  }
0x32: {  	s10 =	sld [smem:$0x3FAF];
	_ =	sdelay $0x3  }
0x33: {  	p0 =	seq.s32 s10, $0x1;
	s10 =	sld [smem:$0x3FB1];
	_ =	sdelay $0x3  }
0x34: {  	[smem:$0x3FB1] =	sst s10  }
0x35: {  	s10 =	sld [smem:$0x3FB0];
	_ =	sdelay $0x3  }
0x36: {  	p1 =	seq.s32 s10, $0x1;
	s10 =	sld [smem:$0x3FB1];
	_ =	sdelay $0x3  }
0x37: {  	[smem:$0x3FB1] =	sst s10  }
0x38: {  	s10 =	sld [smem:$0x3FB2]  }
0x39: {  	_ = 	snop;
	(pc) =	sbr.ind lr, $3  }
0x3a: {  	_ = 	snop  }
0x3b: {  	_ = 	snop  }
0x3c: {  	p2 =	seq.s32 s10, $0x1;
	s10 =	sld [smem:$0x3FB1]  }
0x3d: {  	_ =	shalt  }
0x3e: {  	_ =	shalt  }
0x3f: {  	_ =	shalt  }
0x40: {  	_ =	shalt  }
0x41: {  	_ =	shalt  }
0x42: {  	_ =	shalt  }
0x43: {  	_ =	shalt  }
0x44: {  	_ =	shalt  }
0x45: {  	_ =	shalt  }
0x46: {  	_ =	shalt  }
0x47: {  	_ =	shalt  }
0x48: {  	_ =	shalt  }
0x49: {  	_ =	shalt  }
0x4a: {  	_ =	shalt  }
0x4b: {  	_ =	shalt  }
0x4c: {  	_ =	shalt  }
0x4d: {  	_ =	shalt  }
0x4e: {  	_ =	shalt  }
0x4f: {  	_ =	shalt  }
0x50: {  	_ =	shalt  }
0x51: {  	_ =	shalt  }
0x52: {  	_ =	shalt  }
0x53: {  	_ =	shalt  }
0x54: {  	_ =	shalt  }
0x55: {  	_ =	shalt  }
0x56: {  	_ =	shalt  }
0x57: {  	_ =	shalt  }
0x58: {  	_ =	shalt  }
0x59: {  	_ =	shalt  }
0x5a: {  	_ =	shalt  }
0x5b: {  	_ =	shalt  }
0x5c: {  	_ =	shalt  }
0x5d: {  	_ =	shalt  }
0x5e: {  	_ =	shalt  }
0x5f: {  	_ =	shalt  }
0x60: {  	_ =	shalt  }
0x61: {  	_ =	shalt  }
0x62: {  	_ =	shalt  }
0x63: {  	_ =	shalt  }
0x64: {  	_ =	shalt  }
0x65: {  	_ =	shalt  }
0x66: {  	_ =	shalt  }
0x67: {  	_ =	shalt  }
0x68: {  	_ =	shalt  }
0x69: {  	_ =	shalt  }
0x6a: {  	_ =	shalt  }
0x6b: {  	_ =	shalt  }
0x6c: {  	_ =	shalt  }
0x6d: {  	_ =	shalt  }
0x6e: {  	_ =	shalt  }
0x6f: {  	_ =	shalt  }
0x70: {  	_ =	shalt  }
0x71: {  	_ =	shalt  }
0x72: {  	_ =	shalt  }
0x73: {  	_ =	shalt  }
0x74: {  	_ =	shalt  }
0x75: {  	_ =	shalt  }
0x76: {  	_ =	shalt  }
0x77: {  	_ =	shalt  }
0x78: {  	_ =	shalt  }
0x79: {  	_ =	shalt  }
0x7a: {  	_ =	shalt  }
0x7b: {  	_ =	shalt  }
0x7c: {  	_ =	shalt  }
0x7d: {  	_ =	shalt  }
0x7e: {  	_ =	shalt  }
0x7f: {  	_ =	shalt  }
0x80: {  	_ =	shalt  }
0x81: {  	_ =	shalt  }
0x82: {  	_ =	shalt  }
0x83: {  	_ =	shalt  }
0x84: {  	_ =	shalt  }
0x85: {  	_ =	shalt  }
0x86: {  	_ =	shalt  }
0x87: {  	_ =	shalt  }
.Lfunc_end0:
.L_simem_size_0:
called_computation.10_lowered:
.L_overlay_start_0:
0x88: {  	s2 =	sld [smem:$0x3FD9]  }
0x89: {  	s3 =	sld [smem:$0x3FFE];
	_ =	sdelay $0x1  }
0x8a: {  	s1 =	srdreg.scid  }
0x8b: {  	s0 =	sand.u32 $0x1, s1  }
0x8c: {  	s16 =	sshll.u32 s0, $0xA;
	s2 =	sadd.s32 s3, s2  }
0x8d: {  	s2 =	sadd.s32 s2, s16  }
0x8e: {  	[smem:$0x3FBD] =	sst s2  }
0x8f: {  	_ = 	snop  }
0x90: {  	(tm) =	ssettm $0x1  }
0x91: {  	s17 =	sld [smem:$0x3FFB];
	_ =	sdelay $0x3  }
0x92: {  	_ =	strace s17  }
0x93: {  	s2 =	sld [smem:$0x3FFC];
	_ =	sdelay $0x3  }
0x94: {  	_ =	strace s2  }
0x95: {  	s2 =	sld [smem:$0x3FFD];
	_ =	sdelay $0x3  }
0x96: {  	_ =	strace s2  }
0x97: {  	_ =	strace $0x8FFFFFFF  }
0x98: {  	s18 =	sld [smem:$0x3FDB];
	_ =	sdelay $0x1  }
0x99: {  	s19 =	simm.s32 $_scs_section_size  }
0x9a: {  	s4 =	simm.s32 $_size__tile_overlayer_lowered;
	s5 =	simm.s32 $_tile_overlayer_lowered  }
0x9b: {  	s22 =	simm.s32 $0x1BFF;
	s21 =	sshll.u32 s5, $0x1;
	s2 =	sadd.s32 s19, s18  }
0x9c: {  	s6 =	simm.s32 $0x0;
	s20 =	sshll.u32 s4, $0x1;
	s4 =	sadd.s32 s21, s2  }
0x9d: {  	[timem:s6], [sflag:s22] =	dma.local [hbm:s4], s20  }
0x9e: {  	_ =	swait.ge [sflag:s22], s20  }
0x9f: {  	s3 =	ssub.s32 $0x0, s20;
	[sflag:s22] =	ssyncset.done $0x0  }
0xa0: {  	[sflag:s22] =	ssyncadd.s32 s3;
	_ =	sdelay $0x1  }
0xa1: {  	s23 =	simm.s32 $0x1B8B  }
0xa2: {  	_ =	swait.ge [sflag:s23], $0x1  }
0xa3: {  	[sflag:s23] =	ssyncset.done $0x0  }
0xa4: {  	s25 =	simm.s32 $0x1B8E;
	s24 =	sld [smem:$0x3FFE];
	[sflag:s23] =	ssyncadd.s32 $0xFFFFFFFF  }
0xa5: {  	s26 =	simm.s32 $execute0_lowered;
	[smem:$0x3FD2] =	sst s25  }
0xa6: {  	s4 =	sshll.u32 s26, $0x1;
	_ =	strace $0x80000064;
	[dreg:$0x1] =	wrdreg $0xFFFFFFFF  }
0xa7: {  	s28 =	simm.s32 $_size_execute0_lowered;
	s2 =	sadd.s32 s2, s4;
	[dreg:$0x0] =	wrdreg $0x0  }
0xa8: {  	s4 =	sshll.u32 s28, $0x1;
	[dreg:$0x2] =	wrdreg s2  }
0xa9: {  	[dreg:$0x3] =	wrdreg s4  }
0xaa: {  	[dreg:$0x4] =	wrdreg $0xC0  }
0xab: {  	_ =	task [dreg:s6], $0x5FFFF  }
0xac: {  	[dreg:$0x1] =	wrdreg $0xFFFFFFFF  }
0xad: {  	[dreg:$0x0] =	wrdreg $0x60  }
0xae: {  	[dreg:$0x2] =	wrdreg s24  }
0xaf: {  	[dreg:$0x3] =	wrdreg $0x9  }
0xb0: {  	_ =	task.clear_ibuf [dreg:s6], $0x4FFFF;
	_ =	strace $0x90000064  }
0xb1: {  	s29 =	simm.s32 $0x9;
	_ =	strace $0x80000066  }
0xb2: {  	_ =	swait.ge [sflag:s29], $0x1  }
0xb3: {  	[sflag:s29] =	ssyncadd.s32 $0xFFFFFFFF  }
0xb4: {  	_ =	strace $0x90000066  }
0xb5: {  	_ =	sfence  }
0xb6: {  	s30 =	sld [smem:$0x0];
	_ =	sdelay $0x2  }
0xb7: {  	s31 =	sshll.u32 s1, $0xD;
	s1 =	sshrl.u32 s1, $0x2  }
0xb8: {  	s3 =	sand.u32 $0x4000, s31;
	s1 =	sadd.s32 s1, s30  }
0xb9: {  	s0 =	sor.u32 s3, s0;
	s1 =	sshll.u32 s1, $0x11  }
0xba: {  	s0 =	sor.u32 s1, s0  }
0xbb: {  	s0 =	sadd.s32 $0x8F2B, s0  }
0xbc: {  	[sflag:s0] =	ssyncadd.remote.s32 $0x1  }
0xbd: {  	_ =	sfence.sel $0xFFFF  }
0xbe: {  	[dreg:$0x0] =	wrdreg $0xFFFFFFFF;
	(pc) =	sbr.abs _section_cstart, $3  }
0xbf: {  	[dreg:$0x1] =	wrdreg $0xFFFFFFFF  }
0xc0: {  	_ =	task.clear_ibuf [dreg:s6], $0x2FFFF;
	_ =	strace $0x9FFFFFFF  }
0xc1: {  	(tm) =	ssettm $0x7FFFFFFF  }
tec
execute0_lowered:
.L_overlay_start_1:
0x0: {  	(tag) =	ssettag $0x1  }
0x1: {  	s8 =	rddreg [dreg:$0x0];
	s1 =	stileid.u32  }
0x2: {  	s2 =	srdreg.scid;
	s0 =	rddreg [dreg:$0x1]  }
0x3: {  	_ =	strace $0x80000065;
	s5 =	simm.s32 $0x1;
	s9 =	simm.s32 $0x1  }
0x4: {  	s10 =	simm.s32 $0x3;
	s2 =	sand.u32 $0x1, s2;
	s3 =	sshll.u32 s1, $0x1  }
0x5: {  	s13 =	simm.s32 $0x0;
	s12 =	simm.s32 $0x0;
	s6 =	sor.u32 s3, s2  }
0x6: {  	[sflag:s5] =	ssyncpa.u1 $0x0;
	s2 =	sadd.s32 $0x41800, s8;
	s4 =	smul.u32 $0x600, s6  }
0x7: {  	s3 =	sadd.s32 $0xC0A00, s8;
	p0 =	slt.u32 s6, $0x5;
	s6 =	simm.s32 $0xC000  }
.Ltmp0:
0x8: {  	s6 =	simm.s32 @!p0 $0x0;
	s7 =	ssub.s32 $0xD800, s4;
	(pc) =	sbr.rel .LBB2_1-.Ltmp0, $4  }
0x9: {  	s9 =	simm.s32 @!p0 $0x0;
	p0 =	sne.s32 s7, s6;
	s7 =	simm.s32 $0x1  }
0xa: {  	s8 =	sadd.s32 $0xC2600, s8;
	s6 =	simm.s32 $0x2;
	s7 =	simm.s32 @!p0 $0x0  }
0xb: {  	s11 =	smov.u32 s4;
	[sflag:s6] =	ssyncpa.u1 $0x0;
	s7 =	sadd.s32 s9, s7  }
0xc: {  	vm0 =	vmmov $0xffff;
	[sflag:s10] =	ssyncpa.u1 $0x0;
	s10 =	simm.s32 $0x0;
	s9 =	sadd.s32 $0x1, s7  }
.LBB2_4:
0xd: {  	v5 =	vand.u32 $0x7F, v3;
	v59 =	vshll.u32 v3, $0x1;
	v2 =	vor.u32 v2, v4  }
0xe: {  	vm1 =	veq.s32 v1, $0x80000000;
	v60 =	vand.u32 $0x1, v1;
	v6 =	vand.u32 $0x7F800, v1  }
0xf: {  	v61 =	vshrl.u32 v1, $0x1;
	v4 =	vsel vm1, $0xFFFFFFFF, v60;
	v3 =	vand.u32 $0xFFFFFF00, v59  }
0x10: {  	v1 =	vand.u32 $0x3FF, v61;
	v6 =	vsel vm1, $0xFFFFF800, v6;
	v2 =	vor.u32 v5, v2  }
0x11: {  	v7 =	vand.u32 $0xFFFFF800, v4;
	v4 =	vshll.u32 v4, $0x7;
	v1 =	vsel vm1, $0xFFFFFFFF, v1  }
0x12: {  	v2 =	vadd.s32 v3, v2;
	v4 =	vand.u32 $0x80, v4;
	v62 =	vadd.s32 v6, v7  }
0x13: {  	v63 =	vand.u32 $0x7F, v1;
	v1 =	vshll.u32 v1, $0x1;
	v4 =	vor.u32 v4, v62  }
0x14: {  	v1 =	vand.u32 $0xFFFFFF00, v1;
	v3 =	vor.u32 v63, v4  }
0x15: {  	v1 =	vadd.s32 v1, v3  }
0x16: {  	[tilespmem:s16], [sflag:$0x1] =	stream.indirect_vreg.gather [hbm4b:s2+s10], $0x1, v0, vm0, $0x4038;
	[tilespmem:$0x1800] =	vst v63  }
0x17: {  	s15 =	sadd.s32 $0x10, s15;
	(ifvalue) =	ssetifvalue $0x7FFFFFFF  }
0x18: {  	[tilespmem:s15], [sflag:$0x1] =	stream.indirect_vreg.gather [hbm4b:s2+s10], $0x1, v2, vm0, $0x4038;
	[tilespmem:$0x1800] =	vst v63  }
0x19: {  	s15 =	sadd.s32 $0x10, s15;
	(ifvalue) =	ssetifvalue $0x7FFFFFFF  }
0x1a: {  	[tilespmem:s15], [sflag:$0x1] =	stream.indirect_vreg.gather [hbm4b:s2+s10], $0x1, v1, vm0, $0x4038;
	[tilespmem:$0x1800] =	vst v63  }
0x1b: {  	_ =	swait.ge [sflag:s5], $0x600  }
0x1c: {  	s30 =	sshrl.u32 s13, $0x3;
	[sflag:s5] =	ssyncset.done $0x0  }
0x1d: {  	s31 =	sand.u32 $0x7, s13;
	s15 =	sadd.s32 s8, s30;
	[sflag:s5] =	ssyncadd.s32 $0xFFFFFA00  }
0x1e: {  	[hbm4b:s15+s31] =	stream.linear.scatter [tilespmem:s14], [sflag:$0x3], $0x600, $0x38;
	[tilespmem:$0x1800] =	vst v63  }
.LBB2_5:
0x1f: {  	s15 =	sadd.s32 $0xC000, s11  }
0x20: {  	p1 =	sgt.s32 s15, $0xD7FF  }
0x21: {  	s15 =	smov.u32 @p1 s4;
	p1 =	sne.s32 s12, s9  }
.Ltmp1:
0x22: {  	p0 =	slt.u32 s12, $0x2;
	(pc) =	sbr.rel @!p1 .LBB2_6-.Ltmp1, $4  }
0x23: {  	s14 =	simm.s32 @!p0 $0x3  }
0x24: {  	_ =	swait.ge @!p0 [sflag:s14], $0x600  }
0x25: {  	s16 =	sadd.s32 $0x1, s12;
	s13 =	smov.u32 s11;
	[sflag:s14] =	ssyncset.done @!p0 $0x0  }
0x26: {  	s12 =	smov.u32 s16;
	s11 =	smov.u32 s15;
	[sflag:s14] =	ssyncadd.s32 @!p0 $0xFFFFFA00  }
.LBB2_1:
0x27: {  	p0 =	sge.u32 s12, s7  }
0x28: {  	s14 =	sxor.u32 @!p0 $0x1, s12  }
0x29: {  	s14 =	smul.u32 @!p0 $0x1800, s14  }
0x2a: {  	s31 =	sadd.s32 $0xFFFFFFFF, s12;
	s15 =	sshrl.u32 @!p0 s11, $0x3  }
0x2b: {  	s16 =	sand.u32 @!p0 $0x7, s11;
	s15 =	sadd.s32 @!p0 s3, s15;
	s14 =	sshra.s32 @!p0 s14, $0x2  }
0x2c: {  	[tilespmem:s14], [sflag:$0x2] =	stream.linear.gather @!p0 [hbm4b:s15+s16], $0x600, $0x38;
	[tilespmem:$0x1800] =	vst v63  }
0x2d: {  	p0 =	sge.u32 s31, s7  }
.Ltmp2:
0x2e: {  	_ = 	snop;
	(pc) =	sbr.rel @p0 .LBB2_5-.Ltmp2, $1  }
0x2f: {  	_ =	sdelay $0x3  }
0x30: {  	s14 =	sand.u32 $0x1, s12  }
0x31: {  	_ =	swait.ge [sflag:s6], $0x600;
	p0 =	seq.s32 s14, $0x1;
	s14 =	simm.s32 $0x600  }
0x32: {  	[sflag:s6] =	ssyncset.done $0x0;
	s14 =	simm.s32 @!p0 $0x0  }
0x33: {  	[sflag:s6] =	ssyncadd.s32 $0xFFFFFA00;
	(ifvalue) =	ssetifvalue $0x7FFFFFFF;
	v0 =	vld.msk [tilespmem:s14+$0x0 ss:$0x1], $0xffff  }
0x34: {  	s15 =	sadd.s32 $0x10, s14  }
0x35: {  	v1 =	vld.msk [tilespmem:s15+$0x0 ss:$0x1], $0xffff;
	_ =	sdelay $0x2  }
0x36: {  	vm1 =	veq.s32 v0, $0x80000000;
	v2 =	vand.u32 $0x1, v0;
	v3 =	vshrl.u32 v0, $0x1  }
0x37: {  	v0 =	vand.u32 $0x7F800, v0;
	v2 =	vsel vm1, $0xFFFFFFFF, v2;
	v3 =	vand.u32 $0x3FF, v3  }
0x38: {  	v0 =	vsel vm1, $0xFFFFF800, v0;
	v5 =	vand.u32 $0x7F800, v1;
	v4 =	vand.u32 $0xFFFFF800, v2  }
0x39: {  	v2 =	vshll.u32 v2, $0x7;
	v3 =	vsel vm1, $0xFFFFFFFF, v3;
	vm1 =	veq.s32 v1, $0x80000000  }
0x3a: {  	v2 =	vand.u32 $0x80, v2;
	v0 =	vadd.s32 v0, v4;
	v4 =	vand.u32 $0x7F, v3  }
0x3b: {  	v3 =	vshll.u32 v3, $0x1;
	v5 =	vsel vm1, $0xFFFFF800, v5;
	v0 =	vor.u32 v2, v0  }
0x3c: {  	s17 =	sadd.s32 $0x10, s15;
	v2 =	vand.u32 $0x1, v1;
	v1 =	vshrl.u32 v1, $0x1;
	v6 =	vand.u32 $0xFFFFFF00, v3  }
0x3d: {  	v2 =	vsel vm1, $0xFFFFFFFF, v2;
	v3 =	vand.u32 $0x3FF, v1;
	v1 =	vld.msk [tilespmem:s17+$0x0 ss:$0x1], $0xffff;
	v0 =	vor.u32 v4, v0  }
0x3e: {  	s18 =	simm.s32 $0x20;
	s14 =	sadd.s32 $0xC00, s14;
	v7 =	vand.u32 $0xFFFFF800, v2;
	v2 =	vshll.u32 v2, $0x7;
	v3 =	vsel vm1, $0xFFFFFFFF, v3  }
0x3f: {  	s15 =	smov.u32 s14;
	s16 =	smov.u32 s14;
	(ifvalue) =	ssetifvalue $0x7FFFFFFF;
	v0 =	vadd.s32 v6, v0;
	v2 =	vand.u32 $0x80, v2;
	v4 =	vadd.s32 v5, v7  }
.LBB2_3:
0x40: {  	s18 =	sadd.s32 $0x10, s18  }
0x41: {  	s17 =	sadd.s32 $0x10, s17;
	v5 =	vand.u32 $0x7F, v3;
	v3 =	vshll.u32 v3, $0x1;
	v4 =	vor.u32 v2, v4;
	s15 =	sadd.s32 $0x10, s15;
	p0 =	slt.u32 s18, $0x5F0  }
.Ltmp3:
0x42: {  	vm1 =	veq.s32 v1, $0x80000000;
	v2 =	vand.u32 $0x1, v1;
	v6 =	vand.u32 $0x7F800, v1;
	v7 =	vmovc v1;
	v1 =	vld.msk [tilespmem:s17+$0x0 ss:$0x1], $0xffff;
	(pc) =	sbr.rel @p0 .LBB2_3-.Ltmp3, $4  }
0x43: {  	v2 =	vsel vm1, $0xFFFFFFFF, v2;
	v7 =	vshrl.u32 v7, $0x1;
	v8 =	vand.u32 $0xFFFFFF00, v3  }
0x44: {  	v3 =	vand.u32 $0x3FF, v7;
	v7 =	vand.u32 $0xFFFFF800, v2;
	v2 =	vshll.u32 v2, $0x7  }
0x45: {  	v6 =	vsel vm1, $0xFFFFF800, v6;
	v5 =	vor.u32 v5, v4;
	v2 =	vand.u32 $0x80, v2;
	[tilespmem:s16], [sflag:$0x1] =	stream.indirect_vreg.gather [hbm4b:s2+s10], $0x1, v0, vm0, $0x4038;
	[tilespmem:$0x1800] =	vst v63  }
0x46: {  	v3 =	vsel vm1, $0xFFFFFFFF, v3;
	v4 =	vadd.s32 v6, v7;
	v0 =	vadd.s32 v8, v5;
	s16 =	smov.u32 s15;
	(ifvalue) =	ssetifvalue $0x7FFFFFFF  }
.Ltmp4:
0x47: {  	_ = 	snop;
	(pc) =	sbr.rel .LBB2_4-.Ltmp4, $1  }
0x48: {  	_ =	sdelay $0x3  }
.LBB2_6:
0x49: {  	_ =	sfence.sel $0x180000  }
0x4a: {  	s2 =	simm.s32 $0x2;
	[bflag:$0x0] =	sbarrier.arrive $0xFFFF  }
0x4b: {  	s30 =	simm.s32 $0x3;
	[sflag:s2] =	ssyncpa.u1 $0x1  }
0x4c: {  	s31 =	simm.s32 $0x1;
	[sflag:s30] =	ssyncpa.u1 $0x1  }
0x4d: {  	[sflag:s31] =	ssyncpa.u1 $0x1  }
0x4e: {  	p0 =	sne.s32 s1, $0x0;
	_ =	strace $0x90000065  }
0x4f: {  	s0 =	sadd.s32 @!p0 $0x100000, s0;
	[bflag:$0x2] =	sbarrier.arrive $0xFFFF  }
0x50: {  	[sflag:s0] =	ssyncadd.tile.s32 @!p0 $0x1;
	_ =	shalt  }
.Lfunc_end2:
_tile_overlayer_lowered:
.L_overlay_start_2:
0x51: {  	(tag) =	ssettag $0x2  }
0x52: {  	s0 =	rddreg [dreg:$0x0];
	s2 =	stileid.u32  }
0x53: {  	s1 =	rddreg [dreg:$0x1];
	p0 =	sne.s32 s2, $0x0  }
0x54: {  	s3 =	rddreg [dreg:$0x2];
	[bflag:$0x3] =	sbarrier.arrive $0xFFFF;
	s2 =	simm.s32 @!p0 $0x1C01  }
0x55: {  	[timem:s3], [sflag:s2] =	dma.local @!p0 [hbm:s0], s1  }
0x56: {  	s0 =	simm.s32 @!p0 $0x1  }
0x57: {  	_ =	swait.ge @!p0 [sflag:s0], s1  }
0x58: {  	s1 =	ssub.s32 @!p0 $0x0, s1;
	[sflag:s0] =	ssyncset.done @!p0 $0x0  }
0x59: {  	[sflag:s0] =	ssyncadd.s32 @!p0 s1  }
0x5a: {  	[bflag:$0x3] =	sbarrier.arrive $0xFFFF  }
0x5b: {  	_ =	shalt  }

// kernel: gather_offload_async_start.11
scs
__scs_entry_jumppad:
0x0: {  	(pc) =	sbr.rel $0x88, $3  }
0x1: {  	(tag) =	ssettag $0x0;
	lr =	simm.s32 $0x1  }
0x2: {  	[smem:$0x3F96] =	sst lr;
	_ =	strace $0xD0000000  }
0x3: {  	_ = 	snop  }
0x4: {  	_ = 	snop  }
0x5: {  	_ = 	snop  }
0x6: {  	_ = 	snop  }
0x7: {  	_ = 	snop  }
__scs_overlays_trampoline_lowered:
0x8: {  	[smem:$0x3FA5] =	sst s0  }
0x9: {  	[smem:$0x3FA6] =	sst s1  }
0xa: {  	[smem:$0x3FA7] =	sst s2  }
0xb: {  	[smem:$0x3FA8] =	sst s3  }
0xc: {  	[smem:$0x3FA9] =	sst s4  }
0xd: {  	[smem:$0x3FAA] =	sst s5  }
0xe: {  	[smem:$0x3FAB] =	sst s6  }
0xf: {  	[smem:$0x3FAC] =	sst s7  }
0x10: {  	[smem:$0x3FAD] =	sst s8  }
0x11: {  	[smem:$0x3FAE] =	sst s9;
	s0 =	simm.s32 @!p0 $0x0  }
0x12: {  	s1 =	sld [smem:$0x3F94];
	s0 =	simm.s32 @p0 $0x1  }
0x13: {  	[smem:$0x3FAF] =	sst s0;
	s0 =	simm.s32 @!p1 $0x0  }
0x14: {  	s2 =	sld [smem:$0x3F93];
	s0 =	simm.s32 @p1 $0x1  }
0x15: {  	[smem:$0x3FB0] =	sst s0;
	s0 =	simm.s32 @!p2 $0x0  }
0x16: {  	s3 =	sld [smem:$0x3FDB];
	s0 =	simm.s32 @p2 $0x1  }
0x17: {  	s4 =	simm.s32 $0x1BF5;
	[smem:$0x3FB2] =	sst s0  }
0x18: {  	s0 =	sld [smem:$0x3F95];
	_ =	swait.ge [sflag:s4], $0x0  }
0x19: {  	s7 =	sld [smem:$0x3F96]  }
0x1a: {  	s8 =	sadd.s32 $0xFFFFE003, lr  }
0x1b: {  	s9 =	sadd.s32 $0xFFFFFEF7, lr;
	s5 =	simm.s32 $0xFFFFFFFF;
	p2 =	slt.u32 s8, $0xFFFFF086  }
0x1c: {  	p1 =	slt.u32 s9, $0xF7A;
	s5 =	simm.s32 @!p2 $0x0  }
0x1d: {  	s5 =	simm.s32 @p1 $0x1;
	p0 =	seq.s32 s7, s2  }
0x1e: {  	s7 =	smul.u32 @!p0 $0xF7A, s2;
	p2 =	seq.s32 @!p0 s5, $0x0  }
0x1f: {  	s9 =	smul.u32 $0xF7A, s1;
	s8 =	simm.s32 @!p0 $0x1BF5;
	p2 =	por !p2, p0  }
0x20: {  	[sflag:s8] =	ssyncset.s32 @!p0 $0xFFFFF086;
	s6 =	sadd.s32 @!p0 s3, s7;
	s7 =	simm.s32 @!p0 $0x108  }
0x21: {  	s3 =	sadd.s32 s3, s9;
	s6 =	sadd.s32 @!p0 $0x88, s6;
	s7 =	simm.s32 @p2 $0x1082  }
0x22: {  	[simem:s7], [sflag:s8] =	dma.local @!p0 [hbm:s6], $0xF7A  }
0x23: {  	s9 =	sor.u32 $0xD0000000, s2;
	s6 =	simm.s32 $0x108;
	_ =	swait.ge @!p0 [sflag:s8], $0x0  }
0x24: {  	s3 =	sadd.s32 $0x88, s3;
	s6 =	simm.s32 @!p1 $0x1082;
	[sflag:s4] =	ssyncset.s32 $0xFFFFF086  }
0x25: {  	[simem:s6], [sflag:s4] =	dma.local [hbm:s3], $0xF7A  }
0x26: {  	[smem:$0x3F96] =	sst s1;
	(tag) =	ssettag s2;
	_ =	strace s9  }
0x27: {  	s1 =	sld [smem:$0x3FA6]  }
0x28: {  	s2 =	sld [smem:$0x3FA7]  }
0x29: {  	s4 =	sld [smem:$0x3FA9]  }
0x2a: {  	p0 =	seq.s32 s5, $0x0;
	s5 =	sld [smem:$0x3FAA]  }
0x2b: {  	s6 =	sld [smem:$0x3FAB]  }
0x2c: {  	s7 =	sld [smem:$0x3FAC]  }
0x2d: {  	s3 =	simm.s32 $0x108;
	s8 =	sld [smem:$0x3FAD]  }
0x2e: {  	s3 =	simm.s32 @!p0 $0x1082;
	s9 =	sld [smem:$0x3FAE]  }
0x2f: {  	lr =	sadd.s32 s0, s3;
	s0 =	sld [smem:$0x3FA5]  }
0x30: {  	s3 =	sld [smem:$0x3FA8]  }
0x31: {  	[smem:$0x3FB1] =	sst s10  }
0x32: {  	s10 =	sld [smem:$0x3FAF];
	_ =	sdelay $0x3  }
0x33: {  	p0 =	seq.s32 s10, $0x1;
	s10 =	sld [smem:$0x3FB1];
	_ =	sdelay $0x3  }
0x34: {  	[smem:$0x3FB1] =	sst s10  }
0x35: {  	s10 =	sld [smem:$0x3FB0];
	_ =	sdelay $0x3  }
0x36: {  	p1 =	seq.s32 s10, $0x1;
	s10 =	sld [smem:$0x3FB1];
	_ =	sdelay $0x3  }
0x37: {  	[smem:$0x3FB1] =	sst s10  }
0x38: {  	s10 =	sld [smem:$0x3FB2]  }
0x39: {  	_ = 	snop;
	(pc) =	sbr.ind lr, $3  }
0x3a: {  	_ = 	snop  }
0x3b: {  	_ = 	snop  }
0x3c: {  	p2 =	seq.s32 s10, $0x1;
	s10 =	sld [smem:$0x3FB1]  }
0x3d: {  	_ =	shalt  }
0x3e: {  	_ =	shalt  }
0x3f: {  	_ =	shalt  }
0x40: {  	_ =	shalt  }
0x41: {  	_ =	shalt  }
0x42: {  	_ =	shalt  }
0x43: {  	_ =	shalt  }
0x44: {  	_ =	shalt  }
0x45: {  	_ =	shalt  }
0x46: {  	_ =	shalt  }
0x47: {  	_ =	shalt  }
0x48: {  	_ =	shalt  }
0x49: {  	_ =	shalt  }
0x4a: {  	_ =	shalt  }
0x4b: {  	_ =	shalt  }
0x4c: {  	_ =	shalt  }
0x4d: {  	_ =	shalt  }
0x4e: {  	_ =	shalt  }
0x4f: {  	_ =	shalt  }
0x50: {  	_ =	shalt  }
0x51: {  	_ =	shalt  }
0x52: {  	_ =	shalt  }
0x53: {  	_ =	shalt  }
0x54: {  	_ =	shalt  }
0x55: {  	_ =	shalt  }
0x56: {  	_ =	shalt  }
0x57: {  	_ =	shalt  }
0x58: {  	_ =	shalt  }
0x59: {  	_ =	shalt  }
0x5a: {  	_ =	shalt  }
0x5b: {  	_ =	shalt  }
0x5c: {  	_ =	shalt  }
0x5d: {  	_ =	shalt  }
0x5e: {  	_ =	shalt  }
0x5f: {  	_ =	shalt  }
0x60: {  	_ =	shalt  }
0x61: {  	_ =	shalt  }
0x62: {  	_ =	shalt  }
0x63: {  	_ =	shalt  }
0x64: {  	_ =	shalt  }
0x65: {  	_ =	shalt  }
0x66: {  	_ =	shalt  }
0x67: {  	_ =	shalt  }
0x68: {  	_ =	shalt  }
0x69: {  	_ =	shalt  }
0x6a: {  	_ =	shalt  }
0x6b: {  	_ =	shalt  }
0x6c: {  	_ =	shalt  }
0x6d: {  	_ =	shalt  }
0x6e: {  	_ =	shalt  }
0x6f: {  	_ =	shalt  }
0x70: {  	_ =	shalt  }
0x71: {  	_ =	shalt  }
0x72: {  	_ =	shalt  }
0x73: {  	_ =	shalt  }
0x74: {  	_ =	shalt  }
0x75: {  	_ =	shalt  }
0x76: {  	_ =	shalt  }
0x77: {  	_ =	shalt  }
0x78: {  	_ =	shalt  }
0x79: {  	_ =	shalt  }
0x7a: {  	_ =	shalt  }
0x7b: {  	_ =	shalt  }
0x7c: {  	_ =	shalt  }
0x7d: {  	_ =	shalt  }
0x7e: {  	_ =	shalt  }
0x7f: {  	_ =	shalt  }
0x80: {  	_ =	shalt  }
0x81: {  	_ =	shalt  }
0x82: {  	_ =	shalt  }
0x83: {  	_ =	shalt  }
0x84: {  	_ =	shalt  }
0x85: {  	_ =	shalt  }
0x86: {  	_ =	shalt  }
0x87: {  	_ =	shalt  }
.Lfunc_end0:
.L_simem_size_0:
called_computation.11_lowered:
.L_overlay_start_0:
0x88: {  	s2 =	sld [smem:$0x3FD9]  }
0x89: {  	s3 =	sld [smem:$0x3FFE];
	_ =	sdelay $0x1  }
0x8a: {  	s1 =	srdreg.scid  }
0x8b: {  	s0 =	sand.u32 $0x1, s1  }
0x8c: {  	s16 =	sshll.u32 s0, $0xA;
	s2 =	sadd.s32 s3, s2  }
0x8d: {  	s2 =	sadd.s32 s2, s16  }
0x8e: {  	[smem:$0x3FBD] =	sst s2  }
0x8f: {  	_ = 	snop  }
0x90: {  	(tm) =	ssettm $0x1  }
0x91: {  	s17 =	sld [smem:$0x3FFB];
	_ =	sdelay $0x3  }
0x92: {  	_ =	strace s17  }
0x93: {  	s2 =	sld [smem:$0x3FFC];
	_ =	sdelay $0x3  }
0x94: {  	_ =	strace s2  }
0x95: {  	s2 =	sld [smem:$0x3FFD];
	_ =	sdelay $0x3  }
0x96: {  	_ =	strace s2  }
0x97: {  	_ =	strace $0x8FFFFFFF  }
0x98: {  	s18 =	sld [smem:$0x3FDB];
	_ =	sdelay $0x1  }
0x99: {  	s19 =	simm.s32 $_scs_section_size  }
0x9a: {  	s4 =	simm.s32 $_size__tile_overlayer_lowered;
	s5 =	simm.s32 $_tile_overlayer_lowered  }
0x9b: {  	s22 =	simm.s32 $0x1BFF;
	s21 =	sshll.u32 s5, $0x1;
	s2 =	sadd.s32 s19, s18  }
0x9c: {  	s6 =	simm.s32 $0x0;
	s20 =	sshll.u32 s4, $0x1;
	s4 =	sadd.s32 s21, s2  }
0x9d: {  	[timem:s6], [sflag:s22] =	dma.local [hbm:s4], s20  }
0x9e: {  	_ =	swait.ge [sflag:s22], s20  }
0x9f: {  	s3 =	ssub.s32 $0x0, s20;
	[sflag:s22] =	ssyncset.done $0x0  }
0xa0: {  	[sflag:s22] =	ssyncadd.s32 s3;
	_ =	sdelay $0x1  }
0xa1: {  	s23 =	simm.s32 $0x1B8B  }
0xa2: {  	_ =	swait.ge [sflag:s23], $0x1  }
0xa3: {  	[sflag:s23] =	ssyncset.done $0x0  }
0xa4: {  	s25 =	simm.s32 $0x1B8E;
	s24 =	sld [smem:$0x3FFE];
	[sflag:s23] =	ssyncadd.s32 $0xFFFFFFFF  }
0xa5: {  	s26 =	simm.s32 $execute0_lowered;
	[smem:$0x3FD2] =	sst s25  }
0xa6: {  	s4 =	sshll.u32 s26, $0x1;
	_ =	strace $0x80000067;
	[dreg:$0x1] =	wrdreg $0xFFFFFFFF  }
0xa7: {  	s28 =	simm.s32 $_size_execute0_lowered;
	s2 =	sadd.s32 s2, s4;
	[dreg:$0x0] =	wrdreg $0x0  }
0xa8: {  	s4 =	sshll.u32 s28, $0x1;
	[dreg:$0x2] =	wrdreg s2  }
0xa9: {  	[dreg:$0x3] =	wrdreg s4  }
0xaa: {  	[dreg:$0x4] =	wrdreg $0xC0  }
0xab: {  	_ =	task [dreg:s6], $0x5FFFF  }
0xac: {  	[dreg:$0x1] =	wrdreg $0xFFFFFFFF  }
0xad: {  	[dreg:$0x0] =	wrdreg $0x60  }
0xae: {  	[dreg:$0x2] =	wrdreg s24  }
0xaf: {  	[dreg:$0x3] =	wrdreg $0x9  }
0xb0: {  	_ =	task.clear_ibuf [dreg:s6], $0x4FFFF;
	_ =	strace $0x90000067  }
0xb1: {  	s29 =	simm.s32 $0x9;
	_ =	strace $0x80000069  }
0xb2: {  	_ =	swait.ge [sflag:s29], $0x1  }
0xb3: {  	[sflag:s29] =	ssyncadd.s32 $0xFFFFFFFF  }
0xb4: {  	_ =	strace $0x90000069  }
0xb5: {  	_ =	sfence  }
0xb6: {  	s30 =	sld [smem:$0x0];
	_ =	sdelay $0x2  }
0xb7: {  	s31 =	sshll.u32 s1, $0xD;
	s1 =	sshrl.u32 s1, $0x2  }
0xb8: {  	s3 =	sand.u32 $0x4000, s31;
	s1 =	sadd.s32 s1, s30  }
0xb9: {  	s0 =	sor.u32 s3, s0;
	s1 =	sshll.u32 s1, $0x11  }
0xba: {  	s0 =	sor.u32 s1, s0  }
0xbb: {  	s0 =	sadd.s32 $0x8F2B, s0  }
0xbc: {  	[sflag:s0] =	ssyncadd.remote.s32 $0x1  }
0xbd: {  	_ =	sfence.sel $0xFFFF  }
0xbe: {  	[dreg:$0x0] =	wrdreg $0xFFFFFFFF;
	(pc) =	sbr.abs _section_cstart, $3  }
0xbf: {  	[dreg:$0x1] =	wrdreg $0xFFFFFFFF  }
0xc0: {  	_ =	task.clear_ibuf [dreg:s6], $0x2FFFF;
	_ =	strace $0x9FFFFFFF  }
0xc1: {  	(tm) =	ssettm $0x7FFFFFFF  }
tec
execute0_lowered:
.L_overlay_start_1:
0x0: {  	(tag) =	ssettag $0x1  }
0x1: {  	s8 =	rddreg [dreg:$0x0];
	s1 =	stileid.u32  }
0x2: {  	s2 =	srdreg.scid;
	s0 =	rddreg [dreg:$0x1]  }
0x3: {  	_ =	strace $0x80000068;
	s5 =	simm.s32 $0x1;
	s9 =	simm.s32 $0x1  }
0x4: {  	s10 =	simm.s32 $0x3;
	s2 =	sand.u32 $0x1, s2;
	s3 =	sshll.u32 s1, $0x1  }
0x5: {  	s13 =	simm.s32 $0x0;
	s12 =	simm.s32 $0x0;
	s6 =	sor.u32 s3, s2  }
0x6: {  	[sflag:s5] =	ssyncpa.u1 $0x0;
	s2 =	sadd.s32 $0xAAA00, s8;
	s4 =	smul.u32 $0x600, s6  }
0x7: {  	s3 =	sadd.s32 $0xC0A00, s8;
	p0 =	slt.u32 s6, $0x5;
	s6 =	simm.s32 $0xC000  }
.Ltmp0:
0x8: {  	s6 =	simm.s32 @!p0 $0x0;
	s7 =	ssub.s32 $0xD800, s4;
	(pc) =	sbr.rel .LBB2_1-.Ltmp0, $4  }
0x9: {  	s9 =	simm.s32 @!p0 $0x0;
	p0 =	sne.s32 s7, s6;
	s7 =	simm.s32 $0x1  }
0xa: {  	s8 =	sadd.s32 $0xB8200, s8;
	s6 =	simm.s32 $0x2;
	s7 =	simm.s32 @!p0 $0x0  }
0xb: {  	s11 =	smov.u32 s4;
	[sflag:s6] =	ssyncpa.u1 $0x0;
	s7 =	sadd.s32 s9, s7  }
0xc: {  	vm0 =	vmmov $0xffff;
	[sflag:s10] =	ssyncpa.u1 $0x0;
	s10 =	simm.s32 $0x0;
	s9 =	sadd.s32 $0x1, s7  }
.LBB2_4:
0xd: {  	v5 =	vand.u32 $0x7F, v3;
	v59 =	vshll.u32 v3, $0x1;
	v2 =	vor.u32 v2, v4  }
0xe: {  	vm1 =	veq.s32 v1, $0x80000000;
	v60 =	vand.u32 $0x1, v1;
	v6 =	vand.u32 $0x7F800, v1  }
0xf: {  	v61 =	vshrl.u32 v1, $0x1;
	v4 =	vsel vm1, $0xFFFFFFFF, v60;
	v3 =	vand.u32 $0xFFFFFF00, v59  }
0x10: {  	v1 =	vand.u32 $0x3FF, v61;
	v6 =	vsel vm1, $0xFFFFF800, v6;
	v2 =	vor.u32 v5, v2  }
0x11: {  	v7 =	vand.u32 $0xFFFFF800, v4;
	v4 =	vshll.u32 v4, $0x7;
	v1 =	vsel vm1, $0xFFFFFFFF, v1  }
0x12: {  	v2 =	vadd.s32 v3, v2;
	v4 =	vand.u32 $0x80, v4;
	v62 =	vadd.s32 v6, v7  }
0x13: {  	v63 =	vand.u32 $0x7F, v1;
	v1 =	vshll.u32 v1, $0x1;
	v4 =	vor.u32 v4, v62  }
0x14: {  	v1 =	vand.u32 $0xFFFFFF00, v1;
	v3 =	vor.u32 v63, v4  }
0x15: {  	v1 =	vadd.s32 v1, v3  }
0x16: {  	[tilespmem:s16], [sflag:$0x1] =	stream.indirect_vreg.gather [hbm4b:s2+s10], $0x1, v0, vm0, $0x4038;
	[tilespmem:$0x1800] =	vst v63  }
0x17: {  	s15 =	sadd.s32 $0x10, s15;
	(ifvalue) =	ssetifvalue $0x7FFFFFFF  }
0x18: {  	[tilespmem:s15], [sflag:$0x1] =	stream.indirect_vreg.gather [hbm4b:s2+s10], $0x1, v2, vm0, $0x4038;
	[tilespmem:$0x1800] =	vst v63  }
0x19: {  	s15 =	sadd.s32 $0x10, s15;
	(ifvalue) =	ssetifvalue $0x7FFFFFFF  }
0x1a: {  	[tilespmem:s15], [sflag:$0x1] =	stream.indirect_vreg.gather [hbm4b:s2+s10], $0x1, v1, vm0, $0x4038;
	[tilespmem:$0x1800] =	vst v63  }
0x1b: {  	_ =	swait.ge [sflag:s5], $0x600  }
0x1c: {  	s30 =	sshrl.u32 s13, $0x3;
	[sflag:s5] =	ssyncset.done $0x0  }
0x1d: {  	s31 =	sand.u32 $0x7, s13;
	s15 =	sadd.s32 s8, s30;
	[sflag:s5] =	ssyncadd.s32 $0xFFFFFA00  }
0x1e: {  	[hbm4b:s15+s31] =	stream.linear.scatter [tilespmem:s14], [sflag:$0x3], $0x600, $0x38;
	[tilespmem:$0x1800] =	vst v63  }
.LBB2_5:
0x1f: {  	s15 =	sadd.s32 $0xC000, s11  }
0x20: {  	p1 =	sgt.s32 s15, $0xD7FF  }
0x21: {  	s15 =	smov.u32 @p1 s4;
	p1 =	sne.s32 s12, s9  }
.Ltmp1:
0x22: {  	p0 =	slt.u32 s12, $0x2;
	(pc) =	sbr.rel @!p1 .LBB2_6-.Ltmp1, $4  }
0x23: {  	s14 =	simm.s32 @!p0 $0x3  }
0x24: {  	_ =	swait.ge @!p0 [sflag:s14], $0x600  }
0x25: {  	s16 =	sadd.s32 $0x1, s12;
	s13 =	smov.u32 s11;
	[sflag:s14] =	ssyncset.done @!p0 $0x0  }
0x26: {  	s12 =	smov.u32 s16;
	s11 =	smov.u32 s15;
	[sflag:s14] =	ssyncadd.s32 @!p0 $0xFFFFFA00  }
.LBB2_1:
0x27: {  	p0 =	sge.u32 s12, s7  }
0x28: {  	s14 =	sxor.u32 @!p0 $0x1, s12  }
0x29: {  	s14 =	smul.u32 @!p0 $0x1800, s14  }
0x2a: {  	s31 =	sadd.s32 $0xFFFFFFFF, s12;
	s15 =	sshrl.u32 @!p0 s11, $0x3  }
0x2b: {  	s16 =	sand.u32 @!p0 $0x7, s11;
	s15 =	sadd.s32 @!p0 s3, s15;
	s14 =	sshra.s32 @!p0 s14, $0x2  }
0x2c: {  	[tilespmem:s14], [sflag:$0x2] =	stream.linear.gather @!p0 [hbm4b:s15+s16], $0x600, $0x38;
	[tilespmem:$0x1800] =	vst v63  }
0x2d: {  	p0 =	sge.u32 s31, s7  }
.Ltmp2:
0x2e: {  	_ = 	snop;
	(pc) =	sbr.rel @p0 .LBB2_5-.Ltmp2, $1  }
0x2f: {  	_ =	sdelay $0x3  }
0x30: {  	s14 =	sand.u32 $0x1, s12  }
0x31: {  	_ =	swait.ge [sflag:s6], $0x600;
	p0 =	seq.s32 s14, $0x1;
	s14 =	simm.s32 $0x600  }
0x32: {  	[sflag:s6] =	ssyncset.done $0x0;
	s14 =	simm.s32 @!p0 $0x0  }
0x33: {  	[sflag:s6] =	ssyncadd.s32 $0xFFFFFA00;
	(ifvalue) =	ssetifvalue $0x7FFFFFFF;
	v0 =	vld.msk [tilespmem:s14+$0x0 ss:$0x1], $0xffff  }
0x34: {  	s15 =	sadd.s32 $0x10, s14  }
0x35: {  	v1 =	vld.msk [tilespmem:s15+$0x0 ss:$0x1], $0xffff;
	_ =	sdelay $0x2  }
0x36: {  	vm1 =	veq.s32 v0, $0x80000000;
	v2 =	vand.u32 $0x1, v0;
	v3 =	vshrl.u32 v0, $0x1  }
0x37: {  	v0 =	vand.u32 $0x7F800, v0;
	v2 =	vsel vm1, $0xFFFFFFFF, v2;
	v3 =	vand.u32 $0x3FF, v3  }
0x38: {  	v0 =	vsel vm1, $0xFFFFF800, v0;
	v5 =	vand.u32 $0x7F800, v1;
	v4 =	vand.u32 $0xFFFFF800, v2  }
0x39: {  	v2 =	vshll.u32 v2, $0x7;
	v3 =	vsel vm1, $0xFFFFFFFF, v3;
	vm1 =	veq.s32 v1, $0x80000000  }
0x3a: {  	v2 =	vand.u32 $0x80, v2;
	v0 =	vadd.s32 v0, v4;
	v4 =	vand.u32 $0x7F, v3  }
0x3b: {  	v3 =	vshll.u32 v3, $0x1;
	v5 =	vsel vm1, $0xFFFFF800, v5;
	v0 =	vor.u32 v2, v0  }
0x3c: {  	s17 =	sadd.s32 $0x10, s15;
	v2 =	vand.u32 $0x1, v1;
	v1 =	vshrl.u32 v1, $0x1;
	v6 =	vand.u32 $0xFFFFFF00, v3  }
0x3d: {  	v2 =	vsel vm1, $0xFFFFFFFF, v2;
	v3 =	vand.u32 $0x3FF, v1;
	v1 =	vld.msk [tilespmem:s17+$0x0 ss:$0x1], $0xffff;
	v0 =	vor.u32 v4, v0  }
0x3e: {  	s18 =	simm.s32 $0x20;
	s14 =	sadd.s32 $0xC00, s14;
	v7 =	vand.u32 $0xFFFFF800, v2;
	v2 =	vshll.u32 v2, $0x7;
	v3 =	vsel vm1, $0xFFFFFFFF, v3  }
0x3f: {  	s15 =	smov.u32 s14;
	s16 =	smov.u32 s14;
	(ifvalue) =	ssetifvalue $0x7FFFFFFF;
	v0 =	vadd.s32 v6, v0;
	v2 =	vand.u32 $0x80, v2;
	v4 =	vadd.s32 v5, v7  }
.LBB2_3:
0x40: {  	s18 =	sadd.s32 $0x10, s18  }
0x41: {  	s17 =	sadd.s32 $0x10, s17;
	v5 =	vand.u32 $0x7F, v3;
	v3 =	vshll.u32 v3, $0x1;
	v4 =	vor.u32 v2, v4;
	s15 =	sadd.s32 $0x10, s15;
	p0 =	slt.u32 s18, $0x5F0  }
.Ltmp3:
0x42: {  	vm1 =	veq.s32 v1, $0x80000000;
	v2 =	vand.u32 $0x1, v1;
	v6 =	vand.u32 $0x7F800, v1;
	v7 =	vmovc v1;
	v1 =	vld.msk [tilespmem:s17+$0x0 ss:$0x1], $0xffff;
	(pc) =	sbr.rel @p0 .LBB2_3-.Ltmp3, $4  }
0x43: {  	v2 =	vsel vm1, $0xFFFFFFFF, v2;
	v7 =	vshrl.u32 v7, $0x1;
	v8 =	vand.u32 $0xFFFFFF00, v3  }
0x44: {  	v3 =	vand.u32 $0x3FF, v7;
	v7 =	vand.u32 $0xFFFFF800, v2;
	v2 =	vshll.u32 v2, $0x7  }
0x45: {  	v6 =	vsel vm1, $0xFFFFF800, v6;
	v5 =	vor.u32 v5, v4;
	v2 =	vand.u32 $0x80, v2;
	[tilespmem:s16], [sflag:$0x1] =	stream.indirect_vreg.gather [hbm4b:s2+s10], $0x1, v0, vm0, $0x4038;
	[tilespmem:$0x1800] =	vst v63  }
0x46: {  	v3 =	vsel vm1, $0xFFFFFFFF, v3;
	v4 =	vadd.s32 v6, v7;
	v0 =	vadd.s32 v8, v5;
	s16 =	smov.u32 s15;
	(ifvalue) =	ssetifvalue $0x7FFFFFFF  }
.Ltmp4:
0x47: {  	_ = 	snop;
	(pc) =	sbr.rel .LBB2_4-.Ltmp4, $1  }
0x48: {  	_ =	sdelay $0x3  }
.LBB2_6:
0x49: {  	_ =	sfence.sel $0x180000  }
0x4a: {  	s2 =	simm.s32 $0x2;
	[bflag:$0x0] =	sbarrier.arrive $0xFFFF  }
0x4b: {  	s30 =	simm.s32 $0x3;
	[sflag:s2] =	ssyncpa.u1 $0x1  }
0x4c: {  	s31 =	simm.s32 $0x1;
	[sflag:s30] =	ssyncpa.u1 $0x1  }
0x4d: {  	[sflag:s31] =	ssyncpa.u1 $0x1  }
0x4e: {  	p0 =	sne.s32 s1, $0x0;
	_ =	strace $0x90000068  }
0x4f: {  	s0 =	sadd.s32 @!p0 $0x100000, s0;
	[bflag:$0x2] =	sbarrier.arrive $0xFFFF  }
0x50: {  	[sflag:s0] =	ssyncadd.tile.s32 @!p0 $0x1;
	_ =	shalt  }
.Lfunc_end2:
_tile_overlayer_lowered:
.L_overlay_start_2:
0x51: {  	(tag) =	ssettag $0x2  }
0x52: {  	s0 =	rddreg [dreg:$0x0];
	s2 =	stileid.u32  }
0x53: {  	s1 =	rddreg [dreg:$0x1];
	p0 =	sne.s32 s2, $0x0  }
0x54: {  	s3 =	rddreg [dreg:$0x2];
	[bflag:$0x3] =	sbarrier.arrive $0xFFFF;
	s2 =	simm.s32 @!p0 $0x1C01  }
0x55: {  	[timem:s3], [sflag:s2] =	dma.local @!p0 [hbm:s0], s1  }
0x56: {  	s0 =	simm.s32 @!p0 $0x1  }
0x57: {  	_ =	swait.ge @!p0 [sflag:s0], s1  }
0x58: {  	s1 =	ssub.s32 @!p0 $0x0, s1;
	[sflag:s0] =	ssyncset.done @!p0 $0x0  }
0x59: {  	[sflag:s0] =	ssyncadd.s32 @!p0 s1  }
0x5a: {  	[bflag:$0x3] =	sbarrier.arrive $0xFFFF  }
0x5b: {  	_ =	shalt  }

// kernel: gather_offload_async_start.1
scs
__scs_entry_jumppad:
0x0: {  	(pc) =	sbr.rel $0x88, $3  }
0x1: {  	(tag) =	ssettag $0x0;
	lr =	simm.s32 $0x1  }
0x2: {  	[smem:$0x3F96] =	sst lr;
	_ =	strace $0xD0000000  }
0x3: {  	_ = 	snop  }
0x4: {  	_ = 	snop  }
0x5: {  	_ = 	snop  }
0x6: {  	_ = 	snop  }
0x7: {  	_ = 	snop  }
__scs_overlays_trampoline_lowered:
0x8: {  	[smem:$0x3FA5] =	sst s0  }
0x9: {  	[smem:$0x3FA6] =	sst s1  }
0xa: {  	[smem:$0x3FA7] =	sst s2  }
0xb: {  	[smem:$0x3FA8] =	sst s3  }
0xc: {  	[smem:$0x3FA9] =	sst s4  }
0xd: {  	[smem:$0x3FAA] =	sst s5  }
0xe: {  	[smem:$0x3FAB] =	sst s6  }
0xf: {  	[smem:$0x3FAC] =	sst s7  }
0x10: {  	[smem:$0x3FAD] =	sst s8  }
0x11: {  	[smem:$0x3FAE] =	sst s9;
	s0 =	simm.s32 @!p0 $0x0  }
0x12: {  	s1 =	sld [smem:$0x3F94];
	s0 =	simm.s32 @p0 $0x1  }
0x13: {  	[smem:$0x3FAF] =	sst s0;
	s0 =	simm.s32 @!p1 $0x0  }
0x14: {  	s2 =	sld [smem:$0x3F93];
	s0 =	simm.s32 @p1 $0x1  }
0x15: {  	[smem:$0x3FB0] =	sst s0;
	s0 =	simm.s32 @!p2 $0x0  }
0x16: {  	s3 =	sld [smem:$0x3FDB];
	s0 =	simm.s32 @p2 $0x1  }
0x17: {  	s4 =	simm.s32 $0x1BF5;
	[smem:$0x3FB2] =	sst s0  }
0x18: {  	s0 =	sld [smem:$0x3F95];
	_ =	swait.ge [sflag:s4], $0x0  }
0x19: {  	s7 =	sld [smem:$0x3F96]  }
0x1a: {  	s8 =	sadd.s32 $0xFFFFE003, lr  }
0x1b: {  	s9 =	sadd.s32 $0xFFFFFEF7, lr;
	s5 =	simm.s32 $0xFFFFFFFF;
	p2 =	slt.u32 s8, $0xFFFFF086  }
0x1c: {  	p1 =	slt.u32 s9, $0xF7A;
	s5 =	simm.s32 @!p2 $0x0  }
0x1d: {  	s5 =	simm.s32 @p1 $0x1;
	p0 =	seq.s32 s7, s2  }
0x1e: {  	s7 =	smul.u32 @!p0 $0xF7A, s2;
	p2 =	seq.s32 @!p0 s5, $0x0  }
0x1f: {  	s9 =	smul.u32 $0xF7A, s1;
	s8 =	simm.s32 @!p0 $0x1BF5;
	p2 =	por !p2, p0  }
0x20: {  	[sflag:s8] =	ssyncset.s32 @!p0 $0xFFFFF086;
	s6 =	sadd.s32 @!p0 s3, s7;
	s7 =	simm.s32 @!p0 $0x108  }
0x21: {  	s3 =	sadd.s32 s3, s9;
	s6 =	sadd.s32 @!p0 $0x88, s6;
	s7 =	simm.s32 @p2 $0x1082  }
0x22: {  	[simem:s7], [sflag:s8] =	dma.local @!p0 [hbm:s6], $0xF7A  }
0x23: {  	s9 =	sor.u32 $0xD0000000, s2;
	s6 =	simm.s32 $0x108;
	_ =	swait.ge @!p0 [sflag:s8], $0x0  }
0x24: {  	s3 =	sadd.s32 $0x88, s3;
	s6 =	simm.s32 @!p1 $0x1082;
	[sflag:s4] =	ssyncset.s32 $0xFFFFF086  }
0x25: {  	[simem:s6], [sflag:s4] =	dma.local [hbm:s3], $0xF7A  }
0x26: {  	[smem:$0x3F96] =	sst s1;
	(tag) =	ssettag s2;
	_ =	strace s9  }
0x27: {  	s1 =	sld [smem:$0x3FA6]  }
0x28: {  	s2 =	sld [smem:$0x3FA7]  }
0x29: {  	s4 =	sld [smem:$0x3FA9]  }
0x2a: {  	p0 =	seq.s32 s5, $0x0;
	s5 =	sld [smem:$0x3FAA]  }
0x2b: {  	s6 =	sld [smem:$0x3FAB]  }
0x2c: {  	s7 =	sld [smem:$0x3FAC]  }
0x2d: {  	s3 =	simm.s32 $0x108;
	s8 =	sld [smem:$0x3FAD]  }
0x2e: {  	s3 =	simm.s32 @!p0 $0x1082;
	s9 =	sld [smem:$0x3FAE]  }
0x2f: {  	lr =	sadd.s32 s0, s3;
	s0 =	sld [smem:$0x3FA5]  }
0x30: {  	s3 =	sld [smem:$0x3FA8]  }
0x31: {  	[smem:$0x3FB1] =	sst s10  }
0x32: {  	s10 =	sld [smem:$0x3FAF];
	_ =	sdelay $0x3  }
0x33: {  	p0 =	seq.s32 s10, $0x1;
	s10 =	sld [smem:$0x3FB1];
	_ =	sdelay $0x3  }
0x34: {  	[smem:$0x3FB1] =	sst s10  }
0x35: {  	s10 =	sld [smem:$0x3FB0];
	_ =	sdelay $0x3  }
0x36: {  	p1 =	seq.s32 s10, $0x1;
	s10 =	sld [smem:$0x3FB1];
	_ =	sdelay $0x3  }
0x37: {  	[smem:$0x3FB1] =	sst s10  }
0x38: {  	s10 =	sld [smem:$0x3FB2]  }
0x39: {  	_ = 	snop;
	(pc) =	sbr.ind lr, $3  }
0x3a: {  	_ = 	snop  }
0x3b: {  	_ = 	snop  }
0x3c: {  	p2 =	seq.s32 s10, $0x1;
	s10 =	sld [smem:$0x3FB1]  }
0x3d: {  	_ =	shalt  }
0x3e: {  	_ =	shalt  }
0x3f: {  	_ =	shalt  }
0x40: {  	_ =	shalt  }
0x41: {  	_ =	shalt  }
0x42: {  	_ =	shalt  }
0x43: {  	_ =	shalt  }
0x44: {  	_ =	shalt  }
0x45: {  	_ =	shalt  }
0x46: {  	_ =	shalt  }
0x47: {  	_ =	shalt  }
0x48: {  	_ =	shalt  }
0x49: {  	_ =	shalt  }
0x4a: {  	_ =	shalt  }
0x4b: {  	_ =	shalt  }
0x4c: {  	_ =	shalt  }
0x4d: {  	_ =	shalt  }
0x4e: {  	_ =	shalt  }
0x4f: {  	_ =	shalt  }
0x50: {  	_ =	shalt  }
0x51: {  	_ =	shalt  }
0x52: {  	_ =	shalt  }
0x53: {  	_ =	shalt  }
0x54: {  	_ =	shalt  }
0x55: {  	_ =	shalt  }
0x56: {  	_ =	shalt  }
0x57: {  	_ =	shalt  }
0x58: {  	_ =	shalt  }
0x59: {  	_ =	shalt  }
0x5a: {  	_ =	shalt  }
0x5b: {  	_ =	shalt  }
0x5c: {  	_ =	shalt  }
0x5d: {  	_ =	shalt  }
0x5e: {  	_ =	shalt  }
0x5f: {  	_ =	shalt  }
0x60: {  	_ =	shalt  }
0x61: {  	_ =	shalt  }
0x62: {  	_ =	shalt  }
0x63: {  	_ =	shalt  }
0x64: {  	_ =	shalt  }
0x65: {  	_ =	shalt  }
0x66: {  	_ =	shalt  }
0x67: {  	_ =	shalt  }
0x68: {  	_ =	shalt  }
0x69: {  	_ =	shalt  }
0x6a: {  	_ =	shalt  }
0x6b: {  	_ =	shalt  }
0x6c: {  	_ =	shalt  }
0x6d: {  	_ =	shalt  }
0x6e: {  	_ =	shalt  }
0x6f: {  	_ =	shalt  }
0x70: {  	_ =	shalt  }
0x71: {  	_ =	shalt  }
0x72: {  	_ =	shalt  }
0x73: {  	_ =	shalt  }
0x74: {  	_ =	shalt  }
0x75: {  	_ =	shalt  }
0x76: {  	_ =	shalt  }
0x77: {  	_ =	shalt  }
0x78: {  	_ =	shalt  }
0x79: {  	_ =	shalt  }
0x7a: {  	_ =	shalt  }
0x7b: {  	_ =	shalt  }
0x7c: {  	_ =	shalt  }
0x7d: {  	_ =	shalt  }
0x7e: {  	_ =	shalt  }
0x7f: {  	_ =	shalt  }
0x80: {  	_ =	shalt  }
0x81: {  	_ =	shalt  }
0x82: {  	_ =	shalt  }
0x83: {  	_ =	shalt  }
0x84: {  	_ =	shalt  }
0x85: {  	_ =	shalt  }
0x86: {  	_ =	shalt  }
0x87: {  	_ =	shalt  }
.Lfunc_end0:
.L_simem_size_0:
called_computation.1_lowered:
.L_overlay_start_0:
0x88: {  	s2 =	sld [smem:$0x3FD9]  }
0x89: {  	s3 =	sld [smem:$0x3FFE];
	_ =	sdelay $0x1  }
0x8a: {  	s1 =	srdreg.scid  }
0x8b: {  	s0 =	sand.u32 $0x1, s1  }
0x8c: {  	s16 =	sshll.u32 s0, $0xA;
	s2 =	sadd.s32 s3, s2  }
0x8d: {  	s2 =	sadd.s32 s2, s16  }
0x8e: {  	[smem:$0x3FBD] =	sst s2  }
0x8f: {  	_ = 	snop  }
0x90: {  	(tm) =	ssettm $0x1  }
0x91: {  	s17 =	sld [smem:$0x3FFB];
	_ =	sdelay $0x3  }
0x92: {  	_ =	strace s17  }
0x93: {  	s2 =	sld [smem:$0x3FFC];
	_ =	sdelay $0x3  }
0x94: {  	_ =	strace s2  }
0x95: {  	s2 =	sld [smem:$0x3FFD];
	_ =	sdelay $0x3  }
0x96: {  	_ =	strace s2  }
0x97: {  	_ =	strace $0x8FFFFFFF  }
0x98: {  	s18 =	sld [smem:$0x3FDB];
	_ =	sdelay $0x1  }
0x99: {  	s19 =	simm.s32 $_scs_section_size  }
0x9a: {  	s4 =	simm.s32 $_size__tile_overlayer_lowered;
	s5 =	simm.s32 $_tile_overlayer_lowered  }
0x9b: {  	s22 =	simm.s32 $0x1BFF;
	s21 =	sshll.u32 s5, $0x1;
	s2 =	sadd.s32 s19, s18  }
0x9c: {  	s6 =	simm.s32 $0x0;
	s20 =	sshll.u32 s4, $0x1;
	s4 =	sadd.s32 s21, s2  }
0x9d: {  	[timem:s6], [sflag:s22] =	dma.local [hbm:s4], s20  }
0x9e: {  	_ =	swait.ge [sflag:s22], s20  }
0x9f: {  	s3 =	ssub.s32 $0x0, s20;
	[sflag:s22] =	ssyncset.done $0x0  }
0xa0: {  	[sflag:s22] =	ssyncadd.s32 s3;
	_ =	sdelay $0x1  }
0xa1: {  	s23 =	simm.s32 $0x1B8B  }
0xa2: {  	_ =	swait.ge [sflag:s23], $0x1  }
0xa3: {  	[sflag:s23] =	ssyncset.done $0x0  }
0xa4: {  	s25 =	simm.s32 $0x1B8E;
	s24 =	sld [smem:$0x3FFE];
	[sflag:s23] =	ssyncadd.s32 $0xFFFFFFFF  }
0xa5: {  	s26 =	simm.s32 $execute0_lowered;
	[smem:$0x3FD2] =	sst s25  }
0xa6: {  	s4 =	sshll.u32 s26, $0x1;
	_ =	strace $0x80000049;
	[dreg:$0x1] =	wrdreg $0xFFFFFFFF  }
0xa7: {  	s28 =	simm.s32 $_size_execute0_lowered;
	s2 =	sadd.s32 s2, s4;
	[dreg:$0x0] =	wrdreg $0x0  }
0xa8: {  	s4 =	sshll.u32 s28, $0x1;
	[dreg:$0x2] =	wrdreg s2  }
0xa9: {  	[dreg:$0x3] =	wrdreg s4  }
0xaa: {  	[dreg:$0x4] =	wrdreg $0xC0  }
0xab: {  	_ =	task [dreg:s6], $0x5FFFF  }
0xac: {  	[dreg:$0x1] =	wrdreg $0xFFFFFFFF  }
0xad: {  	[dreg:$0x0] =	wrdreg $0x60  }
0xae: {  	[dreg:$0x2] =	wrdreg s24  }
0xaf: {  	[dreg:$0x3] =	wrdreg $0x9  }
0xb0: {  	_ =	task.clear_ibuf [dreg:s6], $0x4FFFF;
	_ =	strace $0x90000049  }
0xb1: {  	s29 =	simm.s32 $0x9;
	_ =	strace $0x8000004B  }
0xb2: {  	_ =	swait.ge [sflag:s29], $0x1  }
0xb3: {  	[sflag:s29] =	ssyncadd.s32 $0xFFFFFFFF  }
0xb4: {  	_ =	strace $0x9000004B  }
0xb5: {  	_ =	sfence  }
0xb6: {  	s30 =	sld [smem:$0x0];
	_ =	sdelay $0x2  }
0xb7: {  	s31 =	sshll.u32 s1, $0xD;
	s1 =	sshrl.u32 s1, $0x2  }
0xb8: {  	s3 =	sand.u32 $0x4000, s31;
	s1 =	sadd.s32 s1, s30  }
0xb9: {  	s0 =	sor.u32 s3, s0;
	s1 =	sshll.u32 s1, $0x11  }
0xba: {  	s0 =	sor.u32 s1, s0  }
0xbb: {  	s0 =	sadd.s32 $0x8F2B, s0  }
0xbc: {  	[sflag:s0] =	ssyncadd.remote.s32 $0x1  }
0xbd: {  	_ =	sfence.sel $0xFFFF  }
0xbe: {  	[dreg:$0x0] =	wrdreg $0xFFFFFFFF;
	(pc) =	sbr.abs _section_cstart, $3  }
0xbf: {  	[dreg:$0x1] =	wrdreg $0xFFFFFFFF  }
0xc0: {  	_ =	task.clear_ibuf [dreg:s6], $0x2FFFF;
	_ =	strace $0x9FFFFFFF  }
0xc1: {  	(tm) =	ssettm $0x7FFFFFFF  }
tec
execute0_lowered:
.L_overlay_start_1:
0x0: {  	(tag) =	ssettag $0x1  }
0x1: {  	s0 =	srdreg.scid;
	s5 =	rddreg [dreg:$0x0]  }
0x2: {  	s1 =	stileid.u32;
	s6 =	simm.s32 $0x1;
	s9 =	simm.s32 $0x1  }
0x3: {  	s10 =	simm.s32 $0x3;
	s13 =	simm.s32 $0x0;
	s2 =	sshll.u32 s0, $0x9  }
0x4: {  	s12 =	simm.s32 $0x0;
	s3 =	sshll.u32 s1, $0xA;
	s2 =	sand.u32 $0x200, s2  }
0x5: {  	s0 =	rddreg [dreg:$0x1];
	_ =	strace $0x8000004A;
	s2 =	sor.u32 s3, s2  }
0x6: {  	s4 =	sadd.s32 $0x12BE00, s5;
	[sflag:s6] =	ssyncpa.u1 $0x0;
	s8 =	ssub.s32 $0x4800, s2  }
.Ltmp0:
0x7: {  	s3 =	sadd.s32 $0x8AA00, s5;
	s7 =	sand.u32 $0x3E00, s8;
	(pc) =	sbr.rel .LBB2_1-.Ltmp0, $4  }
0x8: {  	s5 =	sadd.s32 $0xC0A00, s5;
	s11 =	smov.u32 s2;
	p0 =	sne.s32 s7, $0x0  }
0x9: {  	s8 =	sshrl.u32 s8, $0xE;
	s7 =	simm.s32 $0x2;
	s9 =	simm.s32 @!p0 $0x0  }
0xa: {  	[sflag:s7] =	ssyncpa.u1 $0x0;
	p0 =	por $0x0, $0x0;
	s8 =	sadd.s32 s9, s8  }
0xb: {  	vm0 =	vmmov $0xffff;
	[sflag:s10] =	ssyncpa.u1 $0x0;
	s10 =	simm.s32 $0x0;
	s9 =	sadd.s32 $0x1, s8  }
.LBB2_4:
0xc: {  	v5 =	vand.u32 $0x7F, v3;
	v59 =	vshll.u32 v3, $0x1;
	v2 =	vor.u32 v2, v4  }
0xd: {  	vm1 =	veq.s32 v1, $0x80000000;
	v60 =	vand.u32 $0x1, v1;
	v6 =	vand.u32 $0x3F800, v1  }
0xe: {  	v61 =	vshrl.u32 v1, $0x1;
	v4 =	vsel vm1, $0xFFFFFFFF, v60;
	v3 =	vand.u32 $0xFFFFFF00, v59  }
0xf: {  	v1 =	vand.u32 $0x3FF, v61;
	v6 =	vsel vm1, $0xFFFFF800, v6;
	v2 =	vor.u32 v5, v2  }
0x10: {  	v7 =	vand.u32 $0xFFFFF800, v4;
	v4 =	vshll.u32 v4, $0x7;
	v1 =	vsel vm1, $0xFFFFFFFF, v1  }
0x11: {  	v2 =	vadd.s32 v3, v2;
	v4 =	vand.u32 $0x80, v4;
	v62 =	vadd.s32 v6, v7  }
0x12: {  	v63 =	vand.u32 $0x7F, v1;
	v1 =	vshll.u32 v1, $0x1;
	v4 =	vor.u32 v4, v62  }
0x13: {  	v1 =	vand.u32 $0xFFFFFF00, v1;
	v3 =	vor.u32 v63, v4  }
0x14: {  	v1 =	vadd.s32 v1, v3  }
0x15: {  	[tilespmem:s16], [sflag:$0x1] =	stream.indirect_vreg.gather [hbm4b:s3+s10], $0x1, v0, vm0, $0x4038;
	[tilespmem:$0x800] =	vst v63  }
0x16: {  	s15 =	sadd.s32 $0x10, s15;
	(ifvalue) =	ssetifvalue $0x7FFFFFFF  }
0x17: {  	[tilespmem:s15], [sflag:$0x1] =	stream.indirect_vreg.gather [hbm4b:s3+s10], $0x1, v2, vm0, $0x4038;
	[tilespmem:$0x800] =	vst v63  }
0x18: {  	s15 =	sadd.s32 $0x10, s15;
	(ifvalue) =	ssetifvalue $0x7FFFFFFF  }
0x19: {  	[tilespmem:s15], [sflag:$0x1] =	stream.indirect_vreg.gather [hbm4b:s3+s10], $0x1, v1, vm0, $0x4038;
	[tilespmem:$0x800] =	vst v63  }
0x1a: {  	_ =	swait.ge [sflag:s6], $0x200  }
0x1b: {  	s30 =	sshrl.u32 s13, $0x3;
	[sflag:s6] =	ssyncset.done $0x0  }
0x1c: {  	s31 =	sand.u32 $0x7, s13;
	s15 =	sadd.s32 s5, s30;
	[sflag:s6] =	ssyncadd.s32 $0xFFFFFE00  }
0x1d: {  	[hbm4b:s15+s31] =	stream.linear.scatter [tilespmem:s14], [sflag:$0x3], $0x200, $0x38;
	[tilespmem:$0x800] =	vst v63  }
.LBB2_5:
0x1e: {  	s15 =	sadd.s32 $0x4000, s11  }
0x1f: {  	p2 =	sgt.s32 s15, $0x47FF  }
0x20: {  	s15 =	smov.u32 @p2 s2;
	p2 =	sne.s32 s12, s9  }
.Ltmp1:
0x21: {  	p1 =	slt.u32 s12, $0x2;
	(pc) =	sbr.rel @!p2 .LBB2_6-.Ltmp1, $4  }
0x22: {  	s14 =	simm.s32 @!p1 $0x3  }
0x23: {  	s16 =	sadd.s32 $0x1, s12;
	_ =	swait.ge @!p1 [sflag:s14], $0x200  }
0x24: {  	s13 =	smov.u32 s11;
	p0 =	por !p0, !p0;
	[sflag:s14] =	ssyncset.done @!p1 $0x0  }
0x25: {  	s12 =	smov.u32 s16;
	s11 =	smov.u32 s15;
	[sflag:s14] =	ssyncadd.s32 @!p1 $0xFFFFFE00  }
.LBB2_1:
0x26: {  	p1 =	sge.u32 s12, s8  }
0x27: {  	s14 =	sxor.u32 @!p1 $0xFFFFFFFF, s12  }
0x28: {  	s31 =	sadd.s32 $0xFFFFFFFF, s12;
	s15 =	sshrl.u32 @!p1 s11, $0x3;
	s14 =	sshll.u32 @!p1 s14, $0x9  }
0x29: {  	s16 =	sand.u32 @!p1 $0x7, s11;
	s15 =	sadd.s32 @!p1 s4, s15;
	s14 =	sand.u32 @!p1 $0x200, s14  }
0x2a: {  	[tilespmem:s14], [sflag:$0x2] =	stream.linear.gather @!p1 [hbm4b:s15+s16], $0x200, $0x38;
	[tilespmem:$0x800] =	vst v63  }
0x2b: {  	p1 =	sge.u32 s31, s8  }
.Ltmp2:
0x2c: {  	_ = 	snop;
	(pc) =	sbr.rel @p1 .LBB2_5-.Ltmp2, $1  }
0x2d: {  	_ =	sdelay $0x3  }
0x2e: {  	s14 =	simm.s32 $0x1  }
0x2f: {  	_ =	swait.ge [sflag:s7], $0x200;
	s14 =	simm.s32 @!p0 $0x0  }
0x30: {  	[sflag:s7] =	ssyncset.done $0x0;
	s14 =	sshll.u32 s14, $0x9  }
0x31: {  	[sflag:s7] =	ssyncadd.s32 $0xFFFFFE00;
	(ifvalue) =	ssetifvalue $0x7FFFFFFF;
	v0 =	vld.msk [tilespmem:s14+$0x0 ss:$0x1], $0xffff  }
0x32: {  	s15 =	sadd.s32 $0x10, s14  }
0x33: {  	v1 =	vld.msk [tilespmem:s15+$0x0 ss:$0x1], $0xffff;
	_ =	sdelay $0x2  }
0x34: {  	vm1 =	veq.s32 v0, $0x80000000;
	v2 =	vand.u32 $0x1, v0;
	v3 =	vshrl.u32 v0, $0x1  }
0x35: {  	v0 =	vand.u32 $0x3F800, v0;
	v2 =	vsel vm1, $0xFFFFFFFF, v2;
	v3 =	vand.u32 $0x3FF, v3  }
0x36: {  	v0 =	vsel vm1, $0xFFFFF800, v0;
	v5 =	vand.u32 $0x3F800, v1;
	v4 =	vand.u32 $0xFFFFF800, v2  }
0x37: {  	v2 =	vshll.u32 v2, $0x7;
	v3 =	vsel vm1, $0xFFFFFFFF, v3;
	vm1 =	veq.s32 v1, $0x80000000  }
0x38: {  	v2 =	vand.u32 $0x80, v2;
	v0 =	vadd.s32 v0, v4;
	v4 =	vand.u32 $0x7F, v3  }
0x39: {  	v3 =	vshll.u32 v3, $0x1;
	v5 =	vsel vm1, $0xFFFFF800, v5;
	v0 =	vor.u32 v2, v0  }
0x3a: {  	s17 =	sadd.s32 $0x10, s15;
	v2 =	vand.u32 $0x1, v1;
	v1 =	vshrl.u32 v1, $0x1;
	v6 =	vand.u32 $0xFFFFFF00, v3  }
0x3b: {  	s16 =	sshll.u32 s12, $0x9;
	v2 =	vsel vm1, $0xFFFFFFFF, v2;
	v3 =	vand.u32 $0x3FF, v1;
	v1 =	vld.msk [tilespmem:s17+$0x0 ss:$0x1], $0xffff;
	v0 =	vor.u32 v4, v0  }
0x3c: {  	s18 =	simm.s32 $0x20;
	s31 =	sand.u32 $0x200, s16;
	s15 =	sor.u32 $0x400, s14;
	v7 =	vand.u32 $0xFFFFF800, v2;
	v2 =	vshll.u32 v2, $0x7;
	v3 =	vsel vm1, $0xFFFFFFFF, v3  }
0x3d: {  	s14 =	sor.u32 $0x400, s31;
	s16 =	smov.u32 s15;
	(ifvalue) =	ssetifvalue $0x7FFFFFFF;
	v0 =	vadd.s32 v6, v0;
	v2 =	vand.u32 $0x80, v2;
	v4 =	vadd.s32 v5, v7  }
.LBB2_3:
0x3e: {  	s18 =	sadd.s32 $0x10, s18  }
0x3f: {  	s17 =	sadd.s32 $0x10, s17;
	v5 =	vand.u32 $0x7F, v3;
	v3 =	vshll.u32 v3, $0x1;
	v4 =	vor.u32 v2, v4;
	s15 =	sadd.s32 $0x10, s15;
	p1 =	slt.u32 s18, $0x1F0  }
.Ltmp3:
0x40: {  	vm1 =	veq.s32 v1, $0x80000000;
	v2 =	vand.u32 $0x1, v1;
	v6 =	vand.u32 $0x3F800, v1;
	v7 =	vmovc v1;
	v1 =	vld.msk [tilespmem:s17+$0x0 ss:$0x1], $0xffff;
	(pc) =	sbr.rel @p1 .LBB2_3-.Ltmp3, $4  }
0x41: {  	v2 =	vsel vm1, $0xFFFFFFFF, v2;
	v7 =	vshrl.u32 v7, $0x1;
	v8 =	vand.u32 $0xFFFFFF00, v3  }
0x42: {  	v3 =	vand.u32 $0x3FF, v7;
	v7 =	vand.u32 $0xFFFFF800, v2;
	v2 =	vshll.u32 v2, $0x7  }
0x43: {  	v6 =	vsel vm1, $0xFFFFF800, v6;
	v5 =	vor.u32 v5, v4;
	v2 =	vand.u32 $0x80, v2;
	[tilespmem:s16], [sflag:$0x1] =	stream.indirect_vreg.gather [hbm4b:s3+s10], $0x1, v0, vm0, $0x4038;
	[tilespmem:$0x800] =	vst v63  }
0x44: {  	v3 =	vsel vm1, $0xFFFFFFFF, v3;
	v4 =	vadd.s32 v6, v7;
	v0 =	vadd.s32 v8, v5;
	s16 =	smov.u32 s15;
	(ifvalue) =	ssetifvalue $0x7FFFFFFF  }
.Ltmp4:
0x45: {  	_ = 	snop;
	(pc) =	sbr.rel .LBB2_4-.Ltmp4, $1  }
0x46: {  	_ =	sdelay $0x3  }
.LBB2_6:
0x47: {  	_ =	sfence.sel $0x180000  }
0x48: {  	s2 =	simm.s32 $0x2;
	[bflag:$0x0] =	sbarrier.arrive $0xFFFF  }
0x49: {  	s30 =	simm.s32 $0x3;
	[sflag:s2] =	ssyncpa.u1 $0x1  }
0x4a: {  	s31 =	simm.s32 $0x1;
	[sflag:s30] =	ssyncpa.u1 $0x1  }
0x4b: {  	[sflag:s31] =	ssyncpa.u1 $0x1  }
0x4c: {  	p0 =	sne.s32 s1, $0x0;
	_ =	strace $0x9000004A  }
0x4d: {  	s0 =	sadd.s32 @!p0 $0x100000, s0;
	[bflag:$0x2] =	sbarrier.arrive $0xFFFF  }
0x4e: {  	[sflag:s0] =	ssyncadd.tile.s32 @!p0 $0x1;
	_ =	shalt  }
.Lfunc_end2:
_tile_overlayer_lowered:
.L_overlay_start_2:
0x4f: {  	(tag) =	ssettag $0x2  }
0x50: {  	s0 =	rddreg [dreg:$0x0];
	s2 =	stileid.u32  }
0x51: {  	s1 =	rddreg [dreg:$0x1];
	p0 =	sne.s32 s2, $0x0  }
0x52: {  	s3 =	rddreg [dreg:$0x2];
	[bflag:$0x3] =	sbarrier.arrive $0xFFFF;
	s2 =	simm.s32 @!p0 $0x1C01  }
0x53: {  	[timem:s3], [sflag:s2] =	dma.local @!p0 [hbm:s0], s1  }
0x54: {  	s0 =	simm.s32 @!p0 $0x1  }
0x55: {  	_ =	swait.ge @!p0 [sflag:s0], s1  }
0x56: {  	s1 =	ssub.s32 @!p0 $0x0, s1;
	[sflag:s0] =	ssyncset.done @!p0 $0x0  }
0x57: {  	[sflag:s0] =	ssyncadd.s32 @!p0 s1  }
0x58: {  	[bflag:$0x3] =	sbarrier.arrive $0xFFFF  }
0x59: {  	_ =	shalt  }

// kernel: gather_offload_async_start.2
scs
__scs_entry_jumppad:
0x0: {  	(pc) =	sbr.rel $0x88, $3  }
0x1: {  	(tag) =	ssettag $0x0;
	lr =	simm.s32 $0x1  }
0x2: {  	[smem:$0x3F96] =	sst lr;
	_ =	strace $0xD0000000  }
0x3: {  	_ = 	snop  }
0x4: {  	_ = 	snop  }
0x5: {  	_ = 	snop  }
0x6: {  	_ = 	snop  }
0x7: {  	_ = 	snop  }
__scs_overlays_trampoline_lowered:
0x8: {  	[smem:$0x3FA5] =	sst s0  }
0x9: {  	[smem:$0x3FA6] =	sst s1  }
0xa: {  	[smem:$0x3FA7] =	sst s2  }
0xb: {  	[smem:$0x3FA8] =	sst s3  }
0xc: {  	[smem:$0x3FA9] =	sst s4  }
0xd: {  	[smem:$0x3FAA] =	sst s5  }
0xe: {  	[smem:$0x3FAB] =	sst s6  }
0xf: {  	[smem:$0x3FAC] =	sst s7  }
0x10: {  	[smem:$0x3FAD] =	sst s8  }
0x11: {  	[smem:$0x3FAE] =	sst s9;
	s0 =	simm.s32 @!p0 $0x0  }
0x12: {  	s1 =	sld [smem:$0x3F94];
	s0 =	simm.s32 @p0 $0x1  }
0x13: {  	[smem:$0x3FAF] =	sst s0;
	s0 =	simm.s32 @!p1 $0x0  }
0x14: {  	s2 =	sld [smem:$0x3F93];
	s0 =	simm.s32 @p1 $0x1  }
0x15: {  	[smem:$0x3FB0] =	sst s0;
	s0 =	simm.s32 @!p2 $0x0  }
0x16: {  	s3 =	sld [smem:$0x3FDB];
	s0 =	simm.s32 @p2 $0x1  }
0x17: {  	s4 =	simm.s32 $0x1BF5;
	[smem:$0x3FB2] =	sst s0  }
0x18: {  	s0 =	sld [smem:$0x3F95];
	_ =	swait.ge [sflag:s4], $0x0  }
0x19: {  	s7 =	sld [smem:$0x3F96]  }
0x1a: {  	s8 =	sadd.s32 $0xFFFFE003, lr  }
0x1b: {  	s9 =	sadd.s32 $0xFFFFFEF7, lr;
	s5 =	simm.s32 $0xFFFFFFFF;
	p2 =	slt.u32 s8, $0xFFFFF086  }
0x1c: {  	p1 =	slt.u32 s9, $0xF7A;
	s5 =	simm.s32 @!p2 $0x0  }
0x1d: {  	s5 =	simm.s32 @p1 $0x1;
	p0 =	seq.s32 s7, s2  }
0x1e: {  	s7 =	smul.u32 @!p0 $0xF7A, s2;
	p2 =	seq.s32 @!p0 s5, $0x0  }
0x1f: {  	s9 =	smul.u32 $0xF7A, s1;
	s8 =	simm.s32 @!p0 $0x1BF5;
	p2 =	por !p2, p0  }
0x20: {  	[sflag:s8] =	ssyncset.s32 @!p0 $0xFFFFF086;
	s6 =	sadd.s32 @!p0 s3, s7;
	s7 =	simm.s32 @!p0 $0x108  }
0x21: {  	s3 =	sadd.s32 s3, s9;
	s6 =	sadd.s32 @!p0 $0x88, s6;
	s7 =	simm.s32 @p2 $0x1082  }
0x22: {  	[simem:s7], [sflag:s8] =	dma.local @!p0 [hbm:s6], $0xF7A  }
0x23: {  	s9 =	sor.u32 $0xD0000000, s2;
	s6 =	simm.s32 $0x108;
	_ =	swait.ge @!p0 [sflag:s8], $0x0  }
0x24: {  	s3 =	sadd.s32 $0x88, s3;
	s6 =	simm.s32 @!p1 $0x1082;
	[sflag:s4] =	ssyncset.s32 $0xFFFFF086  }
0x25: {  	[simem:s6], [sflag:s4] =	dma.local [hbm:s3], $0xF7A  }
0x26: {  	[smem:$0x3F96] =	sst s1;
	(tag) =	ssettag s2;
	_ =	strace s9  }
0x27: {  	s1 =	sld [smem:$0x3FA6]  }
0x28: {  	s2 =	sld [smem:$0x3FA7]  }
0x29: {  	s4 =	sld [smem:$0x3FA9]  }
0x2a: {  	p0 =	seq.s32 s5, $0x0;
	s5 =	sld [smem:$0x3FAA]  }
0x2b: {  	s6 =	sld [smem:$0x3FAB]  }
0x2c: {  	s7 =	sld [smem:$0x3FAC]  }
0x2d: {  	s3 =	simm.s32 $0x108;
	s8 =	sld [smem:$0x3FAD]  }
0x2e: {  	s3 =	simm.s32 @!p0 $0x1082;
	s9 =	sld [smem:$0x3FAE]  }
0x2f: {  	lr =	sadd.s32 s0, s3;
	s0 =	sld [smem:$0x3FA5]  }
0x30: {  	s3 =	sld [smem:$0x3FA8]  }
0x31: {  	[smem:$0x3FB1] =	sst s10  }
0x32: {  	s10 =	sld [smem:$0x3FAF];
	_ =	sdelay $0x3  }
0x33: {  	p0 =	seq.s32 s10, $0x1;
	s10 =	sld [smem:$0x3FB1];
	_ =	sdelay $0x3  }
0x34: {  	[smem:$0x3FB1] =	sst s10  }
0x35: {  	s10 =	sld [smem:$0x3FB0];
	_ =	sdelay $0x3  }
0x36: {  	p1 =	seq.s32 s10, $0x1;
	s10 =	sld [smem:$0x3FB1];
	_ =	sdelay $0x3  }
0x37: {  	[smem:$0x3FB1] =	sst s10  }
0x38: {  	s10 =	sld [smem:$0x3FB2]  }
0x39: {  	_ = 	snop;
	(pc) =	sbr.ind lr, $3  }
0x3a: {  	_ = 	snop  }
0x3b: {  	_ = 	snop  }
0x3c: {  	p2 =	seq.s32 s10, $0x1;
	s10 =	sld [smem:$0x3FB1]  }
0x3d: {  	_ =	shalt  }
0x3e: {  	_ =	shalt  }
0x3f: {  	_ =	shalt  }
0x40: {  	_ =	shalt  }
0x41: {  	_ =	shalt  }
0x42: {  	_ =	shalt  }
0x43: {  	_ =	shalt  }
0x44: {  	_ =	shalt  }
0x45: {  	_ =	shalt  }
0x46: {  	_ =	shalt  }
0x47: {  	_ =	shalt  }
0x48: {  	_ =	shalt  }
0x49: {  	_ =	shalt  }
0x4a: {  	_ =	shalt  }
0x4b: {  	_ =	shalt  }
0x4c: {  	_ =	shalt  }
0x4d: {  	_ =	shalt  }
0x4e: {  	_ =	shalt  }
0x4f: {  	_ =	shalt  }
0x50: {  	_ =	shalt  }
0x51: {  	_ =	shalt  }
0x52: {  	_ =	shalt  }
0x53: {  	_ =	shalt  }
0x54: {  	_ =	shalt  }
0x55: {  	_ =	shalt  }
0x56: {  	_ =	shalt  }
0x57: {  	_ =	shalt  }
0x58: {  	_ =	shalt  }
0x59: {  	_ =	shalt  }
0x5a: {  	_ =	shalt  }
0x5b: {  	_ =	shalt  }
0x5c: {  	_ =	shalt  }
0x5d: {  	_ =	shalt  }
0x5e: {  	_ =	shalt  }
0x5f: {  	_ =	shalt  }
0x60: {  	_ =	shalt  }
0x61: {  	_ =	shalt  }
0x62: {  	_ =	shalt  }
0x63: {  	_ =	shalt  }
0x64: {  	_ =	shalt  }
0x65: {  	_ =	shalt  }
0x66: {  	_ =	shalt  }
0x67: {  	_ =	shalt  }
0x68: {  	_ =	shalt  }
0x69: {  	_ =	shalt  }
0x6a: {  	_ =	shalt  }
0x6b: {  	_ =	shalt  }
0x6c: {  	_ =	shalt  }
0x6d: {  	_ =	shalt  }
0x6e: {  	_ =	shalt  }
0x6f: {  	_ =	shalt  }
0x70: {  	_ =	shalt  }
0x71: {  	_ =	shalt  }
0x72: {  	_ =	shalt  }
0x73: {  	_ =	shalt  }
0x74: {  	_ =	shalt  }
0x75: {  	_ =	shalt  }
0x76: {  	_ =	shalt  }
0x77: {  	_ =	shalt  }
0x78: {  	_ =	shalt  }
0x79: {  	_ =	shalt  }
0x7a: {  	_ =	shalt  }
0x7b: {  	_ =	shalt  }
0x7c: {  	_ =	shalt  }
0x7d: {  	_ =	shalt  }
0x7e: {  	_ =	shalt  }
0x7f: {  	_ =	shalt  }
0x80: {  	_ =	shalt  }
0x81: {  	_ =	shalt  }
0x82: {  	_ =	shalt  }
0x83: {  	_ =	shalt  }
0x84: {  	_ =	shalt  }
0x85: {  	_ =	shalt  }
0x86: {  	_ =	shalt  }
0x87: {  	_ =	shalt  }
.Lfunc_end0:
.L_simem_size_0:
called_computation.2_lowered:
.L_overlay_start_0:
0x88: {  	s2 =	sld [smem:$0x3FD9]  }
0x89: {  	s3 =	sld [smem:$0x3FFE];
	_ =	sdelay $0x1  }
0x8a: {  	s1 =	srdreg.scid  }
0x8b: {  	s0 =	sand.u32 $0x1, s1  }
0x8c: {  	s16 =	sshll.u32 s0, $0xA;
	s2 =	sadd.s32 s3, s2  }
0x8d: {  	s2 =	sadd.s32 s2, s16  }
0x8e: {  	[smem:$0x3FBD] =	sst s2  }
0x8f: {  	_ = 	snop  }
0x90: {  	(tm) =	ssettm $0x1  }
0x91: {  	s17 =	sld [smem:$0x3FFB];
	_ =	sdelay $0x3  }
0x92: {  	_ =	strace s17  }
0x93: {  	s2 =	sld [smem:$0x3FFC];
	_ =	sdelay $0x3  }
0x94: {  	_ =	strace s2  }
0x95: {  	s2 =	sld [smem:$0x3FFD];
	_ =	sdelay $0x3  }
0x96: {  	_ =	strace s2  }
0x97: {  	_ =	strace $0x8FFFFFFF  }
0x98: {  	s18 =	sld [smem:$0x3FDB];
	_ =	sdelay $0x1  }
0x99: {  	s19 =	simm.s32 $_scs_section_size  }
0x9a: {  	s4 =	simm.s32 $_size__tile_overlayer_lowered;
	s5 =	simm.s32 $_tile_overlayer_lowered  }
0x9b: {  	s22 =	simm.s32 $0x1BFF;
	s21 =	sshll.u32 s5, $0x1;
	s2 =	sadd.s32 s19, s18  }
0x9c: {  	s6 =	simm.s32 $0x0;
	s20 =	sshll.u32 s4, $0x1;
	s4 =	sadd.s32 s21, s2  }
0x9d: {  	[timem:s6], [sflag:s22] =	dma.local [hbm:s4], s20  }
0x9e: {  	_ =	swait.ge [sflag:s22], s20  }
0x9f: {  	s3 =	ssub.s32 $0x0, s20;
	[sflag:s22] =	ssyncset.done $0x0  }
0xa0: {  	[sflag:s22] =	ssyncadd.s32 s3;
	_ =	sdelay $0x1  }
0xa1: {  	s23 =	simm.s32 $0x1B8B  }
0xa2: {  	_ =	swait.ge [sflag:s23], $0x1  }
0xa3: {  	[sflag:s23] =	ssyncset.done $0x0  }
0xa4: {  	s25 =	simm.s32 $0x1B8E;
	s24 =	sld [smem:$0x3FFE];
	[sflag:s23] =	ssyncadd.s32 $0xFFFFFFFF  }
0xa5: {  	s26 =	simm.s32 $execute0_lowered;
	[smem:$0x3FD2] =	sst s25  }
0xa6: {  	s4 =	sshll.u32 s26, $0x1;
	_ =	strace $0x8000004C;
	[dreg:$0x1] =	wrdreg $0xFFFFFFFF  }
0xa7: {  	s28 =	simm.s32 $_size_execute0_lowered;
	s2 =	sadd.s32 s2, s4;
	[dreg:$0x0] =	wrdreg $0x0  }
0xa8: {  	s4 =	sshll.u32 s28, $0x1;
	[dreg:$0x2] =	wrdreg s2  }
0xa9: {  	[dreg:$0x3] =	wrdreg s4  }
0xaa: {  	[dreg:$0x4] =	wrdreg $0xC0  }
0xab: {  	_ =	task [dreg:s6], $0x5FFFF  }
0xac: {  	[dreg:$0x1] =	wrdreg $0xFFFFFFFF  }
0xad: {  	[dreg:$0x0] =	wrdreg $0x60  }
0xae: {  	[dreg:$0x2] =	wrdreg s24  }
0xaf: {  	[dreg:$0x3] =	wrdreg $0x9  }
0xb0: {  	_ =	task.clear_ibuf [dreg:s6], $0x4FFFF;
	_ =	strace $0x9000004C  }
0xb1: {  	s29 =	simm.s32 $0x9;
	_ =	strace $0x8000004E  }
0xb2: {  	_ =	swait.ge [sflag:s29], $0x1  }
0xb3: {  	[sflag:s29] =	ssyncadd.s32 $0xFFFFFFFF  }
0xb4: {  	_ =	strace $0x9000004E  }
0xb5: {  	_ =	sfence  }
0xb6: {  	s30 =	sld [smem:$0x0];
	_ =	sdelay $0x2  }
0xb7: {  	s31 =	sshll.u32 s1, $0xD;
	s1 =	sshrl.u32 s1, $0x2  }
0xb8: {  	s3 =	sand.u32 $0x4000, s31;
	s1 =	sadd.s32 s1, s30  }
0xb9: {  	s0 =	sor.u32 s3, s0;
	s1 =	sshll.u32 s1, $0x11  }
0xba: {  	s0 =	sor.u32 s1, s0  }
0xbb: {  	s0 =	sadd.s32 $0x8F2B, s0  }
0xbc: {  	[sflag:s0] =	ssyncadd.remote.s32 $0x1  }
0xbd: {  	_ =	sfence.sel $0xFFFF  }
0xbe: {  	[dreg:$0x0] =	wrdreg $0xFFFFFFFF;
	(pc) =	sbr.abs _section_cstart, $3  }
0xbf: {  	[dreg:$0x1] =	wrdreg $0xFFFFFFFF  }
0xc0: {  	_ =	task.clear_ibuf [dreg:s6], $0x2FFFF;
	_ =	strace $0x9FFFFFFF  }
0xc1: {  	(tm) =	ssettm $0x7FFFFFFF  }
tec
execute0_lowered:
.L_overlay_start_1:
0x0: {  	(tag) =	ssettag $0x1  }
0x1: {  	s0 =	srdreg.scid;
	s5 =	rddreg [dreg:$0x0]  }
0x2: {  	s1 =	stileid.u32;
	s6 =	simm.s32 $0x1;
	s9 =	simm.s32 $0x1  }
0x3: {  	s10 =	simm.s32 $0x3;
	s13 =	simm.s32 $0x0;
	s2 =	sshll.u32 s0, $0x9  }
0x4: {  	s12 =	simm.s32 $0x0;
	s3 =	sshll.u32 s1, $0xA;
	s2 =	sand.u32 $0x200, s2  }
0x5: {  	s0 =	rddreg [dreg:$0x1];
	_ =	strace $0x8000004D;
	s2 =	sor.u32 s3, s2  }
0x6: {  	s4 =	sadd.s32 $0x12BE00, s5;
	[sflag:s6] =	ssyncpa.u1 $0x0;
	s8 =	ssub.s32 $0x4800, s2  }
.Ltmp0:
0x7: {  	s3 =	sadd.s32 $0xC0A00, s5;
	s7 =	sand.u32 $0x3E00, s8;
	(pc) =	sbr.rel .LBB2_1-.Ltmp0, $4  }
0x8: {  	s5 =	sadd.s32 $0xC5200, s5;
	s11 =	smov.u32 s2;
	p0 =	sne.s32 s7, $0x0  }
0x9: {  	s8 =	sshrl.u32 s8, $0xE;
	s7 =	simm.s32 $0x2;
	s9 =	simm.s32 @!p0 $0x0  }
0xa: {  	[sflag:s7] =	ssyncpa.u1 $0x0;
	p0 =	por $0x0, $0x0;
	s8 =	sadd.s32 s9, s8  }
0xb: {  	vm0 =	vmmov $0xffff;
	[sflag:s10] =	ssyncpa.u1 $0x0;
	s10 =	simm.s32 $0x0;
	s9 =	sadd.s32 $0x1, s8  }
.LBB2_4:
0xc: {  	v5 =	vand.u32 $0x7F, v3;
	v59 =	vshll.u32 v3, $0x1;
	v2 =	vor.u32 v2, v4  }
0xd: {  	vm1 =	veq.s32 v1, $0x80000000;
	v60 =	vand.u32 $0x1, v1;
	v6 =	vand.u32 $0x3F800, v1  }
0xe: {  	v61 =	vshrl.u32 v1, $0x1;
	v4 =	vsel vm1, $0xFFFFFFFF, v60;
	v3 =	vand.u32 $0xFFFFFF00, v59  }
0xf: {  	v1 =	vand.u32 $0x3FF, v61;
	v6 =	vsel vm1, $0xFFFFF800, v6;
	v2 =	vor.u32 v5, v2  }
0x10: {  	v7 =	vand.u32 $0xFFFFF800, v4;
	v4 =	vshll.u32 v4, $0x7;
	v1 =	vsel vm1, $0xFFFFFFFF, v1  }
0x11: {  	v2 =	vadd.s32 v3, v2;
	v4 =	vand.u32 $0x80, v4;
	v62 =	vadd.s32 v6, v7  }
0x12: {  	v63 =	vand.u32 $0x7F, v1;
	v1 =	vshll.u32 v1, $0x1;
	v4 =	vor.u32 v4, v62  }
0x13: {  	v1 =	vand.u32 $0xFFFFFF00, v1;
	v3 =	vor.u32 v63, v4  }
0x14: {  	v1 =	vadd.s32 v1, v3  }
0x15: {  	[tilespmem:s16], [sflag:$0x1] =	stream.indirect_vreg.gather [hbm4b:s3+s10], $0x1, v0, vm0, $0x4038;
	[tilespmem:$0x800] =	vst v63  }
0x16: {  	s15 =	sadd.s32 $0x10, s15;
	(ifvalue) =	ssetifvalue $0x7FFFFFFF  }
0x17: {  	[tilespmem:s15], [sflag:$0x1] =	stream.indirect_vreg.gather [hbm4b:s3+s10], $0x1, v2, vm0, $0x4038;
	[tilespmem:$0x800] =	vst v63  }
0x18: {  	s15 =	sadd.s32 $0x10, s15;
	(ifvalue) =	ssetifvalue $0x7FFFFFFF  }
0x19: {  	[tilespmem:s15], [sflag:$0x1] =	stream.indirect_vreg.gather [hbm4b:s3+s10], $0x1, v1, vm0, $0x4038;
	[tilespmem:$0x800] =	vst v63  }
0x1a: {  	_ =	swait.ge [sflag:s6], $0x200  }
0x1b: {  	s30 =	sshrl.u32 s13, $0x3;
	[sflag:s6] =	ssyncset.done $0x0  }
0x1c: {  	s31 =	sand.u32 $0x7, s13;
	s15 =	sadd.s32 s5, s30;
	[sflag:s6] =	ssyncadd.s32 $0xFFFFFE00  }
0x1d: {  	[hbm4b:s15+s31] =	stream.linear.scatter [tilespmem:s14], [sflag:$0x3], $0x200, $0x38;
	[tilespmem:$0x800] =	vst v63  }
.LBB2_5:
0x1e: {  	s15 =	sadd.s32 $0x4000, s11  }
0x1f: {  	p2 =	sgt.s32 s15, $0x47FF  }
0x20: {  	s15 =	smov.u32 @p2 s2;
	p2 =	sne.s32 s12, s9  }
.Ltmp1:
0x21: {  	p1 =	slt.u32 s12, $0x2;
	(pc) =	sbr.rel @!p2 .LBB2_6-.Ltmp1, $4  }
0x22: {  	s14 =	simm.s32 @!p1 $0x3  }
0x23: {  	s16 =	sadd.s32 $0x1, s12;
	_ =	swait.ge @!p1 [sflag:s14], $0x200  }
0x24: {  	s13 =	smov.u32 s11;
	p0 =	por !p0, !p0;
	[sflag:s14] =	ssyncset.done @!p1 $0x0  }
0x25: {  	s12 =	smov.u32 s16;
	s11 =	smov.u32 s15;
	[sflag:s14] =	ssyncadd.s32 @!p1 $0xFFFFFE00  }
.LBB2_1:
0x26: {  	p1 =	sge.u32 s12, s8  }
0x27: {  	s14 =	sxor.u32 @!p1 $0xFFFFFFFF, s12  }
0x28: {  	s31 =	sadd.s32 $0xFFFFFFFF, s12;
	s15 =	sshrl.u32 @!p1 s11, $0x3;
	s14 =	sshll.u32 @!p1 s14, $0x9  }
0x29: {  	s16 =	sand.u32 @!p1 $0x7, s11;
	s15 =	sadd.s32 @!p1 s4, s15;
	s14 =	sand.u32 @!p1 $0x200, s14  }
0x2a: {  	[tilespmem:s14], [sflag:$0x2] =	stream.linear.gather @!p1 [hbm4b:s15+s16], $0x200, $0x38;
	[tilespmem:$0x800] =	vst v63  }
0x2b: {  	p1 =	sge.u32 s31, s8  }
.Ltmp2:
0x2c: {  	_ = 	snop;
	(pc) =	sbr.rel @p1 .LBB2_5-.Ltmp2, $1  }
0x2d: {  	_ =	sdelay $0x3  }
0x2e: {  	s14 =	simm.s32 $0x1  }
0x2f: {  	_ =	swait.ge [sflag:s7], $0x200;
	s14 =	simm.s32 @!p0 $0x0  }
0x30: {  	[sflag:s7] =	ssyncset.done $0x0;
	s14 =	sshll.u32 s14, $0x9  }
0x31: {  	[sflag:s7] =	ssyncadd.s32 $0xFFFFFE00;
	(ifvalue) =	ssetifvalue $0x7FFFFFFF;
	v0 =	vld.msk [tilespmem:s14+$0x0 ss:$0x1], $0xffff  }
0x32: {  	s15 =	sadd.s32 $0x10, s14  }
0x33: {  	v1 =	vld.msk [tilespmem:s15+$0x0 ss:$0x1], $0xffff;
	_ =	sdelay $0x2  }
0x34: {  	vm1 =	veq.s32 v0, $0x80000000;
	v2 =	vand.u32 $0x1, v0;
	v3 =	vshrl.u32 v0, $0x1  }
0x35: {  	v0 =	vand.u32 $0x3F800, v0;
	v2 =	vsel vm1, $0xFFFFFFFF, v2;
	v3 =	vand.u32 $0x3FF, v3  }
0x36: {  	v0 =	vsel vm1, $0xFFFFF800, v0;
	v5 =	vand.u32 $0x3F800, v1;
	v4 =	vand.u32 $0xFFFFF800, v2  }
0x37: {  	v2 =	vshll.u32 v2, $0x7;
	v3 =	vsel vm1, $0xFFFFFFFF, v3;
	vm1 =	veq.s32 v1, $0x80000000  }
0x38: {  	v2 =	vand.u32 $0x80, v2;
	v0 =	vadd.s32 v0, v4;
	v4 =	vand.u32 $0x7F, v3  }
0x39: {  	v3 =	vshll.u32 v3, $0x1;
	v5 =	vsel vm1, $0xFFFFF800, v5;
	v0 =	vor.u32 v2, v0  }
0x3a: {  	s17 =	sadd.s32 $0x10, s15;
	v2 =	vand.u32 $0x1, v1;
	v1 =	vshrl.u32 v1, $0x1;
	v6 =	vand.u32 $0xFFFFFF00, v3  }
0x3b: {  	s16 =	sshll.u32 s12, $0x9;
	v2 =	vsel vm1, $0xFFFFFFFF, v2;
	v3 =	vand.u32 $0x3FF, v1;
	v1 =	vld.msk [tilespmem:s17+$0x0 ss:$0x1], $0xffff;
	v0 =	vor.u32 v4, v0  }
0x3c: {  	s18 =	simm.s32 $0x20;
	s31 =	sand.u32 $0x200, s16;
	s15 =	sor.u32 $0x400, s14;
	v7 =	vand.u32 $0xFFFFF800, v2;
	v2 =	vshll.u32 v2, $0x7;
	v3 =	vsel vm1, $0xFFFFFFFF, v3  }
0x3d: {  	s14 =	sor.u32 $0x400, s31;
	s16 =	smov.u32 s15;
	(ifvalue) =	ssetifvalue $0x7FFFFFFF;
	v0 =	vadd.s32 v6, v0;
	v2 =	vand.u32 $0x80, v2;
	v4 =	vadd.s32 v5, v7  }
.LBB2_3:
0x3e: {  	s18 =	sadd.s32 $0x10, s18  }
0x3f: {  	s17 =	sadd.s32 $0x10, s17;
	v5 =	vand.u32 $0x7F, v3;
	v3 =	vshll.u32 v3, $0x1;
	v4 =	vor.u32 v2, v4;
	s15 =	sadd.s32 $0x10, s15;
	p1 =	slt.u32 s18, $0x1F0  }
.Ltmp3:
0x40: {  	vm1 =	veq.s32 v1, $0x80000000;
	v2 =	vand.u32 $0x1, v1;
	v6 =	vand.u32 $0x3F800, v1;
	v7 =	vmovc v1;
	v1 =	vld.msk [tilespmem:s17+$0x0 ss:$0x1], $0xffff;
	(pc) =	sbr.rel @p1 .LBB2_3-.Ltmp3, $4  }
0x41: {  	v2 =	vsel vm1, $0xFFFFFFFF, v2;
	v7 =	vshrl.u32 v7, $0x1;
	v8 =	vand.u32 $0xFFFFFF00, v3  }
0x42: {  	v3 =	vand.u32 $0x3FF, v7;
	v7 =	vand.u32 $0xFFFFF800, v2;
	v2 =	vshll.u32 v2, $0x7  }
0x43: {  	v6 =	vsel vm1, $0xFFFFF800, v6;
	v5 =	vor.u32 v5, v4;
	v2 =	vand.u32 $0x80, v2;
	[tilespmem:s16], [sflag:$0x1] =	stream.indirect_vreg.gather [hbm4b:s3+s10], $0x1, v0, vm0, $0x4038;
	[tilespmem:$0x800] =	vst v63  }
0x44: {  	v3 =	vsel vm1, $0xFFFFFFFF, v3;
	v4 =	vadd.s32 v6, v7;
	v0 =	vadd.s32 v8, v5;
	s16 =	smov.u32 s15;
	(ifvalue) =	ssetifvalue $0x7FFFFFFF  }
.Ltmp4:
0x45: {  	_ = 	snop;
	(pc) =	sbr.rel .LBB2_4-.Ltmp4, $1  }
0x46: {  	_ =	sdelay $0x3  }
.LBB2_6:
0x47: {  	_ =	sfence.sel $0x180000  }
0x48: {  	s2 =	simm.s32 $0x2;
	[bflag:$0x0] =	sbarrier.arrive $0xFFFF  }
0x49: {  	s30 =	simm.s32 $0x3;
	[sflag:s2] =	ssyncpa.u1 $0x1  }
0x4a: {  	s31 =	simm.s32 $0x1;
	[sflag:s30] =	ssyncpa.u1 $0x1  }
0x4b: {  	[sflag:s31] =	ssyncpa.u1 $0x1  }
0x4c: {  	p0 =	sne.s32 s1, $0x0;
	_ =	strace $0x9000004D  }
0x4d: {  	s0 =	sadd.s32 @!p0 $0x100000, s0;
	[bflag:$0x2] =	sbarrier.arrive $0xFFFF  }
0x4e: {  	[sflag:s0] =	ssyncadd.tile.s32 @!p0 $0x1;
	_ =	shalt  }
.Lfunc_end2:
_tile_overlayer_lowered:
.L_overlay_start_2:
0x4f: {  	(tag) =	ssettag $0x2  }
0x50: {  	s0 =	rddreg [dreg:$0x0];
	s2 =	stileid.u32  }
0x51: {  	s1 =	rddreg [dreg:$0x1];
	p0 =	sne.s32 s2, $0x0  }
0x52: {  	s3 =	rddreg [dreg:$0x2];
	[bflag:$0x3] =	sbarrier.arrive $0xFFFF;
	s2 =	simm.s32 @!p0 $0x1C01  }
0x53: {  	[timem:s3], [sflag:s2] =	dma.local @!p0 [hbm:s0], s1  }
0x54: {  	s0 =	simm.s32 @!p0 $0x1  }
0x55: {  	_ =	swait.ge @!p0 [sflag:s0], s1  }
0x56: {  	s1 =	ssub.s32 @!p0 $0x0, s1;
	[sflag:s0] =	ssyncset.done @!p0 $0x0  }
0x57: {  	[sflag:s0] =	ssyncadd.s32 @!p0 s1  }
0x58: {  	[bflag:$0x3] =	sbarrier.arrive $0xFFFF  }
0x59: {  	_ =	shalt  }

// kernel: gather_offload_async_start.3
scs
__scs_entry_jumppad:
0x0: {  	(pc) =	sbr.rel $0x88, $3  }
0x1: {  	(tag) =	ssettag $0x0;
	lr =	simm.s32 $0x1  }
0x2: {  	[smem:$0x3F96] =	sst lr;
	_ =	strace $0xD0000000  }
0x3: {  	_ = 	snop  }
0x4: {  	_ = 	snop  }
0x5: {  	_ = 	snop  }
0x6: {  	_ = 	snop  }
0x7: {  	_ = 	snop  }
__scs_overlays_trampoline_lowered:
0x8: {  	[smem:$0x3FA5] =	sst s0  }
0x9: {  	[smem:$0x3FA6] =	sst s1  }
0xa: {  	[smem:$0x3FA7] =	sst s2  }
0xb: {  	[smem:$0x3FA8] =	sst s3  }
0xc: {  	[smem:$0x3FA9] =	sst s4  }
0xd: {  	[smem:$0x3FAA] =	sst s5  }
0xe: {  	[smem:$0x3FAB] =	sst s6  }
0xf: {  	[smem:$0x3FAC] =	sst s7  }
0x10: {  	[smem:$0x3FAD] =	sst s8  }
0x11: {  	[smem:$0x3FAE] =	sst s9;
	s0 =	simm.s32 @!p0 $0x0  }
0x12: {  	s1 =	sld [smem:$0x3F94];
	s0 =	simm.s32 @p0 $0x1  }
0x13: {  	[smem:$0x3FAF] =	sst s0;
	s0 =	simm.s32 @!p1 $0x0  }
0x14: {  	s2 =	sld [smem:$0x3F93];
	s0 =	simm.s32 @p1 $0x1  }
0x15: {  	[smem:$0x3FB0] =	sst s0;
	s0 =	simm.s32 @!p2 $0x0  }
0x16: {  	s3 =	sld [smem:$0x3FDB];
	s0 =	simm.s32 @p2 $0x1  }
0x17: {  	s4 =	simm.s32 $0x1BF5;
	[smem:$0x3FB2] =	sst s0  }
0x18: {  	s0 =	sld [smem:$0x3F95];
	_ =	swait.ge [sflag:s4], $0x0  }
0x19: {  	s7 =	sld [smem:$0x3F96]  }
0x1a: {  	s8 =	sadd.s32 $0xFFFFE003, lr  }
0x1b: {  	s9 =	sadd.s32 $0xFFFFFEF7, lr;
	s5 =	simm.s32 $0xFFFFFFFF;
	p2 =	slt.u32 s8, $0xFFFFF086  }
0x1c: {  	p1 =	slt.u32 s9, $0xF7A;
	s5 =	simm.s32 @!p2 $0x0  }
0x1d: {  	s5 =	simm.s32 @p1 $0x1;
	p0 =	seq.s32 s7, s2  }
0x1e: {  	s7 =	smul.u32 @!p0 $0xF7A, s2;
	p2 =	seq.s32 @!p0 s5, $0x0  }
0x1f: {  	s9 =	smul.u32 $0xF7A, s1;
	s8 =	simm.s32 @!p0 $0x1BF5;
	p2 =	por !p2, p0  }
0x20: {  	[sflag:s8] =	ssyncset.s32 @!p0 $0xFFFFF086;
	s6 =	sadd.s32 @!p0 s3, s7;
	s7 =	simm.s32 @!p0 $0x108  }
0x21: {  	s3 =	sadd.s32 s3, s9;
	s6 =	sadd.s32 @!p0 $0x88, s6;
	s7 =	simm.s32 @p2 $0x1082  }
0x22: {  	[simem:s7], [sflag:s8] =	dma.local @!p0 [hbm:s6], $0xF7A  }
0x23: {  	s9 =	sor.u32 $0xD0000000, s2;
	s6 =	simm.s32 $0x108;
	_ =	swait.ge @!p0 [sflag:s8], $0x0  }
0x24: {  	s3 =	sadd.s32 $0x88, s3;
	s6 =	simm.s32 @!p1 $0x1082;
	[sflag:s4] =	ssyncset.s32 $0xFFFFF086  }
0x25: {  	[simem:s6], [sflag:s4] =	dma.local [hbm:s3], $0xF7A  }
0x26: {  	[smem:$0x3F96] =	sst s1;
	(tag) =	ssettag s2;
	_ =	strace s9  }
0x27: {  	s1 =	sld [smem:$0x3FA6]  }
0x28: {  	s2 =	sld [smem:$0x3FA7]  }
0x29: {  	s4 =	sld [smem:$0x3FA9]  }
0x2a: {  	p0 =	seq.s32 s5, $0x0;
	s5 =	sld [smem:$0x3FAA]  }
0x2b: {  	s6 =	sld [smem:$0x3FAB]  }
0x2c: {  	s7 =	sld [smem:$0x3FAC]  }
0x2d: {  	s3 =	simm.s32 $0x108;
	s8 =	sld [smem:$0x3FAD]  }
0x2e: {  	s3 =	simm.s32 @!p0 $0x1082;
	s9 =	sld [smem:$0x3FAE]  }
0x2f: {  	lr =	sadd.s32 s0, s3;
	s0 =	sld [smem:$0x3FA5]  }
0x30: {  	s3 =	sld [smem:$0x3FA8]  }
0x31: {  	[smem:$0x3FB1] =	sst s10  }
0x32: {  	s10 =	sld [smem:$0x3FAF];
	_ =	sdelay $0x3  }
0x33: {  	p0 =	seq.s32 s10, $0x1;
	s10 =	sld [smem:$0x3FB1];
	_ =	sdelay $0x3  }
0x34: {  	[smem:$0x3FB1] =	sst s10  }
0x35: {  	s10 =	sld [smem:$0x3FB0];
	_ =	sdelay $0x3  }
0x36: {  	p1 =	seq.s32 s10, $0x1;
	s10 =	sld [smem:$0x3FB1];
	_ =	sdelay $0x3  }
0x37: {  	[smem:$0x3FB1] =	sst s10  }
0x38: {  	s10 =	sld [smem:$0x3FB2]  }
0x39: {  	_ = 	snop;
	(pc) =	sbr.ind lr, $3  }
0x3a: {  	_ = 	snop  }
0x3b: {  	_ = 	snop  }
0x3c: {  	p2 =	seq.s32 s10, $0x1;
	s10 =	sld [smem:$0x3FB1]  }
0x3d: {  	_ =	shalt  }
0x3e: {  	_ =	shalt  }
0x3f: {  	_ =	shalt  }
0x40: {  	_ =	shalt  }
0x41: {  	_ =	shalt  }
0x42: {  	_ =	shalt  }
0x43: {  	_ =	shalt  }
0x44: {  	_ =	shalt  }
0x45: {  	_ =	shalt  }
0x46: {  	_ =	shalt  }
0x47: {  	_ =	shalt  }
0x48: {  	_ =	shalt  }
0x49: {  	_ =	shalt  }
0x4a: {  	_ =	shalt  }
0x4b: {  	_ =	shalt  }
0x4c: {  	_ =	shalt  }
0x4d: {  	_ =	shalt  }
0x4e: {  	_ =	shalt  }
0x4f: {  	_ =	shalt  }
0x50: {  	_ =	shalt  }
0x51: {  	_ =	shalt  }
0x52: {  	_ =	shalt  }
0x53: {  	_ =	shalt  }
0x54: {  	_ =	shalt  }
0x55: {  	_ =	shalt  }
0x56: {  	_ =	shalt  }
0x57: {  	_ =	shalt  }
0x58: {  	_ =	shalt  }
0x59: {  	_ =	shalt  }
0x5a: {  	_ =	shalt  }
0x5b: {  	_ =	shalt  }
0x5c: {  	_ =	shalt  }
0x5d: {  	_ =	shalt  }
0x5e: {  	_ =	shalt  }
0x5f: {  	_ =	shalt  }
0x60: {  	_ =	shalt  }
0x61: {  	_ =	shalt  }
0x62: {  	_ =	shalt  }
0x63: {  	_ =	shalt  }
0x64: {  	_ =	shalt  }
0x65: {  	_ =	shalt  }
0x66: {  	_ =	shalt  }
0x67: {  	_ =	shalt  }
0x68: {  	_ =	shalt  }
0x69: {  	_ =	shalt  }
0x6a: {  	_ =	shalt  }
0x6b: {  	_ =	shalt  }
0x6c: {  	_ =	shalt  }
0x6d: {  	_ =	shalt  }
0x6e: {  	_ =	shalt  }
0x6f: {  	_ =	shalt  }
0x70: {  	_ =	shalt  }
0x71: {  	_ =	shalt  }
0x72: {  	_ =	shalt  }
0x73: {  	_ =	shalt  }
0x74: {  	_ =	shalt  }
0x75: {  	_ =	shalt  }
0x76: {  	_ =	shalt  }
0x77: {  	_ =	shalt  }
0x78: {  	_ =	shalt  }
0x79: {  	_ =	shalt  }
0x7a: {  	_ =	shalt  }
0x7b: {  	_ =	shalt  }
0x7c: {  	_ =	shalt  }
0x7d: {  	_ =	shalt  }
0x7e: {  	_ =	shalt  }
0x7f: {  	_ =	shalt  }
0x80: {  	_ =	shalt  }
0x81: {  	_ =	shalt  }
0x82: {  	_ =	shalt  }
0x83: {  	_ =	shalt  }
0x84: {  	_ =	shalt  }
0x85: {  	_ =	shalt  }
0x86: {  	_ =	shalt  }
0x87: {  	_ =	shalt  }
.Lfunc_end0:
.L_simem_size_0:
called_computation.3_lowered:
.L_overlay_start_0:
0x88: {  	s2 =	sld [smem:$0x3FD9]  }
0x89: {  	s3 =	sld [smem:$0x3FFE];
	_ =	sdelay $0x1  }
0x8a: {  	s1 =	srdreg.scid  }
0x8b: {  	s0 =	sand.u32 $0x1, s1  }
0x8c: {  	s16 =	sshll.u32 s0, $0xA;
	s2 =	sadd.s32 s3, s2  }
0x8d: {  	s2 =	sadd.s32 s2, s16  }
0x8e: {  	[smem:$0x3FBD] =	sst s2  }
0x8f: {  	_ = 	snop  }
0x90: {  	(tm) =	ssettm $0x1  }
0x91: {  	s17 =	sld [smem:$0x3FFB];
	_ =	sdelay $0x3  }
0x92: {  	_ =	strace s17  }
0x93: {  	s2 =	sld [smem:$0x3FFC];
	_ =	sdelay $0x3  }
0x94: {  	_ =	strace s2  }
0x95: {  	s2 =	sld [smem:$0x3FFD];
	_ =	sdelay $0x3  }
0x96: {  	_ =	strace s2  }
0x97: {  	_ =	strace $0x8FFFFFFF  }
0x98: {  	s18 =	sld [smem:$0x3FDB];
	_ =	sdelay $0x1  }
0x99: {  	s19 =	simm.s32 $_scs_section_size  }
0x9a: {  	s4 =	simm.s32 $_size__tile_overlayer_lowered;
	s5 =	simm.s32 $_tile_overlayer_lowered  }
0x9b: {  	s22 =	simm.s32 $0x1BFF;
	s21 =	sshll.u32 s5, $0x1;
	s2 =	sadd.s32 s19, s18  }
0x9c: {  	s6 =	simm.s32 $0x0;
	s20 =	sshll.u32 s4, $0x1;
	s4 =	sadd.s32 s21, s2  }
0x9d: {  	[timem:s6], [sflag:s22] =	dma.local [hbm:s4], s20  }
0x9e: {  	_ =	swait.ge [sflag:s22], s20  }
0x9f: {  	s3 =	ssub.s32 $0x0, s20;
	[sflag:s22] =	ssyncset.done $0x0  }
0xa0: {  	[sflag:s22] =	ssyncadd.s32 s3;
	_ =	sdelay $0x1  }
0xa1: {  	s23 =	simm.s32 $0x1B8B  }
0xa2: {  	_ =	swait.ge [sflag:s23], $0x1  }
0xa3: {  	[sflag:s23] =	ssyncset.done $0x0  }
0xa4: {  	s25 =	simm.s32 $0x1B8E;
	s24 =	sld [smem:$0x3FFE];
	[sflag:s23] =	ssyncadd.s32 $0xFFFFFFFF  }
0xa5: {  	s26 =	simm.s32 $execute0_lowered;
	[smem:$0x3FD2] =	sst s25  }
0xa6: {  	s4 =	sshll.u32 s26, $0x1;
	_ =	strace $0x8000004F;
	[dreg:$0x1] =	wrdreg $0xFFFFFFFF  }
0xa7: {  	s28 =	simm.s32 $_size_execute0_lowered;
	s2 =	sadd.s32 s2, s4;
	[dreg:$0x0] =	wrdreg $0x0  }
0xa8: {  	s4 =	sshll.u32 s28, $0x1;
	[dreg:$0x2] =	wrdreg s2  }
0xa9: {  	[dreg:$0x3] =	wrdreg s4  }
0xaa: {  	[dreg:$0x4] =	wrdreg $0xC0  }
0xab: {  	_ =	task [dreg:s6], $0x5FFFF  }
0xac: {  	[dreg:$0x1] =	wrdreg $0xFFFFFFFF  }
0xad: {  	[dreg:$0x0] =	wrdreg $0x60  }
0xae: {  	[dreg:$0x2] =	wrdreg s24  }
0xaf: {  	[dreg:$0x3] =	wrdreg $0x9  }
0xb0: {  	_ =	task.clear_ibuf [dreg:s6], $0x4FFFF;
	_ =	strace $0x9000004F  }
0xb1: {  	s29 =	simm.s32 $0x9;
	_ =	strace $0x80000051  }
0xb2: {  	_ =	swait.ge [sflag:s29], $0x1  }
0xb3: {  	[sflag:s29] =	ssyncadd.s32 $0xFFFFFFFF  }
0xb4: {  	_ =	strace $0x90000051  }
0xb5: {  	_ =	sfence  }
0xb6: {  	s30 =	sld [smem:$0x0];
	_ =	sdelay $0x2  }
0xb7: {  	s31 =	sshll.u32 s1, $0xD;
	s1 =	sshrl.u32 s1, $0x2  }
0xb8: {  	s3 =	sand.u32 $0x4000, s31;
	s1 =	sadd.s32 s1, s30  }
0xb9: {  	s0 =	sor.u32 s3, s0;
	s1 =	sshll.u32 s1, $0x11  }
0xba: {  	s0 =	sor.u32 s1, s0  }
0xbb: {  	s0 =	sadd.s32 $0x8F2B, s0  }
0xbc: {  	[sflag:s0] =	ssyncadd.remote.s32 $0x1  }
0xbd: {  	_ =	sfence.sel $0xFFFF  }
0xbe: {  	[dreg:$0x0] =	wrdreg $0xFFFFFFFF;
	(pc) =	sbr.abs _section_cstart, $3  }
0xbf: {  	[dreg:$0x1] =	wrdreg $0xFFFFFFFF  }
0xc0: {  	_ =	task.clear_ibuf [dreg:s6], $0x2FFFF;
	_ =	strace $0x9FFFFFFF  }
0xc1: {  	(tm) =	ssettm $0x7FFFFFFF  }
tec
execute0_lowered:
.L_overlay_start_1:
0x0: {  	(tag) =	ssettag $0x1  }
0x1: {  	s0 =	srdreg.scid;
	s5 =	rddreg [dreg:$0x0]  }
0x2: {  	s1 =	stileid.u32;
	s6 =	simm.s32 $0x1;
	s9 =	simm.s32 $0x1  }
0x3: {  	s10 =	simm.s32 $0x3;
	s13 =	simm.s32 $0x0;
	s2 =	sshll.u32 s0, $0x9  }
0x4: {  	s12 =	simm.s32 $0x0;
	s3 =	sshll.u32 s1, $0xA;
	s2 =	sand.u32 $0x200, s2  }
0x5: {  	s0 =	rddreg [dreg:$0x1];
	_ =	strace $0x80000050;
	s2 =	sor.u32 s3, s2  }
0x6: {  	s4 =	sadd.s32 $0x12BE00, s5;
	[sflag:s6] =	ssyncpa.u1 $0x0;
	s8 =	ssub.s32 $0x4800, s2  }
.Ltmp0:
0x7: {  	s3 =	sadd.s32 $0x92A00, s5;
	s7 =	sand.u32 $0x3E00, s8;
	(pc) =	sbr.rel .LBB2_1-.Ltmp0, $4  }
0x8: {  	s5 =	sadd.s32 $0x97200, s5;
	s11 =	smov.u32 s2;
	p0 =	sne.s32 s7, $0x0  }
0x9: {  	s8 =	sshrl.u32 s8, $0xE;
	s7 =	simm.s32 $0x2;
	s9 =	simm.s32 @!p0 $0x0  }
0xa: {  	[sflag:s7] =	ssyncpa.u1 $0x0;
	p0 =	por $0x0, $0x0;
	s8 =	sadd.s32 s9, s8  }
0xb: {  	vm0 =	vmmov $0xffff;
	[sflag:s10] =	ssyncpa.u1 $0x0;
	s10 =	simm.s32 $0x0;
	s9 =	sadd.s32 $0x1, s8  }
.LBB2_4:
0xc: {  	v5 =	vand.u32 $0x7F, v3;
	v59 =	vshll.u32 v3, $0x1;
	v2 =	vor.u32 v2, v4  }
0xd: {  	vm1 =	veq.s32 v1, $0x80000000;
	v60 =	vand.u32 $0x1, v1;
	v6 =	vand.u32 $0x3F800, v1  }
0xe: {  	v61 =	vshrl.u32 v1, $0x1;
	v4 =	vsel vm1, $0xFFFFFFFF, v60;
	v3 =	vand.u32 $0xFFFFFF00, v59  }
0xf: {  	v1 =	vand.u32 $0x3FF, v61;
	v6 =	vsel vm1, $0xFFFFF800, v6;
	v2 =	vor.u32 v5, v2  }
0x10: {  	v7 =	vand.u32 $0xFFFFF800, v4;
	v4 =	vshll.u32 v4, $0x7;
	v1 =	vsel vm1, $0xFFFFFFFF, v1  }
0x11: {  	v2 =	vadd.s32 v3, v2;
	v4 =	vand.u32 $0x80, v4;
	v62 =	vadd.s32 v6, v7  }
0x12: {  	v63 =	vand.u32 $0x7F, v1;
	v1 =	vshll.u32 v1, $0x1;
	v4 =	vor.u32 v4, v62  }
0x13: {  	v1 =	vand.u32 $0xFFFFFF00, v1;
	v3 =	vor.u32 v63, v4  }
0x14: {  	v1 =	vadd.s32 v1, v3  }
0x15: {  	[tilespmem:s16], [sflag:$0x1] =	stream.indirect_vreg.gather [hbm4b:s3+s10], $0x1, v0, vm0, $0x4038;
	[tilespmem:$0x800] =	vst v63  }
0x16: {  	s15 =	sadd.s32 $0x10, s15;
	(ifvalue) =	ssetifvalue $0x7FFFFFFF  }
0x17: {  	[tilespmem:s15], [sflag:$0x1] =	stream.indirect_vreg.gather [hbm4b:s3+s10], $0x1, v2, vm0, $0x4038;
	[tilespmem:$0x800] =	vst v63  }
0x18: {  	s15 =	sadd.s32 $0x10, s15;
	(ifvalue) =	ssetifvalue $0x7FFFFFFF  }
0x19: {  	[tilespmem:s15], [sflag:$0x1] =	stream.indirect_vreg.gather [hbm4b:s3+s10], $0x1, v1, vm0, $0x4038;
	[tilespmem:$0x800] =	vst v63  }
0x1a: {  	_ =	swait.ge [sflag:s6], $0x200  }
0x1b: {  	s30 =	sshrl.u32 s13, $0x3;
	[sflag:s6] =	ssyncset.done $0x0  }
0x1c: {  	s31 =	sand.u32 $0x7, s13;
	s15 =	sadd.s32 s5, s30;
	[sflag:s6] =	ssyncadd.s32 $0xFFFFFE00  }
0x1d: {  	[hbm4b:s15+s31] =	stream.linear.scatter [tilespmem:s14], [sflag:$0x3], $0x200, $0x38;
	[tilespmem:$0x800] =	vst v63  }
.LBB2_5:
0x1e: {  	s15 =	sadd.s32 $0x4000, s11  }
0x1f: {  	p2 =	sgt.s32 s15, $0x47FF  }
0x20: {  	s15 =	smov.u32 @p2 s2;
	p2 =	sne.s32 s12, s9  }
.Ltmp1:
0x21: {  	p1 =	slt.u32 s12, $0x2;
	(pc) =	sbr.rel @!p2 .LBB2_6-.Ltmp1, $4  }
0x22: {  	s14 =	simm.s32 @!p1 $0x3  }
0x23: {  	s16 =	sadd.s32 $0x1, s12;
	_ =	swait.ge @!p1 [sflag:s14], $0x200  }
0x24: {  	s13 =	smov.u32 s11;
	p0 =	por !p0, !p0;
	[sflag:s14] =	ssyncset.done @!p1 $0x0  }
0x25: {  	s12 =	smov.u32 s16;
	s11 =	smov.u32 s15;
	[sflag:s14] =	ssyncadd.s32 @!p1 $0xFFFFFE00  }
.LBB2_1:
0x26: {  	p1 =	sge.u32 s12, s8  }
0x27: {  	s14 =	sxor.u32 @!p1 $0xFFFFFFFF, s12  }
0x28: {  	s31 =	sadd.s32 $0xFFFFFFFF, s12;
	s15 =	sshrl.u32 @!p1 s11, $0x3;
	s14 =	sshll.u32 @!p1 s14, $0x9  }
0x29: {  	s16 =	sand.u32 @!p1 $0x7, s11;
	s15 =	sadd.s32 @!p1 s4, s15;
	s14 =	sand.u32 @!p1 $0x200, s14  }
0x2a: {  	[tilespmem:s14], [sflag:$0x2] =	stream.linear.gather @!p1 [hbm4b:s15+s16], $0x200, $0x38;
	[tilespmem:$0x800] =	vst v63  }
0x2b: {  	p1 =	sge.u32 s31, s8  }
.Ltmp2:
0x2c: {  	_ = 	snop;
	(pc) =	sbr.rel @p1 .LBB2_5-.Ltmp2, $1  }
0x2d: {  	_ =	sdelay $0x3  }
0x2e: {  	s14 =	simm.s32 $0x1  }
0x2f: {  	_ =	swait.ge [sflag:s7], $0x200;
	s14 =	simm.s32 @!p0 $0x0  }
0x30: {  	[sflag:s7] =	ssyncset.done $0x0;
	s14 =	sshll.u32 s14, $0x9  }
0x31: {  	[sflag:s7] =	ssyncadd.s32 $0xFFFFFE00;
	(ifvalue) =	ssetifvalue $0x7FFFFFFF;
	v0 =	vld.msk [tilespmem:s14+$0x0 ss:$0x1], $0xffff  }
0x32: {  	s15 =	sadd.s32 $0x10, s14  }
0x33: {  	v1 =	vld.msk [tilespmem:s15+$0x0 ss:$0x1], $0xffff;
	_ =	sdelay $0x2  }
0x34: {  	vm1 =	veq.s32 v0, $0x80000000;
	v2 =	vand.u32 $0x1, v0;
	v3 =	vshrl.u32 v0, $0x1  }
0x35: {  	v0 =	vand.u32 $0x3F800, v0;
	v2 =	vsel vm1, $0xFFFFFFFF, v2;
	v3 =	vand.u32 $0x3FF, v3  }
0x36: {  	v0 =	vsel vm1, $0xFFFFF800, v0;
	v5 =	vand.u32 $0x3F800, v1;
	v4 =	vand.u32 $0xFFFFF800, v2  }
0x37: {  	v2 =	vshll.u32 v2, $0x7;
	v3 =	vsel vm1, $0xFFFFFFFF, v3;
	vm1 =	veq.s32 v1, $0x80000000  }
0x38: {  	v2 =	vand.u32 $0x80, v2;
	v0 =	vadd.s32 v0, v4;
	v4 =	vand.u32 $0x7F, v3  }
0x39: {  	v3 =	vshll.u32 v3, $0x1;
	v5 =	vsel vm1, $0xFFFFF800, v5;
	v0 =	vor.u32 v2, v0  }
0x3a: {  	s17 =	sadd.s32 $0x10, s15;
	v2 =	vand.u32 $0x1, v1;
	v1 =	vshrl.u32 v1, $0x1;
	v6 =	vand.u32 $0xFFFFFF00, v3  }
0x3b: {  	s16 =	sshll.u32 s12, $0x9;
	v2 =	vsel vm1, $0xFFFFFFFF, v2;
	v3 =	vand.u32 $0x3FF, v1;
	v1 =	vld.msk [tilespmem:s17+$0x0 ss:$0x1], $0xffff;
	v0 =	vor.u32 v4, v0  }
0x3c: {  	s18 =	simm.s32 $0x20;
	s31 =	sand.u32 $0x200, s16;
	s15 =	sor.u32 $0x400, s14;
	v7 =	vand.u32 $0xFFFFF800, v2;
	v2 =	vshll.u32 v2, $0x7;
	v3 =	vsel vm1, $0xFFFFFFFF, v3  }
0x3d: {  	s14 =	sor.u32 $0x400, s31;
	s16 =	smov.u32 s15;
	(ifvalue) =	ssetifvalue $0x7FFFFFFF;
	v0 =	vadd.s32 v6, v0;
	v2 =	vand.u32 $0x80, v2;
	v4 =	vadd.s32 v5, v7  }
.LBB2_3:
0x3e: {  	s18 =	sadd.s32 $0x10, s18  }
0x3f: {  	s17 =	sadd.s32 $0x10, s17;
	v5 =	vand.u32 $0x7F, v3;
	v3 =	vshll.u32 v3, $0x1;
	v4 =	vor.u32 v2, v4;
	s15 =	sadd.s32 $0x10, s15;
	p1 =	slt.u32 s18, $0x1F0  }
.Ltmp3:
0x40: {  	vm1 =	veq.s32 v1, $0x80000000;
	v2 =	vand.u32 $0x1, v1;
	v6 =	vand.u32 $0x3F800, v1;
	v7 =	vmovc v1;
	v1 =	vld.msk [tilespmem:s17+$0x0 ss:$0x1], $0xffff;
	(pc) =	sbr.rel @p1 .LBB2_3-.Ltmp3, $4  }
0x41: {  	v2 =	vsel vm1, $0xFFFFFFFF, v2;
	v7 =	vshrl.u32 v7, $0x1;
	v8 =	vand.u32 $0xFFFFFF00, v3  }
0x42: {  	v3 =	vand.u32 $0x3FF, v7;
	v7 =	vand.u32 $0xFFFFF800, v2;
	v2 =	vshll.u32 v2, $0x7  }
0x43: {  	v6 =	vsel vm1, $0xFFFFF800, v6;
	v5 =	vor.u32 v5, v4;
	v2 =	vand.u32 $0x80, v2;
	[tilespmem:s16], [sflag:$0x1] =	stream.indirect_vreg.gather [hbm4b:s3+s10], $0x1, v0, vm0, $0x4038;
	[tilespmem:$0x800] =	vst v63  }
0x44: {  	v3 =	vsel vm1, $0xFFFFFFFF, v3;
	v4 =	vadd.s32 v6, v7;
	v0 =	vadd.s32 v8, v5;
	s16 =	smov.u32 s15;
	(ifvalue) =	ssetifvalue $0x7FFFFFFF  }
.Ltmp4:
0x45: {  	_ = 	snop;
	(pc) =	sbr.rel .LBB2_4-.Ltmp4, $1  }
0x46: {  	_ =	sdelay $0x3  }
.LBB2_6:
0x47: {  	_ =	sfence.sel $0x180000  }
0x48: {  	s2 =	simm.s32 $0x2;
	[bflag:$0x0] =	sbarrier.arrive $0xFFFF  }
0x49: {  	s30 =	simm.s32 $0x3;
	[sflag:s2] =	ssyncpa.u1 $0x1  }
0x4a: {  	s31 =	simm.s32 $0x1;
	[sflag:s30] =	ssyncpa.u1 $0x1  }
0x4b: {  	[sflag:s31] =	ssyncpa.u1 $0x1  }
0x4c: {  	p0 =	sne.s32 s1, $0x0;
	_ =	strace $0x90000050  }
0x4d: {  	s0 =	sadd.s32 @!p0 $0x100000, s0;
	[bflag:$0x2] =	sbarrier.arrive $0xFFFF  }
0x4e: {  	[sflag:s0] =	ssyncadd.tile.s32 @!p0 $0x1;
	_ =	shalt  }
.Lfunc_end2:
_tile_overlayer_lowered:
.L_overlay_start_2:
0x4f: {  	(tag) =	ssettag $0x2  }
0x50: {  	s0 =	rddreg [dreg:$0x0];
	s2 =	stileid.u32  }
0x51: {  	s1 =	rddreg [dreg:$0x1];
	p0 =	sne.s32 s2, $0x0  }
0x52: {  	s3 =	rddreg [dreg:$0x2];
	[bflag:$0x3] =	sbarrier.arrive $0xFFFF;
	s2 =	simm.s32 @!p0 $0x1C01  }
0x53: {  	[timem:s3], [sflag:s2] =	dma.local @!p0 [hbm:s0], s1  }
0x54: {  	s0 =	simm.s32 @!p0 $0x1  }
0x55: {  	_ =	swait.ge @!p0 [sflag:s0], s1  }
0x56: {  	s1 =	ssub.s32 @!p0 $0x0, s1;
	[sflag:s0] =	ssyncset.done @!p0 $0x0  }
0x57: {  	[sflag:s0] =	ssyncadd.s32 @!p0 s1  }
0x58: {  	[bflag:$0x3] =	sbarrier.arrive $0xFFFF  }
0x59: {  	_ =	shalt  }

// kernel: gather_offload_async_start.4
scs
__scs_entry_jumppad:
0x0: {  	(pc) =	sbr.rel $0x88, $3  }
0x1: {  	(tag) =	ssettag $0x0;
	lr =	simm.s32 $0x1  }
0x2: {  	[smem:$0x3F96] =	sst lr;
	_ =	strace $0xD0000000  }
0x3: {  	_ = 	snop  }
0x4: {  	_ = 	snop  }
0x5: {  	_ = 	snop  }
0x6: {  	_ = 	snop  }
0x7: {  	_ = 	snop  }
__scs_overlays_trampoline_lowered:
0x8: {  	[smem:$0x3FA5] =	sst s0  }
0x9: {  	[smem:$0x3FA6] =	sst s1  }
0xa: {  	[smem:$0x3FA7] =	sst s2  }
0xb: {  	[smem:$0x3FA8] =	sst s3  }
0xc: {  	[smem:$0x3FA9] =	sst s4  }
0xd: {  	[smem:$0x3FAA] =	sst s5  }
0xe: {  	[smem:$0x3FAB] =	sst s6  }
0xf: {  	[smem:$0x3FAC] =	sst s7  }
0x10: {  	[smem:$0x3FAD] =	sst s8  }
0x11: {  	[smem:$0x3FAE] =	sst s9;
	s0 =	simm.s32 @!p0 $0x0  }
0x12: {  	s1 =	sld [smem:$0x3F94];
	s0 =	simm.s32 @p0 $0x1  }
0x13: {  	[smem:$0x3FAF] =	sst s0;
	s0 =	simm.s32 @!p1 $0x0  }
0x14: {  	s2 =	sld [smem:$0x3F93];
	s0 =	simm.s32 @p1 $0x1  }
0x15: {  	[smem:$0x3FB0] =	sst s0;
	s0 =	simm.s32 @!p2 $0x0  }
0x16: {  	s3 =	sld [smem:$0x3FDB];
	s0 =	simm.s32 @p2 $0x1  }
0x17: {  	s4 =	simm.s32 $0x1BF5;
	[smem:$0x3FB2] =	sst s0  }
0x18: {  	s0 =	sld [smem:$0x3F95];
	_ =	swait.ge [sflag:s4], $0x0  }
0x19: {  	s7 =	sld [smem:$0x3F96]  }
0x1a: {  	s8 =	sadd.s32 $0xFFFFE003, lr  }
0x1b: {  	s9 =	sadd.s32 $0xFFFFFEF7, lr;
	s5 =	simm.s32 $0xFFFFFFFF;
	p2 =	slt.u32 s8, $0xFFFFF086  }
0x1c: {  	p1 =	slt.u32 s9, $0xF7A;
	s5 =	simm.s32 @!p2 $0x0  }
0x1d: {  	s5 =	simm.s32 @p1 $0x1;
	p0 =	seq.s32 s7, s2  }
0x1e: {  	s7 =	smul.u32 @!p0 $0xF7A, s2;
	p2 =	seq.s32 @!p0 s5, $0x0  }
0x1f: {  	s9 =	smul.u32 $0xF7A, s1;
	s8 =	simm.s32 @!p0 $0x1BF5;
	p2 =	por !p2, p0  }
0x20: {  	[sflag:s8] =	ssyncset.s32 @!p0 $0xFFFFF086;
	s6 =	sadd.s32 @!p0 s3, s7;
	s7 =	simm.s32 @!p0 $0x108  }
0x21: {  	s3 =	sadd.s32 s3, s9;
	s6 =	sadd.s32 @!p0 $0x88, s6;
	s7 =	simm.s32 @p2 $0x1082  }
0x22: {  	[simem:s7], [sflag:s8] =	dma.local @!p0 [hbm:s6], $0xF7A  }
0x23: {  	s9 =	sor.u32 $0xD0000000, s2;
	s6 =	simm.s32 $0x108;
	_ =	swait.ge @!p0 [sflag:s8], $0x0  }
0x24: {  	s3 =	sadd.s32 $0x88, s3;
	s6 =	simm.s32 @!p1 $0x1082;
	[sflag:s4] =	ssyncset.s32 $0xFFFFF086  }
0x25: {  	[simem:s6], [sflag:s4] =	dma.local [hbm:s3], $0xF7A  }
0x26: {  	[smem:$0x3F96] =	sst s1;
	(tag) =	ssettag s2;
	_ =	strace s9  }
0x27: {  	s1 =	sld [smem:$0x3FA6]  }
0x28: {  	s2 =	sld [smem:$0x3FA7]  }
0x29: {  	s4 =	sld [smem:$0x3FA9]  }
0x2a: {  	p0 =	seq.s32 s5, $0x0;
	s5 =	sld [smem:$0x3FAA]  }
0x2b: {  	s6 =	sld [smem:$0x3FAB]  }
0x2c: {  	s7 =	sld [smem:$0x3FAC]  }
0x2d: {  	s3 =	simm.s32 $0x108;
	s8 =	sld [smem:$0x3FAD]  }
0x2e: {  	s3 =	simm.s32 @!p0 $0x1082;
	s9 =	sld [smem:$0x3FAE]  }
0x2f: {  	lr =	sadd.s32 s0, s3;
	s0 =	sld [smem:$0x3FA5]  }
0x30: {  	s3 =	sld [smem:$0x3FA8]  }
0x31: {  	[smem:$0x3FB1] =	sst s10  }
0x32: {  	s10 =	sld [smem:$0x3FAF];
	_ =	sdelay $0x3  }
0x33: {  	p0 =	seq.s32 s10, $0x1;
	s10 =	sld [smem:$0x3FB1];
	_ =	sdelay $0x3  }
0x34: {  	[smem:$0x3FB1] =	sst s10  }
0x35: {  	s10 =	sld [smem:$0x3FB0];
	_ =	sdelay $0x3  }
0x36: {  	p1 =	seq.s32 s10, $0x1;
	s10 =	sld [smem:$0x3FB1];
	_ =	sdelay $0x3  }
0x37: {  	[smem:$0x3FB1] =	sst s10  }
0x38: {  	s10 =	sld [smem:$0x3FB2]  }
0x39: {  	_ = 	snop;
	(pc) =	sbr.ind lr, $3  }
0x3a: {  	_ = 	snop  }
0x3b: {  	_ = 	snop  }
0x3c: {  	p2 =	seq.s32 s10, $0x1;
	s10 =	sld [smem:$0x3FB1]  }
0x3d: {  	_ =	shalt  }
0x3e: {  	_ =	shalt  }
0x3f: {  	_ =	shalt  }
0x40: {  	_ =	shalt  }
0x41: {  	_ =	shalt  }
0x42: {  	_ =	shalt  }
0x43: {  	_ =	shalt  }
0x44: {  	_ =	shalt  }
0x45: {  	_ =	shalt  }
0x46: {  	_ =	shalt  }
0x47: {  	_ =	shalt  }
0x48: {  	_ =	shalt  }
0x49: {  	_ =	shalt  }
0x4a: {  	_ =	shalt  }
0x4b: {  	_ =	shalt  }
0x4c: {  	_ =	shalt  }
0x4d: {  	_ =	shalt  }
0x4e: {  	_ =	shalt  }
0x4f: {  	_ =	shalt  }
0x50: {  	_ =	shalt  }
0x51: {  	_ =	shalt  }
0x52: {  	_ =	shalt  }
0x53: {  	_ =	shalt  }
0x54: {  	_ =	shalt  }
0x55: {  	_ =	shalt  }
0x56: {  	_ =	shalt  }
0x57: {  	_ =	shalt  }
0x58: {  	_ =	shalt  }
0x59: {  	_ =	shalt  }
0x5a: {  	_ =	shalt  }
0x5b: {  	_ =	shalt  }
0x5c: {  	_ =	shalt  }
0x5d: {  	_ =	shalt  }
0x5e: {  	_ =	shalt  }
0x5f: {  	_ =	shalt  }
0x60: {  	_ =	shalt  }
0x61: {  	_ =	shalt  }
0x62: {  	_ =	shalt  }
0x63: {  	_ =	shalt  }
0x64: {  	_ =	shalt  }
0x65: {  	_ =	shalt  }
0x66: {  	_ =	shalt  }
0x67: {  	_ =	shalt  }
0x68: {  	_ =	shalt  }
0x69: {  	_ =	shalt  }
0x6a: {  	_ =	shalt  }
0x6b: {  	_ =	shalt  }
0x6c: {  	_ =	shalt  }
0x6d: {  	_ =	shalt  }
0x6e: {  	_ =	shalt  }
0x6f: {  	_ =	shalt  }
0x70: {  	_ =	shalt  }
0x71: {  	_ =	shalt  }
0x72: {  	_ =	shalt  }
0x73: {  	_ =	shalt  }
0x74: {  	_ =	shalt  }
0x75: {  	_ =	shalt  }
0x76: {  	_ =	shalt  }
0x77: {  	_ =	shalt  }
0x78: {  	_ =	shalt  }
0x79: {  	_ =	shalt  }
0x7a: {  	_ =	shalt  }
0x7b: {  	_ =	shalt  }
0x7c: {  	_ =	shalt  }
0x7d: {  	_ =	shalt  }
0x7e: {  	_ =	shalt  }
0x7f: {  	_ =	shalt  }
0x80: {  	_ =	shalt  }
0x81: {  	_ =	shalt  }
0x82: {  	_ =	shalt  }
0x83: {  	_ =	shalt  }
0x84: {  	_ =	shalt  }
0x85: {  	_ =	shalt  }
0x86: {  	_ =	shalt  }
0x87: {  	_ =	shalt  }
.Lfunc_end0:
.L_simem_size_0:
called_computation.4_lowered:
.L_overlay_start_0:
0x88: {  	s2 =	sld [smem:$0x3FD9]  }
0x89: {  	s3 =	sld [smem:$0x3FFE];
	_ =	sdelay $0x1  }
0x8a: {  	s1 =	srdreg.scid  }
0x8b: {  	s0 =	sand.u32 $0x1, s1  }
0x8c: {  	s16 =	sshll.u32 s0, $0xA;
	s2 =	sadd.s32 s3, s2  }
0x8d: {  	s2 =	sadd.s32 s2, s16  }
0x8e: {  	[smem:$0x3FBD] =	sst s2  }
0x8f: {  	_ = 	snop  }
0x90: {  	(tm) =	ssettm $0x1  }
0x91: {  	s17 =	sld [smem:$0x3FFB];
	_ =	sdelay $0x3  }
0x92: {  	_ =	strace s17  }
0x93: {  	s2 =	sld [smem:$0x3FFC];
	_ =	sdelay $0x3  }
0x94: {  	_ =	strace s2  }
0x95: {  	s2 =	sld [smem:$0x3FFD];
	_ =	sdelay $0x3  }
0x96: {  	_ =	strace s2  }
0x97: {  	_ =	strace $0x8FFFFFFF  }
0x98: {  	s18 =	sld [smem:$0x3FDB];
	_ =	sdelay $0x1  }
0x99: {  	s19 =	simm.s32 $_scs_section_size  }
0x9a: {  	s4 =	simm.s32 $_size__tile_overlayer_lowered;
	s5 =	simm.s32 $_tile_overlayer_lowered  }
0x9b: {  	s22 =	simm.s32 $0x1BFF;
	s21 =	sshll.u32 s5, $0x1;
	s2 =	sadd.s32 s19, s18  }
0x9c: {  	s6 =	simm.s32 $0x0;
	s20 =	sshll.u32 s4, $0x1;
	s4 =	sadd.s32 s21, s2  }
0x9d: {  	[timem:s6], [sflag:s22] =	dma.local [hbm:s4], s20  }
0x9e: {  	_ =	swait.ge [sflag:s22], s20  }
0x9f: {  	s3 =	ssub.s32 $0x0, s20;
	[sflag:s22] =	ssyncset.done $0x0  }
0xa0: {  	[sflag:s22] =	ssyncadd.s32 s3;
	_ =	sdelay $0x1  }
0xa1: {  	s23 =	simm.s32 $0x1B8B  }
0xa2: {  	_ =	swait.ge [sflag:s23], $0x1  }
0xa3: {  	[sflag:s23] =	ssyncset.done $0x0  }
0xa4: {  	s25 =	simm.s32 $0x1B8E;
	s24 =	sld [smem:$0x3FFE];
	[sflag:s23] =	ssyncadd.s32 $0xFFFFFFFF  }
0xa5: {  	s26 =	simm.s32 $execute0_lowered;
	[smem:$0x3FD2] =	sst s25  }
0xa6: {  	s4 =	sshll.u32 s26, $0x1;
	_ =	strace $0x80000052;
	[dreg:$0x1] =	wrdreg $0xFFFFFFFF  }
0xa7: {  	s28 =	simm.s32 $_size_execute0_lowered;
	s2 =	sadd.s32 s2, s4;
	[dreg:$0x0] =	wrdreg $0x0  }
0xa8: {  	s4 =	sshll.u32 s28, $0x1;
	[dreg:$0x2] =	wrdreg s2  }
0xa9: {  	[dreg:$0x3] =	wrdreg s4  }
0xaa: {  	[dreg:$0x4] =	wrdreg $0xC0  }
0xab: {  	_ =	task [dreg:s6], $0x5FFFF  }
0xac: {  	[dreg:$0x1] =	wrdreg $0xFFFFFFFF  }
0xad: {  	[dreg:$0x0] =	wrdreg $0x60  }
0xae: {  	[dreg:$0x2] =	wrdreg s24  }
0xaf: {  	[dreg:$0x3] =	wrdreg $0x9  }
0xb0: {  	_ =	task.clear_ibuf [dreg:s6], $0x4FFFF;
	_ =	strace $0x90000052  }
0xb1: {  	s29 =	simm.s32 $0x9;
	_ =	strace $0x80000054  }
0xb2: {  	_ =	swait.ge [sflag:s29], $0x1  }
0xb3: {  	[sflag:s29] =	ssyncadd.s32 $0xFFFFFFFF  }
0xb4: {  	_ =	strace $0x90000054  }
0xb5: {  	_ =	sfence  }
0xb6: {  	s30 =	sld [smem:$0x0];
	_ =	sdelay $0x2  }
0xb7: {  	s31 =	sshll.u32 s1, $0xD;
	s1 =	sshrl.u32 s1, $0x2  }
0xb8: {  	s3 =	sand.u32 $0x4000, s31;
	s1 =	sadd.s32 s1, s30  }
0xb9: {  	s0 =	sor.u32 s3, s0;
	s1 =	sshll.u32 s1, $0x11  }
0xba: {  	s0 =	sor.u32 s1, s0  }
0xbb: {  	s0 =	sadd.s32 $0x8F2B, s0  }
0xbc: {  	[sflag:s0] =	ssyncadd.remote.s32 $0x1  }
0xbd: {  	_ =	sfence.sel $0xFFFF  }
0xbe: {  	[dreg:$0x0] =	wrdreg $0xFFFFFFFF;
	(pc) =	sbr.abs _section_cstart, $3  }
0xbf: {  	[dreg:$0x1] =	wrdreg $0xFFFFFFFF  }
0xc0: {  	_ =	task.clear_ibuf [dreg:s6], $0x2FFFF;
	_ =	strace $0x9FFFFFFF  }
0xc1: {  	(tm) =	ssettm $0x7FFFFFFF  }
tec
execute0_lowered:
.L_overlay_start_1:
0x0: {  	(tag) =	ssettag $0x1  }
0x1: {  	s0 =	srdreg.scid;
	s5 =	rddreg [dreg:$0x0]  }
0x2: {  	s1 =	stileid.u32;
	s6 =	simm.s32 $0x1;
	s9 =	simm.s32 $0x1  }
0x3: {  	s10 =	simm.s32 $0x3;
	s13 =	simm.s32 $0x0;
	s2 =	sshll.u32 s0, $0xA  }
0x4: {  	s12 =	simm.s32 $0x0;
	s3 =	sshll.u32 s1, $0xB;
	s2 =	sand.u32 $0x400, s2  }
0x5: {  	s0 =	rddreg [dreg:$0x1];
	_ =	strace $0x80000053;
	s2 =	sor.u32 s3, s2  }
0x6: {  	s4 =	sadd.s32 $0x9AA00, s5;
	[sflag:s6] =	ssyncpa.u1 $0x0;
	s8 =	ssub.s32 $0x9000, s2  }
.Ltmp0:
0x7: {  	s3 =	sadd.s32 $0xDBE00, s5;
	s7 =	sand.u32 $0x7C00, s8;
	(pc) =	sbr.rel .LBB2_1-.Ltmp0, $4  }
0x8: {  	s5 =	sadd.s32 $0xE4E00, s5;
	s11 =	smov.u32 s2;
	p0 =	sne.s32 s7, $0x0  }
0x9: {  	s8 =	sshrl.u32 s8, $0xF;
	s7 =	simm.s32 $0x2;
	s9 =	simm.s32 @!p0 $0x0  }
0xa: {  	[sflag:s7] =	ssyncpa.u1 $0x0;
	p0 =	por $0x0, $0x0;
	s8 =	sadd.s32 s9, s8  }
0xb: {  	vm0 =	vmmov $0xffff;
	[sflag:s10] =	ssyncpa.u1 $0x0;
	s10 =	simm.s32 $0x0;
	s9 =	sadd.s32 $0x1, s8  }
.LBB2_4:
0xc: {  	v5 =	vand.u32 $0x7F, v3;
	v59 =	vshll.u32 v3, $0x1;
	v2 =	vor.u32 v2, v4  }
0xd: {  	vm1 =	veq.s32 v1, $0x80000000;
	v60 =	vand.u32 $0x1, v1;
	v6 =	vand.u32 $0x7F800, v1  }
0xe: {  	v61 =	vshrl.u32 v1, $0x1;
	v4 =	vsel vm1, $0xFFFFFFFF, v60;
	v3 =	vand.u32 $0xFFFFFF00, v59  }
0xf: {  	v1 =	vand.u32 $0x3FF, v61;
	v6 =	vsel vm1, $0xFFFFF800, v6;
	v2 =	vor.u32 v5, v2  }
0x10: {  	v7 =	vand.u32 $0xFFFFF800, v4;
	v4 =	vshll.u32 v4, $0x7;
	v1 =	vsel vm1, $0xFFFFFFFF, v1  }
0x11: {  	v2 =	vadd.s32 v3, v2;
	v4 =	vand.u32 $0x80, v4;
	v62 =	vadd.s32 v6, v7  }
0x12: {  	v63 =	vand.u32 $0x7F, v1;
	v1 =	vshll.u32 v1, $0x1;
	v4 =	vor.u32 v4, v62  }
0x13: {  	v1 =	vand.u32 $0xFFFFFF00, v1;
	v3 =	vor.u32 v63, v4  }
0x14: {  	v1 =	vadd.s32 v1, v3  }
0x15: {  	[tilespmem:s16], [sflag:$0x1] =	stream.indirect_vreg.gather [hbm4b:s3+s10], $0x1, v0, vm0, $0x4038;
	[tilespmem:$0x1000] =	vst v63  }
0x16: {  	s15 =	sadd.s32 $0x10, s15;
	(ifvalue) =	ssetifvalue $0x7FFFFFFF  }
0x17: {  	[tilespmem:s15], [sflag:$0x1] =	stream.indirect_vreg.gather [hbm4b:s3+s10], $0x1, v2, vm0, $0x4038;
	[tilespmem:$0x1000] =	vst v63  }
0x18: {  	s15 =	sadd.s32 $0x10, s15;
	(ifvalue) =	ssetifvalue $0x7FFFFFFF  }
0x19: {  	[tilespmem:s15], [sflag:$0x1] =	stream.indirect_vreg.gather [hbm4b:s3+s10], $0x1, v1, vm0, $0x4038;
	[tilespmem:$0x1000] =	vst v63  }
0x1a: {  	_ =	swait.ge [sflag:s6], $0x400  }
0x1b: {  	s30 =	sshrl.u32 s13, $0x3;
	[sflag:s6] =	ssyncset.done $0x0  }
0x1c: {  	s31 =	sand.u32 $0x7, s13;
	s15 =	sadd.s32 s5, s30;
	[sflag:s6] =	ssyncadd.s32 $0xFFFFFC00  }
0x1d: {  	[hbm4b:s15+s31] =	stream.linear.scatter [tilespmem:s14], [sflag:$0x3], $0x400, $0x38;
	[tilespmem:$0x1000] =	vst v63  }
.LBB2_5:
0x1e: {  	s15 =	sadd.s32 $0x8000, s11  }
0x1f: {  	p2 =	sgt.s32 s15, $0x8FFF  }
0x20: {  	s15 =	smov.u32 @p2 s2;
	p2 =	sne.s32 s12, s9  }
.Ltmp1:
0x21: {  	p1 =	slt.u32 s12, $0x2;
	(pc) =	sbr.rel @!p2 .LBB2_6-.Ltmp1, $4  }
0x22: {  	s14 =	simm.s32 @!p1 $0x3  }
0x23: {  	s16 =	sadd.s32 $0x1, s12;
	_ =	swait.ge @!p1 [sflag:s14], $0x400  }
0x24: {  	s13 =	smov.u32 s11;
	p0 =	por !p0, !p0;
	[sflag:s14] =	ssyncset.done @!p1 $0x0  }
0x25: {  	s12 =	smov.u32 s16;
	s11 =	smov.u32 s15;
	[sflag:s14] =	ssyncadd.s32 @!p1 $0xFFFFFC00  }
.LBB2_1:
0x26: {  	p1 =	sge.u32 s12, s8  }
0x27: {  	s14 =	sxor.u32 @!p1 $0xFFFFFFFF, s12  }
0x28: {  	s31 =	sadd.s32 $0xFFFFFFFF, s12;
	s15 =	sshrl.u32 @!p1 s11, $0x3;
	s14 =	sshll.u32 @!p1 s14, $0xA  }
0x29: {  	s16 =	sand.u32 @!p1 $0x7, s11;
	s15 =	sadd.s32 @!p1 s4, s15;
	s14 =	sand.u32 @!p1 $0x400, s14  }
0x2a: {  	[tilespmem:s14], [sflag:$0x2] =	stream.linear.gather @!p1 [hbm4b:s15+s16], $0x400, $0x38;
	[tilespmem:$0x1000] =	vst v63  }
0x2b: {  	p1 =	sge.u32 s31, s8  }
.Ltmp2:
0x2c: {  	_ = 	snop;
	(pc) =	sbr.rel @p1 .LBB2_5-.Ltmp2, $1  }
0x2d: {  	_ =	sdelay $0x3  }
0x2e: {  	s14 =	simm.s32 $0x1  }
0x2f: {  	_ =	swait.ge [sflag:s7], $0x400;
	s14 =	simm.s32 @!p0 $0x0  }
0x30: {  	[sflag:s7] =	ssyncset.done $0x0;
	s14 =	sshll.u32 s14, $0xA  }
0x31: {  	[sflag:s7] =	ssyncadd.s32 $0xFFFFFC00;
	(ifvalue) =	ssetifvalue $0x7FFFFFFF;
	v0 =	vld.msk [tilespmem:s14+$0x0 ss:$0x1], $0xffff  }
0x32: {  	s15 =	sadd.s32 $0x10, s14  }
0x33: {  	v1 =	vld.msk [tilespmem:s15+$0x0 ss:$0x1], $0xffff;
	_ =	sdelay $0x2  }
0x34: {  	vm1 =	veq.s32 v0, $0x80000000;
	v2 =	vand.u32 $0x1, v0;
	v3 =	vshrl.u32 v0, $0x1  }
0x35: {  	v0 =	vand.u32 $0x7F800, v0;
	v2 =	vsel vm1, $0xFFFFFFFF, v2;
	v3 =	vand.u32 $0x3FF, v3  }
0x36: {  	v0 =	vsel vm1, $0xFFFFF800, v0;
	v5 =	vand.u32 $0x7F800, v1;
	v4 =	vand.u32 $0xFFFFF800, v2  }
0x37: {  	v2 =	vshll.u32 v2, $0x7;
	v3 =	vsel vm1, $0xFFFFFFFF, v3;
	vm1 =	veq.s32 v1, $0x80000000  }
0x38: {  	v2 =	vand.u32 $0x80, v2;
	v0 =	vadd.s32 v0, v4;
	v4 =	vand.u32 $0x7F, v3  }
0x39: {  	v3 =	vshll.u32 v3, $0x1;
	v5 =	vsel vm1, $0xFFFFF800, v5;
	v0 =	vor.u32 v2, v0  }
0x3a: {  	s17 =	sadd.s32 $0x10, s15;
	v2 =	vand.u32 $0x1, v1;
	v1 =	vshrl.u32 v1, $0x1;
	v6 =	vand.u32 $0xFFFFFF00, v3  }
0x3b: {  	s16 =	sshll.u32 s12, $0xA;
	v2 =	vsel vm1, $0xFFFFFFFF, v2;
	v3 =	vand.u32 $0x3FF, v1;
	v1 =	vld.msk [tilespmem:s17+$0x0 ss:$0x1], $0xffff;
	v0 =	vor.u32 v4, v0  }
0x3c: {  	s18 =	simm.s32 $0x20;
	s31 =	sand.u32 $0x400, s16;
	s15 =	sor.u32 $0x800, s14;
	v7 =	vand.u32 $0xFFFFF800, v2;
	v2 =	vshll.u32 v2, $0x7;
	v3 =	vsel vm1, $0xFFFFFFFF, v3  }
0x3d: {  	s14 =	sor.u32 $0x800, s31;
	s16 =	smov.u32 s15;
	(ifvalue) =	ssetifvalue $0x7FFFFFFF;
	v0 =	vadd.s32 v6, v0;
	v2 =	vand.u32 $0x80, v2;
	v4 =	vadd.s32 v5, v7  }
.LBB2_3:
0x3e: {  	s18 =	sadd.s32 $0x10, s18  }
0x3f: {  	s17 =	sadd.s32 $0x10, s17;
	v5 =	vand.u32 $0x7F, v3;
	v3 =	vshll.u32 v3, $0x1;
	v4 =	vor.u32 v2, v4;
	s15 =	sadd.s32 $0x10, s15;
	p1 =	slt.u32 s18, $0x3F0  }
.Ltmp3:
0x40: {  	vm1 =	veq.s32 v1, $0x80000000;
	v2 =	vand.u32 $0x1, v1;
	v6 =	vand.u32 $0x7F800, v1;
	v7 =	vmovc v1;
	v1 =	vld.msk [tilespmem:s17+$0x0 ss:$0x1], $0xffff;
	(pc) =	sbr.rel @p1 .LBB2_3-.Ltmp3, $4  }
0x41: {  	v2 =	vsel vm1, $0xFFFFFFFF, v2;
	v7 =	vshrl.u32 v7, $0x1;
	v8 =	vand.u32 $0xFFFFFF00, v3  }
0x42: {  	v3 =	vand.u32 $0x3FF, v7;
	v7 =	vand.u32 $0xFFFFF800, v2;
	v2 =	vshll.u32 v2, $0x7  }
0x43: {  	v6 =	vsel vm1, $0xFFFFF800, v6;
	v5 =	vor.u32 v5, v4;
	v2 =	vand.u32 $0x80, v2;
	[tilespmem:s16], [sflag:$0x1] =	stream.indirect_vreg.gather [hbm4b:s3+s10], $0x1, v0, vm0, $0x4038;
	[tilespmem:$0x1000] =	vst v63  }
0x44: {  	v3 =	vsel vm1, $0xFFFFFFFF, v3;
	v4 =	vadd.s32 v6, v7;
	v0 =	vadd.s32 v8, v5;
	s16 =	smov.u32 s15;
	(ifvalue) =	ssetifvalue $0x7FFFFFFF  }
.Ltmp4:
0x45: {  	_ = 	snop;
	(pc) =	sbr.rel .LBB2_4-.Ltmp4, $1  }
0x46: {  	_ =	sdelay $0x3  }
.LBB2_6:
0x47: {  	_ =	sfence.sel $0x180000  }
0x48: {  	s2 =	simm.s32 $0x2;
	[bflag:$0x0] =	sbarrier.arrive $0xFFFF  }
0x49: {  	s30 =	simm.s32 $0x3;
	[sflag:s2] =	ssyncpa.u1 $0x1  }
0x4a: {  	s31 =	simm.s32 $0x1;
	[sflag:s30] =	ssyncpa.u1 $0x1  }
0x4b: {  	[sflag:s31] =	ssyncpa.u1 $0x1  }
0x4c: {  	p0 =	sne.s32 s1, $0x0;
	_ =	strace $0x90000053  }
0x4d: {  	s0 =	sadd.s32 @!p0 $0x100000, s0;
	[bflag:$0x2] =	sbarrier.arrive $0xFFFF  }
0x4e: {  	[sflag:s0] =	ssyncadd.tile.s32 @!p0 $0x1;
	_ =	shalt  }
.Lfunc_end2:
_tile_overlayer_lowered:
.L_overlay_start_2:
0x4f: {  	(tag) =	ssettag $0x2  }
0x50: {  	s0 =	rddreg [dreg:$0x0];
	s2 =	stileid.u32  }
0x51: {  	s1 =	rddreg [dreg:$0x1];
	p0 =	sne.s32 s2, $0x0  }
0x52: {  	s3 =	rddreg [dreg:$0x2];
	[bflag:$0x3] =	sbarrier.arrive $0xFFFF;
	s2 =	simm.s32 @!p0 $0x1C01  }
0x53: {  	[timem:s3], [sflag:s2] =	dma.local @!p0 [hbm:s0], s1  }
0x54: {  	s0 =	simm.s32 @!p0 $0x1  }
0x55: {  	_ =	swait.ge @!p0 [sflag:s0], s1  }
0x56: {  	s1 =	ssub.s32 @!p0 $0x0, s1;
	[sflag:s0] =	ssyncset.done @!p0 $0x0  }
0x57: {  	[sflag:s0] =	ssyncadd.s32 @!p0 s1  }
0x58: {  	[bflag:$0x3] =	sbarrier.arrive $0xFFFF  }
0x59: {  	_ =	shalt  }

// kernel: gather_offload_async_start.5
scs
__scs_entry_jumppad:
0x0: {  	(pc) =	sbr.rel $0x88, $3  }
0x1: {  	(tag) =	ssettag $0x0;
	lr =	simm.s32 $0x1  }
0x2: {  	[smem:$0x3F96] =	sst lr;
	_ =	strace $0xD0000000  }
0x3: {  	_ = 	snop  }
0x4: {  	_ = 	snop  }
0x5: {  	_ = 	snop  }
0x6: {  	_ = 	snop  }
0x7: {  	_ = 	snop  }
__scs_overlays_trampoline_lowered:
0x8: {  	[smem:$0x3FA5] =	sst s0  }
0x9: {  	[smem:$0x3FA6] =	sst s1  }
0xa: {  	[smem:$0x3FA7] =	sst s2  }
0xb: {  	[smem:$0x3FA8] =	sst s3  }
0xc: {  	[smem:$0x3FA9] =	sst s4  }
0xd: {  	[smem:$0x3FAA] =	sst s5  }
0xe: {  	[smem:$0x3FAB] =	sst s6  }
0xf: {  	[smem:$0x3FAC] =	sst s7  }
0x10: {  	[smem:$0x3FAD] =	sst s8  }
0x11: {  	[smem:$0x3FAE] =	sst s9;
	s0 =	simm.s32 @!p0 $0x0  }
0x12: {  	s1 =	sld [smem:$0x3F94];
	s0 =	simm.s32 @p0 $0x1  }
0x13: {  	[smem:$0x3FAF] =	sst s0;
	s0 =	simm.s32 @!p1 $0x0  }
0x14: {  	s2 =	sld [smem:$0x3F93];
	s0 =	simm.s32 @p1 $0x1  }
0x15: {  	[smem:$0x3FB0] =	sst s0;
	s0 =	simm.s32 @!p2 $0x0  }
0x16: {  	s3 =	sld [smem:$0x3FDB];
	s0 =	simm.s32 @p2 $0x1  }
0x17: {  	s4 =	simm.s32 $0x1BF5;
	[smem:$0x3FB2] =	sst s0  }
0x18: {  	s0 =	sld [smem:$0x3F95];
	_ =	swait.ge [sflag:s4], $0x0  }
0x19: {  	s7 =	sld [smem:$0x3F96]  }
0x1a: {  	s8 =	sadd.s32 $0xFFFFE003, lr  }
0x1b: {  	s9 =	sadd.s32 $0xFFFFFEF7, lr;
	s5 =	simm.s32 $0xFFFFFFFF;
	p2 =	slt.u32 s8, $0xFFFFF086  }
0x1c: {  	p1 =	slt.u32 s9, $0xF7A;
	s5 =	simm.s32 @!p2 $0x0  }
0x1d: {  	s5 =	simm.s32 @p1 $0x1;
	p0 =	seq.s32 s7, s2  }
0x1e: {  	s7 =	smul.u32 @!p0 $0xF7A, s2;
	p2 =	seq.s32 @!p0 s5, $0x0  }
0x1f: {  	s9 =	smul.u32 $0xF7A, s1;
	s8 =	simm.s32 @!p0 $0x1BF5;
	p2 =	por !p2, p0  }
0x20: {  	[sflag:s8] =	ssyncset.s32 @!p0 $0xFFFFF086;
	s6 =	sadd.s32 @!p0 s3, s7;
	s7 =	simm.s32 @!p0 $0x108  }
0x21: {  	s3 =	sadd.s32 s3, s9;
	s6 =	sadd.s32 @!p0 $0x88, s6;
	s7 =	simm.s32 @p2 $0x1082  }
0x22: {  	[simem:s7], [sflag:s8] =	dma.local @!p0 [hbm:s6], $0xF7A  }
0x23: {  	s9 =	sor.u32 $0xD0000000, s2;
	s6 =	simm.s32 $0x108;
	_ =	swait.ge @!p0 [sflag:s8], $0x0  }
0x24: {  	s3 =	sadd.s32 $0x88, s3;
	s6 =	simm.s32 @!p1 $0x1082;
	[sflag:s4] =	ssyncset.s32 $0xFFFFF086  }
0x25: {  	[simem:s6], [sflag:s4] =	dma.local [hbm:s3], $0xF7A  }
0x26: {  	[smem:$0x3F96] =	sst s1;
	(tag) =	ssettag s2;
	_ =	strace s9  }
0x27: {  	s1 =	sld [smem:$0x3FA6]  }
0x28: {  	s2 =	sld [smem:$0x3FA7]  }
0x29: {  	s4 =	sld [smem:$0x3FA9]  }
0x2a: {  	p0 =	seq.s32 s5, $0x0;
	s5 =	sld [smem:$0x3FAA]  }
0x2b: {  	s6 =	sld [smem:$0x3FAB]  }
0x2c: {  	s7 =	sld [smem:$0x3FAC]  }
0x2d: {  	s3 =	simm.s32 $0x108;
	s8 =	sld [smem:$0x3FAD]  }
0x2e: {  	s3 =	simm.s32 @!p0 $0x1082;
	s9 =	sld [smem:$0x3FAE]  }
0x2f: {  	lr =	sadd.s32 s0, s3;
	s0 =	sld [smem:$0x3FA5]  }
0x30: {  	s3 =	sld [smem:$0x3FA8]  }
0x31: {  	[smem:$0x3FB1] =	sst s10  }
0x32: {  	s10 =	sld [smem:$0x3FAF];
	_ =	sdelay $0x3  }
0x33: {  	p0 =	seq.s32 s10, $0x1;
	s10 =	sld [smem:$0x3FB1];
	_ =	sdelay $0x3  }
0x34: {  	[smem:$0x3FB1] =	sst s10  }
0x35: {  	s10 =	sld [smem:$0x3FB0];
	_ =	sdelay $0x3  }
0x36: {  	p1 =	seq.s32 s10, $0x1;
	s10 =	sld [smem:$0x3FB1];
	_ =	sdelay $0x3  }
0x37: {  	[smem:$0x3FB1] =	sst s10  }
0x38: {  	s10 =	sld [smem:$0x3FB2]  }
0x39: {  	_ = 	snop;
	(pc) =	sbr.ind lr, $3  }
0x3a: {  	_ = 	snop  }
0x3b: {  	_ = 	snop  }
0x3c: {  	p2 =	seq.s32 s10, $0x1;
	s10 =	sld [smem:$0x3FB1]  }
0x3d: {  	_ =	shalt  }
0x3e: {  	_ =	shalt  }
0x3f: {  	_ =	shalt  }
0x40: {  	_ =	shalt  }
0x41: {  	_ =	shalt  }
0x42: {  	_ =	shalt  }
0x43: {  	_ =	shalt  }
0x44: {  	_ =	shalt  }
0x45: {  	_ =	shalt  }
0x46: {  	_ =	shalt  }
0x47: {  	_ =	shalt  }
0x48: {  	_ =	shalt  }
0x49: {  	_ =	shalt  }
0x4a: {  	_ =	shalt  }
0x4b: {  	_ =	shalt  }
0x4c: {  	_ =	shalt  }
0x4d: {  	_ =	shalt  }
0x4e: {  	_ =	shalt  }
0x4f: {  	_ =	shalt  }
0x50: {  	_ =	shalt  }
0x51: {  	_ =	shalt  }
0x52: {  	_ =	shalt  }
0x53: {  	_ =	shalt  }
0x54: {  	_ =	shalt  }
0x55: {  	_ =	shalt  }
0x56: {  	_ =	shalt  }
0x57: {  	_ =	shalt  }
0x58: {  	_ =	shalt  }
0x59: {  	_ =	shalt  }
0x5a: {  	_ =	shalt  }
0x5b: {  	_ =	shalt  }
0x5c: {  	_ =	shalt  }
0x5d: {  	_ =	shalt  }
0x5e: {  	_ =	shalt  }
0x5f: {  	_ =	shalt  }
0x60: {  	_ =	shalt  }
0x61: {  	_ =	shalt  }
0x62: {  	_ =	shalt  }
0x63: {  	_ =	shalt  }
0x64: {  	_ =	shalt  }
0x65: {  	_ =	shalt  }
0x66: {  	_ =	shalt  }
0x67: {  	_ =	shalt  }
0x68: {  	_ =	shalt  }
0x69: {  	_ =	shalt  }
0x6a: {  	_ =	shalt  }
0x6b: {  	_ =	shalt  }
0x6c: {  	_ =	shalt  }
0x6d: {  	_ =	shalt  }
0x6e: {  	_ =	shalt  }
0x6f: {  	_ =	shalt  }
0x70: {  	_ =	shalt  }
0x71: {  	_ =	shalt  }
0x72: {  	_ =	shalt  }
0x73: {  	_ =	shalt  }
0x74: {  	_ =	shalt  }
0x75: {  	_ =	shalt  }
0x76: {  	_ =	shalt  }
0x77: {  	_ =	shalt  }
0x78: {  	_ =	shalt  }
0x79: {  	_ =	shalt  }
0x7a: {  	_ =	shalt  }
0x7b: {  	_ =	shalt  }
0x7c: {  	_ =	shalt  }
0x7d: {  	_ =	shalt  }
0x7e: {  	_ =	shalt  }
0x7f: {  	_ =	shalt  }
0x80: {  	_ =	shalt  }
0x81: {  	_ =	shalt  }
0x82: {  	_ =	shalt  }
0x83: {  	_ =	shalt  }
0x84: {  	_ =	shalt  }
0x85: {  	_ =	shalt  }
0x86: {  	_ =	shalt  }
0x87: {  	_ =	shalt  }
.Lfunc_end0:
.L_simem_size_0:
called_computation.5_lowered:
.L_overlay_start_0:
0x88: {  	s2 =	sld [smem:$0x3FD9]  }
0x89: {  	s3 =	sld [smem:$0x3FFE];
	_ =	sdelay $0x1  }
0x8a: {  	s1 =	srdreg.scid  }
0x8b: {  	s0 =	sand.u32 $0x1, s1  }
0x8c: {  	s16 =	sshll.u32 s0, $0xA;
	s2 =	sadd.s32 s3, s2  }
0x8d: {  	s2 =	sadd.s32 s2, s16  }
0x8e: {  	[smem:$0x3FBD] =	sst s2  }
0x8f: {  	_ = 	snop  }
0x90: {  	(tm) =	ssettm $0x1  }
0x91: {  	s17 =	sld [smem:$0x3FFB];
	_ =	sdelay $0x3  }
0x92: {  	_ =	strace s17  }
0x93: {  	s2 =	sld [smem:$0x3FFC];
	_ =	sdelay $0x3  }
0x94: {  	_ =	strace s2  }
0x95: {  	s2 =	sld [smem:$0x3FFD];
	_ =	sdelay $0x3  }
0x96: {  	_ =	strace s2  }
0x97: {  	_ =	strace $0x8FFFFFFF  }
0x98: {  	s18 =	sld [smem:$0x3FDB];
	_ =	sdelay $0x1  }
0x99: {  	s19 =	simm.s32 $_scs_section_size  }
0x9a: {  	s4 =	simm.s32 $_size__tile_overlayer_lowered;
	s5 =	simm.s32 $_tile_overlayer_lowered  }
0x9b: {  	s22 =	simm.s32 $0x1BFF;
	s21 =	sshll.u32 s5, $0x1;
	s2 =	sadd.s32 s19, s18  }
0x9c: {  	s6 =	simm.s32 $0x0;
	s20 =	sshll.u32 s4, $0x1;
	s4 =	sadd.s32 s21, s2  }
0x9d: {  	[timem:s6], [sflag:s22] =	dma.local [hbm:s4], s20  }
0x9e: {  	_ =	swait.ge [sflag:s22], s20  }
0x9f: {  	s3 =	ssub.s32 $0x0, s20;
	[sflag:s22] =	ssyncset.done $0x0  }
0xa0: {  	[sflag:s22] =	ssyncadd.s32 s3;
	_ =	sdelay $0x1  }
0xa1: {  	s23 =	simm.s32 $0x1B8B  }
0xa2: {  	_ =	swait.ge [sflag:s23], $0x1  }
0xa3: {  	[sflag:s23] =	ssyncset.done $0x0  }
0xa4: {  	s25 =	simm.s32 $0x1B8E;
	s24 =	sld [smem:$0x3FFE];
	[sflag:s23] =	ssyncadd.s32 $0xFFFFFFFF  }
0xa5: {  	s26 =	simm.s32 $execute0_lowered;
	[smem:$0x3FD2] =	sst s25  }
0xa6: {  	s4 =	sshll.u32 s26, $0x1;
	_ =	strace $0x80000055;
	[dreg:$0x1] =	wrdreg $0xFFFFFFFF  }
0xa7: {  	s28 =	simm.s32 $_size_execute0_lowered;
	s2 =	sadd.s32 s2, s4;
	[dreg:$0x0] =	wrdreg $0x0  }
0xa8: {  	s4 =	sshll.u32 s28, $0x1;
	[dreg:$0x2] =	wrdreg s2  }
0xa9: {  	[dreg:$0x3] =	wrdreg s4  }
0xaa: {  	[dreg:$0x4] =	wrdreg $0xC0  }
0xab: {  	_ =	task [dreg:s6], $0x5FFFF  }
0xac: {  	[dreg:$0x1] =	wrdreg $0xFFFFFFFF  }
0xad: {  	[dreg:$0x0] =	wrdreg $0x60  }
0xae: {  	[dreg:$0x2] =	wrdreg s24  }
0xaf: {  	[dreg:$0x3] =	wrdreg $0x9  }
0xb0: {  	_ =	task.clear_ibuf [dreg:s6], $0x4FFFF;
	_ =	strace $0x90000055  }
0xb1: {  	s29 =	simm.s32 $0x9;
	_ =	strace $0x80000057  }
0xb2: {  	_ =	swait.ge [sflag:s29], $0x1  }
0xb3: {  	[sflag:s29] =	ssyncadd.s32 $0xFFFFFFFF  }
0xb4: {  	_ =	strace $0x90000057  }
0xb5: {  	_ =	sfence  }
0xb6: {  	s30 =	sld [smem:$0x0];
	_ =	sdelay $0x2  }
0xb7: {  	s31 =	sshll.u32 s1, $0xD;
	s1 =	sshrl.u32 s1, $0x2  }
0xb8: {  	s3 =	sand.u32 $0x4000, s31;
	s1 =	sadd.s32 s1, s30  }
0xb9: {  	s0 =	sor.u32 s3, s0;
	s1 =	sshll.u32 s1, $0x11  }
0xba: {  	s0 =	sor.u32 s1, s0  }
0xbb: {  	s0 =	sadd.s32 $0x8F2B, s0  }
0xbc: {  	[sflag:s0] =	ssyncadd.remote.s32 $0x1  }
0xbd: {  	_ =	sfence.sel $0xFFFF  }
0xbe: {  	[dreg:$0x0] =	wrdreg $0xFFFFFFFF;
	(pc) =	sbr.abs _section_cstart, $3  }
0xbf: {  	[dreg:$0x1] =	wrdreg $0xFFFFFFFF  }
0xc0: {  	_ =	task.clear_ibuf [dreg:s6], $0x2FFFF;
	_ =	strace $0x9FFFFFFF  }
0xc1: {  	(tm) =	ssettm $0x7FFFFFFF  }
tec
execute0_lowered:
.L_overlay_start_1:
0x0: {  	(tag) =	ssettag $0x1  }
0x1: {  	s0 =	srdreg.scid;
	s5 =	rddreg [dreg:$0x0]  }
0x2: {  	s1 =	stileid.u32;
	s6 =	simm.s32 $0x1;
	s9 =	simm.s32 $0x1  }
0x3: {  	s10 =	simm.s32 $0x3;
	s13 =	simm.s32 $0x0;
	s2 =	sshll.u32 s0, $0xA  }
0x4: {  	s12 =	simm.s32 $0x0;
	s3 =	sshll.u32 s1, $0xB;
	s2 =	sand.u32 $0x400, s2  }
0x5: {  	s0 =	rddreg [dreg:$0x1];
	_ =	strace $0x80000056;
	s2 =	sor.u32 s3, s2  }
0x6: {  	s4 =	sadd.s32 $0xC0A00, s5;
	[sflag:s6] =	ssyncpa.u1 $0x0;
	s8 =	ssub.s32 $0x9000, s2  }
.Ltmp0:
0x7: {  	s3 =	sadd.s32 $0xDBE00, s5;
	s7 =	sand.u32 $0x7C00, s8;
	(pc) =	sbr.rel .LBB2_1-.Ltmp0, $4  }
0x8: {  	s5 =	sadd.s32 $0xC1C00, s5;
	s11 =	smov.u32 s2;
	p0 =	sne.s32 s7, $0x0  }
0x9: {  	s8 =	sshrl.u32 s8, $0xF;
	s7 =	simm.s32 $0x2;
	s9 =	simm.s32 @!p0 $0x0  }
0xa: {  	[sflag:s7] =	ssyncpa.u1 $0x0;
	p0 =	por $0x0, $0x0;
	s8 =	sadd.s32 s9, s8  }
0xb: {  	vm0 =	vmmov $0xffff;
	[sflag:s10] =	ssyncpa.u1 $0x0;
	s10 =	simm.s32 $0x0;
	s9 =	sadd.s32 $0x1, s8  }
.LBB2_4:
0xc: {  	v5 =	vand.u32 $0x7F, v3;
	v59 =	vshll.u32 v3, $0x1;
	v2 =	vor.u32 v2, v4  }
0xd: {  	vm1 =	veq.s32 v1, $0x80000000;
	v60 =	vand.u32 $0x1, v1;
	v6 =	vand.u32 $0x7F800, v1  }
0xe: {  	v61 =	vshrl.u32 v1, $0x1;
	v4 =	vsel vm1, $0xFFFFFFFF, v60;
	v3 =	vand.u32 $0xFFFFFF00, v59  }
0xf: {  	v1 =	vand.u32 $0x3FF, v61;
	v6 =	vsel vm1, $0xFFFFF800, v6;
	v2 =	vor.u32 v5, v2  }
0x10: {  	v7 =	vand.u32 $0xFFFFF800, v4;
	v4 =	vshll.u32 v4, $0x7;
	v1 =	vsel vm1, $0xFFFFFFFF, v1  }
0x11: {  	v2 =	vadd.s32 v3, v2;
	v4 =	vand.u32 $0x80, v4;
	v62 =	vadd.s32 v6, v7  }
0x12: {  	v63 =	vand.u32 $0x7F, v1;
	v1 =	vshll.u32 v1, $0x1;
	v4 =	vor.u32 v4, v62  }
0x13: {  	v1 =	vand.u32 $0xFFFFFF00, v1;
	v3 =	vor.u32 v63, v4  }
0x14: {  	v1 =	vadd.s32 v1, v3  }
0x15: {  	[tilespmem:s16], [sflag:$0x1] =	stream.indirect_vreg.gather [hbm4b:s3+s10], $0x1, v0, vm0, $0x4038;
	[tilespmem:$0x1000] =	vst v63  }
0x16: {  	s15 =	sadd.s32 $0x10, s15;
	(ifvalue) =	ssetifvalue $0x7FFFFFFF  }
0x17: {  	[tilespmem:s15], [sflag:$0x1] =	stream.indirect_vreg.gather [hbm4b:s3+s10], $0x1, v2, vm0, $0x4038;
	[tilespmem:$0x1000] =	vst v63  }
0x18: {  	s15 =	sadd.s32 $0x10, s15;
	(ifvalue) =	ssetifvalue $0x7FFFFFFF  }
0x19: {  	[tilespmem:s15], [sflag:$0x1] =	stream.indirect_vreg.gather [hbm4b:s3+s10], $0x1, v1, vm0, $0x4038;
	[tilespmem:$0x1000] =	vst v63  }
0x1a: {  	_ =	swait.ge [sflag:s6], $0x400  }
0x1b: {  	s30 =	sshrl.u32 s13, $0x3;
	[sflag:s6] =	ssyncset.done $0x0  }
0x1c: {  	s31 =	sand.u32 $0x7, s13;
	s15 =	sadd.s32 s5, s30;
	[sflag:s6] =	ssyncadd.s32 $0xFFFFFC00  }
0x1d: {  	[hbm4b:s15+s31] =	stream.linear.scatter [tilespmem:s14], [sflag:$0x3], $0x400, $0x38;
	[tilespmem:$0x1000] =	vst v63  }
.LBB2_5:
0x1e: {  	s15 =	sadd.s32 $0x8000, s11  }
0x1f: {  	p2 =	sgt.s32 s15, $0x8FFF  }
0x20: {  	s15 =	smov.u32 @p2 s2;
	p2 =	sne.s32 s12, s9  }
.Ltmp1:
0x21: {  	p1 =	slt.u32 s12, $0x2;
	(pc) =	sbr.rel @!p2 .LBB2_6-.Ltmp1, $4  }
0x22: {  	s14 =	simm.s32 @!p1 $0x3  }
0x23: {  	s16 =	sadd.s32 $0x1, s12;
	_ =	swait.ge @!p1 [sflag:s14], $0x400  }
0x24: {  	s13 =	smov.u32 s11;
	p0 =	por !p0, !p0;
	[sflag:s14] =	ssyncset.done @!p1 $0x0  }
0x25: {  	s12 =	smov.u32 s16;
	s11 =	smov.u32 s15;
	[sflag:s14] =	ssyncadd.s32 @!p1 $0xFFFFFC00  }
.LBB2_1:
0x26: {  	p1 =	sge.u32 s12, s8  }
0x27: {  	s14 =	sxor.u32 @!p1 $0xFFFFFFFF, s12  }
0x28: {  	s31 =	sadd.s32 $0xFFFFFFFF, s12;
	s15 =	sshrl.u32 @!p1 s11, $0x3;
	s14 =	sshll.u32 @!p1 s14, $0xA  }
0x29: {  	s16 =	sand.u32 @!p1 $0x7, s11;
	s15 =	sadd.s32 @!p1 s4, s15;
	s14 =	sand.u32 @!p1 $0x400, s14  }
0x2a: {  	[tilespmem:s14], [sflag:$0x2] =	stream.linear.gather @!p1 [hbm4b:s15+s16], $0x400, $0x38;
	[tilespmem:$0x1000] =	vst v63  }
0x2b: {  	p1 =	sge.u32 s31, s8  }
.Ltmp2:
0x2c: {  	_ = 	snop;
	(pc) =	sbr.rel @p1 .LBB2_5-.Ltmp2, $1  }
0x2d: {  	_ =	sdelay $0x3  }
0x2e: {  	s14 =	simm.s32 $0x1  }
0x2f: {  	_ =	swait.ge [sflag:s7], $0x400;
	s14 =	simm.s32 @!p0 $0x0  }
0x30: {  	[sflag:s7] =	ssyncset.done $0x0;
	s14 =	sshll.u32 s14, $0xA  }
0x31: {  	[sflag:s7] =	ssyncadd.s32 $0xFFFFFC00;
	(ifvalue) =	ssetifvalue $0x7FFFFFFF;
	v0 =	vld.msk [tilespmem:s14+$0x0 ss:$0x1], $0xffff  }
0x32: {  	s15 =	sadd.s32 $0x10, s14  }
0x33: {  	v1 =	vld.msk [tilespmem:s15+$0x0 ss:$0x1], $0xffff;
	_ =	sdelay $0x2  }
0x34: {  	vm1 =	veq.s32 v0, $0x80000000;
	v2 =	vand.u32 $0x1, v0;
	v3 =	vshrl.u32 v0, $0x1  }
0x35: {  	v0 =	vand.u32 $0x7F800, v0;
	v2 =	vsel vm1, $0xFFFFFFFF, v2;
	v3 =	vand.u32 $0x3FF, v3  }
0x36: {  	v0 =	vsel vm1, $0xFFFFF800, v0;
	v5 =	vand.u32 $0x7F800, v1;
	v4 =	vand.u32 $0xFFFFF800, v2  }
0x37: {  	v2 =	vshll.u32 v2, $0x7;
	v3 =	vsel vm1, $0xFFFFFFFF, v3;
	vm1 =	veq.s32 v1, $0x80000000  }
0x38: {  	v2 =	vand.u32 $0x80, v2;
	v0 =	vadd.s32 v0, v4;
	v4 =	vand.u32 $0x7F, v3  }
0x39: {  	v3 =	vshll.u32 v3, $0x1;
	v5 =	vsel vm1, $0xFFFFF800, v5;
	v0 =	vor.u32 v2, v0  }
0x3a: {  	s17 =	sadd.s32 $0x10, s15;
	v2 =	vand.u32 $0x1, v1;
	v1 =	vshrl.u32 v1, $0x1;
	v6 =	vand.u32 $0xFFFFFF00, v3  }
0x3b: {  	s16 =	sshll.u32 s12, $0xA;
	v2 =	vsel vm1, $0xFFFFFFFF, v2;
	v3 =	vand.u32 $0x3FF, v1;
	v1 =	vld.msk [tilespmem:s17+$0x0 ss:$0x1], $0xffff;
	v0 =	vor.u32 v4, v0  }
0x3c: {  	s18 =	simm.s32 $0x20;
	s31 =	sand.u32 $0x400, s16;
	s15 =	sor.u32 $0x800, s14;
	v7 =	vand.u32 $0xFFFFF800, v2;
	v2 =	vshll.u32 v2, $0x7;
	v3 =	vsel vm1, $0xFFFFFFFF, v3  }
0x3d: {  	s14 =	sor.u32 $0x800, s31;
	s16 =	smov.u32 s15;
	(ifvalue) =	ssetifvalue $0x7FFFFFFF;
	v0 =	vadd.s32 v6, v0;
	v2 =	vand.u32 $0x80, v2;
	v4 =	vadd.s32 v5, v7  }
.LBB2_3:
0x3e: {  	s18 =	sadd.s32 $0x10, s18  }
0x3f: {  	s17 =	sadd.s32 $0x10, s17;
	v5 =	vand.u32 $0x7F, v3;
	v3 =	vshll.u32 v3, $0x1;
	v4 =	vor.u32 v2, v4;
	s15 =	sadd.s32 $0x10, s15;
	p1 =	slt.u32 s18, $0x3F0  }
.Ltmp3:
0x40: {  	vm1 =	veq.s32 v1, $0x80000000;
	v2 =	vand.u32 $0x1, v1;
	v6 =	vand.u32 $0x7F800, v1;
	v7 =	vmovc v1;
	v1 =	vld.msk [tilespmem:s17+$0x0 ss:$0x1], $0xffff;
	(pc) =	sbr.rel @p1 .LBB2_3-.Ltmp3, $4  }
0x41: {  	v2 =	vsel vm1, $0xFFFFFFFF, v2;
	v7 =	vshrl.u32 v7, $0x1;
	v8 =	vand.u32 $0xFFFFFF00, v3  }
0x42: {  	v3 =	vand.u32 $0x3FF, v7;
	v7 =	vand.u32 $0xFFFFF800, v2;
	v2 =	vshll.u32 v2, $0x7  }
0x43: {  	v6 =	vsel vm1, $0xFFFFF800, v6;
	v5 =	vor.u32 v5, v4;
	v2 =	vand.u32 $0x80, v2;
	[tilespmem:s16], [sflag:$0x1] =	stream.indirect_vreg.gather [hbm4b:s3+s10], $0x1, v0, vm0, $0x4038;
	[tilespmem:$0x1000] =	vst v63  }
0x44: {  	v3 =	vsel vm1, $0xFFFFFFFF, v3;
	v4 =	vadd.s32 v6, v7;
	v0 =	vadd.s32 v8, v5;
	s16 =	smov.u32 s15;
	(ifvalue) =	ssetifvalue $0x7FFFFFFF  }
.Ltmp4:
0x45: {  	_ = 	snop;
	(pc) =	sbr.rel .LBB2_4-.Ltmp4, $1  }
0x46: {  	_ =	sdelay $0x3  }
.LBB2_6:
0x47: {  	_ =	sfence.sel $0x180000  }
0x48: {  	s2 =	simm.s32 $0x2;
	[bflag:$0x0] =	sbarrier.arrive $0xFFFF  }
0x49: {  	s30 =	simm.s32 $0x3;
	[sflag:s2] =	ssyncpa.u1 $0x1  }
0x4a: {  	s31 =	simm.s32 $0x1;
	[sflag:s30] =	ssyncpa.u1 $0x1  }
0x4b: {  	[sflag:s31] =	ssyncpa.u1 $0x1  }
0x4c: {  	p0 =	sne.s32 s1, $0x0;
	_ =	strace $0x90000056  }
0x4d: {  	s0 =	sadd.s32 @!p0 $0x100000, s0;
	[bflag:$0x2] =	sbarrier.arrive $0xFFFF  }
0x4e: {  	[sflag:s0] =	ssyncadd.tile.s32 @!p0 $0x1;
	_ =	shalt  }
.Lfunc_end2:
_tile_overlayer_lowered:
.L_overlay_start_2:
0x4f: {  	(tag) =	ssettag $0x2  }
0x50: {  	s0 =	rddreg [dreg:$0x0];
	s2 =	stileid.u32  }
0x51: {  	s1 =	rddreg [dreg:$0x1];
	p0 =	sne.s32 s2, $0x0  }
0x52: {  	s3 =	rddreg [dreg:$0x2];
	[bflag:$0x3] =	sbarrier.arrive $0xFFFF;
	s2 =	simm.s32 @!p0 $0x1C01  }
0x53: {  	[timem:s3], [sflag:s2] =	dma.local @!p0 [hbm:s0], s1  }
0x54: {  	s0 =	simm.s32 @!p0 $0x1  }
0x55: {  	_ =	swait.ge @!p0 [sflag:s0], s1  }
0x56: {  	s1 =	ssub.s32 @!p0 $0x0, s1;
	[sflag:s0] =	ssyncset.done @!p0 $0x0  }
0x57: {  	[sflag:s0] =	ssyncadd.s32 @!p0 s1  }
0x58: {  	[bflag:$0x3] =	sbarrier.arrive $0xFFFF  }
0x59: {  	_ =	shalt  }

// kernel: gather_offload_async_start.6
scs
__scs_entry_jumppad:
0x0: {  	(pc) =	sbr.rel $0x88, $3  }
0x1: {  	(tag) =	ssettag $0x0;
	lr =	simm.s32 $0x1  }
0x2: {  	[smem:$0x3F96] =	sst lr;
	_ =	strace $0xD0000000  }
0x3: {  	_ = 	snop  }
0x4: {  	_ = 	snop  }
0x5: {  	_ = 	snop  }
0x6: {  	_ = 	snop  }
0x7: {  	_ = 	snop  }
__scs_overlays_trampoline_lowered:
0x8: {  	[smem:$0x3FA5] =	sst s0  }
0x9: {  	[smem:$0x3FA6] =	sst s1  }
0xa: {  	[smem:$0x3FA7] =	sst s2  }
0xb: {  	[smem:$0x3FA8] =	sst s3  }
0xc: {  	[smem:$0x3FA9] =	sst s4  }
0xd: {  	[smem:$0x3FAA] =	sst s5  }
0xe: {  	[smem:$0x3FAB] =	sst s6  }
0xf: {  	[smem:$0x3FAC] =	sst s7  }
0x10: {  	[smem:$0x3FAD] =	sst s8  }
0x11: {  	[smem:$0x3FAE] =	sst s9;
	s0 =	simm.s32 @!p0 $0x0  }
0x12: {  	s1 =	sld [smem:$0x3F94];
	s0 =	simm.s32 @p0 $0x1  }
0x13: {  	[smem:$0x3FAF] =	sst s0;
	s0 =	simm.s32 @!p1 $0x0  }
0x14: {  	s2 =	sld [smem:$0x3F93];
	s0 =	simm.s32 @p1 $0x1  }
0x15: {  	[smem:$0x3FB0] =	sst s0;
	s0 =	simm.s32 @!p2 $0x0  }
0x16: {  	s3 =	sld [smem:$0x3FDB];
	s0 =	simm.s32 @p2 $0x1  }
0x17: {  	s4 =	simm.s32 $0x1BF5;
	[smem:$0x3FB2] =	sst s0  }
0x18: {  	s0 =	sld [smem:$0x3F95];
	_ =	swait.ge [sflag:s4], $0x0  }
0x19: {  	s7 =	sld [smem:$0x3F96]  }
0x1a: {  	s8 =	sadd.s32 $0xFFFFE003, lr  }
0x1b: {  	s9 =	sadd.s32 $0xFFFFFEF7, lr;
	s5 =	simm.s32 $0xFFFFFFFF;
	p2 =	slt.u32 s8, $0xFFFFF086  }
0x1c: {  	p1 =	slt.u32 s9, $0xF7A;
	s5 =	simm.s32 @!p2 $0x0  }
0x1d: {  	s5 =	simm.s32 @p1 $0x1;
	p0 =	seq.s32 s7, s2  }
0x1e: {  	s7 =	smul.u32 @!p0 $0xF7A, s2;
	p2 =	seq.s32 @!p0 s5, $0x0  }
0x1f: {  	s9 =	smul.u32 $0xF7A, s1;
	s8 =	simm.s32 @!p0 $0x1BF5;
	p2 =	por !p2, p0  }
0x20: {  	[sflag:s8] =	ssyncset.s32 @!p0 $0xFFFFF086;
	s6 =	sadd.s32 @!p0 s3, s7;
	s7 =	simm.s32 @!p0 $0x108  }
0x21: {  	s3 =	sadd.s32 s3, s9;
	s6 =	sadd.s32 @!p0 $0x88, s6;
	s7 =	simm.s32 @p2 $0x1082  }
0x22: {  	[simem:s7], [sflag:s8] =	dma.local @!p0 [hbm:s6], $0xF7A  }
0x23: {  	s9 =	sor.u32 $0xD0000000, s2;
	s6 =	simm.s32 $0x108;
	_ =	swait.ge @!p0 [sflag:s8], $0x0  }
0x24: {  	s3 =	sadd.s32 $0x88, s3;
	s6 =	simm.s32 @!p1 $0x1082;
	[sflag:s4] =	ssyncset.s32 $0xFFFFF086  }
0x25: {  	[simem:s6], [sflag:s4] =	dma.local [hbm:s3], $0xF7A  }
0x26: {  	[smem:$0x3F96] =	sst s1;
	(tag) =	ssettag s2;
	_ =	strace s9  }
0x27: {  	s1 =	sld [smem:$0x3FA6]  }
0x28: {  	s2 =	sld [smem:$0x3FA7]  }
0x29: {  	s4 =	sld [smem:$0x3FA9]  }
0x2a: {  	p0 =	seq.s32 s5, $0x0;
	s5 =	sld [smem:$0x3FAA]  }
0x2b: {  	s6 =	sld [smem:$0x3FAB]  }
0x2c: {  	s7 =	sld [smem:$0x3FAC]  }
0x2d: {  	s3 =	simm.s32 $0x108;
	s8 =	sld [smem:$0x3FAD]  }
0x2e: {  	s3 =	simm.s32 @!p0 $0x1082;
	s9 =	sld [smem:$0x3FAE]  }
0x2f: {  	lr =	sadd.s32 s0, s3;
	s0 =	sld [smem:$0x3FA5]  }
0x30: {  	s3 =	sld [smem:$0x3FA8]  }
0x31: {  	[smem:$0x3FB1] =	sst s10  }
0x32: {  	s10 =	sld [smem:$0x3FAF];
	_ =	sdelay $0x3  }
0x33: {  	p0 =	seq.s32 s10, $0x1;
	s10 =	sld [smem:$0x3FB1];
	_ =	sdelay $0x3  }
0x34: {  	[smem:$0x3FB1] =	sst s10  }
0x35: {  	s10 =	sld [smem:$0x3FB0];
	_ =	sdelay $0x3  }
0x36: {  	p1 =	seq.s32 s10, $0x1;
	s10 =	sld [smem:$0x3FB1];
	_ =	sdelay $0x3  }
0x37: {  	[smem:$0x3FB1] =	sst s10  }
0x38: {  	s10 =	sld [smem:$0x3FB2]  }
0x39: {  	_ = 	snop;
	(pc) =	sbr.ind lr, $3  }
0x3a: {  	_ = 	snop  }
0x3b: {  	_ = 	snop  }
0x3c: {  	p2 =	seq.s32 s10, $0x1;
	s10 =	sld [smem:$0x3FB1]  }
0x3d: {  	_ =	shalt  }
0x3e: {  	_ =	shalt  }
0x3f: {  	_ =	shalt  }
0x40: {  	_ =	shalt  }
0x41: {  	_ =	shalt  }
0x42: {  	_ =	shalt  }
0x43: {  	_ =	shalt  }
0x44: {  	_ =	shalt  }
0x45: {  	_ =	shalt  }
0x46: {  	_ =	shalt  }
0x47: {  	_ =	shalt  }
0x48: {  	_ =	shalt  }
0x49: {  	_ =	shalt  }
0x4a: {  	_ =	shalt  }
0x4b: {  	_ =	shalt  }
0x4c: {  	_ =	shalt  }
0x4d: {  	_ =	shalt  }
0x4e: {  	_ =	shalt  }
0x4f: {  	_ =	shalt  }
0x50: {  	_ =	shalt  }
0x51: {  	_ =	shalt  }
0x52: {  	_ =	shalt  }
0x53: {  	_ =	shalt  }
0x54: {  	_ =	shalt  }
0x55: {  	_ =	shalt  }
0x56: {  	_ =	shalt  }
0x57: {  	_ =	shalt  }
0x58: {  	_ =	shalt  }
0x59: {  	_ =	shalt  }
0x5a: {  	_ =	shalt  }
0x5b: {  	_ =	shalt  }
0x5c: {  	_ =	shalt  }
0x5d: {  	_ =	shalt  }
0x5e: {  	_ =	shalt  }
0x5f: {  	_ =	shalt  }
0x60: {  	_ =	shalt  }
0x61: {  	_ =	shalt  }
0x62: {  	_ =	shalt  }
0x63: {  	_ =	shalt  }
0x64: {  	_ =	shalt  }
0x65: {  	_ =	shalt  }
0x66: {  	_ =	shalt  }
0x67: {  	_ =	shalt  }
0x68: {  	_ =	shalt  }
0x69: {  	_ =	shalt  }
0x6a: {  	_ =	shalt  }
0x6b: {  	_ =	shalt  }
0x6c: {  	_ =	shalt  }
0x6d: {  	_ =	shalt  }
0x6e: {  	_ =	shalt  }
0x6f: {  	_ =	shalt  }
0x70: {  	_ =	shalt  }
0x71: {  	_ =	shalt  }
0x72: {  	_ =	shalt  }
0x73: {  	_ =	shalt  }
0x74: {  	_ =	shalt  }
0x75: {  	_ =	shalt  }
0x76: {  	_ =	shalt  }
0x77: {  	_ =	shalt  }
0x78: {  	_ =	shalt  }
0x79: {  	_ =	shalt  }
0x7a: {  	_ =	shalt  }
0x7b: {  	_ =	shalt  }
0x7c: {  	_ =	shalt  }
0x7d: {  	_ =	shalt  }
0x7e: {  	_ =	shalt  }
0x7f: {  	_ =	shalt  }
0x80: {  	_ =	shalt  }
0x81: {  	_ =	shalt  }
0x82: {  	_ =	shalt  }
0x83: {  	_ =	shalt  }
0x84: {  	_ =	shalt  }
0x85: {  	_ =	shalt  }
0x86: {  	_ =	shalt  }
0x87: {  	_ =	shalt  }
.Lfunc_end0:
.L_simem_size_0:
called_computation.6_lowered:
.L_overlay_start_0:
0x88: {  	s2 =	sld [smem:$0x3FD9]  }
0x89: {  	s3 =	sld [smem:$0x3FFE];
	_ =	sdelay $0x1  }
0x8a: {  	s1 =	srdreg.scid  }
0x8b: {  	s0 =	sand.u32 $0x1, s1  }
0x8c: {  	s16 =	sshll.u32 s0, $0xA;
	s2 =	sadd.s32 s3, s2  }
0x8d: {  	s2 =	sadd.s32 s2, s16  }
0x8e: {  	[smem:$0x3FBD] =	sst s2  }
0x8f: {  	_ = 	snop  }
0x90: {  	(tm) =	ssettm $0x1  }
0x91: {  	s17 =	sld [smem:$0x3FFB];
	_ =	sdelay $0x3  }
0x92: {  	_ =	strace s17  }
0x93: {  	s2 =	sld [smem:$0x3FFC];
	_ =	sdelay $0x3  }
0x94: {  	_ =	strace s2  }
0x95: {  	s2 =	sld [smem:$0x3FFD];
	_ =	sdelay $0x3  }
0x96: {  	_ =	strace s2  }
0x97: {  	_ =	strace $0x8FFFFFFF  }
0x98: {  	s18 =	sld [smem:$0x3FDB];
	_ =	sdelay $0x1  }
0x99: {  	s19 =	simm.s32 $_scs_section_size  }
0x9a: {  	s4 =	simm.s32 $_size__tile_overlayer_lowered;
	s5 =	simm.s32 $_tile_overlayer_lowered  }
0x9b: {  	s22 =	simm.s32 $0x1BFF;
	s21 =	sshll.u32 s5, $0x1;
	s2 =	sadd.s32 s19, s18  }
0x9c: {  	s6 =	simm.s32 $0x0;
	s20 =	sshll.u32 s4, $0x1;
	s4 =	sadd.s32 s21, s2  }
0x9d: {  	[timem:s6], [sflag:s22] =	dma.local [hbm:s4], s20  }
0x9e: {  	_ =	swait.ge [sflag:s22], s20  }
0x9f: {  	s3 =	ssub.s32 $0x0, s20;
	[sflag:s22] =	ssyncset.done $0x0  }
0xa0: {  	[sflag:s22] =	ssyncadd.s32 s3;
	_ =	sdelay $0x1  }
0xa1: {  	s23 =	simm.s32 $0x1B8B  }
0xa2: {  	_ =	swait.ge [sflag:s23], $0x1  }
0xa3: {  	[sflag:s23] =	ssyncset.done $0x0  }
0xa4: {  	s25 =	simm.s32 $0x1B8E;
	s24 =	sld [smem:$0x3FFE];
	[sflag:s23] =	ssyncadd.s32 $0xFFFFFFFF  }
0xa5: {  	s26 =	simm.s32 $execute0_lowered;
	[smem:$0x3FD2] =	sst s25  }
0xa6: {  	s4 =	sshll.u32 s26, $0x1;
	_ =	strace $0x80000058;
	[dreg:$0x1] =	wrdreg $0xFFFFFFFF  }
0xa7: {  	s28 =	simm.s32 $_size_execute0_lowered;
	s2 =	sadd.s32 s2, s4;
	[dreg:$0x0] =	wrdreg $0x0  }
0xa8: {  	s4 =	sshll.u32 s28, $0x1;
	[dreg:$0x2] =	wrdreg s2  }
0xa9: {  	[dreg:$0x3] =	wrdreg s4  }
0xaa: {  	[dreg:$0x4] =	wrdreg $0xC0  }
0xab: {  	_ =	task [dreg:s6], $0x5FFFF  }
0xac: {  	[dreg:$0x1] =	wrdreg $0xFFFFFFFF  }
0xad: {  	[dreg:$0x0] =	wrdreg $0x60  }
0xae: {  	[dreg:$0x2] =	wrdreg s24  }
0xaf: {  	[dreg:$0x3] =	wrdreg $0x9  }
0xb0: {  	_ =	task.clear_ibuf [dreg:s6], $0x4FFFF;
	_ =	strace $0x90000058  }
0xb1: {  	s29 =	simm.s32 $0x9;
	_ =	strace $0x8000005A  }
0xb2: {  	_ =	swait.ge [sflag:s29], $0x1  }
0xb3: {  	[sflag:s29] =	ssyncadd.s32 $0xFFFFFFFF  }
0xb4: {  	_ =	strace $0x9000005A  }
0xb5: {  	_ =	sfence  }
0xb6: {  	s30 =	sld [smem:$0x0];
	_ =	sdelay $0x2  }
0xb7: {  	s31 =	sshll.u32 s1, $0xD;
	s1 =	sshrl.u32 s1, $0x2  }
0xb8: {  	s3 =	sand.u32 $0x4000, s31;
	s1 =	sadd.s32 s1, s30  }
0xb9: {  	s0 =	sor.u32 s3, s0;
	s1 =	sshll.u32 s1, $0x11  }
0xba: {  	s0 =	sor.u32 s1, s0  }
0xbb: {  	s0 =	sadd.s32 $0x8F2B, s0  }
0xbc: {  	[sflag:s0] =	ssyncadd.remote.s32 $0x1  }
0xbd: {  	_ =	sfence.sel $0xFFFF  }
0xbe: {  	[dreg:$0x0] =	wrdreg $0xFFFFFFFF;
	(pc) =	sbr.abs _section_cstart, $3  }
0xbf: {  	[dreg:$0x1] =	wrdreg $0xFFFFFFFF  }
0xc0: {  	_ =	task.clear_ibuf [dreg:s6], $0x2FFFF;
	_ =	strace $0x9FFFFFFF  }
0xc1: {  	(tm) =	ssettm $0x7FFFFFFF  }
tec
execute0_lowered:
.L_overlay_start_1:
0x0: {  	(tag) =	ssettag $0x1  }
0x1: {  	s0 =	srdreg.scid;
	s5 =	rddreg [dreg:$0x0]  }
0x2: {  	s1 =	stileid.u32;
	s6 =	simm.s32 $0x1;
	s9 =	simm.s32 $0x1  }
0x3: {  	s10 =	simm.s32 $0x3;
	s13 =	simm.s32 $0x0;
	s2 =	sshll.u32 s0, $0xA  }
0x4: {  	s12 =	simm.s32 $0x0;
	s3 =	sshll.u32 s1, $0xB;
	s2 =	sand.u32 $0x400, s2  }
0x5: {  	s0 =	rddreg [dreg:$0x1];
	_ =	strace $0x80000059;
	s2 =	sor.u32 s3, s2  }
0x6: {  	s4 =	sadd.s32 $0xC0A00, s5;
	[sflag:s6] =	ssyncpa.u1 $0x0;
	s8 =	ssub.s32 $0x9000, s2  }
.Ltmp0:
0x7: {  	s3 =	sadd.s32 $0x9AA00, s5;
	s7 =	sand.u32 $0x7C00, s8;
	(pc) =	sbr.rel .LBB2_1-.Ltmp0, $4  }
0x8: {  	s5 =	sadd.s32 $0xA3A00, s5;
	s11 =	smov.u32 s2;
	p0 =	sne.s32 s7, $0x0  }
0x9: {  	s8 =	sshrl.u32 s8, $0xF;
	s7 =	simm.s32 $0x2;
	s9 =	simm.s32 @!p0 $0x0  }
0xa: {  	[sflag:s7] =	ssyncpa.u1 $0x0;
	p0 =	por $0x0, $0x0;
	s8 =	sadd.s32 s9, s8  }
0xb: {  	vm0 =	vmmov $0xffff;
	[sflag:s10] =	ssyncpa.u1 $0x0;
	s10 =	simm.s32 $0x0;
	s9 =	sadd.s32 $0x1, s8  }
.LBB2_4:
0xc: {  	v5 =	vand.u32 $0x7F, v3;
	v59 =	vshll.u32 v3, $0x1;
	v2 =	vor.u32 v2, v4  }
0xd: {  	vm1 =	veq.s32 v1, $0x80000000;
	v60 =	vand.u32 $0x1, v1;
	v6 =	vand.u32 $0x7F800, v1  }
0xe: {  	v61 =	vshrl.u32 v1, $0x1;
	v4 =	vsel vm1, $0xFFFFFFFF, v60;
	v3 =	vand.u32 $0xFFFFFF00, v59  }
0xf: {  	v1 =	vand.u32 $0x3FF, v61;
	v6 =	vsel vm1, $0xFFFFF800, v6;
	v2 =	vor.u32 v5, v2  }
0x10: {  	v7 =	vand.u32 $0xFFFFF800, v4;
	v4 =	vshll.u32 v4, $0x7;
	v1 =	vsel vm1, $0xFFFFFFFF, v1  }
0x11: {  	v2 =	vadd.s32 v3, v2;
	v4 =	vand.u32 $0x80, v4;
	v62 =	vadd.s32 v6, v7  }
0x12: {  	v63 =	vand.u32 $0x7F, v1;
	v1 =	vshll.u32 v1, $0x1;
	v4 =	vor.u32 v4, v62  }
0x13: {  	v1 =	vand.u32 $0xFFFFFF00, v1;
	v3 =	vor.u32 v63, v4  }
0x14: {  	v1 =	vadd.s32 v1, v3  }
0x15: {  	[tilespmem:s16], [sflag:$0x1] =	stream.indirect_vreg.gather [hbm4b:s3+s10], $0x1, v0, vm0, $0x4038;
	[tilespmem:$0x1000] =	vst v63  }
0x16: {  	s15 =	sadd.s32 $0x10, s15;
	(ifvalue) =	ssetifvalue $0x7FFFFFFF  }
0x17: {  	[tilespmem:s15], [sflag:$0x1] =	stream.indirect_vreg.gather [hbm4b:s3+s10], $0x1, v2, vm0, $0x4038;
	[tilespmem:$0x1000] =	vst v63  }
0x18: {  	s15 =	sadd.s32 $0x10, s15;
	(ifvalue) =	ssetifvalue $0x7FFFFFFF  }
0x19: {  	[tilespmem:s15], [sflag:$0x1] =	stream.indirect_vreg.gather [hbm4b:s3+s10], $0x1, v1, vm0, $0x4038;
	[tilespmem:$0x1000] =	vst v63  }
0x1a: {  	_ =	swait.ge [sflag:s6], $0x400  }
0x1b: {  	s30 =	sshrl.u32 s13, $0x3;
	[sflag:s6] =	ssyncset.done $0x0  }
0x1c: {  	s31 =	sand.u32 $0x7, s13;
	s15 =	sadd.s32 s5, s30;
	[sflag:s6] =	ssyncadd.s32 $0xFFFFFC00  }
0x1d: {  	[hbm4b:s15+s31] =	stream.linear.scatter [tilespmem:s14], [sflag:$0x3], $0x400, $0x38;
	[tilespmem:$0x1000] =	vst v63  }
.LBB2_5:
0x1e: {  	s15 =	sadd.s32 $0x8000, s11  }
0x1f: {  	p2 =	sgt.s32 s15, $0x8FFF  }
0x20: {  	s15 =	smov.u32 @p2 s2;
	p2 =	sne.s32 s12, s9  }
.Ltmp1:
0x21: {  	p1 =	slt.u32 s12, $0x2;
	(pc) =	sbr.rel @!p2 .LBB2_6-.Ltmp1, $4  }
0x22: {  	s14 =	simm.s32 @!p1 $0x3  }
0x23: {  	s16 =	sadd.s32 $0x1, s12;
	_ =	swait.ge @!p1 [sflag:s14], $0x400  }
0x24: {  	s13 =	smov.u32 s11;
	p0 =	por !p0, !p0;
	[sflag:s14] =	ssyncset.done @!p1 $0x0  }
0x25: {  	s12 =	smov.u32 s16;
	s11 =	smov.u32 s15;
	[sflag:s14] =	ssyncadd.s32 @!p1 $0xFFFFFC00  }
.LBB2_1:
0x26: {  	p1 =	sge.u32 s12, s8  }
0x27: {  	s14 =	sxor.u32 @!p1 $0xFFFFFFFF, s12  }
0x28: {  	s31 =	sadd.s32 $0xFFFFFFFF, s12;
	s15 =	sshrl.u32 @!p1 s11, $0x3;
	s14 =	sshll.u32 @!p1 s14, $0xA  }
0x29: {  	s16 =	sand.u32 @!p1 $0x7, s11;
	s15 =	sadd.s32 @!p1 s4, s15;
	s14 =	sand.u32 @!p1 $0x400, s14  }
0x2a: {  	[tilespmem:s14], [sflag:$0x2] =	stream.linear.gather @!p1 [hbm4b:s15+s16], $0x400, $0x38;
	[tilespmem:$0x1000] =	vst v63  }
0x2b: {  	p1 =	sge.u32 s31, s8  }
.Ltmp2:
0x2c: {  	_ = 	snop;
	(pc) =	sbr.rel @p1 .LBB2_5-.Ltmp2, $1  }
0x2d: {  	_ =	sdelay $0x3  }
0x2e: {  	s14 =	simm.s32 $0x1  }
0x2f: {  	_ =	swait.ge [sflag:s7], $0x400;
	s14 =	simm.s32 @!p0 $0x0  }
0x30: {  	[sflag:s7] =	ssyncset.done $0x0;
	s14 =	sshll.u32 s14, $0xA  }
0x31: {  	[sflag:s7] =	ssyncadd.s32 $0xFFFFFC00;
	(ifvalue) =	ssetifvalue $0x7FFFFFFF;
	v0 =	vld.msk [tilespmem:s14+$0x0 ss:$0x1], $0xffff  }
0x32: {  	s15 =	sadd.s32 $0x10, s14  }
0x33: {  	v1 =	vld.msk [tilespmem:s15+$0x0 ss:$0x1], $0xffff;
	_ =	sdelay $0x2  }
0x34: {  	vm1 =	veq.s32 v0, $0x80000000;
	v2 =	vand.u32 $0x1, v0;
	v3 =	vshrl.u32 v0, $0x1  }
0x35: {  	v0 =	vand.u32 $0x7F800, v0;
	v2 =	vsel vm1, $0xFFFFFFFF, v2;
	v3 =	vand.u32 $0x3FF, v3  }
0x36: {  	v0 =	vsel vm1, $0xFFFFF800, v0;
	v5 =	vand.u32 $0x7F800, v1;
	v4 =	vand.u32 $0xFFFFF800, v2  }
0x37: {  	v2 =	vshll.u32 v2, $0x7;
	v3 =	vsel vm1, $0xFFFFFFFF, v3;
	vm1 =	veq.s32 v1, $0x80000000  }
0x38: {  	v2 =	vand.u32 $0x80, v2;
	v0 =	vadd.s32 v0, v4;
	v4 =	vand.u32 $0x7F, v3  }
0x39: {  	v3 =	vshll.u32 v3, $0x1;
	v5 =	vsel vm1, $0xFFFFF800, v5;
	v0 =	vor.u32 v2, v0  }
0x3a: {  	s17 =	sadd.s32 $0x10, s15;
	v2 =	vand.u32 $0x1, v1;
	v1 =	vshrl.u32 v1, $0x1;
	v6 =	vand.u32 $0xFFFFFF00, v3  }
0x3b: {  	s16 =	sshll.u32 s12, $0xA;
	v2 =	vsel vm1, $0xFFFFFFFF, v2;
	v3 =	vand.u32 $0x3FF, v1;
	v1 =	vld.msk [tilespmem:s17+$0x0 ss:$0x1], $0xffff;
	v0 =	vor.u32 v4, v0  }
0x3c: {  	s18 =	simm.s32 $0x20;
	s31 =	sand.u32 $0x400, s16;
	s15 =	sor.u32 $0x800, s14;
	v7 =	vand.u32 $0xFFFFF800, v2;
	v2 =	vshll.u32 v2, $0x7;
	v3 =	vsel vm1, $0xFFFFFFFF, v3  }
0x3d: {  	s14 =	sor.u32 $0x800, s31;
	s16 =	smov.u32 s15;
	(ifvalue) =	ssetifvalue $0x7FFFFFFF;
	v0 =	vadd.s32 v6, v0;
	v2 =	vand.u32 $0x80, v2;
	v4 =	vadd.s32 v5, v7  }
.LBB2_3:
0x3e: {  	s18 =	sadd.s32 $0x10, s18  }
0x3f: {  	s17 =	sadd.s32 $0x10, s17;
	v5 =	vand.u32 $0x7F, v3;
	v3 =	vshll.u32 v3, $0x1;
	v4 =	vor.u32 v2, v4;
	s15 =	sadd.s32 $0x10, s15;
	p1 =	slt.u32 s18, $0x3F0  }
.Ltmp3:
0x40: {  	vm1 =	veq.s32 v1, $0x80000000;
	v2 =	vand.u32 $0x1, v1;
	v6 =	vand.u32 $0x7F800, v1;
	v7 =	vmovc v1;
	v1 =	vld.msk [tilespmem:s17+$0x0 ss:$0x1], $0xffff;
	(pc) =	sbr.rel @p1 .LBB2_3-.Ltmp3, $4  }
0x41: {  	v2 =	vsel vm1, $0xFFFFFFFF, v2;
	v7 =	vshrl.u32 v7, $0x1;
	v8 =	vand.u32 $0xFFFFFF00, v3  }
0x42: {  	v3 =	vand.u32 $0x3FF, v7;
	v7 =	vand.u32 $0xFFFFF800, v2;
	v2 =	vshll.u32 v2, $0x7  }
0x43: {  	v6 =	vsel vm1, $0xFFFFF800, v6;
	v5 =	vor.u32 v5, v4;
	v2 =	vand.u32 $0x80, v2;
	[tilespmem:s16], [sflag:$0x1] =	stream.indirect_vreg.gather [hbm4b:s3+s10], $0x1, v0, vm0, $0x4038;
	[tilespmem:$0x1000] =	vst v63  }
0x44: {  	v3 =	vsel vm1, $0xFFFFFFFF, v3;
	v4 =	vadd.s32 v6, v7;
	v0 =	vadd.s32 v8, v5;
	s16 =	smov.u32 s15;
	(ifvalue) =	ssetifvalue $0x7FFFFFFF  }
.Ltmp4:
0x45: {  	_ = 	snop;
	(pc) =	sbr.rel .LBB2_4-.Ltmp4, $1  }
0x46: {  	_ =	sdelay $0x3  }
.LBB2_6:
0x47: {  	_ =	sfence.sel $0x180000  }
0x48: {  	s2 =	simm.s32 $0x2;
	[bflag:$0x0] =	sbarrier.arrive $0xFFFF  }
0x49: {  	s30 =	simm.s32 $0x3;
	[sflag:s2] =	ssyncpa.u1 $0x1  }
0x4a: {  	s31 =	simm.s32 $0x1;
	[sflag:s30] =	ssyncpa.u1 $0x1  }
0x4b: {  	[sflag:s31] =	ssyncpa.u1 $0x1  }
0x4c: {  	p0 =	sne.s32 s1, $0x0;
	_ =	strace $0x90000059  }
0x4d: {  	s0 =	sadd.s32 @!p0 $0x100000, s0;
	[bflag:$0x2] =	sbarrier.arrive $0xFFFF  }
0x4e: {  	[sflag:s0] =	ssyncadd.tile.s32 @!p0 $0x1;
	_ =	shalt  }
.Lfunc_end2:
_tile_overlayer_lowered:
.L_overlay_start_2:
0x4f: {  	(tag) =	ssettag $0x2  }
0x50: {  	s0 =	rddreg [dreg:$0x0];
	s2 =	stileid.u32  }
0x51: {  	s1 =	rddreg [dreg:$0x1];
	p0 =	sne.s32 s2, $0x0  }
0x52: {  	s3 =	rddreg [dreg:$0x2];
	[bflag:$0x3] =	sbarrier.arrive $0xFFFF;
	s2 =	simm.s32 @!p0 $0x1C01  }
0x53: {  	[timem:s3], [sflag:s2] =	dma.local @!p0 [hbm:s0], s1  }
0x54: {  	s0 =	simm.s32 @!p0 $0x1  }
0x55: {  	_ =	swait.ge @!p0 [sflag:s0], s1  }
0x56: {  	s1 =	ssub.s32 @!p0 $0x0, s1;
	[sflag:s0] =	ssyncset.done @!p0 $0x0  }
0x57: {  	[sflag:s0] =	ssyncadd.s32 @!p0 s1  }
0x58: {  	[bflag:$0x3] =	sbarrier.arrive $0xFFFF  }
0x59: {  	_ =	shalt  }

// kernel: gather_offload_async_start.7
scs
__scs_entry_jumppad:
0x0: {  	(pc) =	sbr.rel $0x88, $3  }
0x1: {  	(tag) =	ssettag $0x0;
	lr =	simm.s32 $0x1  }
0x2: {  	[smem:$0x3F96] =	sst lr;
	_ =	strace $0xD0000000  }
0x3: {  	_ = 	snop  }
0x4: {  	_ = 	snop  }
0x5: {  	_ = 	snop  }
0x6: {  	_ = 	snop  }
0x7: {  	_ = 	snop  }
__scs_overlays_trampoline_lowered:
0x8: {  	[smem:$0x3FA5] =	sst s0  }
0x9: {  	[smem:$0x3FA6] =	sst s1  }
0xa: {  	[smem:$0x3FA7] =	sst s2  }
0xb: {  	[smem:$0x3FA8] =	sst s3  }
0xc: {  	[smem:$0x3FA9] =	sst s4  }
0xd: {  	[smem:$0x3FAA] =	sst s5  }
0xe: {  	[smem:$0x3FAB] =	sst s6  }
0xf: {  	[smem:$0x3FAC] =	sst s7  }
0x10: {  	[smem:$0x3FAD] =	sst s8  }
0x11: {  	[smem:$0x3FAE] =	sst s9;
	s0 =	simm.s32 @!p0 $0x0  }
0x12: {  	s1 =	sld [smem:$0x3F94];
	s0 =	simm.s32 @p0 $0x1  }
0x13: {  	[smem:$0x3FAF] =	sst s0;
	s0 =	simm.s32 @!p1 $0x0  }
0x14: {  	s2 =	sld [smem:$0x3F93];
	s0 =	simm.s32 @p1 $0x1  }
0x15: {  	[smem:$0x3FB0] =	sst s0;
	s0 =	simm.s32 @!p2 $0x0  }
0x16: {  	s3 =	sld [smem:$0x3FDB];
	s0 =	simm.s32 @p2 $0x1  }
0x17: {  	s4 =	simm.s32 $0x1BF5;
	[smem:$0x3FB2] =	sst s0  }
0x18: {  	s0 =	sld [smem:$0x3F95];
	_ =	swait.ge [sflag:s4], $0x0  }
0x19: {  	s7 =	sld [smem:$0x3F96]  }
0x1a: {  	s8 =	sadd.s32 $0xFFFFE003, lr  }
0x1b: {  	s9 =	sadd.s32 $0xFFFFFEF7, lr;
	s5 =	simm.s32 $0xFFFFFFFF;
	p2 =	slt.u32 s8, $0xFFFFF086  }
0x1c: {  	p1 =	slt.u32 s9, $0xF7A;
	s5 =	simm.s32 @!p2 $0x0  }
0x1d: {  	s5 =	simm.s32 @p1 $0x1;
	p0 =	seq.s32 s7, s2  }
0x1e: {  	s7 =	smul.u32 @!p0 $0xF7A, s2;
	p2 =	seq.s32 @!p0 s5, $0x0  }
0x1f: {  	s9 =	smul.u32 $0xF7A, s1;
	s8 =	simm.s32 @!p0 $0x1BF5;
	p2 =	por !p2, p0  }
0x20: {  	[sflag:s8] =	ssyncset.s32 @!p0 $0xFFFFF086;
	s6 =	sadd.s32 @!p0 s3, s7;
	s7 =	simm.s32 @!p0 $0x108  }
0x21: {  	s3 =	sadd.s32 s3, s9;
	s6 =	sadd.s32 @!p0 $0x88, s6;
	s7 =	simm.s32 @p2 $0x1082  }
0x22: {  	[simem:s7], [sflag:s8] =	dma.local @!p0 [hbm:s6], $0xF7A  }
0x23: {  	s9 =	sor.u32 $0xD0000000, s2;
	s6 =	simm.s32 $0x108;
	_ =	swait.ge @!p0 [sflag:s8], $0x0  }
0x24: {  	s3 =	sadd.s32 $0x88, s3;
	s6 =	simm.s32 @!p1 $0x1082;
	[sflag:s4] =	ssyncset.s32 $0xFFFFF086  }
0x25: {  	[simem:s6], [sflag:s4] =	dma.local [hbm:s3], $0xF7A  }
0x26: {  	[smem:$0x3F96] =	sst s1;
	(tag) =	ssettag s2;
	_ =	strace s9  }
0x27: {  	s1 =	sld [smem:$0x3FA6]  }
0x28: {  	s2 =	sld [smem:$0x3FA7]  }
0x29: {  	s4 =	sld [smem:$0x3FA9]  }
0x2a: {  	p0 =	seq.s32 s5, $0x0;
	s5 =	sld [smem:$0x3FAA]  }
0x2b: {  	s6 =	sld [smem:$0x3FAB]  }
0x2c: {  	s7 =	sld [smem:$0x3FAC]  }
0x2d: {  	s3 =	simm.s32 $0x108;
	s8 =	sld [smem:$0x3FAD]  }
0x2e: {  	s3 =	simm.s32 @!p0 $0x1082;
	s9 =	sld [smem:$0x3FAE]  }
0x2f: {  	lr =	sadd.s32 s0, s3;
	s0 =	sld [smem:$0x3FA5]  }
0x30: {  	s3 =	sld [smem:$0x3FA8]  }
0x31: {  	[smem:$0x3FB1] =	sst s10  }
0x32: {  	s10 =	sld [smem:$0x3FAF];
	_ =	sdelay $0x3  }
0x33: {  	p0 =	seq.s32 s10, $0x1;
	s10 =	sld [smem:$0x3FB1];
	_ =	sdelay $0x3  }
0x34: {  	[smem:$0x3FB1] =	sst s10  }
0x35: {  	s10 =	sld [smem:$0x3FB0];
	_ =	sdelay $0x3  }
0x36: {  	p1 =	seq.s32 s10, $0x1;
	s10 =	sld [smem:$0x3FB1];
	_ =	sdelay $0x3  }
0x37: {  	[smem:$0x3FB1] =	sst s10  }
0x38: {  	s10 =	sld [smem:$0x3FB2]  }
0x39: {  	_ = 	snop;
	(pc) =	sbr.ind lr, $3  }
0x3a: {  	_ = 	snop  }
0x3b: {  	_ = 	snop  }
0x3c: {  	p2 =	seq.s32 s10, $0x1;
	s10 =	sld [smem:$0x3FB1]  }
0x3d: {  	_ =	shalt  }
0x3e: {  	_ =	shalt  }
0x3f: {  	_ =	shalt  }
0x40: {  	_ =	shalt  }
0x41: {  	_ =	shalt  }
0x42: {  	_ =	shalt  }
0x43: {  	_ =	shalt  }
0x44: {  	_ =	shalt  }
0x45: {  	_ =	shalt  }
0x46: {  	_ =	shalt  }
0x47: {  	_ =	shalt  }
0x48: {  	_ =	shalt  }
0x49: {  	_ =	shalt  }
0x4a: {  	_ =	shalt  }
0x4b: {  	_ =	shalt  }
0x4c: {  	_ =	shalt  }
0x4d: {  	_ =	shalt  }
0x4e: {  	_ =	shalt  }
0x4f: {  	_ =	shalt  }
0x50: {  	_ =	shalt  }
0x51: {  	_ =	shalt  }
0x52: {  	_ =	shalt  }
0x53: {  	_ =	shalt  }
0x54: {  	_ =	shalt  }
0x55: {  	_ =	shalt  }
0x56: {  	_ =	shalt  }
0x57: {  	_ =	shalt  }
0x58: {  	_ =	shalt  }
0x59: {  	_ =	shalt  }
0x5a: {  	_ =	shalt  }
0x5b: {  	_ =	shalt  }
0x5c: {  	_ =	shalt  }
0x5d: {  	_ =	shalt  }
0x5e: {  	_ =	shalt  }
0x5f: {  	_ =	shalt  }
0x60: {  	_ =	shalt  }
0x61: {  	_ =	shalt  }
0x62: {  	_ =	shalt  }
0x63: {  	_ =	shalt  }
0x64: {  	_ =	shalt  }
0x65: {  	_ =	shalt  }
0x66: {  	_ =	shalt  }
0x67: {  	_ =	shalt  }
0x68: {  	_ =	shalt  }
0x69: {  	_ =	shalt  }
0x6a: {  	_ =	shalt  }
0x6b: {  	_ =	shalt  }
0x6c: {  	_ =	shalt  }
0x6d: {  	_ =	shalt  }
0x6e: {  	_ =	shalt  }
0x6f: {  	_ =	shalt  }
0x70: {  	_ =	shalt  }
0x71: {  	_ =	shalt  }
0x72: {  	_ =	shalt  }
0x73: {  	_ =	shalt  }
0x74: {  	_ =	shalt  }
0x75: {  	_ =	shalt  }
0x76: {  	_ =	shalt  }
0x77: {  	_ =	shalt  }
0x78: {  	_ =	shalt  }
0x79: {  	_ =	shalt  }
0x7a: {  	_ =	shalt  }
0x7b: {  	_ =	shalt  }
0x7c: {  	_ =	shalt  }
0x7d: {  	_ =	shalt  }
0x7e: {  	_ =	shalt  }
0x7f: {  	_ =	shalt  }
0x80: {  	_ =	shalt  }
0x81: {  	_ =	shalt  }
0x82: {  	_ =	shalt  }
0x83: {  	_ =	shalt  }
0x84: {  	_ =	shalt  }
0x85: {  	_ =	shalt  }
0x86: {  	_ =	shalt  }
0x87: {  	_ =	shalt  }
.Lfunc_end0:
.L_simem_size_0:
called_computation.7_lowered:
.L_overlay_start_0:
0x88: {  	s2 =	sld [smem:$0x3FD9]  }
0x89: {  	s3 =	sld [smem:$0x3FFE];
	_ =	sdelay $0x1  }
0x8a: {  	s1 =	srdreg.scid  }
0x8b: {  	s0 =	sand.u32 $0x1, s1  }
0x8c: {  	s16 =	sshll.u32 s0, $0xA;
	s2 =	sadd.s32 s3, s2  }
0x8d: {  	s2 =	sadd.s32 s2, s16  }
0x8e: {  	[smem:$0x3FBD] =	sst s2  }
0x8f: {  	_ = 	snop  }
0x90: {  	(tm) =	ssettm $0x1  }
0x91: {  	s17 =	sld [smem:$0x3FFB];
	_ =	sdelay $0x3  }
0x92: {  	_ =	strace s17  }
0x93: {  	s2 =	sld [smem:$0x3FFC];
	_ =	sdelay $0x3  }
0x94: {  	_ =	strace s2  }
0x95: {  	s2 =	sld [smem:$0x3FFD];
	_ =	sdelay $0x3  }
0x96: {  	_ =	strace s2  }
0x97: {  	_ =	strace $0x8FFFFFFF  }
0x98: {  	s18 =	sld [smem:$0x3FDB];
	_ =	sdelay $0x1  }
0x99: {  	s19 =	simm.s32 $_scs_section_size  }
0x9a: {  	s4 =	simm.s32 $_size__tile_overlayer_lowered;
	s5 =	simm.s32 $_tile_overlayer_lowered  }
0x9b: {  	s22 =	simm.s32 $0x1BFF;
	s21 =	sshll.u32 s5, $0x1;
	s2 =	sadd.s32 s19, s18  }
0x9c: {  	s6 =	simm.s32 $0x0;
	s20 =	sshll.u32 s4, $0x1;
	s4 =	sadd.s32 s21, s2  }
0x9d: {  	[timem:s6], [sflag:s22] =	dma.local [hbm:s4], s20  }
0x9e: {  	_ =	swait.ge [sflag:s22], s20  }
0x9f: {  	s3 =	ssub.s32 $0x0, s20;
	[sflag:s22] =	ssyncset.done $0x0  }
0xa0: {  	[sflag:s22] =	ssyncadd.s32 s3;
	_ =	sdelay $0x1  }
0xa1: {  	s23 =	simm.s32 $0x1B8B  }
0xa2: {  	_ =	swait.ge [sflag:s23], $0x1  }
0xa3: {  	[sflag:s23] =	ssyncset.done $0x0  }
0xa4: {  	s25 =	simm.s32 $0x1B8E;
	s24 =	sld [smem:$0x3FFE];
	[sflag:s23] =	ssyncadd.s32 $0xFFFFFFFF  }
0xa5: {  	s26 =	simm.s32 $execute0_lowered;
	[smem:$0x3FD2] =	sst s25  }
0xa6: {  	s4 =	sshll.u32 s26, $0x1;
	_ =	strace $0x8000005B;
	[dreg:$0x1] =	wrdreg $0xFFFFFFFF  }
0xa7: {  	s28 =	simm.s32 $_size_execute0_lowered;
	s2 =	sadd.s32 s2, s4;
	[dreg:$0x0] =	wrdreg $0x0  }
0xa8: {  	s4 =	sshll.u32 s28, $0x1;
	[dreg:$0x2] =	wrdreg s2  }
0xa9: {  	[dreg:$0x3] =	wrdreg s4  }
0xaa: {  	[dreg:$0x4] =	wrdreg $0xC0  }
0xab: {  	_ =	task [dreg:s6], $0x5FFFF  }
0xac: {  	[dreg:$0x1] =	wrdreg $0xFFFFFFFF  }
0xad: {  	[dreg:$0x0] =	wrdreg $0x60  }
0xae: {  	[dreg:$0x2] =	wrdreg s24  }
0xaf: {  	[dreg:$0x3] =	wrdreg $0x9  }
0xb0: {  	_ =	task.clear_ibuf [dreg:s6], $0x4FFFF;
	_ =	strace $0x9000005B  }
0xb1: {  	s29 =	simm.s32 $0x9;
	_ =	strace $0x8000005D  }
0xb2: {  	_ =	swait.ge [sflag:s29], $0x1  }
0xb3: {  	[sflag:s29] =	ssyncadd.s32 $0xFFFFFFFF  }
0xb4: {  	_ =	strace $0x9000005D  }
0xb5: {  	_ =	sfence  }
0xb6: {  	s30 =	sld [smem:$0x0];
	_ =	sdelay $0x2  }
0xb7: {  	s31 =	sshll.u32 s1, $0xD;
	s1 =	sshrl.u32 s1, $0x2  }
0xb8: {  	s3 =	sand.u32 $0x4000, s31;
	s1 =	sadd.s32 s1, s30  }
0xb9: {  	s0 =	sor.u32 s3, s0;
	s1 =	sshll.u32 s1, $0x11  }
0xba: {  	s0 =	sor.u32 s1, s0  }
0xbb: {  	s0 =	sadd.s32 $0x8F2B, s0  }
0xbc: {  	[sflag:s0] =	ssyncadd.remote.s32 $0x1  }
0xbd: {  	_ =	sfence.sel $0xFFFF  }
0xbe: {  	[dreg:$0x0] =	wrdreg $0xFFFFFFFF;
	(pc) =	sbr.abs _section_cstart, $3  }
0xbf: {  	[dreg:$0x1] =	wrdreg $0xFFFFFFFF  }
0xc0: {  	_ =	task.clear_ibuf [dreg:s6], $0x2FFFF;
	_ =	strace $0x9FFFFFFF  }
0xc1: {  	(tm) =	ssettm $0x7FFFFFFF  }
tec
execute0_lowered:
.L_overlay_start_1:
0x0: {  	(tag) =	ssettag $0x1  }
0x1: {  	s0 =	srdreg.scid;
	s5 =	rddreg [dreg:$0x0]  }
0x2: {  	s1 =	stileid.u32;
	s6 =	simm.s32 $0x1;
	s9 =	simm.s32 $0x1  }
0x3: {  	s10 =	simm.s32 $0x3;
	s13 =	simm.s32 $0x0;
	s2 =	sshll.u32 s0, $0xA  }
0x4: {  	s12 =	simm.s32 $0x0;
	s3 =	sshll.u32 s1, $0xB;
	s2 =	sand.u32 $0x400, s2  }
0x5: {  	s0 =	rddreg [dreg:$0x1];
	_ =	strace $0x8000005C;
	s2 =	sor.u32 s3, s2  }
0x6: {  	s4 =	sadd.s32 $0xC0A00, s5;
	[sflag:s6] =	ssyncpa.u1 $0x0;
	s8 =	ssub.s32 $0x9000, s2  }
.Ltmp0:
0x7: {  	s3 =	sadd.s32 $0x9AA00, s5;
	s7 =	sand.u32 $0x7C00, s8;
	(pc) =	sbr.rel .LBB2_1-.Ltmp0, $4  }
0x8: {  	s5 =	sadd.s32 $0xC1C00, s5;
	s11 =	smov.u32 s2;
	p0 =	sne.s32 s7, $0x0  }
0x9: {  	s8 =	sshrl.u32 s8, $0xF;
	s7 =	simm.s32 $0x2;
	s9 =	simm.s32 @!p0 $0x0  }
0xa: {  	[sflag:s7] =	ssyncpa.u1 $0x0;
	p0 =	por $0x0, $0x0;
	s8 =	sadd.s32 s9, s8  }
0xb: {  	vm0 =	vmmov $0xffff;
	[sflag:s10] =	ssyncpa.u1 $0x0;
	s10 =	simm.s32 $0x0;
	s9 =	sadd.s32 $0x1, s8  }
.LBB2_4:
0xc: {  	v5 =	vand.u32 $0x7F, v3;
	v59 =	vshll.u32 v3, $0x1;
	v2 =	vor.u32 v2, v4  }
0xd: {  	vm1 =	veq.s32 v1, $0x80000000;
	v60 =	vand.u32 $0x1, v1;
	v6 =	vand.u32 $0x7F800, v1  }
0xe: {  	v61 =	vshrl.u32 v1, $0x1;
	v4 =	vsel vm1, $0xFFFFFFFF, v60;
	v3 =	vand.u32 $0xFFFFFF00, v59  }
0xf: {  	v1 =	vand.u32 $0x3FF, v61;
	v6 =	vsel vm1, $0xFFFFF800, v6;
	v2 =	vor.u32 v5, v2  }
0x10: {  	v7 =	vand.u32 $0xFFFFF800, v4;
	v4 =	vshll.u32 v4, $0x7;
	v1 =	vsel vm1, $0xFFFFFFFF, v1  }
0x11: {  	v2 =	vadd.s32 v3, v2;
	v4 =	vand.u32 $0x80, v4;
	v62 =	vadd.s32 v6, v7  }
0x12: {  	v63 =	vand.u32 $0x7F, v1;
	v1 =	vshll.u32 v1, $0x1;
	v4 =	vor.u32 v4, v62  }
0x13: {  	v1 =	vand.u32 $0xFFFFFF00, v1;
	v3 =	vor.u32 v63, v4  }
0x14: {  	v1 =	vadd.s32 v1, v3  }
0x15: {  	[tilespmem:s16], [sflag:$0x1] =	stream.indirect_vreg.gather [hbm4b:s3+s10], $0x1, v0, vm0, $0x4038;
	[tilespmem:$0x1000] =	vst v63  }
0x16: {  	s15 =	sadd.s32 $0x10, s15;
	(ifvalue) =	ssetifvalue $0x7FFFFFFF  }
0x17: {  	[tilespmem:s15], [sflag:$0x1] =	stream.indirect_vreg.gather [hbm4b:s3+s10], $0x1, v2, vm0, $0x4038;
	[tilespmem:$0x1000] =	vst v63  }
0x18: {  	s15 =	sadd.s32 $0x10, s15;
	(ifvalue) =	ssetifvalue $0x7FFFFFFF  }
0x19: {  	[tilespmem:s15], [sflag:$0x1] =	stream.indirect_vreg.gather [hbm4b:s3+s10], $0x1, v1, vm0, $0x4038;
	[tilespmem:$0x1000] =	vst v63  }
0x1a: {  	_ =	swait.ge [sflag:s6], $0x400  }
0x1b: {  	s30 =	sshrl.u32 s13, $0x3;
	[sflag:s6] =	ssyncset.done $0x0  }
0x1c: {  	s31 =	sand.u32 $0x7, s13;
	s15 =	sadd.s32 s5, s30;
	[sflag:s6] =	ssyncadd.s32 $0xFFFFFC00  }
0x1d: {  	[hbm4b:s15+s31] =	stream.linear.scatter [tilespmem:s14], [sflag:$0x3], $0x400, $0x38;
	[tilespmem:$0x1000] =	vst v63  }
.LBB2_5:
0x1e: {  	s15 =	sadd.s32 $0x8000, s11  }
0x1f: {  	p2 =	sgt.s32 s15, $0x8FFF  }
0x20: {  	s15 =	smov.u32 @p2 s2;
	p2 =	sne.s32 s12, s9  }
.Ltmp1:
0x21: {  	p1 =	slt.u32 s12, $0x2;
	(pc) =	sbr.rel @!p2 .LBB2_6-.Ltmp1, $4  }
0x22: {  	s14 =	simm.s32 @!p1 $0x3  }
0x23: {  	s16 =	sadd.s32 $0x1, s12;
	_ =	swait.ge @!p1 [sflag:s14], $0x400  }
0x24: {  	s13 =	smov.u32 s11;
	p0 =	por !p0, !p0;
	[sflag:s14] =	ssyncset.done @!p1 $0x0  }
0x25: {  	s12 =	smov.u32 s16;
	s11 =	smov.u32 s15;
	[sflag:s14] =	ssyncadd.s32 @!p1 $0xFFFFFC00  }
.LBB2_1:
0x26: {  	p1 =	sge.u32 s12, s8  }
0x27: {  	s14 =	sxor.u32 @!p1 $0xFFFFFFFF, s12  }
0x28: {  	s31 =	sadd.s32 $0xFFFFFFFF, s12;
	s15 =	sshrl.u32 @!p1 s11, $0x3;
	s14 =	sshll.u32 @!p1 s14, $0xA  }
0x29: {  	s16 =	sand.u32 @!p1 $0x7, s11;
	s15 =	sadd.s32 @!p1 s4, s15;
	s14 =	sand.u32 @!p1 $0x400, s14  }
0x2a: {  	[tilespmem:s14], [sflag:$0x2] =	stream.linear.gather @!p1 [hbm4b:s15+s16], $0x400, $0x38;
	[tilespmem:$0x1000] =	vst v63  }
0x2b: {  	p1 =	sge.u32 s31, s8  }
.Ltmp2:
0x2c: {  	_ = 	snop;
	(pc) =	sbr.rel @p1 .LBB2_5-.Ltmp2, $1  }
0x2d: {  	_ =	sdelay $0x3  }
0x2e: {  	s14 =	simm.s32 $0x1  }
0x2f: {  	_ =	swait.ge [sflag:s7], $0x400;
	s14 =	simm.s32 @!p0 $0x0  }
0x30: {  	[sflag:s7] =	ssyncset.done $0x0;
	s14 =	sshll.u32 s14, $0xA  }
0x31: {  	[sflag:s7] =	ssyncadd.s32 $0xFFFFFC00;
	(ifvalue) =	ssetifvalue $0x7FFFFFFF;
	v0 =	vld.msk [tilespmem:s14+$0x0 ss:$0x1], $0xffff  }
0x32: {  	s15 =	sadd.s32 $0x10, s14  }
0x33: {  	v1 =	vld.msk [tilespmem:s15+$0x0 ss:$0x1], $0xffff;
	_ =	sdelay $0x2  }
0x34: {  	vm1 =	veq.s32 v0, $0x80000000;
	v2 =	vand.u32 $0x1, v0;
	v3 =	vshrl.u32 v0, $0x1  }
0x35: {  	v0 =	vand.u32 $0x7F800, v0;
	v2 =	vsel vm1, $0xFFFFFFFF, v2;
	v3 =	vand.u32 $0x3FF, v3  }
0x36: {  	v0 =	vsel vm1, $0xFFFFF800, v0;
	v5 =	vand.u32 $0x7F800, v1;
	v4 =	vand.u32 $0xFFFFF800, v2  }
0x37: {  	v2 =	vshll.u32 v2, $0x7;
	v3 =	vsel vm1, $0xFFFFFFFF, v3;
	vm1 =	veq.s32 v1, $0x80000000  }
0x38: {  	v2 =	vand.u32 $0x80, v2;
	v0 =	vadd.s32 v0, v4;
	v4 =	vand.u32 $0x7F, v3  }
0x39: {  	v3 =	vshll.u32 v3, $0x1;
	v5 =	vsel vm1, $0xFFFFF800, v5;
	v0 =	vor.u32 v2, v0  }
0x3a: {  	s17 =	sadd.s32 $0x10, s15;
	v2 =	vand.u32 $0x1, v1;
	v1 =	vshrl.u32 v1, $0x1;
	v6 =	vand.u32 $0xFFFFFF00, v3  }
0x3b: {  	s16 =	sshll.u32 s12, $0xA;
	v2 =	vsel vm1, $0xFFFFFFFF, v2;
	v3 =	vand.u32 $0x3FF, v1;
	v1 =	vld.msk [tilespmem:s17+$0x0 ss:$0x1], $0xffff;
	v0 =	vor.u32 v4, v0  }
0x3c: {  	s18 =	simm.s32 $0x20;
	s31 =	sand.u32 $0x400, s16;
	s15 =	sor.u32 $0x800, s14;
	v7 =	vand.u32 $0xFFFFF800, v2;
	v2 =	vshll.u32 v2, $0x7;
	v3 =	vsel vm1, $0xFFFFFFFF, v3  }
0x3d: {  	s14 =	sor.u32 $0x800, s31;
	s16 =	smov.u32 s15;
	(ifvalue) =	ssetifvalue $0x7FFFFFFF;
	v0 =	vadd.s32 v6, v0;
	v2 =	vand.u32 $0x80, v2;
	v4 =	vadd.s32 v5, v7  }
.LBB2_3:
0x3e: {  	s18 =	sadd.s32 $0x10, s18  }
0x3f: {  	s17 =	sadd.s32 $0x10, s17;
	v5 =	vand.u32 $0x7F, v3;
	v3 =	vshll.u32 v3, $0x1;
	v4 =	vor.u32 v2, v4;
	s15 =	sadd.s32 $0x10, s15;
	p1 =	slt.u32 s18, $0x3F0  }
.Ltmp3:
0x40: {  	vm1 =	veq.s32 v1, $0x80000000;
	v2 =	vand.u32 $0x1, v1;
	v6 =	vand.u32 $0x7F800, v1;
	v7 =	vmovc v1;
	v1 =	vld.msk [tilespmem:s17+$0x0 ss:$0x1], $0xffff;
	(pc) =	sbr.rel @p1 .LBB2_3-.Ltmp3, $4  }
0x41: {  	v2 =	vsel vm1, $0xFFFFFFFF, v2;
	v7 =	vshrl.u32 v7, $0x1;
	v8 =	vand.u32 $0xFFFFFF00, v3  }
0x42: {  	v3 =	vand.u32 $0x3FF, v7;
	v7 =	vand.u32 $0xFFFFF800, v2;
	v2 =	vshll.u32 v2, $0x7  }
0x43: {  	v6 =	vsel vm1, $0xFFFFF800, v6;
	v5 =	vor.u32 v5, v4;
	v2 =	vand.u32 $0x80, v2;
	[tilespmem:s16], [sflag:$0x1] =	stream.indirect_vreg.gather [hbm4b:s3+s10], $0x1, v0, vm0, $0x4038;
	[tilespmem:$0x1000] =	vst v63  }
0x44: {  	v3 =	vsel vm1, $0xFFFFFFFF, v3;
	v4 =	vadd.s32 v6, v7;
	v0 =	vadd.s32 v8, v5;
	s16 =	smov.u32 s15;
	(ifvalue) =	ssetifvalue $0x7FFFFFFF  }
.Ltmp4:
0x45: {  	_ = 	snop;
	(pc) =	sbr.rel .LBB2_4-.Ltmp4, $1  }
0x46: {  	_ =	sdelay $0x3  }
.LBB2_6:
0x47: {  	_ =	sfence.sel $0x180000  }
0x48: {  	s2 =	simm.s32 $0x2;
	[bflag:$0x0] =	sbarrier.arrive $0xFFFF  }
0x49: {  	s30 =	simm.s32 $0x3;
	[sflag:s2] =	ssyncpa.u1 $0x1  }
0x4a: {  	s31 =	simm.s32 $0x1;
	[sflag:s30] =	ssyncpa.u1 $0x1  }
0x4b: {  	[sflag:s31] =	ssyncpa.u1 $0x1  }
0x4c: {  	p0 =	sne.s32 s1, $0x0;
	_ =	strace $0x9000005C  }
0x4d: {  	s0 =	sadd.s32 @!p0 $0x100000, s0;
	[bflag:$0x2] =	sbarrier.arrive $0xFFFF  }
0x4e: {  	[sflag:s0] =	ssyncadd.tile.s32 @!p0 $0x1;
	_ =	shalt  }
.Lfunc_end2:
_tile_overlayer_lowered:
.L_overlay_start_2:
0x4f: {  	(tag) =	ssettag $0x2  }
0x50: {  	s0 =	rddreg [dreg:$0x0];
	s2 =	stileid.u32  }
0x51: {  	s1 =	rddreg [dreg:$0x1];
	p0 =	sne.s32 s2, $0x0  }
0x52: {  	s3 =	rddreg [dreg:$0x2];
	[bflag:$0x3] =	sbarrier.arrive $0xFFFF;
	s2 =	simm.s32 @!p0 $0x1C01  }
0x53: {  	[timem:s3], [sflag:s2] =	dma.local @!p0 [hbm:s0], s1  }
0x54: {  	s0 =	simm.s32 @!p0 $0x1  }
0x55: {  	_ =	swait.ge @!p0 [sflag:s0], s1  }
0x56: {  	s1 =	ssub.s32 @!p0 $0x0, s1;
	[sflag:s0] =	ssyncset.done @!p0 $0x0  }
0x57: {  	[sflag:s0] =	ssyncadd.s32 @!p0 s1  }
0x58: {  	[bflag:$0x3] =	sbarrier.arrive $0xFFFF  }
0x59: {  	_ =	shalt  }

// kernel: gather_offload_async_start.8
scs
__scs_entry_jumppad:
0x0: {  	(pc) =	sbr.rel $0x88, $3  }
0x1: {  	(tag) =	ssettag $0x0;
	lr =	simm.s32 $0x1  }
0x2: {  	[smem:$0x3F96] =	sst lr;
	_ =	strace $0xD0000000  }
0x3: {  	_ = 	snop  }
0x4: {  	_ = 	snop  }
0x5: {  	_ = 	snop  }
0x6: {  	_ = 	snop  }
0x7: {  	_ = 	snop  }
__scs_overlays_trampoline_lowered:
0x8: {  	[smem:$0x3FA5] =	sst s0  }
0x9: {  	[smem:$0x3FA6] =	sst s1  }
0xa: {  	[smem:$0x3FA7] =	sst s2  }
0xb: {  	[smem:$0x3FA8] =	sst s3  }
0xc: {  	[smem:$0x3FA9] =	sst s4  }
0xd: {  	[smem:$0x3FAA] =	sst s5  }
0xe: {  	[smem:$0x3FAB] =	sst s6  }
0xf: {  	[smem:$0x3FAC] =	sst s7  }
0x10: {  	[smem:$0x3FAD] =	sst s8  }
0x11: {  	[smem:$0x3FAE] =	sst s9;
	s0 =	simm.s32 @!p0 $0x0  }
0x12: {  	s1 =	sld [smem:$0x3F94];
	s0 =	simm.s32 @p0 $0x1  }
0x13: {  	[smem:$0x3FAF] =	sst s0;
	s0 =	simm.s32 @!p1 $0x0  }
0x14: {  	s2 =	sld [smem:$0x3F93];
	s0 =	simm.s32 @p1 $0x1  }
0x15: {  	[smem:$0x3FB0] =	sst s0;
	s0 =	simm.s32 @!p2 $0x0  }
0x16: {  	s3 =	sld [smem:$0x3FDB];
	s0 =	simm.s32 @p2 $0x1  }
0x17: {  	s4 =	simm.s32 $0x1BF5;
	[smem:$0x3FB2] =	sst s0  }
0x18: {  	s0 =	sld [smem:$0x3F95];
	_ =	swait.ge [sflag:s4], $0x0  }
0x19: {  	s7 =	sld [smem:$0x3F96]  }
0x1a: {  	s8 =	sadd.s32 $0xFFFFE003, lr  }
0x1b: {  	s9 =	sadd.s32 $0xFFFFFEF7, lr;
	s5 =	simm.s32 $0xFFFFFFFF;
	p2 =	slt.u32 s8, $0xFFFFF086  }
0x1c: {  	p1 =	slt.u32 s9, $0xF7A;
	s5 =	simm.s32 @!p2 $0x0  }
0x1d: {  	s5 =	simm.s32 @p1 $0x1;
	p0 =	seq.s32 s7, s2  }
0x1e: {  	s7 =	smul.u32 @!p0 $0xF7A, s2;
	p2 =	seq.s32 @!p0 s5, $0x0  }
0x1f: {  	s9 =	smul.u32 $0xF7A, s1;
	s8 =	simm.s32 @!p0 $0x1BF5;
	p2 =	por !p2, p0  }
0x20: {  	[sflag:s8] =	ssyncset.s32 @!p0 $0xFFFFF086;
	s6 =	sadd.s32 @!p0 s3, s7;
	s7 =	simm.s32 @!p0 $0x108  }
0x21: {  	s3 =	sadd.s32 s3, s9;
	s6 =	sadd.s32 @!p0 $0x88, s6;
	s7 =	simm.s32 @p2 $0x1082  }
0x22: {  	[simem:s7], [sflag:s8] =	dma.local @!p0 [hbm:s6], $0xF7A  }
0x23: {  	s9 =	sor.u32 $0xD0000000, s2;
	s6 =	simm.s32 $0x108;
	_ =	swait.ge @!p0 [sflag:s8], $0x0  }
0x24: {  	s3 =	sadd.s32 $0x88, s3;
	s6 =	simm.s32 @!p1 $0x1082;
	[sflag:s4] =	ssyncset.s32 $0xFFFFF086  }
0x25: {  	[simem:s6], [sflag:s4] =	dma.local [hbm:s3], $0xF7A  }
0x26: {  	[smem:$0x3F96] =	sst s1;
	(tag) =	ssettag s2;
	_ =	strace s9  }
0x27: {  	s1 =	sld [smem:$0x3FA6]  }
0x28: {  	s2 =	sld [smem:$0x3FA7]  }
0x29: {  	s4 =	sld [smem:$0x3FA9]  }
0x2a: {  	p0 =	seq.s32 s5, $0x0;
	s5 =	sld [smem:$0x3FAA]  }
0x2b: {  	s6 =	sld [smem:$0x3FAB]  }
0x2c: {  	s7 =	sld [smem:$0x3FAC]  }
0x2d: {  	s3 =	simm.s32 $0x108;
	s8 =	sld [smem:$0x3FAD]  }
0x2e: {  	s3 =	simm.s32 @!p0 $0x1082;
	s9 =	sld [smem:$0x3FAE]  }
0x2f: {  	lr =	sadd.s32 s0, s3;
	s0 =	sld [smem:$0x3FA5]  }
0x30: {  	s3 =	sld [smem:$0x3FA8]  }
0x31: {  	[smem:$0x3FB1] =	sst s10  }
0x32: {  	s10 =	sld [smem:$0x3FAF];
	_ =	sdelay $0x3  }
0x33: {  	p0 =	seq.s32 s10, $0x1;
	s10 =	sld [smem:$0x3FB1];
	_ =	sdelay $0x3  }
0x34: {  	[smem:$0x3FB1] =	sst s10  }
0x35: {  	s10 =	sld [smem:$0x3FB0];
	_ =	sdelay $0x3  }
0x36: {  	p1 =	seq.s32 s10, $0x1;
	s10 =	sld [smem:$0x3FB1];
	_ =	sdelay $0x3  }
0x37: {  	[smem:$0x3FB1] =	sst s10  }
0x38: {  	s10 =	sld [smem:$0x3FB2]  }
0x39: {  	_ = 	snop;
	(pc) =	sbr.ind lr, $3  }
0x3a: {  	_ = 	snop  }
0x3b: {  	_ = 	snop  }
0x3c: {  	p2 =	seq.s32 s10, $0x1;
	s10 =	sld [smem:$0x3FB1]  }
0x3d: {  	_ =	shalt  }
0x3e: {  	_ =	shalt  }
0x3f: {  	_ =	shalt  }
0x40: {  	_ =	shalt  }
0x41: {  	_ =	shalt  }
0x42: {  	_ =	shalt  }
0x43: {  	_ =	shalt  }
0x44: {  	_ =	shalt  }
0x45: {  	_ =	shalt  }
0x46: {  	_ =	shalt  }
0x47: {  	_ =	shalt  }
0x48: {  	_ =	shalt  }
0x49: {  	_ =	shalt  }
0x4a: {  	_ =	shalt  }
0x4b: {  	_ =	shalt  }
0x4c: {  	_ =	shalt  }
0x4d: {  	_ =	shalt  }
0x4e: {  	_ =	shalt  }
0x4f: {  	_ =	shalt  }
0x50: {  	_ =	shalt  }
0x51: {  	_ =	shalt  }
0x52: {  	_ =	shalt  }
0x53: {  	_ =	shalt  }
0x54: {  	_ =	shalt  }
0x55: {  	_ =	shalt  }
0x56: {  	_ =	shalt  }
0x57: {  	_ =	shalt  }
0x58: {  	_ =	shalt  }
0x59: {  	_ =	shalt  }
0x5a: {  	_ =	shalt  }
0x5b: {  	_ =	shalt  }
0x5c: {  	_ =	shalt  }
0x5d: {  	_ =	shalt  }
0x5e: {  	_ =	shalt  }
0x5f: {  	_ =	shalt  }
0x60: {  	_ =	shalt  }
0x61: {  	_ =	shalt  }
0x62: {  	_ =	shalt  }
0x63: {  	_ =	shalt  }
0x64: {  	_ =	shalt  }
0x65: {  	_ =	shalt  }
0x66: {  	_ =	shalt  }
0x67: {  	_ =	shalt  }
0x68: {  	_ =	shalt  }
0x69: {  	_ =	shalt  }
0x6a: {  	_ =	shalt  }
0x6b: {  	_ =	shalt  }
0x6c: {  	_ =	shalt  }
0x6d: {  	_ =	shalt  }
0x6e: {  	_ =	shalt  }
0x6f: {  	_ =	shalt  }
0x70: {  	_ =	shalt  }
0x71: {  	_ =	shalt  }
0x72: {  	_ =	shalt  }
0x73: {  	_ =	shalt  }
0x74: {  	_ =	shalt  }
0x75: {  	_ =	shalt  }
0x76: {  	_ =	shalt  }
0x77: {  	_ =	shalt  }
0x78: {  	_ =	shalt  }
0x79: {  	_ =	shalt  }
0x7a: {  	_ =	shalt  }
0x7b: {  	_ =	shalt  }
0x7c: {  	_ =	shalt  }
0x7d: {  	_ =	shalt  }
0x7e: {  	_ =	shalt  }
0x7f: {  	_ =	shalt  }
0x80: {  	_ =	shalt  }
0x81: {  	_ =	shalt  }
0x82: {  	_ =	shalt  }
0x83: {  	_ =	shalt  }
0x84: {  	_ =	shalt  }
0x85: {  	_ =	shalt  }
0x86: {  	_ =	shalt  }
0x87: {  	_ =	shalt  }
.Lfunc_end0:
.L_simem_size_0:
called_computation.8_lowered:
.L_overlay_start_0:
0x88: {  	s2 =	sld [smem:$0x3FD9]  }
0x89: {  	s3 =	sld [smem:$0x3FFE];
	_ =	sdelay $0x1  }
0x8a: {  	s1 =	srdreg.scid  }
0x8b: {  	s0 =	sand.u32 $0x1, s1  }
0x8c: {  	s16 =	sshll.u32 s0, $0xA;
	s2 =	sadd.s32 s3, s2  }
0x8d: {  	s2 =	sadd.s32 s2, s16  }
0x8e: {  	[smem:$0x3FBD] =	sst s2  }
0x8f: {  	_ = 	snop  }
0x90: {  	(tm) =	ssettm $0x1  }
0x91: {  	s17 =	sld [smem:$0x3FFB];
	_ =	sdelay $0x3  }
0x92: {  	_ =	strace s17  }
0x93: {  	s2 =	sld [smem:$0x3FFC];
	_ =	sdelay $0x3  }
0x94: {  	_ =	strace s2  }
0x95: {  	s2 =	sld [smem:$0x3FFD];
	_ =	sdelay $0x3  }
0x96: {  	_ =	strace s2  }
0x97: {  	_ =	strace $0x8FFFFFFF  }
0x98: {  	s18 =	sld [smem:$0x3FDB];
	_ =	sdelay $0x1  }
0x99: {  	s19 =	simm.s32 $_scs_section_size  }
0x9a: {  	s4 =	simm.s32 $_size__tile_overlayer_lowered;
	s5 =	simm.s32 $_tile_overlayer_lowered  }
0x9b: {  	s22 =	simm.s32 $0x1BFF;
	s21 =	sshll.u32 s5, $0x1;
	s2 =	sadd.s32 s19, s18  }
0x9c: {  	s6 =	simm.s32 $0x0;
	s20 =	sshll.u32 s4, $0x1;
	s4 =	sadd.s32 s21, s2  }
0x9d: {  	[timem:s6], [sflag:s22] =	dma.local [hbm:s4], s20  }
0x9e: {  	_ =	swait.ge [sflag:s22], s20  }
0x9f: {  	s3 =	ssub.s32 $0x0, s20;
	[sflag:s22] =	ssyncset.done $0x0  }
0xa0: {  	[sflag:s22] =	ssyncadd.s32 s3;
	_ =	sdelay $0x1  }
0xa1: {  	s23 =	simm.s32 $0x1B8B  }
0xa2: {  	_ =	swait.ge [sflag:s23], $0x1  }
0xa3: {  	[sflag:s23] =	ssyncset.done $0x0  }
0xa4: {  	s25 =	simm.s32 $0x1B8E;
	s24 =	sld [smem:$0x3FFE];
	[sflag:s23] =	ssyncadd.s32 $0xFFFFFFFF  }
0xa5: {  	s26 =	simm.s32 $execute0_lowered;
	[smem:$0x3FD2] =	sst s25  }
0xa6: {  	s4 =	sshll.u32 s26, $0x1;
	_ =	strace $0x8000005E;
	[dreg:$0x1] =	wrdreg $0xFFFFFFFF  }
0xa7: {  	s28 =	simm.s32 $_size_execute0_lowered;
	s2 =	sadd.s32 s2, s4;
	[dreg:$0x0] =	wrdreg $0x0  }
0xa8: {  	s4 =	sshll.u32 s28, $0x1;
	[dreg:$0x2] =	wrdreg s2  }
0xa9: {  	[dreg:$0x3] =	wrdreg s4  }
0xaa: {  	[dreg:$0x4] =	wrdreg $0xC0  }
0xab: {  	_ =	task [dreg:s6], $0x5FFFF  }
0xac: {  	[dreg:$0x1] =	wrdreg $0xFFFFFFFF  }
0xad: {  	[dreg:$0x0] =	wrdreg $0x60  }
0xae: {  	[dreg:$0x2] =	wrdreg s24  }
0xaf: {  	[dreg:$0x3] =	wrdreg $0x9  }
0xb0: {  	_ =	task.clear_ibuf [dreg:s6], $0x4FFFF;
	_ =	strace $0x9000005E  }
0xb1: {  	s29 =	simm.s32 $0x9;
	_ =	strace $0x80000060  }
0xb2: {  	_ =	swait.ge [sflag:s29], $0x1  }
0xb3: {  	[sflag:s29] =	ssyncadd.s32 $0xFFFFFFFF  }
0xb4: {  	_ =	strace $0x90000060  }
0xb5: {  	_ =	sfence  }
0xb6: {  	s30 =	sld [smem:$0x0];
	_ =	sdelay $0x2  }
0xb7: {  	s31 =	sshll.u32 s1, $0xD;
	s1 =	sshrl.u32 s1, $0x2  }
0xb8: {  	s3 =	sand.u32 $0x4000, s31;
	s1 =	sadd.s32 s1, s30  }
0xb9: {  	s0 =	sor.u32 s3, s0;
	s1 =	sshll.u32 s1, $0x11  }
0xba: {  	s0 =	sor.u32 s1, s0  }
0xbb: {  	s0 =	sadd.s32 $0x8F2B, s0  }
0xbc: {  	[sflag:s0] =	ssyncadd.remote.s32 $0x1  }
0xbd: {  	_ =	sfence.sel $0xFFFF  }
0xbe: {  	[dreg:$0x0] =	wrdreg $0xFFFFFFFF;
	(pc) =	sbr.abs _section_cstart, $3  }
0xbf: {  	[dreg:$0x1] =	wrdreg $0xFFFFFFFF  }
0xc0: {  	_ =	task.clear_ibuf [dreg:s6], $0x2FFFF;
	_ =	strace $0x9FFFFFFF  }
0xc1: {  	(tm) =	ssettm $0x7FFFFFFF  }
tec
execute0_lowered:
.L_overlay_start_1:
0x0: {  	(tag) =	ssettag $0x1  }
0x1: {  	s8 =	rddreg [dreg:$0x0];
	s1 =	stileid.u32  }
0x2: {  	s2 =	srdreg.scid;
	s0 =	rddreg [dreg:$0x1]  }
0x3: {  	_ =	strace $0x8000005F;
	s5 =	simm.s32 $0x1;
	s9 =	simm.s32 $0x1  }
0x4: {  	s10 =	simm.s32 $0x3;
	s2 =	sand.u32 $0x1, s2;
	s3 =	sshll.u32 s1, $0x1  }
0x5: {  	s13 =	simm.s32 $0x0;
	s12 =	simm.s32 $0x0;
	s6 =	sor.u32 s3, s2  }
0x6: {  	[sflag:s5] =	ssyncpa.u1 $0x0;
	s2 =	sadd.s32 $0x41800, s8;
	s4 =	smul.u32 $0x600, s6  }
0x7: {  	s3 =	sadd.s32 $0xAAA00, s8;
	p0 =	slt.u32 s6, $0x5;
	s6 =	simm.s32 $0xC000  }
.Ltmp0:
0x8: {  	s6 =	simm.s32 @!p0 $0x0;
	s7 =	ssub.s32 $0xD800, s4;
	(pc) =	sbr.rel .LBB2_1-.Ltmp0, $4  }
0x9: {  	s9 =	simm.s32 @!p0 $0x0;
	p0 =	sne.s32 s7, s6;
	s7 =	simm.s32 $0x1  }
0xa: {  	s8 =	sadd.s32 $0xAC600, s8;
	s6 =	simm.s32 $0x2;
	s7 =	simm.s32 @!p0 $0x0  }
0xb: {  	s11 =	smov.u32 s4;
	[sflag:s6] =	ssyncpa.u1 $0x0;
	s7 =	sadd.s32 s9, s7  }
0xc: {  	vm0 =	vmmov $0xffff;
	[sflag:s10] =	ssyncpa.u1 $0x0;
	s10 =	simm.s32 $0x0;
	s9 =	sadd.s32 $0x1, s7  }
.LBB2_4:
0xd: {  	v5 =	vand.u32 $0x7F, v3;
	v59 =	vshll.u32 v3, $0x1;
	v2 =	vor.u32 v2, v4  }
0xe: {  	vm1 =	veq.s32 v1, $0x80000000;
	v60 =	vand.u32 $0x1, v1;
	v6 =	vand.u32 $0x7F800, v1  }
0xf: {  	v61 =	vshrl.u32 v1, $0x1;
	v4 =	vsel vm1, $0xFFFFFFFF, v60;
	v3 =	vand.u32 $0xFFFFFF00, v59  }
0x10: {  	v1 =	vand.u32 $0x3FF, v61;
	v6 =	vsel vm1, $0xFFFFF800, v6;
	v2 =	vor.u32 v5, v2  }
0x11: {  	v7 =	vand.u32 $0xFFFFF800, v4;
	v4 =	vshll.u32 v4, $0x7;
	v1 =	vsel vm1, $0xFFFFFFFF, v1  }
0x12: {  	v2 =	vadd.s32 v3, v2;
	v4 =	vand.u32 $0x80, v4;
	v62 =	vadd.s32 v6, v7  }
0x13: {  	v63 =	vand.u32 $0x7F, v1;
	v1 =	vshll.u32 v1, $0x1;
	v4 =	vor.u32 v4, v62  }
0x14: {  	v1 =	vand.u32 $0xFFFFFF00, v1;
	v3 =	vor.u32 v63, v4  }
0x15: {  	v1 =	vadd.s32 v1, v3  }
0x16: {  	[tilespmem:s16], [sflag:$0x1] =	stream.indirect_vreg.gather [hbm4b:s2+s10], $0x1, v0, vm0, $0x4038;
	[tilespmem:$0x1800] =	vst v63  }
0x17: {  	s15 =	sadd.s32 $0x10, s15;
	(ifvalue) =	ssetifvalue $0x7FFFFFFF  }
0x18: {  	[tilespmem:s15], [sflag:$0x1] =	stream.indirect_vreg.gather [hbm4b:s2+s10], $0x1, v2, vm0, $0x4038;
	[tilespmem:$0x1800] =	vst v63  }
0x19: {  	s15 =	sadd.s32 $0x10, s15;
	(ifvalue) =	ssetifvalue $0x7FFFFFFF  }
0x1a: {  	[tilespmem:s15], [sflag:$0x1] =	stream.indirect_vreg.gather [hbm4b:s2+s10], $0x1, v1, vm0, $0x4038;
	[tilespmem:$0x1800] =	vst v63  }
0x1b: {  	_ =	swait.ge [sflag:s5], $0x600  }
0x1c: {  	s30 =	sshrl.u32 s13, $0x3;
	[sflag:s5] =	ssyncset.done $0x0  }
0x1d: {  	s31 =	sand.u32 $0x7, s13;
	s15 =	sadd.s32 s8, s30;
	[sflag:s5] =	ssyncadd.s32 $0xFFFFFA00  }
0x1e: {  	[hbm4b:s15+s31] =	stream.linear.scatter [tilespmem:s14], [sflag:$0x3], $0x600, $0x38;
	[tilespmem:$0x1800] =	vst v63  }
.LBB2_5:
0x1f: {  	s15 =	sadd.s32 $0xC000, s11  }
0x20: {  	p1 =	sgt.s32 s15, $0xD7FF  }
0x21: {  	s15 =	smov.u32 @p1 s4;
	p1 =	sne.s32 s12, s9  }
.Ltmp1:
0x22: {  	p0 =	slt.u32 s12, $0x2;
	(pc) =	sbr.rel @!p1 .LBB2_6-.Ltmp1, $4  }
0x23: {  	s14 =	simm.s32 @!p0 $0x3  }
0x24: {  	_ =	swait.ge @!p0 [sflag:s14], $0x600  }
0x25: {  	s16 =	sadd.s32 $0x1, s12;
	s13 =	smov.u32 s11;
	[sflag:s14] =	ssyncset.done @!p0 $0x0  }
0x26: {  	s12 =	smov.u32 s16;
	s11 =	smov.u32 s15;
	[sflag:s14] =	ssyncadd.s32 @!p0 $0xFFFFFA00  }
.LBB2_1:
0x27: {  	p0 =	sge.u32 s12, s7  }
0x28: {  	s14 =	sxor.u32 @!p0 $0x1, s12  }
0x29: {  	s14 =	smul.u32 @!p0 $0x1800, s14  }
0x2a: {  	s31 =	sadd.s32 $0xFFFFFFFF, s12;
	s15 =	sshrl.u32 @!p0 s11, $0x3  }
0x2b: {  	s16 =	sand.u32 @!p0 $0x7, s11;
	s15 =	sadd.s32 @!p0 s3, s15;
	s14 =	sshra.s32 @!p0 s14, $0x2  }
0x2c: {  	[tilespmem:s14], [sflag:$0x2] =	stream.linear.gather @!p0 [hbm4b:s15+s16], $0x600, $0x38;
	[tilespmem:$0x1800] =	vst v63  }
0x2d: {  	p0 =	sge.u32 s31, s7  }
.Ltmp2:
0x2e: {  	_ = 	snop;
	(pc) =	sbr.rel @p0 .LBB2_5-.Ltmp2, $1  }
0x2f: {  	_ =	sdelay $0x3  }
0x30: {  	s14 =	sand.u32 $0x1, s12  }
0x31: {  	_ =	swait.ge [sflag:s6], $0x600;
	p0 =	seq.s32 s14, $0x1;
	s14 =	simm.s32 $0x600  }
0x32: {  	[sflag:s6] =	ssyncset.done $0x0;
	s14 =	simm.s32 @!p0 $0x0  }
0x33: {  	[sflag:s6] =	ssyncadd.s32 $0xFFFFFA00;
	(ifvalue) =	ssetifvalue $0x7FFFFFFF;
	v0 =	vld.msk [tilespmem:s14+$0x0 ss:$0x1], $0xffff  }
0x34: {  	s15 =	sadd.s32 $0x10, s14  }
0x35: {  	v1 =	vld.msk [tilespmem:s15+$0x0 ss:$0x1], $0xffff;
	_ =	sdelay $0x2  }
0x36: {  	vm1 =	veq.s32 v0, $0x80000000;
	v2 =	vand.u32 $0x1, v0;
	v3 =	vshrl.u32 v0, $0x1  }
0x37: {  	v0 =	vand.u32 $0x7F800, v0;
	v2 =	vsel vm1, $0xFFFFFFFF, v2;
	v3 =	vand.u32 $0x3FF, v3  }
0x38: {  	v0 =	vsel vm1, $0xFFFFF800, v0;
	v5 =	vand.u32 $0x7F800, v1;
	v4 =	vand.u32 $0xFFFFF800, v2  }
0x39: {  	v2 =	vshll.u32 v2, $0x7;
	v3 =	vsel vm1, $0xFFFFFFFF, v3;
	vm1 =	veq.s32 v1, $0x80000000  }
0x3a: {  	v2 =	vand.u32 $0x80, v2;
	v0 =	vadd.s32 v0, v4;
	v4 =	vand.u32 $0x7F, v3  }
0x3b: {  	v3 =	vshll.u32 v3, $0x1;
	v5 =	vsel vm1, $0xFFFFF800, v5;
	v0 =	vor.u32 v2, v0  }
0x3c: {  	s17 =	sadd.s32 $0x10, s15;
	v2 =	vand.u32 $0x1, v1;
	v1 =	vshrl.u32 v1, $0x1;
	v6 =	vand.u32 $0xFFFFFF00, v3  }
0x3d: {  	v2 =	vsel vm1, $0xFFFFFFFF, v2;
	v3 =	vand.u32 $0x3FF, v1;
	v1 =	vld.msk [tilespmem:s17+$0x0 ss:$0x1], $0xffff;
	v0 =	vor.u32 v4, v0  }
0x3e: {  	s18 =	simm.s32 $0x20;
	s14 =	sadd.s32 $0xC00, s14;
	v7 =	vand.u32 $0xFFFFF800, v2;
	v2 =	vshll.u32 v2, $0x7;
	v3 =	vsel vm1, $0xFFFFFFFF, v3  }
0x3f: {  	s15 =	smov.u32 s14;
	s16 =	smov.u32 s14;
	(ifvalue) =	ssetifvalue $0x7FFFFFFF;
	v0 =	vadd.s32 v6, v0;
	v2 =	vand.u32 $0x80, v2;
	v4 =	vadd.s32 v5, v7  }
.LBB2_3:
0x40: {  	s18 =	sadd.s32 $0x10, s18  }
0x41: {  	s17 =	sadd.s32 $0x10, s17;
	v5 =	vand.u32 $0x7F, v3;
	v3 =	vshll.u32 v3, $0x1;
	v4 =	vor.u32 v2, v4;
	s15 =	sadd.s32 $0x10, s15;
	p0 =	slt.u32 s18, $0x5F0  }
.Ltmp3:
0x42: {  	vm1 =	veq.s32 v1, $0x80000000;
	v2 =	vand.u32 $0x1, v1;
	v6 =	vand.u32 $0x7F800, v1;
	v7 =	vmovc v1;
	v1 =	vld.msk [tilespmem:s17+$0x0 ss:$0x1], $0xffff;
	(pc) =	sbr.rel @p0 .LBB2_3-.Ltmp3, $4  }
0x43: {  	v2 =	vsel vm1, $0xFFFFFFFF, v2;
	v7 =	vshrl.u32 v7, $0x1;
	v8 =	vand.u32 $0xFFFFFF00, v3  }
0x44: {  	v3 =	vand.u32 $0x3FF, v7;
	v7 =	vand.u32 $0xFFFFF800, v2;
	v2 =	vshll.u32 v2, $0x7  }
0x45: {  	v6 =	vsel vm1, $0xFFFFF800, v6;
	v5 =	vor.u32 v5, v4;
	v2 =	vand.u32 $0x80, v2;
	[tilespmem:s16], [sflag:$0x1] =	stream.indirect_vreg.gather [hbm4b:s2+s10], $0x1, v0, vm0, $0x4038;
	[tilespmem:$0x1800] =	vst v63  }
0x46: {  	v3 =	vsel vm1, $0xFFFFFFFF, v3;
	v4 =	vadd.s32 v6, v7;
	v0 =	vadd.s32 v8, v5;
	s16 =	smov.u32 s15;
	(ifvalue) =	ssetifvalue $0x7FFFFFFF  }
.Ltmp4:
0x47: {  	_ = 	snop;
	(pc) =	sbr.rel .LBB2_4-.Ltmp4, $1  }
0x48: {  	_ =	sdelay $0x3  }
.LBB2_6:
0x49: {  	_ =	sfence.sel $0x180000  }
0x4a: {  	s2 =	simm.s32 $0x2;
	[bflag:$0x0] =	sbarrier.arrive $0xFFFF  }
0x4b: {  	s30 =	simm.s32 $0x3;
	[sflag:s2] =	ssyncpa.u1 $0x1  }
0x4c: {  	s31 =	simm.s32 $0x1;
	[sflag:s30] =	ssyncpa.u1 $0x1  }
0x4d: {  	[sflag:s31] =	ssyncpa.u1 $0x1  }
0x4e: {  	p0 =	sne.s32 s1, $0x0;
	_ =	strace $0x9000005F  }
0x4f: {  	s0 =	sadd.s32 @!p0 $0x100000, s0;
	[bflag:$0x2] =	sbarrier.arrive $0xFFFF  }
0x50: {  	[sflag:s0] =	ssyncadd.tile.s32 @!p0 $0x1;
	_ =	shalt  }
.Lfunc_end2:
_tile_overlayer_lowered:
.L_overlay_start_2:
0x51: {  	(tag) =	ssettag $0x2  }
0x52: {  	s0 =	rddreg [dreg:$0x0];
	s2 =	stileid.u32  }
0x53: {  	s1 =	rddreg [dreg:$0x1];
	p0 =	sne.s32 s2, $0x0  }
0x54: {  	s3 =	rddreg [dreg:$0x2];
	[bflag:$0x3] =	sbarrier.arrive $0xFFFF;
	s2 =	simm.s32 @!p0 $0x1C01  }
0x55: {  	[timem:s3], [sflag:s2] =	dma.local @!p0 [hbm:s0], s1  }
0x56: {  	s0 =	simm.s32 @!p0 $0x1  }
0x57: {  	_ =	swait.ge @!p0 [sflag:s0], s1  }
0x58: {  	s1 =	ssub.s32 @!p0 $0x0, s1;
	[sflag:s0] =	ssyncset.done @!p0 $0x0  }
0x59: {  	[sflag:s0] =	ssyncadd.s32 @!p0 s1  }
0x5a: {  	[bflag:$0x3] =	sbarrier.arrive $0xFFFF  }
0x5b: {  	_ =	shalt  }

// kernel: gather_offload_async_start.9
scs
__scs_entry_jumppad:
0x0: {  	(pc) =	sbr.rel $0x88, $3  }
0x1: {  	(tag) =	ssettag $0x0;
	lr =	simm.s32 $0x1  }
0x2: {  	[smem:$0x3F96] =	sst lr;
	_ =	strace $0xD0000000  }
0x3: {  	_ = 	snop  }
0x4: {  	_ = 	snop  }
0x5: {  	_ = 	snop  }
0x6: {  	_ = 	snop  }
0x7: {  	_ = 	snop  }
__scs_overlays_trampoline_lowered:
0x8: {  	[smem:$0x3FA5] =	sst s0  }
0x9: {  	[smem:$0x3FA6] =	sst s1  }
0xa: {  	[smem:$0x3FA7] =	sst s2  }
0xb: {  	[smem:$0x3FA8] =	sst s3  }
0xc: {  	[smem:$0x3FA9] =	sst s4  }
0xd: {  	[smem:$0x3FAA] =	sst s5  }
0xe: {  	[smem:$0x3FAB] =	sst s6  }
0xf: {  	[smem:$0x3FAC] =	sst s7  }
0x10: {  	[smem:$0x3FAD] =	sst s8  }
0x11: {  	[smem:$0x3FAE] =	sst s9;
	s0 =	simm.s32 @!p0 $0x0  }
0x12: {  	s1 =	sld [smem:$0x3F94];
	s0 =	simm.s32 @p0 $0x1  }
0x13: {  	[smem:$0x3FAF] =	sst s0;
	s0 =	simm.s32 @!p1 $0x0  }
0x14: {  	s2 =	sld [smem:$0x3F93];
	s0 =	simm.s32 @p1 $0x1  }
0x15: {  	[smem:$0x3FB0] =	sst s0;
	s0 =	simm.s32 @!p2 $0x0  }
0x16: {  	s3 =	sld [smem:$0x3FDB];
	s0 =	simm.s32 @p2 $0x1  }
0x17: {  	s4 =	simm.s32 $0x1BF5;
	[smem:$0x3FB2] =	sst s0  }
0x18: {  	s0 =	sld [smem:$0x3F95];
	_ =	swait.ge [sflag:s4], $0x0  }
0x19: {  	s7 =	sld [smem:$0x3F96]  }
0x1a: {  	s8 =	sadd.s32 $0xFFFFE003, lr  }
0x1b: {  	s9 =	sadd.s32 $0xFFFFFEF7, lr;
	s5 =	simm.s32 $0xFFFFFFFF;
	p2 =	slt.u32 s8, $0xFFFFF086  }
0x1c: {  	p1 =	slt.u32 s9, $0xF7A;
	s5 =	simm.s32 @!p2 $0x0  }
0x1d: {  	s5 =	simm.s32 @p1 $0x1;
	p0 =	seq.s32 s7, s2  }
0x1e: {  	s7 =	smul.u32 @!p0 $0xF7A, s2;
	p2 =	seq.s32 @!p0 s5, $0x0  }
0x1f: {  	s9 =	smul.u32 $0xF7A, s1;
	s8 =	simm.s32 @!p0 $0x1BF5;
	p2 =	por !p2, p0  }
0x20: {  	[sflag:s8] =	ssyncset.s32 @!p0 $0xFFFFF086;
	s6 =	sadd.s32 @!p0 s3, s7;
	s7 =	simm.s32 @!p0 $0x108  }
0x21: {  	s3 =	sadd.s32 s3, s9;
	s6 =	sadd.s32 @!p0 $0x88, s6;
	s7 =	simm.s32 @p2 $0x1082  }
0x22: {  	[simem:s7], [sflag:s8] =	dma.local @!p0 [hbm:s6], $0xF7A  }
0x23: {  	s9 =	sor.u32 $0xD0000000, s2;
	s6 =	simm.s32 $0x108;
	_ =	swait.ge @!p0 [sflag:s8], $0x0  }
0x24: {  	s3 =	sadd.s32 $0x88, s3;
	s6 =	simm.s32 @!p1 $0x1082;
	[sflag:s4] =	ssyncset.s32 $0xFFFFF086  }
0x25: {  	[simem:s6], [sflag:s4] =	dma.local [hbm:s3], $0xF7A  }
0x26: {  	[smem:$0x3F96] =	sst s1;
	(tag) =	ssettag s2;
	_ =	strace s9  }
0x27: {  	s1 =	sld [smem:$0x3FA6]  }
0x28: {  	s2 =	sld [smem:$0x3FA7]  }
0x29: {  	s4 =	sld [smem:$0x3FA9]  }
0x2a: {  	p0 =	seq.s32 s5, $0x0;
	s5 =	sld [smem:$0x3FAA]  }
0x2b: {  	s6 =	sld [smem:$0x3FAB]  }
0x2c: {  	s7 =	sld [smem:$0x3FAC]  }
0x2d: {  	s3 =	simm.s32 $0x108;
	s8 =	sld [smem:$0x3FAD]  }
0x2e: {  	s3 =	simm.s32 @!p0 $0x1082;
	s9 =	sld [smem:$0x3FAE]  }
0x2f: {  	lr =	sadd.s32 s0, s3;
	s0 =	sld [smem:$0x3FA5]  }
0x30: {  	s3 =	sld [smem:$0x3FA8]  }
0x31: {  	[smem:$0x3FB1] =	sst s10  }
0x32: {  	s10 =	sld [smem:$0x3FAF];
	_ =	sdelay $0x3  }
0x33: {  	p0 =	seq.s32 s10, $0x1;
	s10 =	sld [smem:$0x3FB1];
	_ =	sdelay $0x3  }
0x34: {  	[smem:$0x3FB1] =	sst s10  }
0x35: {  	s10 =	sld [smem:$0x3FB0];
	_ =	sdelay $0x3  }
0x36: {  	p1 =	seq.s32 s10, $0x1;
	s10 =	sld [smem:$0x3FB1];
	_ =	sdelay $0x3  }
0x37: {  	[smem:$0x3FB1] =	sst s10  }
0x38: {  	s10 =	sld [smem:$0x3FB2]  }
0x39: {  	_ = 	snop;
	(pc) =	sbr.ind lr, $3  }
0x3a: {  	_ = 	snop  }
0x3b: {  	_ = 	snop  }
0x3c: {  	p2 =	seq.s32 s10, $0x1;
	s10 =	sld [smem:$0x3FB1]  }
0x3d: {  	_ =	shalt  }
0x3e: {  	_ =	shalt  }
0x3f: {  	_ =	shalt  }
0x40: {  	_ =	shalt  }
0x41: {  	_ =	shalt  }
0x42: {  	_ =	shalt  }
0x43: {  	_ =	shalt  }
0x44: {  	_ =	shalt  }
0x45: {  	_ =	shalt  }
0x46: {  	_ =	shalt  }
0x47: {  	_ =	shalt  }
0x48: {  	_ =	shalt  }
0x49: {  	_ =	shalt  }
0x4a: {  	_ =	shalt  }
0x4b: {  	_ =	shalt  }
0x4c: {  	_ =	shalt  }
0x4d: {  	_ =	shalt  }
0x4e: {  	_ =	shalt  }
0x4f: {  	_ =	shalt  }
0x50: {  	_ =	shalt  }
0x51: {  	_ =	shalt  }
0x52: {  	_ =	shalt  }
0x53: {  	_ =	shalt  }
0x54: {  	_ =	shalt  }
0x55: {  	_ =	shalt  }
0x56: {  	_ =	shalt  }
0x57: {  	_ =	shalt  }
0x58: {  	_ =	shalt  }
0x59: {  	_ =	shalt  }
0x5a: {  	_ =	shalt  }
0x5b: {  	_ =	shalt  }
0x5c: {  	_ =	shalt  }
0x5d: {  	_ =	shalt  }
0x5e: {  	_ =	shalt  }
0x5f: {  	_ =	shalt  }
0x60: {  	_ =	shalt  }
0x61: {  	_ =	shalt  }
0x62: {  	_ =	shalt  }
0x63: {  	_ =	shalt  }
0x64: {  	_ =	shalt  }
0x65: {  	_ =	shalt  }
0x66: {  	_ =	shalt  }
0x67: {  	_ =	shalt  }
0x68: {  	_ =	shalt  }
0x69: {  	_ =	shalt  }
0x6a: {  	_ =	shalt  }
0x6b: {  	_ =	shalt  }
0x6c: {  	_ =	shalt  }
0x6d: {  	_ =	shalt  }
0x6e: {  	_ =	shalt  }
0x6f: {  	_ =	shalt  }
0x70: {  	_ =	shalt  }
0x71: {  	_ =	shalt  }
0x72: {  	_ =	shalt  }
0x73: {  	_ =	shalt  }
0x74: {  	_ =	shalt  }
0x75: {  	_ =	shalt  }
0x76: {  	_ =	shalt  }
0x77: {  	_ =	shalt  }
0x78: {  	_ =	shalt  }
0x79: {  	_ =	shalt  }
0x7a: {  	_ =	shalt  }
0x7b: {  	_ =	shalt  }
0x7c: {  	_ =	shalt  }
0x7d: {  	_ =	shalt  }
0x7e: {  	_ =	shalt  }
0x7f: {  	_ =	shalt  }
0x80: {  	_ =	shalt  }
0x81: {  	_ =	shalt  }
0x82: {  	_ =	shalt  }
0x83: {  	_ =	shalt  }
0x84: {  	_ =	shalt  }
0x85: {  	_ =	shalt  }
0x86: {  	_ =	shalt  }
0x87: {  	_ =	shalt  }
.Lfunc_end0:
.L_simem_size_0:
called_computation.9_lowered:
.L_overlay_start_0:
0x88: {  	s2 =	sld [smem:$0x3FD9]  }
0x89: {  	s3 =	sld [smem:$0x3FFE];
	_ =	sdelay $0x1  }
0x8a: {  	s1 =	srdreg.scid  }
0x8b: {  	s0 =	sand.u32 $0x1, s1  }
0x8c: {  	s16 =	sshll.u32 s0, $0xA;
	s2 =	sadd.s32 s3, s2  }
0x8d: {  	s2 =	sadd.s32 s2, s16  }
0x8e: {  	[smem:$0x3FBD] =	sst s2  }
0x8f: {  	_ = 	snop  }
0x90: {  	(tm) =	ssettm $0x1  }
0x91: {  	s17 =	sld [smem:$0x3FFB];
	_ =	sdelay $0x3  }
0x92: {  	_ =	strace s17  }
0x93: {  	s2 =	sld [smem:$0x3FFC];
	_ =	sdelay $0x3  }
0x94: {  	_ =	strace s2  }
0x95: {  	s2 =	sld [smem:$0x3FFD];
	_ =	sdelay $0x3  }
0x96: {  	_ =	strace s2  }
0x97: {  	_ =	strace $0x8FFFFFFF  }
0x98: {  	s18 =	sld [smem:$0x3FDB];
	_ =	sdelay $0x1  }
0x99: {  	s19 =	simm.s32 $_scs_section_size  }
0x9a: {  	s4 =	simm.s32 $_size__tile_overlayer_lowered;
	s5 =	simm.s32 $_tile_overlayer_lowered  }
0x9b: {  	s22 =	simm.s32 $0x1BFF;
	s21 =	sshll.u32 s5, $0x1;
	s2 =	sadd.s32 s19, s18  }
0x9c: {  	s6 =	simm.s32 $0x0;
	s20 =	sshll.u32 s4, $0x1;
	s4 =	sadd.s32 s21, s2  }
0x9d: {  	[timem:s6], [sflag:s22] =	dma.local [hbm:s4], s20  }
0x9e: {  	_ =	swait.ge [sflag:s22], s20  }
0x9f: {  	s3 =	ssub.s32 $0x0, s20;
	[sflag:s22] =	ssyncset.done $0x0  }
0xa0: {  	[sflag:s22] =	ssyncadd.s32 s3;
	_ =	sdelay $0x1  }
0xa1: {  	s23 =	simm.s32 $0x1B8B  }
0xa2: {  	_ =	swait.ge [sflag:s23], $0x1  }
0xa3: {  	[sflag:s23] =	ssyncset.done $0x0  }
0xa4: {  	s25 =	simm.s32 $0x1B8E;
	s24 =	sld [smem:$0x3FFE];
	[sflag:s23] =	ssyncadd.s32 $0xFFFFFFFF  }
0xa5: {  	s26 =	simm.s32 $execute0_lowered;
	[smem:$0x3FD2] =	sst s25  }
0xa6: {  	s4 =	sshll.u32 s26, $0x1;
	_ =	strace $0x80000061;
	[dreg:$0x1] =	wrdreg $0xFFFFFFFF  }
0xa7: {  	s28 =	simm.s32 $_size_execute0_lowered;
	s2 =	sadd.s32 s2, s4;
	[dreg:$0x0] =	wrdreg $0x0  }
0xa8: {  	s4 =	sshll.u32 s28, $0x1;
	[dreg:$0x2] =	wrdreg s2  }
0xa9: {  	[dreg:$0x3] =	wrdreg s4  }
0xaa: {  	[dreg:$0x4] =	wrdreg $0xC0  }
0xab: {  	_ =	task [dreg:s6], $0x5FFFF  }
0xac: {  	[dreg:$0x1] =	wrdreg $0xFFFFFFFF  }
0xad: {  	[dreg:$0x0] =	wrdreg $0x60  }
0xae: {  	[dreg:$0x2] =	wrdreg s24  }
0xaf: {  	[dreg:$0x3] =	wrdreg $0x9  }
0xb0: {  	_ =	task.clear_ibuf [dreg:s6], $0x4FFFF;
	_ =	strace $0x90000061  }
0xb1: {  	s29 =	simm.s32 $0x9;
	_ =	strace $0x80000063  }
0xb2: {  	_ =	swait.ge [sflag:s29], $0x1  }
0xb3: {  	[sflag:s29] =	ssyncadd.s32 $0xFFFFFFFF  }
0xb4: {  	_ =	strace $0x90000063  }
0xb5: {  	_ =	sfence  }
0xb6: {  	s30 =	sld [smem:$0x0];
	_ =	sdelay $0x2  }
0xb7: {  	s31 =	sshll.u32 s1, $0xD;
	s1 =	sshrl.u32 s1, $0x2  }
0xb8: {  	s3 =	sand.u32 $0x4000, s31;
	s1 =	sadd.s32 s1, s30  }
0xb9: {  	s0 =	sor.u32 s3, s0;
	s1 =	sshll.u32 s1, $0x11  }
0xba: {  	s0 =	sor.u32 s1, s0  }
0xbb: {  	s0 =	sadd.s32 $0x8F2B, s0  }
0xbc: {  	[sflag:s0] =	ssyncadd.remote.s32 $0x1  }
0xbd: {  	_ =	sfence.sel $0xFFFF  }
0xbe: {  	[dreg:$0x0] =	wrdreg $0xFFFFFFFF;
	(pc) =	sbr.abs _section_cstart, $3  }
0xbf: {  	[dreg:$0x1] =	wrdreg $0xFFFFFFFF  }
0xc0: {  	_ =	task.clear_ibuf [dreg:s6], $0x2FFFF;
	_ =	strace $0x9FFFFFFF  }
0xc1: {  	(tm) =	ssettm $0x7FFFFFFF  }
tec
execute0_lowered:
.L_overlay_start_1:
0x0: {  	(tag) =	ssettag $0x1  }
0x1: {  	s8 =	rddreg [dreg:$0x0];
	s1 =	stileid.u32  }
0x2: {  	s2 =	srdreg.scid;
	s0 =	rddreg [dreg:$0x1]  }
0x3: {  	_ =	strace $0x80000062;
	s5 =	simm.s32 $0x1;
	s9 =	simm.s32 $0x1  }
0x4: {  	s10 =	simm.s32 $0x3;
	s2 =	sand.u32 $0x1, s2;
	s3 =	sshll.u32 s1, $0x1  }
0x5: {  	s13 =	simm.s32 $0x0;
	s12 =	simm.s32 $0x0;
	s6 =	sor.u32 s3, s2  }
0x6: {  	[sflag:s5] =	ssyncpa.u1 $0x0;
	s2 =	sadd.s32 $0x41800, s8;
	s4 =	smul.u32 $0x600, s6  }
0x7: {  	s3 =	sadd.s32 $0xC0A00, s8;
	p0 =	slt.u32 s6, $0x5;
	s6 =	simm.s32 $0xC000  }
.Ltmp0:
0x8: {  	s6 =	simm.s32 @!p0 $0x0;
	s7 =	ssub.s32 $0xD800, s4;
	(pc) =	sbr.rel .LBB2_1-.Ltmp0, $4  }
0x9: {  	s9 =	simm.s32 @!p0 $0x0;
	p0 =	sne.s32 s7, s6;
	s7 =	simm.s32 $0x1  }
0xa: {  	s8 =	sadd.s32 $0xC2600, s8;
	s6 =	simm.s32 $0x2;
	s7 =	simm.s32 @!p0 $0x0  }
0xb: {  	s11 =	smov.u32 s4;
	[sflag:s6] =	ssyncpa.u1 $0x0;
	s7 =	sadd.s32 s9, s7  }
0xc: {  	vm0 =	vmmov $0xffff;
	[sflag:s10] =	ssyncpa.u1 $0x0;
	s10 =	simm.s32 $0x0;
	s9 =	sadd.s32 $0x1, s7  }
.LBB2_4:
0xd: {  	v5 =	vand.u32 $0x7F, v3;
	v59 =	vshll.u32 v3, $0x1;
	v2 =	vor.u32 v2, v4  }
0xe: {  	vm1 =	veq.s32 v1, $0x80000000;
	v60 =	vand.u32 $0x1, v1;
	v6 =	vand.u32 $0x7F800, v1  }
0xf: {  	v61 =	vshrl.u32 v1, $0x1;
	v4 =	vsel vm1, $0xFFFFFFFF, v60;
	v3 =	vand.u32 $0xFFFFFF00, v59  }
0x10: {  	v1 =	vand.u32 $0x3FF, v61;
	v6 =	vsel vm1, $0xFFFFF800, v6;
	v2 =	vor.u32 v5, v2  }
0x11: {  	v7 =	vand.u32 $0xFFFFF800, v4;
	v4 =	vshll.u32 v4, $0x7;
	v1 =	vsel vm1, $0xFFFFFFFF, v1  }
0x12: {  	v2 =	vadd.s32 v3, v2;
	v4 =	vand.u32 $0x80, v4;
	v62 =	vadd.s32 v6, v7  }
0x13: {  	v63 =	vand.u32 $0x7F, v1;
	v1 =	vshll.u32 v1, $0x1;
	v4 =	vor.u32 v4, v62  }
0x14: {  	v1 =	vand.u32 $0xFFFFFF00, v1;
	v3 =	vor.u32 v63, v4  }
0x15: {  	v1 =	vadd.s32 v1, v3  }
0x16: {  	[tilespmem:s16], [sflag:$0x1] =	stream.indirect_vreg.gather [hbm4b:s2+s10], $0x1, v0, vm0, $0x4038;
	[tilespmem:$0x1800] =	vst v63  }
0x17: {  	s15 =	sadd.s32 $0x10, s15;
	(ifvalue) =	ssetifvalue $0x7FFFFFFF  }
0x18: {  	[tilespmem:s15], [sflag:$0x1] =	stream.indirect_vreg.gather [hbm4b:s2+s10], $0x1, v2, vm0, $0x4038;
	[tilespmem:$0x1800] =	vst v63  }
0x19: {  	s15 =	sadd.s32 $0x10, s15;
	(ifvalue) =	ssetifvalue $0x7FFFFFFF  }
0x1a: {  	[tilespmem:s15], [sflag:$0x1] =	stream.indirect_vreg.gather [hbm4b:s2+s10], $0x1, v1, vm0, $0x4038;
	[tilespmem:$0x1800] =	vst v63  }
0x1b: {  	_ =	swait.ge [sflag:s5], $0x600  }
0x1c: {  	s30 =	sshrl.u32 s13, $0x3;
	[sflag:s5] =	ssyncset.done $0x0  }
0x1d: {  	s31 =	sand.u32 $0x7, s13;
	s15 =	sadd.s32 s8, s30;
	[sflag:s5] =	ssyncadd.s32 $0xFFFFFA00  }
0x1e: {  	[hbm4b:s15+s31] =	stream.linear.scatter [tilespmem:s14], [sflag:$0x3], $0x600, $0x38;
	[tilespmem:$0x1800] =	vst v63  }
.LBB2_5:
0x1f: {  	s15 =	sadd.s32 $0xC000, s11  }
0x20: {  	p1 =	sgt.s32 s15, $0xD7FF  }
0x21: {  	s15 =	smov.u32 @p1 s4;
	p1 =	sne.s32 s12, s9  }
.Ltmp1:
0x22: {  	p0 =	slt.u32 s12, $0x2;
	(pc) =	sbr.rel @!p1 .LBB2_6-.Ltmp1, $4  }
0x23: {  	s14 =	simm.s32 @!p0 $0x3  }
0x24: {  	_ =	swait.ge @!p0 [sflag:s14], $0x600  }
0x25: {  	s16 =	sadd.s32 $0x1, s12;
	s13 =	smov.u32 s11;
	[sflag:s14] =	ssyncset.done @!p0 $0x0  }
0x26: {  	s12 =	smov.u32 s16;
	s11 =	smov.u32 s15;
	[sflag:s14] =	ssyncadd.s32 @!p0 $0xFFFFFA00  }
.LBB2_1:
0x27: {  	p0 =	sge.u32 s12, s7  }
0x28: {  	s14 =	sxor.u32 @!p0 $0x1, s12  }
0x29: {  	s14 =	smul.u32 @!p0 $0x1800, s14  }
0x2a: {  	s31 =	sadd.s32 $0xFFFFFFFF, s12;
	s15 =	sshrl.u32 @!p0 s11, $0x3  }
0x2b: {  	s16 =	sand.u32 @!p0 $0x7, s11;
	s15 =	sadd.s32 @!p0 s3, s15;
	s14 =	sshra.s32 @!p0 s14, $0x2  }
0x2c: {  	[tilespmem:s14], [sflag:$0x2] =	stream.linear.gather @!p0 [hbm4b:s15+s16], $0x600, $0x38;
	[tilespmem:$0x1800] =	vst v63  }
0x2d: {  	p0 =	sge.u32 s31, s7  }
.Ltmp2:
0x2e: {  	_ = 	snop;
	(pc) =	sbr.rel @p0 .LBB2_5-.Ltmp2, $1  }
0x2f: {  	_ =	sdelay $0x3  }
0x30: {  	s14 =	sand.u32 $0x1, s12  }
0x31: {  	_ =	swait.ge [sflag:s6], $0x600;
	p0 =	seq.s32 s14, $0x1;
	s14 =	simm.s32 $0x600  }
0x32: {  	[sflag:s6] =	ssyncset.done $0x0;
	s14 =	simm.s32 @!p0 $0x0  }
0x33: {  	[sflag:s6] =	ssyncadd.s32 $0xFFFFFA00;
	(ifvalue) =	ssetifvalue $0x7FFFFFFF;
	v0 =	vld.msk [tilespmem:s14+$0x0 ss:$0x1], $0xffff  }
0x34: {  	s15 =	sadd.s32 $0x10, s14  }
0x35: {  	v1 =	vld.msk [tilespmem:s15+$0x0 ss:$0x1], $0xffff;
	_ =	sdelay $0x2  }
0x36: {  	vm1 =	veq.s32 v0, $0x80000000;
	v2 =	vand.u32 $0x1, v0;
	v3 =	vshrl.u32 v0, $0x1  }
0x37: {  	v0 =	vand.u32 $0x7F800, v0;
	v2 =	vsel vm1, $0xFFFFFFFF, v2;
	v3 =	vand.u32 $0x3FF, v3  }
0x38: {  	v0 =	vsel vm1, $0xFFFFF800, v0;
	v5 =	vand.u32 $0x7F800, v1;
	v4 =	vand.u32 $0xFFFFF800, v2  }
0x39: {  	v2 =	vshll.u32 v2, $0x7;
	v3 =	vsel vm1, $0xFFFFFFFF, v3;
	vm1 =	veq.s32 v1, $0x80000000  }
0x3a: {  	v2 =	vand.u32 $0x80, v2;
	v0 =	vadd.s32 v0, v4;
	v4 =	vand.u32 $0x7F, v3  }
0x3b: {  	v3 =	vshll.u32 v3, $0x1;
	v5 =	vsel vm1, $0xFFFFF800, v5;
	v0 =	vor.u32 v2, v0  }
0x3c: {  	s17 =	sadd.s32 $0x10, s15;
	v2 =	vand.u32 $0x1, v1;
	v1 =	vshrl.u32 v1, $0x1;
	v6 =	vand.u32 $0xFFFFFF00, v3  }
0x3d: {  	v2 =	vsel vm1, $0xFFFFFFFF, v2;
	v3 =	vand.u32 $0x3FF, v1;
	v1 =	vld.msk [tilespmem:s17+$0x0 ss:$0x1], $0xffff;
	v0 =	vor.u32 v4, v0  }
0x3e: {  	s18 =	simm.s32 $0x20;
	s14 =	sadd.s32 $0xC00, s14;
	v7 =	vand.u32 $0xFFFFF800, v2;
	v2 =	vshll.u32 v2, $0x7;
	v3 =	vsel vm1, $0xFFFFFFFF, v3  }
0x3f: {  	s15 =	smov.u32 s14;
	s16 =	smov.u32 s14;
	(ifvalue) =	ssetifvalue $0x7FFFFFFF;
	v0 =	vadd.s32 v6, v0;
	v2 =	vand.u32 $0x80, v2;
	v4 =	vadd.s32 v5, v7  }
.LBB2_3:
0x40: {  	s18 =	sadd.s32 $0x10, s18  }
0x41: {  	s17 =	sadd.s32 $0x10, s17;
	v5 =	vand.u32 $0x7F, v3;
	v3 =	vshll.u32 v3, $0x1;
	v4 =	vor.u32 v2, v4;
	s15 =	sadd.s32 $0x10, s15;
	p0 =	slt.u32 s18, $0x5F0  }
.Ltmp3:
0x42: {  	vm1 =	veq.s32 v1, $0x80000000;
	v2 =	vand.u32 $0x1, v1;
	v6 =	vand.u32 $0x7F800, v1;
	v7 =	vmovc v1;
	v1 =	vld.msk [tilespmem:s17+$0x0 ss:$0x1], $0xffff;
	(pc) =	sbr.rel @p0 .LBB2_3-.Ltmp3, $4  }
0x43: {  	v2 =	vsel vm1, $0xFFFFFFFF, v2;
	v7 =	vshrl.u32 v7, $0x1;
	v8 =	vand.u32 $0xFFFFFF00, v3  }
0x44: {  	v3 =	vand.u32 $0x3FF, v7;
	v7 =	vand.u32 $0xFFFFF800, v2;
	v2 =	vshll.u32 v2, $0x7  }
0x45: {  	v6 =	vsel vm1, $0xFFFFF800, v6;
	v5 =	vor.u32 v5, v4;
	v2 =	vand.u32 $0x80, v2;
	[tilespmem:s16], [sflag:$0x1] =	stream.indirect_vreg.gather [hbm4b:s2+s10], $0x1, v0, vm0, $0x4038;
	[tilespmem:$0x1800] =	vst v63  }
0x46: {  	v3 =	vsel vm1, $0xFFFFFFFF, v3;
	v4 =	vadd.s32 v6, v7;
	v0 =	vadd.s32 v8, v5;
	s16 =	smov.u32 s15;
	(ifvalue) =	ssetifvalue $0x7FFFFFFF  }
.Ltmp4:
0x47: {  	_ = 	snop;
	(pc) =	sbr.rel .LBB2_4-.Ltmp4, $1  }
0x48: {  	_ =	sdelay $0x3  }
.LBB2_6:
0x49: {  	_ =	sfence.sel $0x180000  }
0x4a: {  	s2 =	simm.s32 $0x2;
	[bflag:$0x0] =	sbarrier.arrive $0xFFFF  }
0x4b: {  	s30 =	simm.s32 $0x3;
	[sflag:s2] =	ssyncpa.u1 $0x1  }
0x4c: {  	s31 =	simm.s32 $0x1;
	[sflag:s30] =	ssyncpa.u1 $0x1  }
0x4d: {  	[sflag:s31] =	ssyncpa.u1 $0x1  }
0x4e: {  	p0 =	sne.s32 s1, $0x0;
	_ =	strace $0x90000062  }
0x4f: {  	s0 =	sadd.s32 @!p0 $0x100000, s0;
	[bflag:$0x2] =	sbarrier.arrive $0xFFFF  }
0x50: {  	[sflag:s0] =	ssyncadd.tile.s32 @!p0 $0x1;
	_ =	shalt  }
.Lfunc_end2:
_tile_overlayer_lowered:
.L_overlay_start_2:
0x51: {  	(tag) =	ssettag $0x2  }
0x52: {  	s0 =	rddreg [dreg:$0x0];
	s2 =	stileid.u32  }
0x53: {  	s1 =	rddreg [dreg:$0x1];
	p0 =	sne.s32 s2, $0x0  }
0x54: {  	s3 =	rddreg [dreg:$0x2];
	[bflag:$0x3] =	sbarrier.arrive $0xFFFF;
	s2 =	simm.s32 @!p0 $0x1C01  }
0x55: {  	[timem:s3], [sflag:s2] =	dma.local @!p0 [hbm:s0], s1  }
0x56: {  	s0 =	simm.s32 @!p0 $0x1  }
0x57: {  	_ =	swait.ge @!p0 [sflag:s0], s1  }
0x58: {  	s1 =	ssub.s32 @!p0 $0x0, s1;
	[sflag:s0] =	ssyncset.done @!p0 $0x0  }
0x59: {  	[sflag:s0] =	ssyncadd.s32 @!p0 s1  }
0x5a: {  	[bflag:$0x3] =	sbarrier.arrive $0xFFFF  }
0x5b: {  	_ =	shalt  }

// kernel: gather_offload_async_start
scs
__scs_entry_jumppad:
0x0: {  	(pc) =	sbr.rel $0x88, $3  }
0x1: {  	(tag) =	ssettag $0x0;
	lr =	simm.s32 $0x1  }
0x2: {  	[smem:$0x3F96] =	sst lr;
	_ =	strace $0xD0000000  }
0x3: {  	_ = 	snop  }
0x4: {  	_ = 	snop  }
0x5: {  	_ = 	snop  }
0x6: {  	_ = 	snop  }
0x7: {  	_ = 	snop  }
__scs_overlays_trampoline_lowered:
0x8: {  	[smem:$0x3FA5] =	sst s0  }
0x9: {  	[smem:$0x3FA6] =	sst s1  }
0xa: {  	[smem:$0x3FA7] =	sst s2  }
0xb: {  	[smem:$0x3FA8] =	sst s3  }
0xc: {  	[smem:$0x3FA9] =	sst s4  }
0xd: {  	[smem:$0x3FAA] =	sst s5  }
0xe: {  	[smem:$0x3FAB] =	sst s6  }
0xf: {  	[smem:$0x3FAC] =	sst s7  }
0x10: {  	[smem:$0x3FAD] =	sst s8  }
0x11: {  	[smem:$0x3FAE] =	sst s9;
	s0 =	simm.s32 @!p0 $0x0  }
0x12: {  	s1 =	sld [smem:$0x3F94];
	s0 =	simm.s32 @p0 $0x1  }
0x13: {  	[smem:$0x3FAF] =	sst s0;
	s0 =	simm.s32 @!p1 $0x0  }
0x14: {  	s2 =	sld [smem:$0x3F93];
	s0 =	simm.s32 @p1 $0x1  }
0x15: {  	[smem:$0x3FB0] =	sst s0;
	s0 =	simm.s32 @!p2 $0x0  }
0x16: {  	s3 =	sld [smem:$0x3FDB];
	s0 =	simm.s32 @p2 $0x1  }
0x17: {  	s4 =	simm.s32 $0x1BF5;
	[smem:$0x3FB2] =	sst s0  }
0x18: {  	s0 =	sld [smem:$0x3F95];
	_ =	swait.ge [sflag:s4], $0x0  }
0x19: {  	s7 =	sld [smem:$0x3F96]  }
0x1a: {  	s8 =	sadd.s32 $0xFFFFE003, lr  }
0x1b: {  	s9 =	sadd.s32 $0xFFFFFEF7, lr;
	s5 =	simm.s32 $0xFFFFFFFF;
	p2 =	slt.u32 s8, $0xFFFFF086  }
0x1c: {  	p1 =	slt.u32 s9, $0xF7A;
	s5 =	simm.s32 @!p2 $0x0  }
0x1d: {  	s5 =	simm.s32 @p1 $0x1;
	p0 =	seq.s32 s7, s2  }
0x1e: {  	s7 =	smul.u32 @!p0 $0xF7A, s2;
	p2 =	seq.s32 @!p0 s5, $0x0  }
0x1f: {  	s9 =	smul.u32 $0xF7A, s1;
	s8 =	simm.s32 @!p0 $0x1BF5;
	p2 =	por !p2, p0  }
0x20: {  	[sflag:s8] =	ssyncset.s32 @!p0 $0xFFFFF086;
	s6 =	sadd.s32 @!p0 s3, s7;
	s7 =	simm.s32 @!p0 $0x108  }
0x21: {  	s3 =	sadd.s32 s3, s9;
	s6 =	sadd.s32 @!p0 $0x88, s6;
	s7 =	simm.s32 @p2 $0x1082  }
0x22: {  	[simem:s7], [sflag:s8] =	dma.local @!p0 [hbm:s6], $0xF7A  }
0x23: {  	s9 =	sor.u32 $0xD0000000, s2;
	s6 =	simm.s32 $0x108;
	_ =	swait.ge @!p0 [sflag:s8], $0x0  }
0x24: {  	s3 =	sadd.s32 $0x88, s3;
	s6 =	simm.s32 @!p1 $0x1082;
	[sflag:s4] =	ssyncset.s32 $0xFFFFF086  }
0x25: {  	[simem:s6], [sflag:s4] =	dma.local [hbm:s3], $0xF7A  }
0x26: {  	[smem:$0x3F96] =	sst s1;
	(tag) =	ssettag s2;
	_ =	strace s9  }
0x27: {  	s1 =	sld [smem:$0x3FA6]  }
0x28: {  	s2 =	sld [smem:$0x3FA7]  }
0x29: {  	s4 =	sld [smem:$0x3FA9]  }
0x2a: {  	p0 =	seq.s32 s5, $0x0;
	s5 =	sld [smem:$0x3FAA]  }
0x2b: {  	s6 =	sld [smem:$0x3FAB]  }
0x2c: {  	s7 =	sld [smem:$0x3FAC]  }
0x2d: {  	s3 =	simm.s32 $0x108;
	s8 =	sld [smem:$0x3FAD]  }
0x2e: {  	s3 =	simm.s32 @!p0 $0x1082;
	s9 =	sld [smem:$0x3FAE]  }
0x2f: {  	lr =	sadd.s32 s0, s3;
	s0 =	sld [smem:$0x3FA5]  }
0x30: {  	s3 =	sld [smem:$0x3FA8]  }
0x31: {  	[smem:$0x3FB1] =	sst s10  }
0x32: {  	s10 =	sld [smem:$0x3FAF];
	_ =	sdelay $0x3  }
0x33: {  	p0 =	seq.s32 s10, $0x1;
	s10 =	sld [smem:$0x3FB1];
	_ =	sdelay $0x3  }
0x34: {  	[smem:$0x3FB1] =	sst s10  }
0x35: {  	s10 =	sld [smem:$0x3FB0];
	_ =	sdelay $0x3  }
0x36: {  	p1 =	seq.s32 s10, $0x1;
	s10 =	sld [smem:$0x3FB1];
	_ =	sdelay $0x3  }
0x37: {  	[smem:$0x3FB1] =	sst s10  }
0x38: {  	s10 =	sld [smem:$0x3FB2]  }
0x39: {  	_ = 	snop;
	(pc) =	sbr.ind lr, $3  }
0x3a: {  	_ = 	snop  }
0x3b: {  	_ = 	snop  }
0x3c: {  	p2 =	seq.s32 s10, $0x1;
	s10 =	sld [smem:$0x3FB1]  }
0x3d: {  	_ =	shalt  }
0x3e: {  	_ =	shalt  }
0x3f: {  	_ =	shalt  }
0x40: {  	_ =	shalt  }
0x41: {  	_ =	shalt  }
0x42: {  	_ =	shalt  }
0x43: {  	_ =	shalt  }
0x44: {  	_ =	shalt  }
0x45: {  	_ =	shalt  }
0x46: {  	_ =	shalt  }
0x47: {  	_ =	shalt  }
0x48: {  	_ =	shalt  }
0x49: {  	_ =	shalt  }
0x4a: {  	_ =	shalt  }
0x4b: {  	_ =	shalt  }
0x4c: {  	_ =	shalt  }
0x4d: {  	_ =	shalt  }
0x4e: {  	_ =	shalt  }
0x4f: {  	_ =	shalt  }
0x50: {  	_ =	shalt  }
0x51: {  	_ =	shalt  }
0x52: {  	_ =	shalt  }
0x53: {  	_ =	shalt  }
0x54: {  	_ =	shalt  }
0x55: {  	_ =	shalt  }
0x56: {  	_ =	shalt  }
0x57: {  	_ =	shalt  }
0x58: {  	_ =	shalt  }
0x59: {  	_ =	shalt  }
0x5a: {  	_ =	shalt  }
0x5b: {  	_ =	shalt  }
0x5c: {  	_ =	shalt  }
0x5d: {  	_ =	shalt  }
0x5e: {  	_ =	shalt  }
0x5f: {  	_ =	shalt  }
0x60: {  	_ =	shalt  }
0x61: {  	_ =	shalt  }
0x62: {  	_ =	shalt  }
0x63: {  	_ =	shalt  }
0x64: {  	_ =	shalt  }
0x65: {  	_ =	shalt  }
0x66: {  	_ =	shalt  }
0x67: {  	_ =	shalt  }
0x68: {  	_ =	shalt  }
0x69: {  	_ =	shalt  }
0x6a: {  	_ =	shalt  }
0x6b: {  	_ =	shalt  }
0x6c: {  	_ =	shalt  }
0x6d: {  	_ =	shalt  }
0x6e: {  	_ =	shalt  }
0x6f: {  	_ =	shalt  }
0x70: {  	_ =	shalt  }
0x71: {  	_ =	shalt  }
0x72: {  	_ =	shalt  }
0x73: {  	_ =	shalt  }
0x74: {  	_ =	shalt  }
0x75: {  	_ =	shalt  }
0x76: {  	_ =	shalt  }
0x77: {  	_ =	shalt  }
0x78: {  	_ =	shalt  }
0x79: {  	_ =	shalt  }
0x7a: {  	_ =	shalt  }
0x7b: {  	_ =	shalt  }
0x7c: {  	_ =	shalt  }
0x7d: {  	_ =	shalt  }
0x7e: {  	_ =	shalt  }
0x7f: {  	_ =	shalt  }
0x80: {  	_ =	shalt  }
0x81: {  	_ =	shalt  }
0x82: {  	_ =	shalt  }
0x83: {  	_ =	shalt  }
0x84: {  	_ =	shalt  }
0x85: {  	_ =	shalt  }
0x86: {  	_ =	shalt  }
0x87: {  	_ =	shalt  }
.Lfunc_end0:
.L_simem_size_0:
called_computation_lowered:
.L_overlay_start_0:
0x88: {  	s2 =	sld [smem:$0x3FD9]  }
0x89: {  	s3 =	sld [smem:$0x3FFE];
	_ =	sdelay $0x1  }
0x8a: {  	s1 =	srdreg.scid  }
0x8b: {  	s0 =	sand.u32 $0x1, s1  }
0x8c: {  	s16 =	sshll.u32 s0, $0xA;
	s2 =	sadd.s32 s3, s2  }
0x8d: {  	s2 =	sadd.s32 s2, s16  }
0x8e: {  	[smem:$0x3FBD] =	sst s2  }
0x8f: {  	_ = 	snop  }
0x90: {  	(tm) =	ssettm $0x1  }
0x91: {  	s17 =	sld [smem:$0x3FFB];
	_ =	sdelay $0x3  }
0x92: {  	_ =	strace s17  }
0x93: {  	s2 =	sld [smem:$0x3FFC];
	_ =	sdelay $0x3  }
0x94: {  	_ =	strace s2  }
0x95: {  	s2 =	sld [smem:$0x3FFD];
	_ =	sdelay $0x3  }
0x96: {  	_ =	strace s2  }
0x97: {  	_ =	strace $0x8FFFFFFF  }
0x98: {  	s18 =	sld [smem:$0x3FDB];
	_ =	sdelay $0x1  }
0x99: {  	s19 =	simm.s32 $_scs_section_size  }
0x9a: {  	s4 =	simm.s32 $_size__tile_overlayer_lowered;
	s5 =	simm.s32 $_tile_overlayer_lowered  }
0x9b: {  	s22 =	simm.s32 $0x1BFF;
	s21 =	sshll.u32 s5, $0x1;
	s2 =	sadd.s32 s19, s18  }
0x9c: {  	s6 =	simm.s32 $0x0;
	s20 =	sshll.u32 s4, $0x1;
	s4 =	sadd.s32 s21, s2  }
0x9d: {  	[timem:s6], [sflag:s22] =	dma.local [hbm:s4], s20  }
0x9e: {  	_ =	swait.ge [sflag:s22], s20  }
0x9f: {  	s3 =	ssub.s32 $0x0, s20;
	[sflag:s22] =	ssyncset.done $0x0  }
0xa0: {  	[sflag:s22] =	ssyncadd.s32 s3;
	_ =	sdelay $0x1  }
0xa1: {  	s23 =	simm.s32 $0x1B8B  }
0xa2: {  	_ =	swait.ge [sflag:s23], $0x1  }
0xa3: {  	[sflag:s23] =	ssyncset.done $0x0  }
0xa4: {  	s25 =	simm.s32 $0x1B8E;
	s24 =	sld [smem:$0x3FFE];
	[sflag:s23] =	ssyncadd.s32 $0xFFFFFFFF  }
0xa5: {  	s26 =	simm.s32 $execute0_lowered;
	[smem:$0x3FD2] =	sst s25  }
0xa6: {  	s4 =	sshll.u32 s26, $0x1;
	_ =	strace $0x80000046;
	[dreg:$0x1] =	wrdreg $0xFFFFFFFF  }
0xa7: {  	s28 =	simm.s32 $_size_execute0_lowered;
	s2 =	sadd.s32 s2, s4;
	[dreg:$0x0] =	wrdreg $0x0  }
0xa8: {  	s4 =	sshll.u32 s28, $0x1;
	[dreg:$0x2] =	wrdreg s2  }
0xa9: {  	[dreg:$0x3] =	wrdreg s4  }
0xaa: {  	[dreg:$0x4] =	wrdreg $0xC0  }
0xab: {  	_ =	task [dreg:s6], $0x5FFFF  }
0xac: {  	[dreg:$0x1] =	wrdreg $0xFFFFFFFF  }
0xad: {  	[dreg:$0x0] =	wrdreg $0x60  }
0xae: {  	[dreg:$0x2] =	wrdreg s24  }
0xaf: {  	[dreg:$0x3] =	wrdreg $0x9  }
0xb0: {  	_ =	task.clear_ibuf [dreg:s6], $0x4FFFF;
	_ =	strace $0x90000046  }
0xb1: {  	s29 =	simm.s32 $0x9;
	_ =	strace $0x80000048  }
0xb2: {  	_ =	swait.ge [sflag:s29], $0x1  }
0xb3: {  	[sflag:s29] =	ssyncadd.s32 $0xFFFFFFFF  }
0xb4: {  	_ =	strace $0x90000048  }
0xb5: {  	_ =	sfence  }
0xb6: {  	s30 =	sld [smem:$0x0];
	_ =	sdelay $0x2  }
0xb7: {  	s31 =	sshll.u32 s1, $0xD;
	s1 =	sshrl.u32 s1, $0x2  }
0xb8: {  	s3 =	sand.u32 $0x4000, s31;
	s1 =	sadd.s32 s1, s30  }
0xb9: {  	s0 =	sor.u32 s3, s0;
	s1 =	sshll.u32 s1, $0x11  }
0xba: {  	s0 =	sor.u32 s1, s0  }
0xbb: {  	s0 =	sadd.s32 $0x8F2B, s0  }
0xbc: {  	[sflag:s0] =	ssyncadd.remote.s32 $0x1  }
0xbd: {  	_ =	sfence.sel $0xFFFF  }
0xbe: {  	[dreg:$0x0] =	wrdreg $0xFFFFFFFF;
	(pc) =	sbr.abs _section_cstart, $3  }
0xbf: {  	[dreg:$0x1] =	wrdreg $0xFFFFFFFF  }
0xc0: {  	_ =	task.clear_ibuf [dreg:s6], $0x2FFFF;
	_ =	strace $0x9FFFFFFF  }
0xc1: {  	(tm) =	ssettm $0x7FFFFFFF  }
tec
execute0_lowered:
.L_overlay_start_1:
0x0: {  	(tag) =	ssettag $0x1  }
0x1: {  	s0 =	srdreg.scid;
	s5 =	rddreg [dreg:$0x0]  }
0x2: {  	s1 =	stileid.u32;
	s6 =	simm.s32 $0x1;
	s9 =	simm.s32 $0x1  }
0x3: {  	s10 =	simm.s32 $0x3;
	s13 =	simm.s32 $0x0;
	s2 =	sshll.u32 s0, $0x9  }
0x4: {  	s12 =	simm.s32 $0x0;
	s3 =	sshll.u32 s1, $0xA;
	s2 =	sand.u32 $0x200, s2  }
0x5: {  	s0 =	rddreg [dreg:$0x1];
	_ =	strace $0x80000047;
	s2 =	sor.u32 s3, s2  }
0x6: {  	s4 =	sadd.s32 $0x4E000, s5;
	[sflag:s6] =	ssyncpa.u1 $0x0;
	s8 =	ssub.s32 $0x4800, s2  }
.Ltmp0:
0x7: {  	s3 =	sadd.s32 $0x41800, s5;
	s7 =	sand.u32 $0x3E00, s8;
	(pc) =	sbr.rel .LBB2_1-.Ltmp0, $4  }
0x8: {  	s5 =	sadd.s32 $0x12BE00, s5;
	s11 =	smov.u32 s2;
	p0 =	sne.s32 s7, $0x0  }
0x9: {  	s8 =	sshrl.u32 s8, $0xE;
	s7 =	simm.s32 $0x2;
	s9 =	simm.s32 @!p0 $0x0  }
0xa: {  	[sflag:s7] =	ssyncpa.u1 $0x0;
	p0 =	por $0x0, $0x0;
	s8 =	sadd.s32 s9, s8  }
0xb: {  	vm0 =	vmmov $0xffff;
	[sflag:s10] =	ssyncpa.u1 $0x0;
	s10 =	simm.s32 $0x0;
	s9 =	sadd.s32 $0x1, s8  }
.LBB2_4:
0xc: {  	v5 =	vand.u32 $0x7F, v3;
	v59 =	vshll.u32 v3, $0x1;
	v2 =	vor.u32 v2, v4  }
0xd: {  	vm1 =	veq.s32 v1, $0x80000000;
	v60 =	vand.u32 $0x1, v1;
	v6 =	vand.u32 $0x3F800, v1  }
0xe: {  	v61 =	vshrl.u32 v1, $0x1;
	v4 =	vsel vm1, $0xFFFFFFFF, v60;
	v3 =	vand.u32 $0xFFFFFF00, v59  }
0xf: {  	v1 =	vand.u32 $0x3FF, v61;
	v6 =	vsel vm1, $0xFFFFF800, v6;
	v2 =	vor.u32 v5, v2  }
0x10: {  	v7 =	vand.u32 $0xFFFFF800, v4;
	v4 =	vshll.u32 v4, $0x7;
	v1 =	vsel vm1, $0xFFFFFFFF, v1  }
0x11: {  	v2 =	vadd.s32 v3, v2;
	v4 =	vand.u32 $0x80, v4;
	v62 =	vadd.s32 v6, v7  }
0x12: {  	v63 =	vand.u32 $0x7F, v1;
	v1 =	vshll.u32 v1, $0x1;
	v4 =	vor.u32 v4, v62  }
0x13: {  	v1 =	vand.u32 $0xFFFFFF00, v1;
	v3 =	vor.u32 v63, v4  }
0x14: {  	v1 =	vadd.s32 v1, v3  }
0x15: {  	[tilespmem:s16], [sflag:$0x1] =	stream.indirect_vreg.gather [hbm4b:s3+s10], $0x1, v0, vm0, $0x4038;
	[tilespmem:$0x800] =	vst v63  }
0x16: {  	s15 =	sadd.s32 $0x10, s15;
	(ifvalue) =	ssetifvalue $0x7FFFFFFF  }
0x17: {  	[tilespmem:s15], [sflag:$0x1] =	stream.indirect_vreg.gather [hbm4b:s3+s10], $0x1, v2, vm0, $0x4038;
	[tilespmem:$0x800] =	vst v63  }
0x18: {  	s15 =	sadd.s32 $0x10, s15;
	(ifvalue) =	ssetifvalue $0x7FFFFFFF  }
0x19: {  	[tilespmem:s15], [sflag:$0x1] =	stream.indirect_vreg.gather [hbm4b:s3+s10], $0x1, v1, vm0, $0x4038;
	[tilespmem:$0x800] =	vst v63  }
0x1a: {  	_ =	swait.ge [sflag:s6], $0x200  }
0x1b: {  	s30 =	sshrl.u32 s13, $0x3;
	[sflag:s6] =	ssyncset.done $0x0  }
0x1c: {  	s31 =	sand.u32 $0x7, s13;
	s15 =	sadd.s32 s5, s30;
	[sflag:s6] =	ssyncadd.s32 $0xFFFFFE00  }
0x1d: {  	[hbm4b:s15+s31] =	stream.linear.scatter [tilespmem:s14], [sflag:$0x3], $0x200, $0x38;
	[tilespmem:$0x800] =	vst v63  }
.LBB2_5:
0x1e: {  	s15 =	sadd.s32 $0x4000, s11  }
0x1f: {  	p2 =	sgt.s32 s15, $0x47FF  }
0x20: {  	s15 =	smov.u32 @p2 s2;
	p2 =	sne.s32 s12, s9  }
.Ltmp1:
0x21: {  	p1 =	slt.u32 s12, $0x2;
	(pc) =	sbr.rel @!p2 .LBB2_6-.Ltmp1, $4  }
0x22: {  	s14 =	simm.s32 @!p1 $0x3  }
0x23: {  	s16 =	sadd.s32 $0x1, s12;
	_ =	swait.ge @!p1 [sflag:s14], $0x200  }
0x24: {  	s13 =	smov.u32 s11;
	p0 =	por !p0, !p0;
	[sflag:s14] =	ssyncset.done @!p1 $0x0  }
0x25: {  	s12 =	smov.u32 s16;
	s11 =	smov.u32 s15;
	[sflag:s14] =	ssyncadd.s32 @!p1 $0xFFFFFE00  }
.LBB2_1:
0x26: {  	p1 =	sge.u32 s12, s8  }
0x27: {  	s14 =	sxor.u32 @!p1 $0xFFFFFFFF, s12  }
0x28: {  	s31 =	sadd.s32 $0xFFFFFFFF, s12;
	s15 =	sshrl.u32 @!p1 s11, $0x3;
	s14 =	sshll.u32 @!p1 s14, $0x9  }
0x29: {  	s16 =	sand.u32 @!p1 $0x7, s11;
	s15 =	sadd.s32 @!p1 s4, s15;
	s14 =	sand.u32 @!p1 $0x200, s14  }
0x2a: {  	[tilespmem:s14], [sflag:$0x2] =	stream.linear.gather @!p1 [hbm4b:s15+s16], $0x200, $0x38;
	[tilespmem:$0x800] =	vst v63  }
0x2b: {  	p1 =	sge.u32 s31, s8  }
.Ltmp2:
0x2c: {  	_ = 	snop;
	(pc) =	sbr.rel @p1 .LBB2_5-.Ltmp2, $1  }
0x2d: {  	_ =	sdelay $0x3  }
0x2e: {  	s14 =	simm.s32 $0x1  }
0x2f: {  	_ =	swait.ge [sflag:s7], $0x200;
	s14 =	simm.s32 @!p0 $0x0  }
0x30: {  	[sflag:s7] =	ssyncset.done $0x0;
	s14 =	sshll.u32 s14, $0x9  }
0x31: {  	[sflag:s7] =	ssyncadd.s32 $0xFFFFFE00;
	(ifvalue) =	ssetifvalue $0x7FFFFFFF;
	v0 =	vld.msk [tilespmem:s14+$0x0 ss:$0x1], $0xffff  }
0x32: {  	s15 =	sadd.s32 $0x10, s14  }
0x33: {  	v1 =	vld.msk [tilespmem:s15+$0x0 ss:$0x1], $0xffff;
	_ =	sdelay $0x2  }
0x34: {  	vm1 =	veq.s32 v0, $0x80000000;
	v2 =	vand.u32 $0x1, v0;
	v3 =	vshrl.u32 v0, $0x1  }
0x35: {  	v0 =	vand.u32 $0x3F800, v0;
	v2 =	vsel vm1, $0xFFFFFFFF, v2;
	v3 =	vand.u32 $0x3FF, v3  }
0x36: {  	v0 =	vsel vm1, $0xFFFFF800, v0;
	v5 =	vand.u32 $0x3F800, v1;
	v4 =	vand.u32 $0xFFFFF800, v2  }
0x37: {  	v2 =	vshll.u32 v2, $0x7;
	v3 =	vsel vm1, $0xFFFFFFFF, v3;
	vm1 =	veq.s32 v1, $0x80000000  }
0x38: {  	v2 =	vand.u32 $0x80, v2;
	v0 =	vadd.s32 v0, v4;
	v4 =	vand.u32 $0x7F, v3  }
0x39: {  	v3 =	vshll.u32 v3, $0x1;
	v5 =	vsel vm1, $0xFFFFF800, v5;
	v0 =	vor.u32 v2, v0  }
0x3a: {  	s17 =	sadd.s32 $0x10, s15;
	v2 =	vand.u32 $0x1, v1;
	v1 =	vshrl.u32 v1, $0x1;
	v6 =	vand.u32 $0xFFFFFF00, v3  }
0x3b: {  	s16 =	sshll.u32 s12, $0x9;
	v2 =	vsel vm1, $0xFFFFFFFF, v2;
	v3 =	vand.u32 $0x3FF, v1;
	v1 =	vld.msk [tilespmem:s17+$0x0 ss:$0x1], $0xffff;
	v0 =	vor.u32 v4, v0  }
0x3c: {  	s18 =	simm.s32 $0x20;
	s31 =	sand.u32 $0x200, s16;
	s15 =	sor.u32 $0x400, s14;
	v7 =	vand.u32 $0xFFFFF800, v2;
	v2 =	vshll.u32 v2, $0x7;
	v3 =	vsel vm1, $0xFFFFFFFF, v3  }
0x3d: {  	s14 =	sor.u32 $0x400, s31;
	s16 =	smov.u32 s15;
	(ifvalue) =	ssetifvalue $0x7FFFFFFF;
	v0 =	vadd.s32 v6, v0;
	v2 =	vand.u32 $0x80, v2;
	v4 =	vadd.s32 v5, v7  }
.LBB2_3:
0x3e: {  	s18 =	sadd.s32 $0x10, s18  }
0x3f: {  	s17 =	sadd.s32 $0x10, s17;
	v5 =	vand.u32 $0x7F, v3;
	v3 =	vshll.u32 v3, $0x1;
	v4 =	vor.u32 v2, v4;
	s15 =	sadd.s32 $0x10, s15;
	p1 =	slt.u32 s18, $0x1F0  }
.Ltmp3:
0x40: {  	vm1 =	veq.s32 v1, $0x80000000;
	v2 =	vand.u32 $0x1, v1;
	v6 =	vand.u32 $0x3F800, v1;
	v7 =	vmovc v1;
	v1 =	vld.msk [tilespmem:s17+$0x0 ss:$0x1], $0xffff;
	(pc) =	sbr.rel @p1 .LBB2_3-.Ltmp3, $4  }
0x41: {  	v2 =	vsel vm1, $0xFFFFFFFF, v2;
	v7 =	vshrl.u32 v7, $0x1;
	v8 =	vand.u32 $0xFFFFFF00, v3  }
0x42: {  	v3 =	vand.u32 $0x3FF, v7;
	v7 =	vand.u32 $0xFFFFF800, v2;
	v2 =	vshll.u32 v2, $0x7  }
0x43: {  	v6 =	vsel vm1, $0xFFFFF800, v6;
	v5 =	vor.u32 v5, v4;
	v2 =	vand.u32 $0x80, v2;
	[tilespmem:s16], [sflag:$0x1] =	stream.indirect_vreg.gather [hbm4b:s3+s10], $0x1, v0, vm0, $0x4038;
	[tilespmem:$0x800] =	vst v63  }
0x44: {  	v3 =	vsel vm1, $0xFFFFFFFF, v3;
	v4 =	vadd.s32 v6, v7;
	v0 =	vadd.s32 v8, v5;
	s16 =	smov.u32 s15;
	(ifvalue) =	ssetifvalue $0x7FFFFFFF  }
.Ltmp4:
0x45: {  	_ = 	snop;
	(pc) =	sbr.rel .LBB2_4-.Ltmp4, $1  }
0x46: {  	_ =	sdelay $0x3  }
.LBB2_6:
0x47: {  	_ =	sfence.sel $0x180000  }
0x48: {  	s2 =	simm.s32 $0x2;
	[bflag:$0x0] =	sbarrier.arrive $0xFFFF  }
0x49: {  	s30 =	simm.s32 $0x3;
	[sflag:s2] =	ssyncpa.u1 $0x1  }
0x4a: {  	s31 =	simm.s32 $0x1;
	[sflag:s30] =	ssyncpa.u1 $0x1  }
0x4b: {  	[sflag:s31] =	ssyncpa.u1 $0x1  }
0x4c: {  	p0 =	sne.s32 s1, $0x0;
	_ =	strace $0x90000047  }
0x4d: {  	s0 =	sadd.s32 @!p0 $0x100000, s0;
	[bflag:$0x2] =	sbarrier.arrive $0xFFFF  }
0x4e: {  	[sflag:s0] =	ssyncadd.tile.s32 @!p0 $0x1;
	_ =	shalt  }
.Lfunc_end2:
_tile_overlayer_lowered:
.L_overlay_start_2:
0x4f: {  	(tag) =	ssettag $0x2  }
0x50: {  	s0 =	rddreg [dreg:$0x0];
	s2 =	stileid.u32  }
0x51: {  	s1 =	rddreg [dreg:$0x1];
	p0 =	sne.s32 s2, $0x0  }
0x52: {  	s3 =	rddreg [dreg:$0x2];
	[bflag:$0x3] =	sbarrier.arrive $0xFFFF;
	s2 =	simm.s32 @!p0 $0x1C01  }
0x53: {  	[timem:s3], [sflag:s2] =	dma.local @!p0 [hbm:s0], s1  }
0x54: {  	s0 =	simm.s32 @!p0 $0x1  }
0x55: {  	_ =	swait.ge @!p0 [sflag:s0], s1  }
0x56: {  	s1 =	ssub.s32 @!p0 $0x0, s1;
	[sflag:s0] =	ssyncset.done @!p0 $0x0  }
0x57: {  	[sflag:s0] =	ssyncadd.s32 @!p0 s1  }
0x58: {  	[bflag:$0x3] =	sbarrier.arrive $0xFFFF  }
0x59: {  	_ =	shalt  }

</sc_bundles>
